<compile_context>
chip_gen: v7x
topology: tpu7x:2x2x1
jax: 0.10.2.dev20260603
libtpu: 0.0.44.dev20260713+nightly
codegen_flags: <defaults>
</compile_context>

<pallas_src>
import functools

import jax
import jax.numpy as jnp
from jax import lax
from jax.experimental import pallas as pl
from jax.experimental.pallas import tpu as pltpu
from jax.experimental.pallas import tpu_sc as plsc

_N = 10000
_D = 128
_HID = 4096
_E_TOT = 170000
_NC = 2
_NS = 16
_NW = _NC * _NS
_B = 64
_NB0 = 112
_NB1 = 56
_NB = (_NB0 + _NB1) // 2
_T = _B * _NB
_E_PAD = _NW * _T
_NP = 10240
_RT = _NP // _NS
_ZB = 128
_R = 512
_G = _NP // _R


def _sc_edge_body(idx_hbm, src_hbm, asrc_hbm, adst_hbm, tab_hbm,
                  agg_hbm, den_hbm,
                  asrc_v, adst_v, den_v, idx_a, idx_b, ex_a, ex_b,
                  rows_a, rows_b, agg_sh,
                  isem_a, isem_b, gsem_a, gsem_b, ssem_a, ssem_b):
    cid = lax.axis_index("c")
    sid = lax.axis_index("s")
    wid = cid * _NS + sid

    pltpu.sync_copy(asrc_hbm, asrc_v)
    pltpu.sync_copy(adst_hbm, adst_v)

    def _zden(i, c):
        den_v[0, pl.ds(i * 16, 16)] = jnp.zeros((16,), jnp.float32)
        return c
    lax.fori_loop(0, _N // 16, _zden, 0)

    def _zrow(i, c):
        for j in range(_D // 16):
            rows_a[i, pl.ds(j * 16, 16)] = jnp.zeros((16,), jnp.float32)
        return c
    lax.fori_loop(0, _B, _zrow, 0)
    base_row = sid * _RT
    for k in range(_RT // _B):
        pltpu.sync_copy(rows_a, agg_sh.at[pl.ds(base_row + k * _B, _B)])
    plsc.subcore_barrier()

    nb = jnp.where(cid == 0, _NB0, _NB1)
    ibase = jnp.where(cid == 0, sid * _NB0, _NS * _NB0 + sid * _NB1)
    ebase = ibase * _B

    def _step(b, idx_m, ex_m, rows_m, gsem_m, isem_m, ssem_m,
              idx_o, ex_o, rows_o, gsem_o, isem_o, ssem_o):
        @pl.when(b + 1 < nb)
        def _():
            pltpu.make_async_copy(idx_hbm.at[ibase + b + 1], idx_o,
                                  isem_o).wait()

            @pl.when(b >= 1)
            def _():
                pltpu.make_async_copy(rows_o, agg_sh.at[idx_o.at[1]],
                                      ssem_o).wait()
            pltpu.async_copy(tab_hbm.at[idx_o.at[0]], rows_o, gsem_o)

        off = ebase + b * _B

        def _grp(g, c2):
            s16 = idx_m[0, pl.ds(g * 16, 16)]
            d16 = idx_m[1, pl.ds(g * 16, 16)]
            av = plsc.load_gather(asrc_v, [s16])
            dv = plsc.load_gather(adst_v, [d16])
            e = av + dv
            e = jnp.maximum(e, 0.2 * e)
            ex = jnp.exp(e)
            gidx = off + g * 16 + lax.iota(jnp.int32, 16)
            ex = jnp.where(gidx < _E_TOT, ex, 0.0)
            ex_m[pl.ds(g * 16, 16)] = ex
            plsc.addupdate_scatter(den_v.at[0], [d16], ex)
            return c2
        lax.fori_loop(0, _B // 16, _grp, 0)

        pltpu.make_async_copy(tab_hbm.at[idx_m.at[0]], rows_m, gsem_m).wait()

        def _scale(i, c2):
            for u in range(2):
                e_i = 2 * i + u
                spl = plsc.load_gather(ex_m, [jnp.broadcast_to(e_i, (16,))])
                for j in range(_D // 16):
                    rows_m[e_i, pl.ds(j * 16, 16)] = (
                        rows_m[e_i, pl.ds(j * 16, 16)] * spl)
            return c2
        lax.fori_loop(0, _B // 2, _scale, 0)

        pltpu.async_copy(rows_m, agg_sh.at[idx_m.at[1]], ssem_m, add=True)

        @pl.when(b + 2 < nb)
        def _():
            pltpu.async_copy(idx_hbm.at[ibase + b + 2], idx_m, isem_m)

    pltpu.async_copy(idx_hbm.at[ibase], idx_a, isem_a).wait()
    pltpu.async_copy(idx_hbm.at[ibase + 1], idx_b, isem_b)
    pltpu.async_copy(tab_hbm.at[idx_a.at[0]], rows_a, gsem_a)

    def _pair(p, c):
        _step(2 * p, idx_a, ex_a, rows_a, gsem_a, isem_a, ssem_a,
              idx_b, ex_b, rows_b, gsem_b, isem_b, ssem_b)
        _step(2 * p + 1, idx_b, ex_b, rows_b, gsem_b, isem_b, ssem_b,
              idx_a, ex_a, rows_a, gsem_a, isem_a, ssem_a)
        return c
    lax.fori_loop(0, nb // 2, _pair, 0)

    pltpu.make_async_copy(rows_a, agg_sh.at[idx_a.at[1]], ssem_a).wait()
    pltpu.make_async_copy(rows_b, agg_sh.at[idx_b.at[1]], ssem_b).wait()

    pltpu.sync_copy(den_v, den_hbm.at[wid])

    plsc.subcore_barrier()
    pltpu.sync_copy(agg_sh.at[pl.ds(base_row, _RT)],
                    agg_hbm.at[cid, pl.ds(base_row, _RT)])


def _sc_edge(idx_stack, src, asrc, adst, tab):
    mesh = plsc.VectorSubcoreMesh(core_axis_name="c", subcore_axis_name="s")
    f = pl.kernel(
        _sc_edge_body,
        out_type=(jax.ShapeDtypeStruct((_NC, _NP, _D), jnp.float32),
                  jax.ShapeDtypeStruct((_NW, 1, _N), jnp.float32)),
        mesh=mesh,
        scratch_types=[
            pltpu.VMEM((_N,), jnp.float32),
            pltpu.VMEM((_N,), jnp.float32),
            pltpu.VMEM((1, _N), jnp.float32),
            pltpu.VMEM((2, _B), jnp.int32),
            pltpu.VMEM((2, _B), jnp.int32),
            pltpu.VMEM((_B,), jnp.float32),
            pltpu.VMEM((_B,), jnp.float32),
            pltpu.VMEM((_B, _D), jnp.float32),
            pltpu.VMEM((_B, _D), jnp.float32),
            pltpu.VMEM_SHARED((_NP, _D), jnp.float32),
            pltpu.SemaphoreType.DMA,
            pltpu.SemaphoreType.DMA,
            pltpu.SemaphoreType.DMA,
            pltpu.SemaphoreType.DMA,
            pltpu.SemaphoreType.DMA,
            pltpu.SemaphoreType.DMA,
        ],
        compiler_params=pltpu.CompilerParams(needs_layout_passes=False),
    )
    return f(idx_stack, src, asrc, adst, tab)


def _alpha1_body(x_ref, w1, w2, as_ref, ad_ref, os_ref, od_ref,
                 w1b_ref, w2b_ref):
    v1 = jnp.sum(w1[...] * as_ref[...], axis=1, keepdims=True)
    v2 = jnp.sum(w1[...] * ad_ref[...], axis=1, keepdims=True)
    xv = x_ref[...]
    os_ref[...] = lax.dot_general(v1, xv, (((0,), (1,)), ((), ())),
                                  preferred_element_type=jnp.float32)
    od_ref[...] = lax.dot_general(v2, xv, (((0,), (1,)), ((), ())),
                                  preferred_element_type=jnp.float32)
    w1b_ref[...] = w1[...].astype(jnp.bfloat16)
    w2b_ref[...] = w2[...].astype(jnp.bfloat16)


def _alpha1(x, W1, W2, a_src, a_dst):
    return pl.pallas_call(
        _alpha1_body,
        grid=(1,),
        in_specs=[
            pl.BlockSpec((_N, _D), lambda i: (0, 0)),
            pl.BlockSpec((_D, _HID), lambda i: (0, 0)),
            pl.BlockSpec((_HID, _D), lambda i: (0, 0)),
            pl.BlockSpec((1, _HID), lambda i: (0, 0)),
            pl.BlockSpec((1, _HID), lambda i: (0, 0)),
        ],
        out_specs=[
            pl.BlockSpec((1, _N), lambda i: (0, 0)),
            pl.BlockSpec((1, _N), lambda i: (0, 0)),
            pl.BlockSpec((_D, _HID), lambda i: (0, 0)),
            pl.BlockSpec((_HID, _D), lambda i: (0, 0)),
        ],
        out_shape=[
            jax.ShapeDtypeStruct((1, _N), jnp.float32),
            jax.ShapeDtypeStruct((1, _N), jnp.float32),
            jax.ShapeDtypeStruct((_D, _HID), jnp.bfloat16),
            jax.ShapeDtypeStruct((_HID, _D), jnp.bfloat16),
        ],
    )(x, W1, W2, a_src, a_dst)


def _dense_body(aggp, dent, w1, b1, w2, a2, y_ref, os_ref, od_ref):
    rows = aggp[0] + aggp[1]
    den = jnp.sum(dent[0], axis=1, keepdims=True)
    den = jnp.where(den > 0.0, den, 1.0)
    rows = rows / den
    z = jnp.maximum(
        lax.dot_general(rows.astype(jnp.bfloat16), w1[...],
                        (((1,), (0,)), ((), ())),
                        preferred_element_type=jnp.float32) + b1[...], 0.0)
    yv = lax.dot_general(z.astype(jnp.bfloat16), w2[...],
                         (((1,), (0,)), ((), ())),
                         preferred_element_type=jnp.float32)
    y_ref[...] = yv
    av = lax.dot_general(a2[...], yv, (((1,), (1,)), ((), ())),
                         preferred_element_type=jnp.float32)
    os_ref[...] = jnp.broadcast_to(av[0:1, :], (1, 8, _R))
    od_ref[...] = jnp.broadcast_to(av[1:2, :], (1, 8, _R))


def _dense(aggp, dent, W1, b1, W2, a2):
    return pl.pallas_call(
        _dense_body,
        grid=(_G,),
        in_specs=[
            pl.BlockSpec((_NC, _R, _D), lambda i: (0, i, 0)),
            pl.BlockSpec((1, _R, _NW), lambda i: (i, 0, 0)),
            pl.BlockSpec((_D, _HID), lambda i: (0, 0)),
            pl.BlockSpec((1, _HID), lambda i: (0, 0)),
            pl.BlockSpec((_HID, _D), lambda i: (0, 0)),
            pl.BlockSpec((2, _D), lambda i: (0, 0)),
        ],
        out_specs=[
            pl.BlockSpec((_R, _D), lambda i: (i, 0)),
            pl.BlockSpec((1, 8, _R), lambda i: (i, 0, 0)),
            pl.BlockSpec((1, 8, _R), lambda i: (i, 0, 0)),
        ],
        out_shape=[
            jax.ShapeDtypeStruct((_NP, _D), jnp.float32),
            jax.ShapeDtypeStruct((_G, 8, _R), jnp.float32),
            jax.ShapeDtypeStruct((_G, 8, _R), jnp.float32),
        ],
    )(aggp, dent, W1, b1, W2, a2)


def _finish_body(aggp, dent, b2, o_ref):
    rows = aggp[0] + aggp[1]
    den = jnp.sum(dent[0], axis=1, keepdims=True)
    den = jnp.where(den > 0.0, den, 1.0)
    rows = rows / den + b2[...]
    m = jnp.max(rows, axis=1, keepdims=True)
    ex = jnp.exp(rows - m)
    s = jnp.sum(ex, axis=1, keepdims=True)
    o_ref[...] = rows - m - jnp.log(s)


def _finish(aggp, dent, b2):
    return pl.pallas_call(
        _finish_body,
        grid=(_G,),
        in_specs=[
            pl.BlockSpec((_NC, _R, _D), lambda i: (0, i, 0)),
            pl.BlockSpec((1, _R, _NW), lambda i: (i, 0, 0)),
            pl.BlockSpec((1, _D), lambda i: (0, 0)),
        ],
        out_specs=pl.BlockSpec((_R, _D), lambda i: (i, 0)),
        out_shape=jax.ShapeDtypeStruct((_NP, _D), jnp.float32),
    )(aggp, dent, b2)


def kernel(x, edge_index, W1, att_src1, att_dst1, b1,
           W2, att_src2, att_dst2, b2):
    x = x.astype(jnp.float32)
    loop = jnp.arange(_N, dtype=jnp.int32)
    src = jnp.concatenate([edge_index[0].astype(jnp.int32), loop,
                           jnp.zeros((_E_PAD - _E_TOT,), jnp.int32)])
    dst = jnp.concatenate([edge_index[1].astype(jnp.int32), loop,
                           jnp.zeros((_E_PAD - _E_TOT,), jnp.int32)])
    idx_stack = jnp.stack([src.reshape(_NW * _NB, _B),
                           dst.reshape(_NW * _NB, _B)], axis=1)

    asrc1, adst1, W1b, W2b = _alpha1(x, W1, W2, att_src1.reshape(1, _HID),
                                     att_dst1.reshape(1, _HID))
    agg1, den1 = _sc_edge(idx_stack, src, asrc1.reshape(_N),
                          adst1.reshape(_N), x)
    den1t = _den_t(den1)
    y, as2, ad2 = _dense(agg1, den1t, W1b, b1.reshape(1, _HID), W2b,
                         jnp.stack([att_src2, att_dst2]))
    agg2, den2 = _sc_edge(idx_stack, src, as2[:, 0, :].reshape(_NP)[:_N],
                          ad2[:, 0, :].reshape(_NP)[:_N], y)
    den2t = _den_t(den2)
    return _finish(agg2, den2t, b2.reshape(1, _D))[:_N]


def _den_t(den):
    den = jnp.pad(den.reshape(_NW, _N), ((0, 0), (0, _NP - _N)))
    return den.reshape(_NW, _G, _R).transpose(1, 2, 0)

# --- scband reference (transcript-rebuilt; emitter-appended) ---
"""Pipeline reference for scband-natt-6098853560422 (READ-ONLY COPY).

The authoritative reference and input builder live on the scoring server;
editing this copy changes nothing except your own understanding.
"""

import jax, jax.numpy as jnp
import numpy as np

N = 10000
E = 160000
D_IN = 128
HID = 4096
D_OUT = 128


def setup_inputs(seed: int = 0) -> dict:
    key = jax.random.key(seed)
    ks = jax.random.split(key, 12)
    x = jax.random.normal(ks[0], (N, D_IN), dtype=jnp.float32)
    edge_index = jax.random.randint(ks[1], (2, E), 0, N, dtype=jnp.int32)
    W1 = jax.random.normal(ks[2], (D_IN, HID), dtype=jnp.float32) * (1.0 / np.sqrt(D_IN))
    att_src1 = jax.random.normal(ks[3], (HID,), dtype=jnp.float32) * 0.01
    att_dst1 = jax.random.normal(ks[4], (HID,), dtype=jnp.float32) * 0.01
    b1 = jnp.zeros((HID,), dtype=jnp.float32)
    W2 = jax.random.normal(ks[5], (HID, D_OUT), dtype=jnp.float32) * (1.0 / np.sqrt(HID))
    att_src2 = jax.random.normal(ks[6], (D_OUT,), dtype=jnp.float32) * 0.01
    att_dst2 = jax.random.normal(ks[7], (D_OUT,), dtype=jnp.float32) * 0.01
    b2 = jnp.zeros((D_OUT,), dtype=jnp.float32)
    return {"x": x, "edge_index": edge_index, "W1": W1, "att_src1": att_src1, "att_dst1": att_dst1, "b1": b1, "W2": W2, "att_src2": att_src2, "att_dst2": att_dst2, "b2": b2}


def gat_conv(x, edge_index, W, a_src, a_dst, b):
    # PyG GATConv, heads=1, concat=True, negative_slope=0.2, add_self_loops=True
    n = x.shape[0]
    loop = jnp.arange(n, dtype=edge_index.dtype)
    src = jnp.concatenate([edge_index[0], loop])
    dst = jnp.concatenate([edge_index[1], loop])
    xw = x @ W                                   # [N, out]
    alpha_src = xw @ a_src                       # [N]
    alpha_dst = xw @ a_dst                       # [N]
    e = jax.nn.leaky_relu(alpha_src[src] + alpha_dst[dst], 0.2)  # gather per edge
    m = jax.lax.stop_gradient(jax.ops.segment_max(e, dst, num_segments=n))
    ex = jnp.exp(e - m[dst])
    denom = jax.ops.segment_sum(ex, dst, num_segments=n)
    alpha = ex / denom[dst]                      # softmax over incoming edges of dst
    out = jax.ops.segment_sum(xw[src] * alpha[:, None], dst, num_segments=n)
    return out + b


def reference(x, edge_index, W1, att_src1, att_dst1, b1, W2, att_src2, att_dst2, b2):
    x = x.astype(jnp.float32)
    h = gat_conv(x, edge_index, W1, att_src1, att_dst1, b1)
    h = jax.nn.relu(h)
    # dropout is a no-op in eval mode (training=False)
    out = gat_conv(h, edge_index, W2, att_src2, att_dst2, b2)
    return jax.nn.log_softmax(out, axis=1)

if __name__ == "__main__":
    import jax
    _d = setup_inputs()
    print(jax.jit(kernel)(*tuple(_d.values())))

</pallas_src>

<mosaic_0001>
#map = affine_map<(d0, d1) -> (0, 0, 0)>
#map1 = affine_map<(d0, d1) -> (0)>
#map2 = affine_map<(d0, d1) -> (0, 0)>
module attributes {stable_mosaic.version = 14 : i64} {
  func.func @_sc_edge_body(%arg0: i32, %arg1: i32, %arg2: memref<2688x2x64xi32, #tpu.memory_space<hbm>>, %arg3: memref<172032xi32, #tpu.memory_space<hbm>>, %arg4: memref<10000xf32, #tpu.memory_space<hbm>>, %arg5: memref<10000xf32, #tpu.memory_space<hbm>>, %arg6: memref<10240x128xf32, #tpu.memory_space<hbm>>, %arg7: memref<2x10240x128xf32, #tpu.memory_space<hbm>>, %arg8: memref<32x1x10000xf32, #tpu.memory_space<hbm>>, %arg9: memref<10000xf32, #tpu.memory_space<vmem>>, %arg10: memref<10000xf32, #tpu.memory_space<vmem>>, %arg11: memref<1x10000xf32, #tpu.memory_space<vmem>>, %arg12: memref<2x64xi32, #tpu.memory_space<vmem>>, %arg13: memref<2x64xi32, #tpu.memory_space<vmem>>, %arg14: memref<64xf32, #tpu.memory_space<vmem>>, %arg15: memref<64xf32, #tpu.memory_space<vmem>>, %arg16: memref<64x128xf32, #tpu.memory_space<vmem>>, %arg17: memref<64x128xf32, #tpu.memory_space<vmem>>, %arg18: memref<10240x128xf32, #tpu.memory_space<vmem_shared>>, %arg19: memref<!tpu.dma_semaphore, #tpu.memory_space<semaphore_mem>>, %arg20: memref<!tpu.dma_semaphore, #tpu.memory_space<semaphore_mem>>, %arg21: memref<!tpu.dma_semaphore, #tpu.memory_space<semaphore_mem>>, %arg22: memref<!tpu.dma_semaphore, #tpu.memory_space<semaphore_mem>>, %arg23: memref<!tpu.dma_semaphore, #tpu.memory_space<semaphore_mem>>, %arg24: memref<!tpu.dma_semaphore, #tpu.memory_space<semaphore_mem>>) attributes {dimension_semantics = [#tpu.dimension_semantics<core_parallel>, #tpu.dimension_semantics<subcore_parallel>], iteration_bounds = array<i64: 2, 16>, scalar_prefetch = 0 : i64, scratch_operands = 16 : i64, tpu.core_type = #tpu.core_type<sc_vector_subcore>, window_params = [{transform_indices = #map}, {transform_indices = #map1}, {transform_indices = #map1}, {transform_indices = #map1}, {transform_indices = #map2}, {transform_indices = #map}, {transform_indices = #map}]} {
    %mul3A = arith.constant 16 : i32
    %mul3A_0 = arith.muli %arg0, %mul3A : i32
    %add3A = arith.addi %mul3A_0, %arg1 : i32
    "tpu.region"() ({
      %run_scoped3A = tpu.sem_alloc : memref<!tpu.dma_semaphore, #tpu.memory_space<semaphore_mem>>
      tpu.enqueue_dma source(%arg4 : memref<10000xf32, #tpu.memory_space<hbm>>) target(%arg9 : memref<10000xf32, #tpu.memory_space<vmem>>) target_semaphore(%run_scoped3A : memref<!tpu.dma_semaphore, #tpu.memory_space<semaphore_mem>>)
      tpu.wait_dma2 semaphore(%run_scoped3A : memref<!tpu.dma_semaphore, #tpu.memory_space<semaphore_mem>>) src(%arg4 : memref<10000xf32, #tpu.memory_space<hbm>>) dst(%arg9 : memref<10000xf32, #tpu.memory_space<vmem>>)
      tpu.yield
    }) : () -> ()
    "tpu.region"() ({
      %run_scoped3A = tpu.sem_alloc : memref<!tpu.dma_semaphore, #tpu.memory_space<semaphore_mem>>
      tpu.enqueue_dma source(%arg5 : memref<10000xf32, #tpu.memory_space<hbm>>) target(%arg10 : memref<10000xf32, #tpu.memory_space<vmem>>) target_semaphore(%run_scoped3A : memref<!tpu.dma_semaphore, #tpu.memory_space<semaphore_mem>>)
      tpu.wait_dma2 semaphore(%run_scoped3A : memref<!tpu.dma_semaphore, #tpu.memory_space<semaphore_mem>>) src(%arg5 : memref<10000xf32, #tpu.memory_space<hbm>>) dst(%arg10 : memref<10000xf32, #tpu.memory_space<vmem>>)
      tpu.yield
    }) : () -> ()
    %scan3A = arith.constant 0 : i32
    %scan3A_1 = arith.constant 0 : i32
    %scan3A_2 = arith.constant 625 : i32
    %scan3A_3 = arith.addi %scan3A_1, %scan3A_2 : i32
    %scan3A_4 = arith.constant 1 : i32
    scf.for %scan3A_120 = %scan3A_1 to %scan3A_3 step %scan3A_4  : i32 {
      %broadcast_in_dim3A = arith.constant 0.000000e+00 : f32
      %broadcast_in_dim3A_121 = vector.broadcast %broadcast_in_dim3A : f32 to vector<16xf32>
      %mul3A_122 = arith.constant 16 : i32
      %mul3A_123 = arith.muli %scan3A_120, %mul3A_122 : i32
      %swap3A = arith.constant 0 : i32
      %swap3A_124 = arith.index_cast %swap3A : i32 to index
      %swap3A_125 = arith.index_cast %mul3A_123 : i32 to index
      %swap3A_126 = tpu.vector_load %arg11[%swap3A_124, %swap3A_125] {strides = array<i32>} : memref<1x10000xf32, #tpu.memory_space<vmem>>, vector<16xf32>,
      tpu.vector_store %arg11[%swap3A_124, %swap3A_125], %broadcast_in_dim3A_121 {strides = array<i32>} : memref<1x10000xf32, #tpu.memory_space<vmem>>, vector<16xf32>,
    }
    %scan3A_5 = arith.constant 625 : i32
    %scan3A_6 = arith.constant 0 : i32
    %scan3A_7 = arith.constant 0 : i32
    %scan3A_8 = arith.constant 64 : i32
    %scan3A_9 = arith.addi %scan3A_7, %scan3A_8 : i32
    %scan3A_10 = arith.constant 1 : i32
    scf.for %scan3A_120 = %scan3A_7 to %scan3A_9 step %scan3A_10  : i32 {
      %broadcast_in_dim3A = arith.constant 0.000000e+00 : f32
      %broadcast_in_dim3A_121 = vector.broadcast %broadcast_in_dim3A : f32 to vector<16xf32>
      %swap3A = arith.index_cast %scan3A_120 : i32 to index
      %swap3A_122 = arith.constant 0 : index
      %swap3A_123 = tpu.vector_load %arg16[%swap3A, %swap3A_122] {strides = array<i32>} : memref<64x128xf32, #tpu.memory_space<vmem>>, vector<16xf32>,
      tpu.vector_store %arg16[%swap3A, %swap3A_122], %broadcast_in_dim3A_121 {strides = array<i32>} : memref<64x128xf32, #tpu.memory_space<vmem>>, vector<16xf32>,
      %broadcast_in_dim3A_124 = arith.constant 0.000000e+00 : f32
      %broadcast_in_dim3A_125 = vector.broadcast %broadcast_in_dim3A_124 : f32 to vector<16xf32>
      %swap3A_126 = arith.index_cast %scan3A_120 : i32 to index
      %swap3A_127 = arith.constant 16 : index
      %swap3A_128 = tpu.vector_load %arg16[%swap3A_126, %swap3A_127] {strides = array<i32>} : memref<64x128xf32, #tpu.memory_space<vmem>>, vector<16xf32>,
      tpu.vector_store %arg16[%swap3A_126, %swap3A_127], %broadcast_in_dim3A_125 {strides = array<i32>} : memref<64x128xf32, #tpu.memory_space<vmem>>, vector<16xf32>,
      %broadcast_in_dim3A_129 = arith.constant 0.000000e+00 : f32
      %broadcast_in_dim3A_130 = vector.broadcast %broadcast_in_dim3A_129 : f32 to vector<16xf32>
      %swap3A_131 = arith.index_cast %scan3A_120 : i32 to index
      %swap3A_132 = arith.constant 32 : index
      %swap3A_133 = tpu.vector_load %arg16[%swap3A_131, %swap3A_132] {strides = array<i32>} : memref<64x128xf32, #tpu.memory_space<vmem>>, vector<16xf32>,
      tpu.vector_store %arg16[%swap3A_131, %swap3A_132], %broadcast_in_dim3A_130 {strides = array<i32>} : memref<64x128xf32, #tpu.memory_space<vmem>>, vector<16xf32>,
      %broadcast_in_dim3A_134 = arith.constant 0.000000e+00 : f32
      %broadcast_in_dim3A_135 = vector.broadcast %broadcast_in_dim3A_134 : f32 to vector<16xf32>
      %swap3A_136 = arith.index_cast %scan3A_120 : i32 to index
      %swap3A_137 = arith.constant 48 : index
      %swap3A_138 = tpu.vector_load %arg16[%swap3A_136, %swap3A_137] {strides = array<i32>} : memref<64x128xf32, #tpu.memory_space<vmem>>, vector<16xf32>,
      tpu.vector_store %arg16[%swap3A_136, %swap3A_137], %broadcast_in_dim3A_135 {strides = array<i32>} : memref<64x128xf32, #tpu.memory_space<vmem>>, vector<16xf32>,
      %broadcast_in_dim3A_139 = arith.constant 0.000000e+00 : f32
      %broadcast_in_dim3A_140 = vector.broadcast %broadcast_in_dim3A_139 : f32 to vector<16xf32>
      %swap3A_141 = arith.index_cast %scan3A_120 : i32 to index
      %swap3A_142 = arith.constant 64 : index
      %swap3A_143 = tpu.vector_load %arg16[%swap3A_141, %swap3A_142] {strides = array<i32>} : memref<64x128xf32, #tpu.memory_space<vmem>>, vector<16xf32>,
      tpu.vector_store %arg16[%swap3A_141, %swap3A_142], %broadcast_in_dim3A_140 {strides = array<i32>} : memref<64x128xf32, #tpu.memory_space<vmem>>, vector<16xf32>,
      %broadcast_in_dim3A_144 = arith.constant 0.000000e+00 : f32
      %broadcast_in_dim3A_145 = vector.broadcast %broadcast_in_dim3A_144 : f32 to vector<16xf32>
      %swap3A_146 = arith.index_cast %scan3A_120 : i32 to index
      %swap3A_147 = arith.constant 80 : index
      %swap3A_148 = tpu.vector_load %arg16[%swap3A_146, %swap3A_147] {strides = array<i32>} : memref<64x128xf32, #tpu.memory_space<vmem>>, vector<16xf32>,
      tpu.vector_store %arg16[%swap3A_146, %swap3A_147], %broadcast_in_dim3A_145 {strides = array<i32>} : memref<64x128xf32, #tpu.memory_space<vmem>>, vector<16xf32>,
      %broadcast_in_dim3A_149 = arith.constant 0.000000e+00 : f32
      %broadcast_in_dim3A_150 = vector.broadcast %broadcast_in_dim3A_149 : f32 to vector<16xf32>
      %swap3A_151 = arith.index_cast %scan3A_120 : i32 to index
      %swap3A_152 = arith.constant 96 : index
      %swap3A_153 = tpu.vector_load %arg16[%swap3A_151, %swap3A_152] {strides = array<i32>} : memref<64x128xf32, #tpu.memory_space<vmem>>, vector<16xf32>,
      tpu.vector_store %arg16[%swap3A_151, %swap3A_152], %broadcast_in_dim3A_150 {strides = array<i32>} : memref<64x128xf32, #tpu.memory_space<vmem>>, vector<16xf32>,
      %broadcast_in_dim3A_154 = arith.constant 0.000000e+00 : f32
      %broadcast_in_dim3A_155 = vector.broadcast %broadcast_in_dim3A_154 : f32 to vector<16xf32>
      %swap3A_156 = arith.index_cast %scan3A_120 : i32 to index
      %swap3A_157 = arith.constant 112 : index
      %swap3A_158 = tpu.vector_load %arg16[%swap3A_156, %swap3A_157] {strides = array<i32>} : memref<64x128xf32, #tpu.memory_space<vmem>>, vector<16xf32>,
      tpu.vector_store %arg16[%swap3A_156, %swap3A_157], %broadcast_in_dim3A_155 {strides = array<i32>} : memref<64x128xf32, #tpu.memory_space<vmem>>, vector<16xf32>,
    }
    %scan3A_11 = arith.constant 64 : i32
    %mul3A_12 = arith.constant 640 : i32
    %mul3A_13 = arith.muli %arg1, %mul3A_12 : i32
    %add3A_14 = arith.constant 0 : i32
    %add3A_15 = arith.addi %mul3A_13, %add3A_14 : i32
    "tpu.region"() ({
      %run_scoped3A = tpu.sem_alloc : memref<!tpu.dma_semaphore, #tpu.memory_space<semaphore_mem>>
      %dma_start3A_120 = arith.constant 0 : i32
      %dma_start3A_121 = tpu.memref_slice %arg18[%add3A_15, %dma_start3A_120] : memref<10240x128xf32, #tpu.memory_space<vmem_shared>> -> memref<64x128xf32, #tpu.memory_space<vmem_shared>>
      %dma_start3A_122 = arith.constant 0 : i32
      %dma_start3A_123 = tpu.memref_slice %arg18[%add3A_15, %dma_start3A_122] : memref<10240x128xf32, #tpu.memory_space<vmem_shared>> -> memref<64x128xf32, #tpu.memory_space<vmem_shared>>
      tpu.enqueue_dma source(%arg16 : memref<64x128xf32, #tpu.memory_space<vmem>>) target(%dma_start3A_123 : memref<64x128xf32, #tpu.memory_space<vmem_shared>>) target_semaphore(%run_scoped3A : memref<!tpu.dma_semaphore, #tpu.memory_space<semaphore_mem>>)
      %dma_wait3A_124 = arith.constant 0 : i32
      %dma_wait3A_125 = tpu.memref_slice %arg18[%add3A_15, %dma_wait3A_124] : memref<10240x128xf32, #tpu.memory_space<vmem_shared>> -> memref<64x128xf32, #tpu.memory_space<vmem_shared>>
      %dma_wait3A_126 = arith.constant 0 : i32
      %dma_wait3A_127 = tpu.memref_slice %arg18[%add3A_15, %dma_wait3A_126] : memref<10240x128xf32, #tpu.memory_space<vmem_shared>> -> memref<64x128xf32, #tpu.memory_space<vmem_shared>>
      tpu.wait_dma2 semaphore(%run_scoped3A : memref<!tpu.dma_semaphore, #tpu.memory_space<semaphore_mem>>) src(%arg16 : memref<64x128xf32, #tpu.memory_space<vmem>>) dst(%dma_wait3A_127 : memref<64x128xf32, #tpu.memory_space<vmem_shared>>)
      tpu.yield
    }) : () -> ()
    %add3A_16 = arith.constant 64 : i32
    %add3A_17 = arith.addi %mul3A_13, %add3A_16 : i32
    "tpu.region"() ({
      %run_scoped3A = tpu.sem_alloc : memref<!tpu.dma_semaphore, #tpu.memory_space<semaphore_mem>>
      %dma_start3A_120 = arith.constant 0 : i32
      %dma_start3A_121 = tpu.memref_slice %arg18[%add3A_17, %dma_start3A_120] : memref<10240x128xf32, #tpu.memory_space<vmem_shared>> -> memref<64x128xf32, #tpu.memory_space<vmem_shared>>
      %dma_start3A_122 = arith.constant 0 : i32
      %dma_start3A_123 = tpu.memref_slice %arg18[%add3A_17, %dma_start3A_122] : memref<10240x128xf32, #tpu.memory_space<vmem_shared>> -> memref<64x128xf32, #tpu.memory_space<vmem_shared>>
      tpu.enqueue_dma source(%arg16 : memref<64x128xf32, #tpu.memory_space<vmem>>) target(%dma_start3A_123 : memref<64x128xf32, #tpu.memory_space<vmem_shared>>) target_semaphore(%run_scoped3A : memref<!tpu.dma_semaphore, #tpu.memory_space<semaphore_mem>>)
      %dma_wait3A_124 = arith.constant 0 : i32
      %dma_wait3A_125 = tpu.memref_slice %arg18[%add3A_17, %dma_wait3A_124] : memref<10240x128xf32, #tpu.memory_space<vmem_shared>> -> memref<64x128xf32, #tpu.memory_space<vmem_shared>>
      %dma_wait3A_126 = arith.constant 0 : i32
      %dma_wait3A_127 = tpu.memref_slice %arg18[%add3A_17, %dma_wait3A_126] : memref<10240x128xf32, #tpu.memory_space<vmem_shared>> -> memref<64x128xf32, #tpu.memory_space<vmem_shared>>
      tpu.wait_dma2 semaphore(%run_scoped3A : memref<!tpu.dma_semaphore, #tpu.memory_space<semaphore_mem>>) src(%arg16 : memref<64x128xf32, #tpu.memory_space<vmem>>) dst(%dma_wait3A_127 : memref<64x128xf32, #tpu.memory_space<vmem_shared>>)
      tpu.yield
    }) : () -> ()
    %add3A_18 = arith.constant 128 : i32
    %add3A_19 = arith.addi %mul3A_13, %add3A_18 : i32
    "tpu.region"() ({
      %run_scoped3A = tpu.sem_alloc : memref<!tpu.dma_semaphore, #tpu.memory_space<semaphore_mem>>
      %dma_start3A_120 = arith.constant 0 : i32
      %dma_start3A_121 = tpu.memref_slice %arg18[%add3A_19, %dma_start3A_120] : memref<10240x128xf32, #tpu.memory_space<vmem_shared>> -> memref<64x128xf32, #tpu.memory_space<vmem_shared>>
      %dma_start3A_122 = arith.constant 0 : i32
      %dma_start3A_123 = tpu.memref_slice %arg18[%add3A_19, %dma_start3A_122] : memref<10240x128xf32, #tpu.memory_space<vmem_shared>> -> memref<64x128xf32, #tpu.memory_space<vmem_shared>>
      tpu.enqueue_dma source(%arg16 : memref<64x128xf32, #tpu.memory_space<vmem>>) target(%dma_start3A_123 : memref<64x128xf32, #tpu.memory_space<vmem_shared>>) target_semaphore(%run_scoped3A : memref<!tpu.dma_semaphore, #tpu.memory_space<semaphore_mem>>)
      %dma_wait3A_124 = arith.constant 0 : i32
      %dma_wait3A_125 = tpu.memref_slice %arg18[%add3A_19, %dma_wait3A_124] : memref<10240x128xf32, #tpu.memory_space<vmem_shared>> -> memref<64x128xf32, #tpu.memory_space<vmem_shared>>
      %dma_wait3A_126 = arith.constant 0 : i32
      %dma_wait3A_127 = tpu.memref_slice %arg18[%add3A_19, %dma_wait3A_126] : memref<10240x128xf32, #tpu.memory_space<vmem_shared>> -> memref<64x128xf32, #tpu.memory_space<vmem_shared>>
      tpu.wait_dma2 semaphore(%run_scoped3A : memref<!tpu.dma_semaphore, #tpu.memory_space<semaphore_mem>>) src(%arg16 : memref<64x128xf32, #tpu.memory_space<vmem>>) dst(%dma_wait3A_127 : memref<64x128xf32, #tpu.memory_space<vmem_shared>>)
      tpu.yield
    }) : () -> ()
    %add3A_20 = arith.constant 192 : i32
    %add3A_21 = arith.addi %mul3A_13, %add3A_20 : i32
    "tpu.region"() ({
      %run_scoped3A = tpu.sem_alloc : memref<!tpu.dma_semaphore, #tpu.memory_space<semaphore_mem>>
      %dma_start3A_120 = arith.constant 0 : i32
      %dma_start3A_121 = tpu.memref_slice %arg18[%add3A_21, %dma_start3A_120] : memref<10240x128xf32, #tpu.memory_space<vmem_shared>> -> memref<64x128xf32, #tpu.memory_space<vmem_shared>>
      %dma_start3A_122 = arith.constant 0 : i32
      %dma_start3A_123 = tpu.memref_slice %arg18[%add3A_21, %dma_start3A_122] : memref<10240x128xf32, #tpu.memory_space<vmem_shared>> -> memref<64x128xf32, #tpu.memory_space<vmem_shared>>
      tpu.enqueue_dma source(%arg16 : memref<64x128xf32, #tpu.memory_space<vmem>>) target(%dma_start3A_123 : memref<64x128xf32, #tpu.memory_space<vmem_shared>>) target_semaphore(%run_scoped3A : memref<!tpu.dma_semaphore, #tpu.memory_space<semaphore_mem>>)
      %dma_wait3A_124 = arith.constant 0 : i32
      %dma_wait3A_125 = tpu.memref_slice %arg18[%add3A_21, %dma_wait3A_124] : memref<10240x128xf32, #tpu.memory_space<vmem_shared>> -> memref<64x128xf32, #tpu.memory_space<vmem_shared>>
      %dma_wait3A_126 = arith.constant 0 : i32
      %dma_wait3A_127 = tpu.memref_slice %arg18[%add3A_21, %dma_wait3A_126] : memref<10240x128xf32, #tpu.memory_space<vmem_shared>> -> memref<64x128xf32, #tpu.memory_space<vmem_shared>>
      tpu.wait_dma2 semaphore(%run_scoped3A : memref<!tpu.dma_semaphore, #tpu.memory_space<semaphore_mem>>) src(%arg16 : memref<64x128xf32, #tpu.memory_space<vmem>>) dst(%dma_wait3A_127 : memref<64x128xf32, #tpu.memory_space<vmem_shared>>)
      tpu.yield
    }) : () -> ()
    %add3A_22 = arith.constant 256 : i32
    %add3A_23 = arith.addi %mul3A_13, %add3A_22 : i32
    "tpu.region"() ({
      %run_scoped3A = tpu.sem_alloc : memref<!tpu.dma_semaphore, #tpu.memory_space<semaphore_mem>>
      %dma_start3A_120 = arith.constant 0 : i32
      %dma_start3A_121 = tpu.memref_slice %arg18[%add3A_23, %dma_start3A_120] : memref<10240x128xf32, #tpu.memory_space<vmem_shared>> -> memref<64x128xf32, #tpu.memory_space<vmem_shared>>
      %dma_start3A_122 = arith.constant 0 : i32
      %dma_start3A_123 = tpu.memref_slice %arg18[%add3A_23, %dma_start3A_122] : memref<10240x128xf32, #tpu.memory_space<vmem_shared>> -> memref<64x128xf32, #tpu.memory_space<vmem_shared>>
      tpu.enqueue_dma source(%arg16 : memref<64x128xf32, #tpu.memory_space<vmem>>) target(%dma_start3A_123 : memref<64x128xf32, #tpu.memory_space<vmem_shared>>) target_semaphore(%run_scoped3A : memref<!tpu.dma_semaphore, #tpu.memory_space<semaphore_mem>>)
      %dma_wait3A_124 = arith.constant 0 : i32
      %dma_wait3A_125 = tpu.memref_slice %arg18[%add3A_23, %dma_wait3A_124] : memref<10240x128xf32, #tpu.memory_space<vmem_shared>> -> memref<64x128xf32, #tpu.memory_space<vmem_shared>>
      %dma_wait3A_126 = arith.constant 0 : i32
      %dma_wait3A_127 = tpu.memref_slice %arg18[%add3A_23, %dma_wait3A_126] : memref<10240x128xf32, #tpu.memory_space<vmem_shared>> -> memref<64x128xf32, #tpu.memory_space<vmem_shared>>
      tpu.wait_dma2 semaphore(%run_scoped3A : memref<!tpu.dma_semaphore, #tpu.memory_space<semaphore_mem>>) src(%arg16 : memref<64x128xf32, #tpu.memory_space<vmem>>) dst(%dma_wait3A_127 : memref<64x128xf32, #tpu.memory_space<vmem_shared>>)
      tpu.yield
    }) : () -> ()
    %add3A_24 = arith.constant 320 : i32
    %add3A_25 = arith.addi %mul3A_13, %add3A_24 : i32
    "tpu.region"() ({
      %run_scoped3A = tpu.sem_alloc : memref<!tpu.dma_semaphore, #tpu.memory_space<semaphore_mem>>
      %dma_start3A_120 = arith.constant 0 : i32
      %dma_start3A_121 = tpu.memref_slice %arg18[%add3A_25, %dma_start3A_120] : memref<10240x128xf32, #tpu.memory_space<vmem_shared>> -> memref<64x128xf32, #tpu.memory_space<vmem_shared>>
      %dma_start3A_122 = arith.constant 0 : i32
      %dma_start3A_123 = tpu.memref_slice %arg18[%add3A_25, %dma_start3A_122] : memref<10240x128xf32, #tpu.memory_space<vmem_shared>> -> memref<64x128xf32, #tpu.memory_space<vmem_shared>>
      tpu.enqueue_dma source(%arg16 : memref<64x128xf32, #tpu.memory_space<vmem>>) target(%dma_start3A_123 : memref<64x128xf32, #tpu.memory_space<vmem_shared>>) target_semaphore(%run_scoped3A : memref<!tpu.dma_semaphore, #tpu.memory_space<semaphore_mem>>)
      %dma_wait3A_124 = arith.constant 0 : i32
      %dma_wait3A_125 = tpu.memref_slice %arg18[%add3A_25, %dma_wait3A_124] : memref<10240x128xf32, #tpu.memory_space<vmem_shared>> -> memref<64x128xf32, #tpu.memory_space<vmem_shared>>
      %dma_wait3A_126 = arith.constant 0 : i32
      %dma_wait3A_127 = tpu.memref_slice %arg18[%add3A_25, %dma_wait3A_126] : memref<10240x128xf32, #tpu.memory_space<vmem_shared>> -> memref<64x128xf32, #tpu.memory_space<vmem_shared>>
      tpu.wait_dma2 semaphore(%run_scoped3A : memref<!tpu.dma_semaphore, #tpu.memory_space<semaphore_mem>>) src(%arg16 : memref<64x128xf32, #tpu.memory_space<vmem>>) dst(%dma_wait3A_127 : memref<64x128xf32, #tpu.memory_space<vmem_shared>>)
      tpu.yield
    }) : () -> ()
    %add3A_26 = arith.constant 384 : i32
    %add3A_27 = arith.addi %mul3A_13, %add3A_26 : i32
    "tpu.region"() ({
      %run_scoped3A = tpu.sem_alloc : memref<!tpu.dma_semaphore, #tpu.memory_space<semaphore_mem>>
      %dma_start3A_120 = arith.constant 0 : i32
      %dma_start3A_121 = tpu.memref_slice %arg18[%add3A_27, %dma_start3A_120] : memref<10240x128xf32, #tpu.memory_space<vmem_shared>> -> memref<64x128xf32, #tpu.memory_space<vmem_shared>>
      %dma_start3A_122 = arith.constant 0 : i32
      %dma_start3A_123 = tpu.memref_slice %arg18[%add3A_27, %dma_start3A_122] : memref<10240x128xf32, #tpu.memory_space<vmem_shared>> -> memref<64x128xf32, #tpu.memory_space<vmem_shared>>
      tpu.enqueue_dma source(%arg16 : memref<64x128xf32, #tpu.memory_space<vmem>>) target(%dma_start3A_123 : memref<64x128xf32, #tpu.memory_space<vmem_shared>>) target_semaphore(%run_scoped3A : memref<!tpu.dma_semaphore, #tpu.memory_space<semaphore_mem>>)
      %dma_wait3A_124 = arith.constant 0 : i32
      %dma_wait3A_125 = tpu.memref_slice %arg18[%add3A_27, %dma_wait3A_124] : memref<10240x128xf32, #tpu.memory_space<vmem_shared>> -> memref<64x128xf32, #tpu.memory_space<vmem_shared>>
      %dma_wait3A_126 = arith.constant 0 : i32
      %dma_wait3A_127 = tpu.memref_slice %arg18[%add3A_27, %dma_wait3A_126] : memref<10240x128xf32, #tpu.memory_space<vmem_shared>> -> memref<64x128xf32, #tpu.memory_space<vmem_shared>>
      tpu.wait_dma2 semaphore(%run_scoped3A : memref<!tpu.dma_semaphore, #tpu.memory_space<semaphore_mem>>) src(%arg16 : memref<64x128xf32, #tpu.memory_space<vmem>>) dst(%dma_wait3A_127 : memref<64x128xf32, #tpu.memory_space<vmem_shared>>)
      tpu.yield
    }) : () -> ()
    %add3A_28 = arith.constant 448 : i32
    %add3A_29 = arith.addi %mul3A_13, %add3A_28 : i32
    "tpu.region"() ({
      %run_scoped3A = tpu.sem_alloc : memref<!tpu.dma_semaphore, #tpu.memory_space<semaphore_mem>>
      %dma_start3A_120 = arith.constant 0 : i32
      %dma_start3A_121 = tpu.memref_slice %arg18[%add3A_29, %dma_start3A_120] : memref<10240x128xf32, #tpu.memory_space<vmem_shared>> -> memref<64x128xf32, #tpu.memory_space<vmem_shared>>
      %dma_start3A_122 = arith.constant 0 : i32
      %dma_start3A_123 = tpu.memref_slice %arg18[%add3A_29, %dma_start3A_122] : memref<10240x128xf32, #tpu.memory_space<vmem_shared>> -> memref<64x128xf32, #tpu.memory_space<vmem_shared>>
      tpu.enqueue_dma source(%arg16 : memref<64x128xf32, #tpu.memory_space<vmem>>) target(%dma_start3A_123 : memref<64x128xf32, #tpu.memory_space<vmem_shared>>) target_semaphore(%run_scoped3A : memref<!tpu.dma_semaphore, #tpu.memory_space<semaphore_mem>>)
      %dma_wait3A_124 = arith.constant 0 : i32
      %dma_wait3A_125 = tpu.memref_slice %arg18[%add3A_29, %dma_wait3A_124] : memref<10240x128xf32, #tpu.memory_space<vmem_shared>> -> memref<64x128xf32, #tpu.memory_space<vmem_shared>>
      %dma_wait3A_126 = arith.constant 0 : i32
      %dma_wait3A_127 = tpu.memref_slice %arg18[%add3A_29, %dma_wait3A_126] : memref<10240x128xf32, #tpu.memory_space<vmem_shared>> -> memref<64x128xf32, #tpu.memory_space<vmem_shared>>
      tpu.wait_dma2 semaphore(%run_scoped3A : memref<!tpu.dma_semaphore, #tpu.memory_space<semaphore_mem>>) src(%arg16 : memref<64x128xf32, #tpu.memory_space<vmem>>) dst(%dma_wait3A_127 : memref<64x128xf32, #tpu.memory_space<vmem_shared>>)
      tpu.yield
    }) : () -> ()
    %add3A_30 = arith.constant 512 : i32
    %add3A_31 = arith.addi %mul3A_13, %add3A_30 : i32
    "tpu.region"() ({
      %run_scoped3A = tpu.sem_alloc : memref<!tpu.dma_semaphore, #tpu.memory_space<semaphore_mem>>
      %dma_start3A_120 = arith.constant 0 : i32
      %dma_start3A_121 = tpu.memref_slice %arg18[%add3A_31, %dma_start3A_120] : memref<10240x128xf32, #tpu.memory_space<vmem_shared>> -> memref<64x128xf32, #tpu.memory_space<vmem_shared>>
      %dma_start3A_122 = arith.constant 0 : i32
      %dma_start3A_123 = tpu.memref_slice %arg18[%add3A_31, %dma_start3A_122] : memref<10240x128xf32, #tpu.memory_space<vmem_shared>> -> memref<64x128xf32, #tpu.memory_space<vmem_shared>>
      tpu.enqueue_dma source(%arg16 : memref<64x128xf32, #tpu.memory_space<vmem>>) target(%dma_start3A_123 : memref<64x128xf32, #tpu.memory_space<vmem_shared>>) target_semaphore(%run_scoped3A : memref<!tpu.dma_semaphore, #tpu.memory_space<semaphore_mem>>)
      %dma_wait3A_124 = arith.constant 0 : i32
      %dma_wait3A_125 = tpu.memref_slice %arg18[%add3A_31, %dma_wait3A_124] : memref<10240x128xf32, #tpu.memory_space<vmem_shared>> -> memref<64x128xf32, #tpu.memory_space<vmem_shared>>
      %dma_wait3A_126 = arith.constant 0 : i32
      %dma_wait3A_127 = tpu.memref_slice %arg18[%add3A_31, %dma_wait3A_126] : memref<10240x128xf32, #tpu.memory_space<vmem_shared>> -> memref<64x128xf32, #tpu.memory_space<vmem_shared>>
      tpu.wait_dma2 semaphore(%run_scoped3A : memref<!tpu.dma_semaphore, #tpu.memory_space<semaphore_mem>>) src(%arg16 : memref<64x128xf32, #tpu.memory_space<vmem>>) dst(%dma_wait3A_127 : memref<64x128xf32, #tpu.memory_space<vmem_shared>>)
      tpu.yield
    }) : () -> ()
    %add3A_32 = arith.constant 576 : i32
    %add3A_33 = arith.addi %mul3A_13, %add3A_32 : i32
    "tpu.region"() ({
      %run_scoped3A = tpu.sem_alloc : memref<!tpu.dma_semaphore, #tpu.memory_space<semaphore_mem>>
      %dma_start3A_120 = arith.constant 0 : i32
      %dma_start3A_121 = tpu.memref_slice %arg18[%add3A_33, %dma_start3A_120] : memref<10240x128xf32, #tpu.memory_space<vmem_shared>> -> memref<64x128xf32, #tpu.memory_space<vmem_shared>>
      %dma_start3A_122 = arith.constant 0 : i32
      %dma_start3A_123 = tpu.memref_slice %arg18[%add3A_33, %dma_start3A_122] : memref<10240x128xf32, #tpu.memory_space<vmem_shared>> -> memref<64x128xf32, #tpu.memory_space<vmem_shared>>
      tpu.enqueue_dma source(%arg16 : memref<64x128xf32, #tpu.memory_space<vmem>>) target(%dma_start3A_123 : memref<64x128xf32, #tpu.memory_space<vmem_shared>>) target_semaphore(%run_scoped3A : memref<!tpu.dma_semaphore, #tpu.memory_space<semaphore_mem>>)
      %dma_wait3A_124 = arith.constant 0 : i32
      %dma_wait3A_125 = tpu.memref_slice %arg18[%add3A_33, %dma_wait3A_124] : memref<10240x128xf32, #tpu.memory_space<vmem_shared>> -> memref<64x128xf32, #tpu.memory_space<vmem_shared>>
      %dma_wait3A_126 = arith.constant 0 : i32
      %dma_wait3A_127 = tpu.memref_slice %arg18[%add3A_33, %dma_wait3A_126] : memref<10240x128xf32, #tpu.memory_space<vmem_shared>> -> memref<64x128xf32, #tpu.memory_space<vmem_shared>>
      tpu.wait_dma2 semaphore(%run_scoped3A : memref<!tpu.dma_semaphore, #tpu.memory_space<semaphore_mem>>) src(%arg16 : memref<64x128xf32, #tpu.memory_space<vmem>>) dst(%dma_wait3A_127 : memref<64x128xf32, #tpu.memory_space<vmem_shared>>)
      tpu.yield
    }) : () -> ()
    %barrier3A = arith.constant 0 : index
    tpu.barrier barrier_id(%barrier3A)
    %eq3A = arith.constant 0 : i32
    %eq3A_34 = arith.cmpi eq, %arg0, %eq3A : i32
    %jit3A = arith.constant 112 : i32
    %jit3A_35 = arith.constant 56 : i32
    %select_n3A = arith.select %eq3A_34, %jit3A, %jit3A_35 : i32
    %eq3A_36 = arith.constant 0 : i32
    %eq3A_37 = arith.cmpi eq, %arg0, %eq3A_36 : i32
    %mul3A_38 = arith.constant 112 : i32
    %mul3A_39 = arith.muli %arg1, %mul3A_38 : i32
    %mul3A_40 = arith.constant 56 : i32
    %mul3A_41 = arith.muli %arg1, %mul3A_40 : i32
    %add3A_42 = arith.constant 1792 : i32
    %add3A_43 = arith.addi %add3A_42, %mul3A_41 : i32
    %select_n3A_44 = arith.select %eq3A_37, %mul3A_39, %add3A_43 : i32
    %mul3A_45 = arith.constant 64 : i32
    %mul3A_46 = arith.muli %select_n3A_44, %mul3A_45 : i32
    %dma_start3A = arith.constant 0 : i32
    %dma_start3A_47 = arith.constant 0 : i32
    %dma_start3A_48 = tpu.memref_slice %arg2[%select_n3A_44, %dma_start3A, %dma_start3A_47] : memref<2688x2x64xi32, #tpu.memory_space<hbm>> -> memref<1x2x64xi32, #tpu.memory_space<hbm>>
    %dma_start3A_49 = tpu.memref_squeeze %dma_start3A_48 : memref<1x2x64xi32, #tpu.memory_space<hbm>> -> memref<2x64xi32, #tpu.memory_space<hbm>>
    %dma_start3A_50 = arith.constant 0 : i32
    %dma_start3A_51 = arith.constant 0 : i32
    %dma_start3A_52 = tpu.memref_slice %arg2[%select_n3A_44, %dma_start3A_50, %dma_start3A_51] : memref<2688x2x64xi32, #tpu.memory_space<hbm>> -> memref<1x2x64xi32, #tpu.memory_space<hbm>>
    %dma_start3A_53 = tpu.memref_squeeze %dma_start3A_52 : memref<1x2x64xi32, #tpu.memory_space<hbm>> -> memref<2x64xi32, #tpu.memory_space<hbm>>
    tpu.enqueue_dma source(%dma_start3A_53 : memref<2x64xi32, #tpu.memory_space<hbm>>) target(%arg12 : memref<2x64xi32, #tpu.memory_space<vmem>>) target_semaphore(%arg19 : memref<!tpu.dma_semaphore, #tpu.memory_space<semaphore_mem>>)
    %dma_wait3A = arith.constant 0 : i32
    %dma_wait3A_54 = arith.constant 0 : i32
    %dma_wait3A_55 = tpu.memref_slice %arg2[%select_n3A_44, %dma_wait3A, %dma_wait3A_54] : memref<2688x2x64xi32, #tpu.memory_space<hbm>> -> memref<1x2x64xi32, #tpu.memory_space<hbm>>
    %dma_wait3A_56 = tpu.memref_squeeze %dma_wait3A_55 : memref<1x2x64xi32, #tpu.memory_space<hbm>> -> memref<2x64xi32, #tpu.memory_space<hbm>>
    %dma_wait3A_57 = arith.constant 0 : i32
    %dma_wait3A_58 = arith.constant 0 : i32
    %dma_wait3A_59 = tpu.memref_slice %arg2[%select_n3A_44, %dma_wait3A_57, %dma_wait3A_58] : memref<2688x2x64xi32, #tpu.memory_space<hbm>> -> memref<1x2x64xi32, #tpu.memory_space<hbm>>
    %dma_wait3A_60 = tpu.memref_squeeze %dma_wait3A_59 : memref<1x2x64xi32, #tpu.memory_space<hbm>> -> memref<2x64xi32, #tpu.memory_space<hbm>>
    tpu.wait_dma2 semaphore(%arg19 : memref<!tpu.dma_semaphore, #tpu.memory_space<semaphore_mem>>) src(%dma_wait3A_60 : memref<2x64xi32, #tpu.memory_space<hbm>>) dst(%arg12 : memref<2x64xi32, #tpu.memory_space<vmem>>)
    %add3A_61 = arith.constant 1 : i32
    %add3A_62 = arith.addi %select_n3A_44, %add3A_61 : i32
    %dma_start3A_63 = arith.constant 0 : i32
    %dma_start3A_64 = arith.constant 0 : i32
    %dma_start3A_65 = tpu.memref_slice %arg2[%add3A_62, %dma_start3A_63, %dma_start3A_64] : memref<2688x2x64xi32, #tpu.memory_space<hbm>> -> memref<1x2x64xi32, #tpu.memory_space<hbm>>
    %dma_start3A_66 = tpu.memref_squeeze %dma_start3A_65 : memref<1x2x64xi32, #tpu.memory_space<hbm>> -> memref<2x64xi32, #tpu.memory_space<hbm>>
    %dma_start3A_67 = arith.constant 0 : i32
    %dma_start3A_68 = arith.constant 0 : i32
    %dma_start3A_69 = tpu.memref_slice %arg2[%add3A_62, %dma_start3A_67, %dma_start3A_68] : memref<2688x2x64xi32, #tpu.memory_space<hbm>> -> memref<1x2x64xi32, #tpu.memory_space<hbm>>
    %dma_start3A_70 = tpu.memref_squeeze %dma_start3A_69 : memref<1x2x64xi32, #tpu.memory_space<hbm>> -> memref<2x64xi32, #tpu.memory_space<hbm>>
    tpu.enqueue_dma source(%dma_start3A_70 : memref<2x64xi32, #tpu.memory_space<hbm>>) target(%arg13 : memref<2x64xi32, #tpu.memory_space<vmem>>) target_semaphore(%arg20 : memref<!tpu.dma_semaphore, #tpu.memory_space<semaphore_mem>>)
    %dma_start3A_71 = arith.constant 0 : i32
    %dma_start3A_72 = arith.constant 0 : i32
    %dma_start3A_73 = tpu.memref_slice %arg12[%dma_start3A_71, %dma_start3A_72] : memref<2x64xi32, #tpu.memory_space<vmem>> -> memref<1x64xi32, #tpu.memory_space<vmem>>
    %dma_start3A_74 = tpu.memref_squeeze %dma_start3A_73 : memref<1x64xi32, #tpu.memory_space<vmem>> -> memref<64xi32, #tpu.memory_space<vmem>>
    %dma_start3A_75 = arith.constant 0 : i32
    %dma_start3A_76 = arith.constant 0 : i32
    %dma_start3A_77 = tpu.memref_slice %arg6[%dma_start3A_75, %dma_start3A_76] : memref<10240x128xf32, #tpu.memory_space<hbm>> -> memref<10240x128xf32, #tpu.memory_space<hbm>>
    tpu.enqueue_indirect_dma source(%dma_start3A_77 : memref<10240x128xf32, #tpu.memory_space<hbm>>) target(%arg16 : memref<64x128xf32, #tpu.memory_space<vmem>>) offsets(%dma_start3A_74 : memref<64xi32, #tpu.memory_space<vmem>>) semaphore(%arg21 : memref<!tpu.dma_semaphore, #tpu.memory_space<semaphore_mem>>)
    %jit3A_78 = arith.constant 2 : i32
    %div3A = arith.divsi %select_n3A, %jit3A_78 : i32
    %sign3A = arith.constant 0 : i32
    %sign3A_79 = arith.cmpi sgt, %select_n3A, %sign3A : i32
    %sign3A_80 = arith.extui %sign3A_79 : i1 to i32
    %sign3A_81 = arith.constant 0 : i32
    %sign3A_82 = arith.cmpi slt, %select_n3A, %sign3A_81 : i32
    %sign3A_83 = arith.extui %sign3A_82 : i1 to i32
    %sign3A_84 = arith.subi %sign3A_80, %sign3A_83 : i32
    %sign3A_85 = arith.constant 0 : i32
    %sign3A_86 = arith.cmpi sgt, %jit3A_78, %sign3A_85 : i32
    %sign3A_87 = arith.extui %sign3A_86 : i1 to i32
    %sign3A_88 = arith.constant 0 : i32
    %sign3A_89 = arith.cmpi slt, %jit3A_78, %sign3A_88 : i32
    %sign3A_90 = arith.extui %sign3A_89 : i1 to i32
    %sign3A_91 = arith.subi %sign3A_87, %sign3A_90 : i32
    %ne3A = arith.cmpi ne, %sign3A_84, %sign3A_91 : i32
    %rem3A = arith.remsi %select_n3A, %jit3A_78 : i32
    %ne3A_92 = arith.constant 0 : i32
    %ne3A_93 = arith.cmpi ne, %rem3A, %ne3A_92 : i32
    %and3A = arith.andi %ne3A, %ne3A_93 : i1
    %sub3A = arith.constant 1 : i32
    %sub3A_94 = arith.subi %div3A, %sub3A : i32
    %select_n3A_95 = arith.select %and3A, %sub3A_94, %div3A : i32
    %while3A = arith.constant 0 : i32
    %while3A_96 = arith.constant 0 : i32
    %while3A_97 = arith.subi %select_n3A_95, %while3A_96 : i32
    %while3A_98 = arith.addi %while3A_96, %while3A_97 : i32
    %while3A_99 = arith.constant 1 : i32
    %while3A_100 = arith.divsi %while3A_97, %while3A_99 : i32
    %while3A_101 = arith.muli %while3A_100, %while3A_99 : i32
    %while3A_102 = arith.addi %while3A_96, %while3A_101 : i32
    %while3A_103 = arith.constant 1 : i32
    scf.for %while3A_120 = %while3A_96 to %while3A_102 step %while3A_103  : i32 {
      %mul3A_121 = arith.constant 2 : i32
      %mul3A_122 = arith.muli %mul3A_121, %while3A_120 : i32
      %add3A_123 = arith.constant 1 : i32
      %add3A_124 = arith.addi %mul3A_122, %add3A_123 : i32
      %lt3A = arith.cmpi slt, %add3A_124, %select_n3A : i32
      %convert_element_type3A = arith.extui %lt3A : i1 to i32
      %cond3A = arith.constant 0 : i32
      %cond3A_125 = arith.cmpi ne, %convert_element_type3A, %cond3A : i32
      scf.if %cond3A_125 {
        %add3A_206 = arith.addi %select_n3A_44, %mul3A_122 : i32
        %add3A_207 = arith.constant 1 : i32
        %add3A_208 = arith.addi %add3A_206, %add3A_207 : i32
        %dma_wait3A_209 = arith.constant 0 : i32
        %dma_wait3A_210 = arith.constant 0 : i32
        %dma_wait3A_211 = tpu.memref_slice %arg2[%add3A_208, %dma_wait3A_209, %dma_wait3A_210] : memref<2688x2x64xi32, #tpu.memory_space<hbm>> -> memref<1x2x64xi32, #tpu.memory_space<hbm>>
        %dma_wait3A_212 = tpu.memref_squeeze %dma_wait3A_211 : memref<1x2x64xi32, #tpu.memory_space<hbm>> -> memref<2x64xi32, #tpu.memory_space<hbm>>
        %dma_wait3A_213 = arith.constant 0 : i32
        %dma_wait3A_214 = arith.constant 0 : i32
        %dma_wait3A_215 = tpu.memref_slice %arg2[%add3A_208, %dma_wait3A_213, %dma_wait3A_214] : memref<2688x2x64xi32, #tpu.memory_space<hbm>> -> memref<1x2x64xi32, #tpu.memory_space<hbm>>
        %dma_wait3A_216 = tpu.memref_squeeze %dma_wait3A_215 : memref<1x2x64xi32, #tpu.memory_space<hbm>> -> memref<2x64xi32, #tpu.memory_space<hbm>>
        tpu.wait_dma2 semaphore(%arg20 : memref<!tpu.dma_semaphore, #tpu.memory_space<semaphore_mem>>) src(%dma_wait3A_216 : memref<2x64xi32, #tpu.memory_space<hbm>>) dst(%arg13 : memref<2x64xi32, #tpu.memory_space<vmem>>)
        %ge3A = arith.constant 1 : i32
        %ge3A_217 = arith.cmpi sge, %mul3A_122, %ge3A : i32
        %convert_element_type3A_218 = arith.extui %ge3A_217 : i1 to i32
        %cond3A_219 = arith.constant 0 : i32
        %cond3A_220 = arith.cmpi ne, %convert_element_type3A_218, %cond3A_219 : i32
        scf.if %cond3A_220 {
          %dma_wait3A_228 = arith.constant 1 : i32
          %dma_wait3A_229 = arith.constant 0 : i32
          %dma_wait3A_230 = tpu.memref_slice %arg13[%dma_wait3A_228, %dma_wait3A_229] : memref<2x64xi32, #tpu.memory_space<vmem>> -> memref<1x64xi32, #tpu.memory_space<vmem>>
          %dma_wait3A_231 = tpu.memref_squeeze %dma_wait3A_230 : memref<1x64xi32, #tpu.memory_space<vmem>> -> memref<64xi32, #tpu.memory_space<vmem>>
          %dma_wait3A_232 = arith.constant 0 : i32
          %dma_wait3A_233 = arith.constant 0 : i32
          %dma_wait3A_234 = tpu.memref_slice %arg18[%dma_wait3A_232, %dma_wait3A_233] : memref<10240x128xf32, #tpu.memory_space<vmem_shared>> -> memref<10240x128xf32, #tpu.memory_space<vmem_shared>>
          tpu.wait_indirect_dma semaphore(%arg24 : memref<!tpu.dma_semaphore, #tpu.memory_space<semaphore_mem>>) src(%arg17 : memref<64x128xf32, #tpu.memory_space<vmem>>) dst(%dma_wait3A_234 : memref<10240x128xf32, #tpu.memory_space<vmem_shared>>)
        } else {
        }
        %dma_start3A_221 = arith.constant 0 : i32
        %dma_start3A_222 = arith.constant 0 : i32
        %dma_start3A_223 = tpu.memref_slice %arg13[%dma_start3A_221, %dma_start3A_222] : memref<2x64xi32, #tpu.memory_space<vmem>> -> memref<1x64xi32, #tpu.memory_space<vmem>>
        %dma_start3A_224 = tpu.memref_squeeze %dma_start3A_223 : memref<1x64xi32, #tpu.memory_space<vmem>> -> memref<64xi32, #tpu.memory_space<vmem>>
        %dma_start3A_225 = arith.constant 0 : i32
        %dma_start3A_226 = arith.constant 0 : i32
        %dma_start3A_227 = tpu.memref_slice %arg6[%dma_start3A_225, %dma_start3A_226] : memref<10240x128xf32, #tpu.memory_space<hbm>> -> memref<10240x128xf32, #tpu.memory_space<hbm>>
        tpu.enqueue_indirect_dma source(%dma_start3A_227 : memref<10240x128xf32, #tpu.memory_space<hbm>>) target(%arg17 : memref<64x128xf32, #tpu.memory_space<vmem>>) offsets(%dma_start3A_224 : memref<64xi32, #tpu.memory_space<vmem>>) semaphore(%arg22 : memref<!tpu.dma_semaphore, #tpu.memory_space<semaphore_mem>>)
      } else {
      }
      %mul3A_126 = arith.constant 64 : i32
      %mul3A_127 = arith.muli %mul3A_122, %mul3A_126 : i32
      %add3A_128 = arith.addi %mul3A_46, %mul3A_127 : i32
      %scan3A_129 = arith.constant 0 : i32
      %scan3A_130 = arith.constant 0 : i32
      %scan3A_131 = arith.constant 4 : i32
      %scan3A_132 = arith.addi %scan3A_130, %scan3A_131 : i32
      %scan3A_133 = arith.constant 1 : i32
      scf.for %scan3A_206 = %scan3A_130 to %scan3A_132 step %scan3A_133  : i32 {
        %mul3A_207 = arith.constant 16 : i32
        %mul3A_208 = arith.muli %scan3A_206, %mul3A_207 : i32
        %get3A = arith.constant 0 : i32
        %get3A_209 = arith.index_cast %get3A : i32 to index
        %get3A_210 = arith.index_cast %mul3A_208 : i32 to index
        %get3A_211 = tpu.vector_load %arg12[%get3A_209, %get3A_210] {strides = array<i32>} : memref<2x64xi32, #tpu.memory_space<vmem>>, vector<16xi32>,
        %mul3A_212 = arith.constant 16 : i32
        %mul3A_213 = arith.muli %scan3A_206, %mul3A_212 : i32
        %get3A_214 = arith.constant 1 : i32
        %get3A_215 = arith.index_cast %get3A_214 : i32 to index
        %get3A_216 = arith.index_cast %mul3A_213 : i32 to index
        %get3A_217 = tpu.vector_load %arg12[%get3A_215, %get3A_216] {strides = array<i32>} : memref<2x64xi32, #tpu.memory_space<vmem>>, vector<16xi32>,
        %gather3A = tpu.vector_load_idx %arg9[%get3A_211] : memref<10000xf32, #tpu.memory_space<vmem>>[vector<16xi32>], vector<16xf32>,
        %gather3A_218 = tpu.vector_load_idx %arg10[%get3A_217] : memref<10000xf32, #tpu.memory_space<vmem>>[vector<16xi32>], vector<16xf32>,
        %add3A_219 = arith.addf %gather3A, %gather3A_218 : vector<16xf32>
        %mul3A_220 = arith.constant 2.000000e-01 : f32
        %mul3A_221 = vector.broadcast %mul3A_220 : f32 to vector<16xf32>
        %mul3A_222 = arith.mulf %mul3A_221, %add3A_219 : vector<16xf32>
        %max3A = arith.maximumf %add3A_219, %mul3A_222 : vector<16xf32>
        %exp3A = math.exp %max3A : vector<16xf32>
        %mul3A_223 = arith.constant 16 : i32
        %mul3A_224 = arith.muli %scan3A_206, %mul3A_223 : i32
        %add3A_225 = arith.addi %add3A_128, %mul3A_224 : i32
        %iota3A = tpu.iota {dimensions = array<i32: 0>} : vector<16xi32>
        %add3A_226 = vector.broadcast %add3A_225 : i32 to vector<16xi32>
        %add3A_227 = arith.addi %add3A_226, %iota3A : vector<16xi32>
        %lt3A_228 = arith.constant 170000 : i32
        %lt3A_229 = vector.broadcast %lt3A_228 : i32 to vector<16xi32>
        %lt3A_230 = arith.cmpi slt, %add3A_227, %lt3A_229 : vector<16xi32>
        %jit3A_231 = arith.constant 0.000000e+00 : f32
        %broadcast_in_dim3A = vector.broadcast %jit3A_231 : f32 to vector<16xf32>
        %select_n3A_232 = arith.select %lt3A_230, %exp3A, %broadcast_in_dim3A : vector<16xi1>, vector<16xf32>
        %mul3A_233 = arith.constant 16 : i32
        %mul3A_234 = arith.muli %scan3A_206, %mul3A_233 : i32
        %swap3A = arith.index_cast %mul3A_234 : i32 to index
        %swap3A_235 = tpu.vector_load %arg14[%swap3A] {strides = array<i32>} : memref<64xf32, #tpu.memory_space<vmem>>, vector<16xf32>,
        tpu.vector_store %arg14[%swap3A], %select_n3A_232 {strides = array<i32>} : memref<64xf32, #tpu.memory_space<vmem>>, vector<16xf32>,
        %scatter3A = arith.constant 0 : i32
        %scatter3A_236 = arith.constant 0 : i32
        %scatter3A_237 = tpu.memref_slice %arg11[%scatter3A, %scatter3A_236] : memref<1x10000xf32, #tpu.memory_space<vmem>> -> memref<1x10000xf32, #tpu.memory_space<vmem>>
        %scatter3A_238 = tpu.memref_squeeze %scatter3A_237 : memref<1x10000xf32, #tpu.memory_space<vmem>> -> memref<10000xf32, #tpu.memory_space<vmem>>
        tpu.vector_store_idx %scatter3A_238[%get3A_217], %select_n3A_232 {add = true} : memref<10000xf32, #tpu.memory_space<vmem>>[vector<16xi32>], vector<16xf32>,
      }
      %scan3A_134 = arith.constant 4 : i32
      %dma_wait3A_135 = arith.constant 0 : i32
      %dma_wait3A_136 = arith.constant 0 : i32
      %dma_wait3A_137 = tpu.memref_slice %arg12[%dma_wait3A_135, %dma_wait3A_136] : memref<2x64xi32, #tpu.memory_space<vmem>> -> memref<1x64xi32, #tpu.memory_space<vmem>>
      %dma_wait3A_138 = tpu.memref_squeeze %dma_wait3A_137 : memref<1x64xi32, #tpu.memory_space<vmem>> -> memref<64xi32, #tpu.memory_space<vmem>>
      %dma_wait3A_139 = arith.constant 0 : i32
      %dma_wait3A_140 = arith.constant 0 : i32
      %dma_wait3A_141 = tpu.memref_slice %arg6[%dma_wait3A_139, %dma_wait3A_140] : memref<10240x128xf32, #tpu.memory_space<hbm>> -> memref<10240x128xf32, #tpu.memory_space<hbm>>
      tpu.wait_indirect_dma semaphore(%arg21 : memref<!tpu.dma_semaphore, #tpu.memory_space<semaphore_mem>>) src(%dma_wait3A_141 : memref<10240x128xf32, #tpu.memory_space<hbm>>) dst(%arg16 : memref<64x128xf32, #tpu.memory_space<vmem>>)
      %scan3A_142 = arith.constant 0 : i32
      %scan3A_143 = arith.constant 0 : i32
      %scan3A_144 = arith.constant 32 : i32
      %scan3A_145 = arith.addi %scan3A_143, %scan3A_144 : i32
      %scan3A_146 = arith.constant 1 : i32
      scf.for %scan3A_206 = %scan3A_143 to %scan3A_145 step %scan3A_146  : i32 {
        %mul3A_207 = arith.constant 2 : i32
        %mul3A_208 = arith.muli %mul3A_207, %scan3A_206 : i32
        %add3A_209 = arith.constant 0 : i32
        %add3A_210 = arith.addi %mul3A_208, %add3A_209 : i32
        %broadcast_in_dim3A = vector.broadcast %add3A_210 : i32 to vector<16xi32>
        %gather3A = tpu.vector_load_idx %arg14[%broadcast_in_dim3A] : memref<64xf32, #tpu.memory_space<vmem>>[vector<16xi32>], vector<16xf32>,
        %get3A = arith.index_cast %add3A_210 : i32 to index
        %get3A_211 = arith.constant 0 : index
        %get3A_212 = tpu.vector_load %arg16[%get3A, %get3A_211] {strides = array<i32>} : memref<64x128xf32, #tpu.memory_space<vmem>>, vector<16xf32>,
        %mul3A_213 = arith.mulf %get3A_212, %gather3A : vector<16xf32>
        %swap3A = arith.index_cast %add3A_210 : i32 to index
        %swap3A_214 = arith.constant 0 : index
        %swap3A_215 = tpu.vector_load %arg16[%swap3A, %swap3A_214] {strides = array<i32>} : memref<64x128xf32, #tpu.memory_space<vmem>>, vector<16xf32>,
        tpu.vector_store %arg16[%swap3A, %swap3A_214], %mul3A_213 {strides = array<i32>} : memref<64x128xf32, #tpu.memory_space<vmem>>, vector<16xf32>,
        %get3A_216 = arith.index_cast %add3A_210 : i32 to index
        %get3A_217 = arith.constant 16 : index
        %get3A_218 = tpu.vector_load %arg16[%get3A_216, %get3A_217] {strides = array<i32>} : memref<64x128xf32, #tpu.memory_space<vmem>>, vector<16xf32>,
        %mul3A_219 = arith.mulf %get3A_218, %gather3A : vector<16xf32>
        %swap3A_220 = arith.index_cast %add3A_210 : i32 to index
        %swap3A_221 = arith.constant 16 : index
        %swap3A_222 = tpu.vector_load %arg16[%swap3A_220, %swap3A_221] {strides = array<i32>} : memref<64x128xf32, #tpu.memory_space<vmem>>, vector<16xf32>,
        tpu.vector_store %arg16[%swap3A_220, %swap3A_221], %mul3A_219 {strides = array<i32>} : memref<64x128xf32, #tpu.memory_space<vmem>>, vector<16xf32>,
        %get3A_223 = arith.index_cast %add3A_210 : i32 to index
        %get3A_224 = arith.constant 32 : index
        %get3A_225 = tpu.vector_load %arg16[%get3A_223, %get3A_224] {strides = array<i32>} : memref<64x128xf32, #tpu.memory_space<vmem>>, vector<16xf32>,
        %mul3A_226 = arith.mulf %get3A_225, %gather3A : vector<16xf32>
        %swap3A_227 = arith.index_cast %add3A_210 : i32 to index
        %swap3A_228 = arith.constant 32 : index
        %swap3A_229 = tpu.vector_load %arg16[%swap3A_227, %swap3A_228] {strides = array<i32>} : memref<64x128xf32, #tpu.memory_space<vmem>>, vector<16xf32>,
        tpu.vector_store %arg16[%swap3A_227, %swap3A_228], %mul3A_226 {strides = array<i32>} : memref<64x128xf32, #tpu.memory_space<vmem>>, vector<16xf32>,
        %get3A_230 = arith.index_cast %add3A_210 : i32 to index
        %get3A_231 = arith.constant 48 : index
        %get3A_232 = tpu.vector_load %arg16[%get3A_230, %get3A_231] {strides = array<i32>} : memref<64x128xf32, #tpu.memory_space<vmem>>, vector<16xf32>,
        %mul3A_233 = arith.mulf %get3A_232, %gather3A : vector<16xf32>
        %swap3A_234 = arith.index_cast %add3A_210 : i32 to index
        %swap3A_235 = arith.constant 48 : index
        %swap3A_236 = tpu.vector_load %arg16[%swap3A_234, %swap3A_235] {strides = array<i32>} : memref<64x128xf32, #tpu.memory_space<vmem>>, vector<16xf32>,
        tpu.vector_store %arg16[%swap3A_234, %swap3A_235], %mul3A_233 {strides = array<i32>} : memref<64x128xf32, #tpu.memory_space<vmem>>, vector<16xf32>,
        %get3A_237 = arith.index_cast %add3A_210 : i32 to index
        %get3A_238 = arith.constant 64 : index
        %get3A_239 = tpu.vector_load %arg16[%get3A_237, %get3A_238] {strides = array<i32>} : memref<64x128xf32, #tpu.memory_space<vmem>>, vector<16xf32>,
        %mul3A_240 = arith.mulf %get3A_239, %gather3A : vector<16xf32>
        %swap3A_241 = arith.index_cast %add3A_210 : i32 to index
        %swap3A_242 = arith.constant 64 : index
        %swap3A_243 = tpu.vector_load %arg16[%swap3A_241, %swap3A_242] {strides = array<i32>} : memref<64x128xf32, #tpu.memory_space<vmem>>, vector<16xf32>,
        tpu.vector_store %arg16[%swap3A_241, %swap3A_242], %mul3A_240 {strides = array<i32>} : memref<64x128xf32, #tpu.memory_space<vmem>>, vector<16xf32>,
        %get3A_244 = arith.index_cast %add3A_210 : i32 to index
        %get3A_245 = arith.constant 80 : index
        %get3A_246 = tpu.vector_load %arg16[%get3A_244, %get3A_245] {strides = array<i32>} : memref<64x128xf32, #tpu.memory_space<vmem>>, vector<16xf32>,
        %mul3A_247 = arith.mulf %get3A_246, %gather3A : vector<16xf32>
        %swap3A_248 = arith.index_cast %add3A_210 : i32 to index
        %swap3A_249 = arith.constant 80 : index
        %swap3A_250 = tpu.vector_load %arg16[%swap3A_248, %swap3A_249] {strides = array<i32>} : memref<64x128xf32, #tpu.memory_space<vmem>>, vector<16xf32>,
        tpu.vector_store %arg16[%swap3A_248, %swap3A_249], %mul3A_247 {strides = array<i32>} : memref<64x128xf32, #tpu.memory_space<vmem>>, vector<16xf32>,
        %get3A_251 = arith.index_cast %add3A_210 : i32 to index
        %get3A_252 = arith.constant 96 : index
        %get3A_253 = tpu.vector_load %arg16[%get3A_251, %get3A_252] {strides = array<i32>} : memref<64x128xf32, #tpu.memory_space<vmem>>, vector<16xf32>,
        %mul3A_254 = arith.mulf %get3A_253, %gather3A : vector<16xf32>
        %swap3A_255 = arith.index_cast %add3A_210 : i32 to index
        %swap3A_256 = arith.constant 96 : index
        %swap3A_257 = tpu.vector_load %arg16[%swap3A_255, %swap3A_256] {strides = array<i32>} : memref<64x128xf32, #tpu.memory_space<vmem>>, vector<16xf32>,
        tpu.vector_store %arg16[%swap3A_255, %swap3A_256], %mul3A_254 {strides = array<i32>} : memref<64x128xf32, #tpu.memory_space<vmem>>, vector<16xf32>,
        %get3A_258 = arith.index_cast %add3A_210 : i32 to index
        %get3A_259 = arith.constant 112 : index
        %get3A_260 = tpu.vector_load %arg16[%get3A_258, %get3A_259] {strides = array<i32>} : memref<64x128xf32, #tpu.memory_space<vmem>>, vector<16xf32>,
        %mul3A_261 = arith.mulf %get3A_260, %gather3A : vector<16xf32>
        %swap3A_262 = arith.index_cast %add3A_210 : i32 to index
        %swap3A_263 = arith.constant 112 : index
        %swap3A_264 = tpu.vector_load %arg16[%swap3A_262, %swap3A_263] {strides = array<i32>} : memref<64x128xf32, #tpu.memory_space<vmem>>, vector<16xf32>,
        tpu.vector_store %arg16[%swap3A_262, %swap3A_263], %mul3A_261 {strides = array<i32>} : memref<64x128xf32, #tpu.memory_space<vmem>>, vector<16xf32>,
        %mul3A_265 = arith.constant 2 : i32
        %mul3A_266 = arith.muli %mul3A_265, %scan3A_206 : i32
        %add3A_267 = arith.constant 1 : i32
        %add3A_268 = arith.addi %mul3A_266, %add3A_267 : i32
        %broadcast_in_dim3A_269 = vector.broadcast %add3A_268 : i32 to vector<16xi32>
        %gather3A_270 = tpu.vector_load_idx %arg14[%broadcast_in_dim3A_269] : memref<64xf32, #tpu.memory_space<vmem>>[vector<16xi32>], vector<16xf32>,
        %get3A_271 = arith.index_cast %add3A_268 : i32 to index
        %get3A_272 = arith.constant 0 : index
        %get3A_273 = tpu.vector_load %arg16[%get3A_271, %get3A_272] {strides = array<i32>} : memref<64x128xf32, #tpu.memory_space<vmem>>, vector<16xf32>,
        %mul3A_274 = arith.mulf %get3A_273, %gather3A_270 : vector<16xf32>
        %swap3A_275 = arith.index_cast %add3A_268 : i32 to index
        %swap3A_276 = arith.constant 0 : index
        %swap3A_277 = tpu.vector_load %arg16[%swap3A_275, %swap3A_276] {strides = array<i32>} : memref<64x128xf32, #tpu.memory_space<vmem>>, vector<16xf32>,
        tpu.vector_store %arg16[%swap3A_275, %swap3A_276], %mul3A_274 {strides = array<i32>} : memref<64x128xf32, #tpu.memory_space<vmem>>, vector<16xf32>,
        %get3A_278 = arith.index_cast %add3A_268 : i32 to index
        %get3A_279 = arith.constant 16 : index
        %get3A_280 = tpu.vector_load %arg16[%get3A_278, %get3A_279] {strides = array<i32>} : memref<64x128xf32, #tpu.memory_space<vmem>>, vector<16xf32>,
        %mul3A_281 = arith.mulf %get3A_280, %gather3A_270 : vector<16xf32>
        %swap3A_282 = arith.index_cast %add3A_268 : i32 to index
        %swap3A_283 = arith.constant 16 : index
        %swap3A_284 = tpu.vector_load %arg16[%swap3A_282, %swap3A_283] {strides = array<i32>} : memref<64x128xf32, #tpu.memory_space<vmem>>, vector<16xf32>,
        tpu.vector_store %arg16[%swap3A_282, %swap3A_283], %mul3A_281 {strides = array<i32>} : memref<64x128xf32, #tpu.memory_space<vmem>>, vector<16xf32>,
        %get3A_285 = arith.index_cast %add3A_268 : i32 to index
        %get3A_286 = arith.constant 32 : index
        %get3A_287 = tpu.vector_load %arg16[%get3A_285, %get3A_286] {strides = array<i32>} : memref<64x128xf32, #tpu.memory_space<vmem>>, vector<16xf32>,
        %mul3A_288 = arith.mulf %get3A_287, %gather3A_270 : vector<16xf32>
        %swap3A_289 = arith.index_cast %add3A_268 : i32 to index
        %swap3A_290 = arith.constant 32 : index
        %swap3A_291 = tpu.vector_load %arg16[%swap3A_289, %swap3A_290] {strides = array<i32>} : memref<64x128xf32, #tpu.memory_space<vmem>>, vector<16xf32>,
        tpu.vector_store %arg16[%swap3A_289, %swap3A_290], %mul3A_288 {strides = array<i32>} : memref<64x128xf32, #tpu.memory_space<vmem>>, vector<16xf32>,
        %get3A_292 = arith.index_cast %add3A_268 : i32 to index
        %get3A_293 = arith.constant 48 : index
        %get3A_294 = tpu.vector_load %arg16[%get3A_292, %get3A_293] {strides = array<i32>} : memref<64x128xf32, #tpu.memory_space<vmem>>, vector<16xf32>,
        %mul3A_295 = arith.mulf %get3A_294, %gather3A_270 : vector<16xf32>
        %swap3A_296 = arith.index_cast %add3A_268 : i32 to index
        %swap3A_297 = arith.constant 48 : index
        %swap3A_298 = tpu.vector_load %arg16[%swap3A_296, %swap3A_297] {strides = array<i32>} : memref<64x128xf32, #tpu.memory_space<vmem>>, vector<16xf32>,
        tpu.vector_store %arg16[%swap3A_296, %swap3A_297], %mul3A_295 {strides = array<i32>} : memref<64x128xf32, #tpu.memory_space<vmem>>, vector<16xf32>,
        %get3A_299 = arith.index_cast %add3A_268 : i32 to index
        %get3A_300 = arith.constant 64 : index
        %get3A_301 = tpu.vector_load %arg16[%get3A_299, %get3A_300] {strides = array<i32>} : memref<64x128xf32, #tpu.memory_space<vmem>>, vector<16xf32>,
        %mul3A_302 = arith.mulf %get3A_301, %gather3A_270 : vector<16xf32>
        %swap3A_303 = arith.index_cast %add3A_268 : i32 to index
        %swap3A_304 = arith.constant 64 : index
        %swap3A_305 = tpu.vector_load %arg16[%swap3A_303, %swap3A_304] {strides = array<i32>} : memref<64x128xf32, #tpu.memory_space<vmem>>, vector<16xf32>,
        tpu.vector_store %arg16[%swap3A_303, %swap3A_304], %mul3A_302 {strides = array<i32>} : memref<64x128xf32, #tpu.memory_space<vmem>>, vector<16xf32>,
        %get3A_306 = arith.index_cast %add3A_268 : i32 to index
        %get3A_307 = arith.constant 80 : index
        %get3A_308 = tpu.vector_load %arg16[%get3A_306, %get3A_307] {strides = array<i32>} : memref<64x128xf32, #tpu.memory_space<vmem>>, vector<16xf32>,
        %mul3A_309 = arith.mulf %get3A_308, %gather3A_270 : vector<16xf32>
        %swap3A_310 = arith.index_cast %add3A_268 : i32 to index
        %swap3A_311 = arith.constant 80 : index
        %swap3A_312 = tpu.vector_load %arg16[%swap3A_310, %swap3A_311] {strides = array<i32>} : memref<64x128xf32, #tpu.memory_space<vmem>>, vector<16xf32>,
        tpu.vector_store %arg16[%swap3A_310, %swap3A_311], %mul3A_309 {strides = array<i32>} : memref<64x128xf32, #tpu.memory_space<vmem>>, vector<16xf32>,
        %get3A_313 = arith.index_cast %add3A_268 : i32 to index
        %get3A_314 = arith.constant 96 : index
        %get3A_315 = tpu.vector_load %arg16[%get3A_313, %get3A_314] {strides = array<i32>} : memref<64x128xf32, #tpu.memory_space<vmem>>, vector<16xf32>,
        %mul3A_316 = arith.mulf %get3A_315, %gather3A_270 : vector<16xf32>
        %swap3A_317 = arith.index_cast %add3A_268 : i32 to index
        %swap3A_318 = arith.constant 96 : index
        %swap3A_319 = tpu.vector_load %arg16[%swap3A_317, %swap3A_318] {strides = array<i32>} : memref<64x128xf32, #tpu.memory_space<vmem>>, vector<16xf32>,
        tpu.vector_store %arg16[%swap3A_317, %swap3A_318], %mul3A_316 {strides = array<i32>} : memref<64x128xf32, #tpu.memory_space<vmem>>, vector<16xf32>,
        %get3A_320 = arith.index_cast %add3A_268 : i32 to index
        %get3A_321 = arith.constant 112 : index
        %get3A_322 = tpu.vector_load %arg16[%get3A_320, %get3A_321] {strides = array<i32>} : memref<64x128xf32, #tpu.memory_space<vmem>>, vector<16xf32>,
        %mul3A_323 = arith.mulf %get3A_322, %gather3A_270 : vector<16xf32>
        %swap3A_324 = arith.index_cast %add3A_268 : i32 to index
        %swap3A_325 = arith.constant 112 : index
        %swap3A_326 = tpu.vector_load %arg16[%swap3A_324, %swap3A_325] {strides = array<i32>} : memref<64x128xf32, #tpu.memory_space<vmem>>, vector<16xf32>,
        tpu.vector_store %arg16[%swap3A_324, %swap3A_325], %mul3A_323 {strides = array<i32>} : memref<64x128xf32, #tpu.memory_space<vmem>>, vector<16xf32>,
      }
      %scan3A_147 = arith.constant 32 : i32
      %dma_start3A_148 = arith.constant 1 : i32
      %dma_start3A_149 = arith.constant 0 : i32
      %dma_start3A_150 = tpu.memref_slice %arg12[%dma_start3A_148, %dma_start3A_149] : memref<2x64xi32, #tpu.memory_space<vmem>> -> memref<1x64xi32, #tpu.memory_space<vmem>>
      %dma_start3A_151 = tpu.memref_squeeze %dma_start3A_150 : memref<1x64xi32, #tpu.memory_space<vmem>> -> memref<64xi32, #tpu.memory_space<vmem>>
      %dma_start3A_152 = arith.constant 0 : i32
      %dma_start3A_153 = arith.constant 0 : i32
      %dma_start3A_154 = tpu.memref_slice %arg18[%dma_start3A_152, %dma_start3A_153] : memref<10240x128xf32, #tpu.memory_space<vmem_shared>> -> memref<10240x128xf32, #tpu.memory_space<vmem_shared>>
      tpu.enqueue_indirect_dma source(%arg16 : memref<64x128xf32, #tpu.memory_space<vmem>>) target(%dma_start3A_154 : memref<10240x128xf32, #tpu.memory_space<vmem_shared>>) offsets(%dma_start3A_151 : memref<64xi32, #tpu.memory_space<vmem>>) semaphore(%arg23 : memref<!tpu.dma_semaphore, #tpu.memory_space<semaphore_mem>>) {add = true}
      %add3A_155 = arith.constant 2 : i32
      %add3A_156 = arith.addi %mul3A_122, %add3A_155 : i32
      %lt3A_157 = arith.cmpi slt, %add3A_156, %select_n3A : i32
      %convert_element_type3A_158 = arith.extui %lt3A_157 : i1 to i32
      %cond3A_159 = arith.constant 0 : i32
      %cond3A_160 = arith.cmpi ne, %convert_element_type3A_158, %cond3A_159 : i32
      scf.if %cond3A_160 {
        %add3A_206 = arith.addi %select_n3A_44, %mul3A_122 : i32
        %add3A_207 = arith.constant 2 : i32
        %add3A_208 = arith.addi %add3A_206, %add3A_207 : i32
        %dma_start3A_209 = arith.constant 0 : i32
        %dma_start3A_210 = arith.constant 0 : i32
        %dma_start3A_211 = tpu.memref_slice %arg2[%add3A_208, %dma_start3A_209, %dma_start3A_210] : memref<2688x2x64xi32, #tpu.memory_space<hbm>> -> memref<1x2x64xi32, #tpu.memory_space<hbm>>
        %dma_start3A_212 = tpu.memref_squeeze %dma_start3A_211 : memref<1x2x64xi32, #tpu.memory_space<hbm>> -> memref<2x64xi32, #tpu.memory_space<hbm>>
        %dma_start3A_213 = arith.constant 0 : i32
        %dma_start3A_214 = arith.constant 0 : i32
        %dma_start3A_215 = tpu.memref_slice %arg2[%add3A_208, %dma_start3A_213, %dma_start3A_214] : memref<2688x2x64xi32, #tpu.memory_space<hbm>> -> memref<1x2x64xi32, #tpu.memory_space<hbm>>
        %dma_start3A_216 = tpu.memref_squeeze %dma_start3A_215 : memref<1x2x64xi32, #tpu.memory_space<hbm>> -> memref<2x64xi32, #tpu.memory_space<hbm>>
        tpu.enqueue_dma source(%dma_start3A_216 : memref<2x64xi32, #tpu.memory_space<hbm>>) target(%arg12 : memref<2x64xi32, #tpu.memory_space<vmem>>) target_semaphore(%arg19 : memref<!tpu.dma_semaphore, #tpu.memory_space<semaphore_mem>>)
      } else {
      }
      %mul3A_161 = arith.constant 2 : i32
      %mul3A_162 = arith.muli %mul3A_161, %while3A_120 : i32
      %add3A_163 = arith.constant 1 : i32
      %add3A_164 = arith.addi %mul3A_162, %add3A_163 : i32
      %add3A_165 = arith.constant 1 : i32
      %add3A_166 = arith.addi %add3A_164, %add3A_165 : i32
      %lt3A_167 = arith.cmpi slt, %add3A_166, %select_n3A : i32
      %convert_element_type3A_168 = arith.extui %lt3A_167 : i1 to i32
      %cond3A_169 = arith.constant 0 : i32
      %cond3A_170 = arith.cmpi ne, %convert_element_type3A_168, %cond3A_169 : i32
      scf.if %cond3A_170 {
        %add3A_206 = arith.addi %select_n3A_44, %add3A_164 : i32
        %add3A_207 = arith.constant 1 : i32
        %add3A_208 = arith.addi %add3A_206, %add3A_207 : i32
        %dma_wait3A_209 = arith.constant 0 : i32
        %dma_wait3A_210 = arith.constant 0 : i32
        %dma_wait3A_211 = tpu.memref_slice %arg2[%add3A_208, %dma_wait3A_209, %dma_wait3A_210] : memref<2688x2x64xi32, #tpu.memory_space<hbm>> -> memref<1x2x64xi32, #tpu.memory_space<hbm>>
        %dma_wait3A_212 = tpu.memref_squeeze %dma_wait3A_211 : memref<1x2x64xi32, #tpu.memory_space<hbm>> -> memref<2x64xi32, #tpu.memory_space<hbm>>
        %dma_wait3A_213 = arith.constant 0 : i32
        %dma_wait3A_214 = arith.constant 0 : i32
        %dma_wait3A_215 = tpu.memref_slice %arg2[%add3A_208, %dma_wait3A_213, %dma_wait3A_214] : memref<2688x2x64xi32, #tpu.memory_space<hbm>> -> memref<1x2x64xi32, #tpu.memory_space<hbm>>
        %dma_wait3A_216 = tpu.memref_squeeze %dma_wait3A_215 : memref<1x2x64xi32, #tpu.memory_space<hbm>> -> memref<2x64xi32, #tpu.memory_space<hbm>>
        tpu.wait_dma2 semaphore(%arg19 : memref<!tpu.dma_semaphore, #tpu.memory_space<semaphore_mem>>) src(%dma_wait3A_216 : memref<2x64xi32, #tpu.memory_space<hbm>>) dst(%arg12 : memref<2x64xi32, #tpu.memory_space<vmem>>)
        %ge3A = arith.constant 1 : i32
        %ge3A_217 = arith.cmpi sge, %add3A_164, %ge3A : i32
        %convert_element_type3A_218 = arith.extui %ge3A_217 : i1 to i32
        %cond3A_219 = arith.constant 0 : i32
        %cond3A_220 = arith.cmpi ne, %convert_element_type3A_218, %cond3A_219 : i32
        scf.if %cond3A_220 {
          %dma_wait3A_228 = arith.constant 1 : i32
          %dma_wait3A_229 = arith.constant 0 : i32
          %dma_wait3A_230 = tpu.memref_slice %arg12[%dma_wait3A_228, %dma_wait3A_229] : memref<2x64xi32, #tpu.memory_space<vmem>> -> memref<1x64xi32, #tpu.memory_space<vmem>>
          %dma_wait3A_231 = tpu.memref_squeeze %dma_wait3A_230 : memref<1x64xi32, #tpu.memory_space<vmem>> -> memref<64xi32, #tpu.memory_space<vmem>>
          %dma_wait3A_232 = arith.constant 0 : i32
          %dma_wait3A_233 = arith.constant 0 : i32
          %dma_wait3A_234 = tpu.memref_slice %arg18[%dma_wait3A_232, %dma_wait3A_233] : memref<10240x128xf32, #tpu.memory_space<vmem_shared>> -> memref<10240x128xf32, #tpu.memory_space<vmem_shared>>
          tpu.wait_indirect_dma semaphore(%arg23 : memref<!tpu.dma_semaphore, #tpu.memory_space<semaphore_mem>>) src(%arg16 : memref<64x128xf32, #tpu.memory_space<vmem>>) dst(%dma_wait3A_234 : memref<10240x128xf32, #tpu.memory_space<vmem_shared>>)
        } else {
        }
        %dma_start3A_221 = arith.constant 0 : i32
        %dma_start3A_222 = arith.constant 0 : i32
        %dma_start3A_223 = tpu.memref_slice %arg12[%dma_start3A_221, %dma_start3A_222] : memref<2x64xi32, #tpu.memory_space<vmem>> -> memref<1x64xi32, #tpu.memory_space<vmem>>
        %dma_start3A_224 = tpu.memref_squeeze %dma_start3A_223 : memref<1x64xi32, #tpu.memory_space<vmem>> -> memref<64xi32, #tpu.memory_space<vmem>>
        %dma_start3A_225 = arith.constant 0 : i32
        %dma_start3A_226 = arith.constant 0 : i32
        %dma_start3A_227 = tpu.memref_slice %arg6[%dma_start3A_225, %dma_start3A_226] : memref<10240x128xf32, #tpu.memory_space<hbm>> -> memref<10240x128xf32, #tpu.memory_space<hbm>>
        tpu.enqueue_indirect_dma source(%dma_start3A_227 : memref<10240x128xf32, #tpu.memory_space<hbm>>) target(%arg16 : memref<64x128xf32, #tpu.memory_space<vmem>>) offsets(%dma_start3A_224 : memref<64xi32, #tpu.memory_space<vmem>>) semaphore(%arg21 : memref<!tpu.dma_semaphore, #tpu.memory_space<semaphore_mem>>)
      } else {
      }
      %mul3A_171 = arith.constant 64 : i32
      %mul3A_172 = arith.muli %add3A_164, %mul3A_171 : i32
      %add3A_173 = arith.addi %mul3A_46, %mul3A_172 : i32
      %scan3A_174 = arith.constant 0 : i32
      %scan3A_175 = arith.constant 0 : i32
      %scan3A_176 = arith.constant 4 : i32
      %scan3A_177 = arith.addi %scan3A_175, %scan3A_176 : i32
      %scan3A_178 = arith.constant 1 : i32
      scf.for %scan3A_206 = %scan3A_175 to %scan3A_177 step %scan3A_178  : i32 {
        %mul3A_207 = arith.constant 16 : i32
        %mul3A_208 = arith.muli %scan3A_206, %mul3A_207 : i32
        %get3A = arith.constant 0 : i32
        %get3A_209 = arith.index_cast %get3A : i32 to index
        %get3A_210 = arith.index_cast %mul3A_208 : i32 to index
        %get3A_211 = tpu.vector_load %arg13[%get3A_209, %get3A_210] {strides = array<i32>} : memref<2x64xi32, #tpu.memory_space<vmem>>, vector<16xi32>,
        %mul3A_212 = arith.constant 16 : i32
        %mul3A_213 = arith.muli %scan3A_206, %mul3A_212 : i32
        %get3A_214 = arith.constant 1 : i32
        %get3A_215 = arith.index_cast %get3A_214 : i32 to index
        %get3A_216 = arith.index_cast %mul3A_213 : i32 to index
        %get3A_217 = tpu.vector_load %arg13[%get3A_215, %get3A_216] {strides = array<i32>} : memref<2x64xi32, #tpu.memory_space<vmem>>, vector<16xi32>,
        %gather3A = tpu.vector_load_idx %arg9[%get3A_211] : memref<10000xf32, #tpu.memory_space<vmem>>[vector<16xi32>], vector<16xf32>,
        %gather3A_218 = tpu.vector_load_idx %arg10[%get3A_217] : memref<10000xf32, #tpu.memory_space<vmem>>[vector<16xi32>], vector<16xf32>,
        %add3A_219 = arith.addf %gather3A, %gather3A_218 : vector<16xf32>
        %mul3A_220 = arith.constant 2.000000e-01 : f32
        %mul3A_221 = vector.broadcast %mul3A_220 : f32 to vector<16xf32>
        %mul3A_222 = arith.mulf %mul3A_221, %add3A_219 : vector<16xf32>
        %max3A = arith.maximumf %add3A_219, %mul3A_222 : vector<16xf32>
        %exp3A = math.exp %max3A : vector<16xf32>
        %mul3A_223 = arith.constant 16 : i32
        %mul3A_224 = arith.muli %scan3A_206, %mul3A_223 : i32
        %add3A_225 = arith.addi %add3A_173, %mul3A_224 : i32
        %iota3A = tpu.iota {dimensions = array<i32: 0>} : vector<16xi32>
        %add3A_226 = vector.broadcast %add3A_225 : i32 to vector<16xi32>
        %add3A_227 = arith.addi %add3A_226, %iota3A : vector<16xi32>
        %lt3A_228 = arith.constant 170000 : i32
        %lt3A_229 = vector.broadcast %lt3A_228 : i32 to vector<16xi32>
        %lt3A_230 = arith.cmpi slt, %add3A_227, %lt3A_229 : vector<16xi32>
        %jit3A_231 = arith.constant 0.000000e+00 : f32
        %broadcast_in_dim3A = vector.broadcast %jit3A_231 : f32 to vector<16xf32>
        %select_n3A_232 = arith.select %lt3A_230, %exp3A, %broadcast_in_dim3A : vector<16xi1>, vector<16xf32>
        %mul3A_233 = arith.constant 16 : i32
        %mul3A_234 = arith.muli %scan3A_206, %mul3A_233 : i32
        %swap3A = arith.index_cast %mul3A_234 : i32 to index
        %swap3A_235 = tpu.vector_load %arg15[%swap3A] {strides = array<i32>} : memref<64xf32, #tpu.memory_space<vmem>>, vector<16xf32>,
        tpu.vector_store %arg15[%swap3A], %select_n3A_232 {strides = array<i32>} : memref<64xf32, #tpu.memory_space<vmem>>, vector<16xf32>,
        %scatter3A = arith.constant 0 : i32
        %scatter3A_236 = arith.constant 0 : i32
        %scatter3A_237 = tpu.memref_slice %arg11[%scatter3A, %scatter3A_236] : memref<1x10000xf32, #tpu.memory_space<vmem>> -> memref<1x10000xf32, #tpu.memory_space<vmem>>
        %scatter3A_238 = tpu.memref_squeeze %scatter3A_237 : memref<1x10000xf32, #tpu.memory_space<vmem>> -> memref<10000xf32, #tpu.memory_space<vmem>>
        tpu.vector_store_idx %scatter3A_238[%get3A_217], %select_n3A_232 {add = true} : memref<10000xf32, #tpu.memory_space<vmem>>[vector<16xi32>], vector<16xf32>,
      }
      %scan3A_179 = arith.constant 4 : i32
      %dma_wait3A_180 = arith.constant 0 : i32
      %dma_wait3A_181 = arith.constant 0 : i32
      %dma_wait3A_182 = tpu.memref_slice %arg13[%dma_wait3A_180, %dma_wait3A_181] : memref<2x64xi32, #tpu.memory_space<vmem>> -> memref<1x64xi32, #tpu.memory_space<vmem>>
      %dma_wait3A_183 = tpu.memref_squeeze %dma_wait3A_182 : memref<1x64xi32, #tpu.memory_space<vmem>> -> memref<64xi32, #tpu.memory_space<vmem>>
      %dma_wait3A_184 = arith.constant 0 : i32
      %dma_wait3A_185 = arith.constant 0 : i32
      %dma_wait3A_186 = tpu.memref_slice %arg6[%dma_wait3A_184, %dma_wait3A_185] : memref<10240x128xf32, #tpu.memory_space<hbm>> -> memref<10240x128xf32, #tpu.memory_space<hbm>>
      tpu.wait_indirect_dma semaphore(%arg22 : memref<!tpu.dma_semaphore, #tpu.memory_space<semaphore_mem>>) src(%dma_wait3A_186 : memref<10240x128xf32, #tpu.memory_space<hbm>>) dst(%arg17 : memref<64x128xf32, #tpu.memory_space<vmem>>)
      %scan3A_187 = arith.constant 0 : i32
      %scan3A_188 = arith.constant 0 : i32
      %scan3A_189 = arith.constant 32 : i32
      %scan3A_190 = arith.addi %scan3A_188, %scan3A_189 : i32
      %scan3A_191 = arith.constant 1 : i32
      scf.for %scan3A_206 = %scan3A_188 to %scan3A_190 step %scan3A_191  : i32 {
        %mul3A_207 = arith.constant 2 : i32
        %mul3A_208 = arith.muli %mul3A_207, %scan3A_206 : i32
        %add3A_209 = arith.constant 0 : i32
        %add3A_210 = arith.addi %mul3A_208, %add3A_209 : i32
        %broadcast_in_dim3A = vector.broadcast %add3A_210 : i32 to vector<16xi32>
        %gather3A = tpu.vector_load_idx %arg15[%broadcast_in_dim3A] : memref<64xf32, #tpu.memory_space<vmem>>[vector<16xi32>], vector<16xf32>,
        %get3A = arith.index_cast %add3A_210 : i32 to index
        %get3A_211 = arith.constant 0 : index
        %get3A_212 = tpu.vector_load %arg17[%get3A, %get3A_211] {strides = array<i32>} : memref<64x128xf32, #tpu.memory_space<vmem>>, vector<16xf32>,
        %mul3A_213 = arith.mulf %get3A_212, %gather3A : vector<16xf32>
        %swap3A = arith.index_cast %add3A_210 : i32 to index
        %swap3A_214 = arith.constant 0 : index
        %swap3A_215 = tpu.vector_load %arg17[%swap3A, %swap3A_214] {strides = array<i32>} : memref<64x128xf32, #tpu.memory_space<vmem>>, vector<16xf32>,
        tpu.vector_store %arg17[%swap3A, %swap3A_214], %mul3A_213 {strides = array<i32>} : memref<64x128xf32, #tpu.memory_space<vmem>>, vector<16xf32>,
        %get3A_216 = arith.index_cast %add3A_210 : i32 to index
        %get3A_217 = arith.constant 16 : index
        %get3A_218 = tpu.vector_load %arg17[%get3A_216, %get3A_217] {strides = array<i32>} : memref<64x128xf32, #tpu.memory_space<vmem>>, vector<16xf32>,
        %mul3A_219 = arith.mulf %get3A_218, %gather3A : vector<16xf32>
        %swap3A_220 = arith.index_cast %add3A_210 : i32 to index
        %swap3A_221 = arith.constant 16 : index
        %swap3A_222 = tpu.vector_load %arg17[%swap3A_220, %swap3A_221] {strides = array<i32>} : memref<64x128xf32, #tpu.memory_space<vmem>>, vector<16xf32>,
        tpu.vector_store %arg17[%swap3A_220, %swap3A_221], %mul3A_219 {strides = array<i32>} : memref<64x128xf32, #tpu.memory_space<vmem>>, vector<16xf32>,
        %get3A_223 = arith.index_cast %add3A_210 : i32 to index
        %get3A_224 = arith.constant 32 : index
        %get3A_225 = tpu.vector_load %arg17[%get3A_223, %get3A_224] {strides = array<i32>} : memref<64x128xf32, #tpu.memory_space<vmem>>, vector<16xf32>,
        %mul3A_226 = arith.mulf %get3A_225, %gather3A : vector<16xf32>
        %swap3A_227 = arith.index_cast %add3A_210 : i32 to index
        %swap3A_228 = arith.constant 32 : index
        %swap3A_229 = tpu.vector_load %arg17[%swap3A_227, %swap3A_228] {strides = array<i32>} : memref<64x128xf32, #tpu.memory_space<vmem>>, vector<16xf32>,
        tpu.vector_store %arg17[%swap3A_227, %swap3A_228], %mul3A_226 {strides = array<i32>} : memref<64x128xf32, #tpu.memory_space<vmem>>, vector<16xf32>,
        %get3A_230 = arith.index_cast %add3A_210 : i32 to index
        %get3A_231 = arith.constant 48 : index
        %get3A_232 = tpu.vector_load %arg17[%get3A_230, %get3A_231] {strides = array<i32>} : memref<64x128xf32, #tpu.memory_space<vmem>>, vector<16xf32>,
        %mul3A_233 = arith.mulf %get3A_232, %gather3A : vector<16xf32>
        %swap3A_234 = arith.index_cast %add3A_210 : i32 to index
        %swap3A_235 = arith.constant 48 : index
        %swap3A_236 = tpu.vector_load %arg17[%swap3A_234, %swap3A_235] {strides = array<i32>} : memref<64x128xf32, #tpu.memory_space<vmem>>, vector<16xf32>,
        tpu.vector_store %arg17[%swap3A_234, %swap3A_235], %mul3A_233 {strides = array<i32>} : memref<64x128xf32, #tpu.memory_space<vmem>>, vector<16xf32>,
        %get3A_237 = arith.index_cast %add3A_210 : i32 to index
        %get3A_238 = arith.constant 64 : index
        %get3A_239 = tpu.vector_load %arg17[%get3A_237, %get3A_238] {strides = array<i32>} : memref<64x128xf32, #tpu.memory_space<vmem>>, vector<16xf32>,
        %mul3A_240 = arith.mulf %get3A_239, %gather3A : vector<16xf32>
        %swap3A_241 = arith.index_cast %add3A_210 : i32 to index
        %swap3A_242 = arith.constant 64 : index
        %swap3A_243 = tpu.vector_load %arg17[%swap3A_241, %swap3A_242] {strides = array<i32>} : memref<64x128xf32, #tpu.memory_space<vmem>>, vector<16xf32>,
        tpu.vector_store %arg17[%swap3A_241, %swap3A_242], %mul3A_240 {strides = array<i32>} : memref<64x128xf32, #tpu.memory_space<vmem>>, vector<16xf32>,
        %get3A_244 = arith.index_cast %add3A_210 : i32 to index
        %get3A_245 = arith.constant 80 : index
        %get3A_246 = tpu.vector_load %arg17[%get3A_244, %get3A_245] {strides = array<i32>} : memref<64x128xf32, #tpu.memory_space<vmem>>, vector<16xf32>,
        %mul3A_247 = arith.mulf %get3A_246, %gather3A : vector<16xf32>
        %swap3A_248 = arith.index_cast %add3A_210 : i32 to index
        %swap3A_249 = arith.constant 80 : index
        %swap3A_250 = tpu.vector_load %arg17[%swap3A_248, %swap3A_249] {strides = array<i32>} : memref<64x128xf32, #tpu.memory_space<vmem>>, vector<16xf32>,
        tpu.vector_store %arg17[%swap3A_248, %swap3A_249], %mul3A_247 {strides = array<i32>} : memref<64x128xf32, #tpu.memory_space<vmem>>, vector<16xf32>,
        %get3A_251 = arith.index_cast %add3A_210 : i32 to index
        %get3A_252 = arith.constant 96 : index
        %get3A_253 = tpu.vector_load %arg17[%get3A_251, %get3A_252] {strides = array<i32>} : memref<64x128xf32, #tpu.memory_space<vmem>>, vector<16xf32>,
        %mul3A_254 = arith.mulf %get3A_253, %gather3A : vector<16xf32>
        %swap3A_255 = arith.index_cast %add3A_210 : i32 to index
        %swap3A_256 = arith.constant 96 : index
        %swap3A_257 = tpu.vector_load %arg17[%swap3A_255, %swap3A_256] {strides = array<i32>} : memref<64x128xf32, #tpu.memory_space<vmem>>, vector<16xf32>,
        tpu.vector_store %arg17[%swap3A_255, %swap3A_256], %mul3A_254 {strides = array<i32>} : memref<64x128xf32, #tpu.memory_space<vmem>>, vector<16xf32>,
        %get3A_258 = arith.index_cast %add3A_210 : i32 to index
        %get3A_259 = arith.constant 112 : index
        %get3A_260 = tpu.vector_load %arg17[%get3A_258, %get3A_259] {strides = array<i32>} : memref<64x128xf32, #tpu.memory_space<vmem>>, vector<16xf32>,
        %mul3A_261 = arith.mulf %get3A_260, %gather3A : vector<16xf32>
        %swap3A_262 = arith.index_cast %add3A_210 : i32 to index
        %swap3A_263 = arith.constant 112 : index
        %swap3A_264 = tpu.vector_load %arg17[%swap3A_262, %swap3A_263] {strides = array<i32>} : memref<64x128xf32, #tpu.memory_space<vmem>>, vector<16xf32>,
        tpu.vector_store %arg17[%swap3A_262, %swap3A_263], %mul3A_261 {strides = array<i32>} : memref<64x128xf32, #tpu.memory_space<vmem>>, vector<16xf32>,
        %mul3A_265 = arith.constant 2 : i32
        %mul3A_266 = arith.muli %mul3A_265, %scan3A_206 : i32
        %add3A_267 = arith.constant 1 : i32
        %add3A_268 = arith.addi %mul3A_266, %add3A_267 : i32
        %broadcast_in_dim3A_269 = vector.broadcast %add3A_268 : i32 to vector<16xi32>
        %gather3A_270 = tpu.vector_load_idx %arg15[%broadcast_in_dim3A_269] : memref<64xf32, #tpu.memory_space<vmem>>[vector<16xi32>], vector<16xf32>,
        %get3A_271 = arith.index_cast %add3A_268 : i32 to index
        %get3A_272 = arith.constant 0 : index
        %get3A_273 = tpu.vector_load %arg17[%get3A_271, %get3A_272] {strides = array<i32>} : memref<64x128xf32, #tpu.memory_space<vmem>>, vector<16xf32>,
        %mul3A_274 = arith.mulf %get3A_273, %gather3A_270 : vector<16xf32>
        %swap3A_275 = arith.index_cast %add3A_268 : i32 to index
        %swap3A_276 = arith.constant 0 : index
        %swap3A_277 = tpu.vector_load %arg17[%swap3A_275, %swap3A_276] {strides = array<i32>} : memref<64x128xf32, #tpu.memory_space<vmem>>, vector<16xf32>,
        tpu.vector_store %arg17[%swap3A_275, %swap3A_276], %mul3A_274 {strides = array<i32>} : memref<64x128xf32, #tpu.memory_space<vmem>>, vector<16xf32>,
        %get3A_278 = arith.index_cast %add3A_268 : i32 to index
        %get3A_279 = arith.constant 16 : index
        %get3A_280 = tpu.vector_load %arg17[%get3A_278, %get3A_279] {strides = array<i32>} : memref<64x128xf32, #tpu.memory_space<vmem>>, vector<16xf32>,
        %mul3A_281 = arith.mulf %get3A_280, %gather3A_270 : vector<16xf32>
        %swap3A_282 = arith.index_cast %add3A_268 : i32 to index
        %swap3A_283 = arith.constant 16 : index
        %swap3A_284 = tpu.vector_load %arg17[%swap3A_282, %swap3A_283] {strides = array<i32>} : memref<64x128xf32, #tpu.memory_space<vmem>>, vector<16xf32>,
        tpu.vector_store %arg17[%swap3A_282, %swap3A_283], %mul3A_281 {strides = array<i32>} : memref<64x128xf32, #tpu.memory_space<vmem>>, vector<16xf32>,
        %get3A_285 = arith.index_cast %add3A_268 : i32 to index
        %get3A_286 = arith.constant 32 : index
        %get3A_287 = tpu.vector_load %arg17[%get3A_285, %get3A_286] {strides = array<i32>} : memref<64x128xf32, #tpu.memory_space<vmem>>, vector<16xf32>,
        %mul3A_288 = arith.mulf %get3A_287, %gather3A_270 : vector<16xf32>
        %swap3A_289 = arith.index_cast %add3A_268 : i32 to index
        %swap3A_290 = arith.constant 32 : index
        %swap3A_291 = tpu.vector_load %arg17[%swap3A_289, %swap3A_290] {strides = array<i32>} : memref<64x128xf32, #tpu.memory_space<vmem>>, vector<16xf32>,
        tpu.vector_store %arg17[%swap3A_289, %swap3A_290], %mul3A_288 {strides = array<i32>} : memref<64x128xf32, #tpu.memory_space<vmem>>, vector<16xf32>,
        %get3A_292 = arith.index_cast %add3A_268 : i32 to index
        %get3A_293 = arith.constant 48 : index
        %get3A_294 = tpu.vector_load %arg17[%get3A_292, %get3A_293] {strides = array<i32>} : memref<64x128xf32, #tpu.memory_space<vmem>>, vector<16xf32>,
        %mul3A_295 = arith.mulf %get3A_294, %gather3A_270 : vector<16xf32>
        %swap3A_296 = arith.index_cast %add3A_268 : i32 to index
        %swap3A_297 = arith.constant 48 : index
        %swap3A_298 = tpu.vector_load %arg17[%swap3A_296, %swap3A_297] {strides = array<i32>} : memref<64x128xf32, #tpu.memory_space<vmem>>, vector<16xf32>,
        tpu.vector_store %arg17[%swap3A_296, %swap3A_297], %mul3A_295 {strides = array<i32>} : memref<64x128xf32, #tpu.memory_space<vmem>>, vector<16xf32>,
        %get3A_299 = arith.index_cast %add3A_268 : i32 to index
        %get3A_300 = arith.constant 64 : index
        %get3A_301 = tpu.vector_load %arg17[%get3A_299, %get3A_300] {strides = array<i32>} : memref<64x128xf32, #tpu.memory_space<vmem>>, vector<16xf32>,
        %mul3A_302 = arith.mulf %get3A_301, %gather3A_270 : vector<16xf32>
        %swap3A_303 = arith.index_cast %add3A_268 : i32 to index
        %swap3A_304 = arith.constant 64 : index
        %swap3A_305 = tpu.vector_load %arg17[%swap3A_303, %swap3A_304] {strides = array<i32>} : memref<64x128xf32, #tpu.memory_space<vmem>>, vector<16xf32>,
        tpu.vector_store %arg17[%swap3A_303, %swap3A_304], %mul3A_302 {strides = array<i32>} : memref<64x128xf32, #tpu.memory_space<vmem>>, vector<16xf32>,
        %get3A_306 = arith.index_cast %add3A_268 : i32 to index
        %get3A_307 = arith.constant 80 : index
        %get3A_308 = tpu.vector_load %arg17[%get3A_306, %get3A_307] {strides = array<i32>} : memref<64x128xf32, #tpu.memory_space<vmem>>, vector<16xf32>,
        %mul3A_309 = arith.mulf %get3A_308, %gather3A_270 : vector<16xf32>
        %swap3A_310 = arith.index_cast %add3A_268 : i32 to index
        %swap3A_311 = arith.constant 80 : index
        %swap3A_312 = tpu.vector_load %arg17[%swap3A_310, %swap3A_311] {strides = array<i32>} : memref<64x128xf32, #tpu.memory_space<vmem>>, vector<16xf32>,
        tpu.vector_store %arg17[%swap3A_310, %swap3A_311], %mul3A_309 {strides = array<i32>} : memref<64x128xf32, #tpu.memory_space<vmem>>, vector<16xf32>,
        %get3A_313 = arith.index_cast %add3A_268 : i32 to index
        %get3A_314 = arith.constant 96 : index
        %get3A_315 = tpu.vector_load %arg17[%get3A_313, %get3A_314] {strides = array<i32>} : memref<64x128xf32, #tpu.memory_space<vmem>>, vector<16xf32>,
        %mul3A_316 = arith.mulf %get3A_315, %gather3A_270 : vector<16xf32>
        %swap3A_317 = arith.index_cast %add3A_268 : i32 to index
        %swap3A_318 = arith.constant 96 : index
        %swap3A_319 = tpu.vector_load %arg17[%swap3A_317, %swap3A_318] {strides = array<i32>} : memref<64x128xf32, #tpu.memory_space<vmem>>, vector<16xf32>,
        tpu.vector_store %arg17[%swap3A_317, %swap3A_318], %mul3A_316 {strides = array<i32>} : memref<64x128xf32, #tpu.memory_space<vmem>>, vector<16xf32>,
        %get3A_320 = arith.index_cast %add3A_268 : i32 to index
        %get3A_321 = arith.constant 112 : index
        %get3A_322 = tpu.vector_load %arg17[%get3A_320, %get3A_321] {strides = array<i32>} : memref<64x128xf32, #tpu.memory_space<vmem>>, vector<16xf32>,
        %mul3A_323 = arith.mulf %get3A_322, %gather3A_270 : vector<16xf32>
        %swap3A_324 = arith.index_cast %add3A_268 : i32 to index
        %swap3A_325 = arith.constant 112 : index
        %swap3A_326 = tpu.vector_load %arg17[%swap3A_324, %swap3A_325] {strides = array<i32>} : memref<64x128xf32, #tpu.memory_space<vmem>>, vector<16xf32>,
        tpu.vector_store %arg17[%swap3A_324, %swap3A_325], %mul3A_323 {strides = array<i32>} : memref<64x128xf32, #tpu.memory_space<vmem>>, vector<16xf32>,
      }
      %scan3A_192 = arith.constant 32 : i32
      %dma_start3A_193 = arith.constant 1 : i32
      %dma_start3A_194 = arith.constant 0 : i32
      %dma_start3A_195 = tpu.memref_slice %arg13[%dma_start3A_193, %dma_start3A_194] : memref<2x64xi32, #tpu.memory_space<vmem>> -> memref<1x64xi32, #tpu.memory_space<vmem>>
      %dma_start3A_196 = tpu.memref_squeeze %dma_start3A_195 : memref<1x64xi32, #tpu.memory_space<vmem>> -> memref<64xi32, #tpu.memory_space<vmem>>
      %dma_start3A_197 = arith.constant 0 : i32
      %dma_start3A_198 = arith.constant 0 : i32
      %dma_start3A_199 = tpu.memref_slice %arg18[%dma_start3A_197, %dma_start3A_198] : memref<10240x128xf32, #tpu.memory_space<vmem_shared>> -> memref<10240x128xf32, #tpu.memory_space<vmem_shared>>
      tpu.enqueue_indirect_dma source(%arg17 : memref<64x128xf32, #tpu.memory_space<vmem>>) target(%dma_start3A_199 : memref<10240x128xf32, #tpu.memory_space<vmem_shared>>) offsets(%dma_start3A_196 : memref<64xi32, #tpu.memory_space<vmem>>) semaphore(%arg24 : memref<!tpu.dma_semaphore, #tpu.memory_space<semaphore_mem>>) {add = true}
      %add3A_200 = arith.constant 2 : i32
      %add3A_201 = arith.addi %add3A_164, %add3A_200 : i32
      %lt3A_202 = arith.cmpi slt, %add3A_201, %select_n3A : i32
      %convert_element_type3A_203 = arith.extui %lt3A_202 : i1 to i32
      %cond3A_204 = arith.constant 0 : i32
      %cond3A_205 = arith.cmpi ne, %convert_element_type3A_203, %cond3A_204 : i32
      scf.if %cond3A_205 {
        %add3A_206 = arith.addi %select_n3A_44, %add3A_164 : i32
        %add3A_207 = arith.constant 2 : i32
        %add3A_208 = arith.addi %add3A_206, %add3A_207 : i32
        %dma_start3A_209 = arith.constant 0 : i32
        %dma_start3A_210 = arith.constant 0 : i32
        %dma_start3A_211 = tpu.memref_slice %arg2[%add3A_208, %dma_start3A_209, %dma_start3A_210] : memref<2688x2x64xi32, #tpu.memory_space<hbm>> -> memref<1x2x64xi32, #tpu.memory_space<hbm>>
        %dma_start3A_212 = tpu.memref_squeeze %dma_start3A_211 : memref<1x2x64xi32, #tpu.memory_space<hbm>> -> memref<2x64xi32, #tpu.memory_space<hbm>>
        %dma_start3A_213 = arith.constant 0 : i32
        %dma_start3A_214 = arith.constant 0 : i32
        %dma_start3A_215 = tpu.memref_slice %arg2[%add3A_208, %dma_start3A_213, %dma_start3A_214] : memref<2688x2x64xi32, #tpu.memory_space<hbm>> -> memref<1x2x64xi32, #tpu.memory_space<hbm>>
        %dma_start3A_216 = tpu.memref_squeeze %dma_start3A_215 : memref<1x2x64xi32, #tpu.memory_space<hbm>> -> memref<2x64xi32, #tpu.memory_space<hbm>>
        tpu.enqueue_dma source(%dma_start3A_216 : memref<2x64xi32, #tpu.memory_space<hbm>>) target(%arg13 : memref<2x64xi32, #tpu.memory_space<vmem>>) target_semaphore(%arg20 : memref<!tpu.dma_semaphore, #tpu.memory_space<semaphore_mem>>)
      } else {
      }
    }
    %while3A_104 = arith.constant 1 : i32
    scf.for %while3A_120 = %while3A_102 to %while3A_98 step %while3A_104  : i32 {
      %mul3A_121 = arith.constant 2 : i32
      %mul3A_122 = arith.muli %mul3A_121, %while3A_120 : i32
      %add3A_123 = arith.constant 1 : i32
      %add3A_124 = arith.addi %mul3A_122, %add3A_123 : i32
      %lt3A = arith.cmpi slt, %add3A_124, %select_n3A : i32
      %convert_element_type3A = arith.extui %lt3A : i1 to i32
      %cond3A = arith.constant 0 : i32
      %cond3A_125 = arith.cmpi ne, %convert_element_type3A, %cond3A : i32
      scf.if %cond3A_125 {
        %add3A_206 = arith.addi %select_n3A_44, %mul3A_122 : i32
        %add3A_207 = arith.constant 1 : i32
        %add3A_208 = arith.addi %add3A_206, %add3A_207 : i32
        %dma_wait3A_209 = arith.constant 0 : i32
        %dma_wait3A_210 = arith.constant 0 : i32
        %dma_wait3A_211 = tpu.memref_slice %arg2[%add3A_208, %dma_wait3A_209, %dma_wait3A_210] : memref<2688x2x64xi32, #tpu.memory_space<hbm>> -> memref<1x2x64xi32, #tpu.memory_space<hbm>>
        %dma_wait3A_212 = tpu.memref_squeeze %dma_wait3A_211 : memref<1x2x64xi32, #tpu.memory_space<hbm>> -> memref<2x64xi32, #tpu.memory_space<hbm>>
        %dma_wait3A_213 = arith.constant 0 : i32
        %dma_wait3A_214 = arith.constant 0 : i32
        %dma_wait3A_215 = tpu.memref_slice %arg2[%add3A_208, %dma_wait3A_213, %dma_wait3A_214] : memref<2688x2x64xi32, #tpu.memory_space<hbm>> -> memref<1x2x64xi32, #tpu.memory_space<hbm>>
        %dma_wait3A_216 = tpu.memref_squeeze %dma_wait3A_215 : memref<1x2x64xi32, #tpu.memory_space<hbm>> -> memref<2x64xi32, #tpu.memory_space<hbm>>
        tpu.wait_dma2 semaphore(%arg20 : memref<!tpu.dma_semaphore, #tpu.memory_space<semaphore_mem>>) src(%dma_wait3A_216 : memref<2x64xi32, #tpu.memory_space<hbm>>) dst(%arg13 : memref<2x64xi32, #tpu.memory_space<vmem>>)
        %ge3A = arith.constant 1 : i32
        %ge3A_217 = arith.cmpi sge, %mul3A_122, %ge3A : i32
        %convert_element_type3A_218 = arith.extui %ge3A_217 : i1 to i32
        %cond3A_219 = arith.constant 0 : i32
        %cond3A_220 = arith.cmpi ne, %convert_element_type3A_218, %cond3A_219 : i32
        scf.if %cond3A_220 {
          %dma_wait3A_228 = arith.constant 1 : i32
          %dma_wait3A_229 = arith.constant 0 : i32
          %dma_wait3A_230 = tpu.memref_slice %arg13[%dma_wait3A_228, %dma_wait3A_229] : memref<2x64xi32, #tpu.memory_space<vmem>> -> memref<1x64xi32, #tpu.memory_space<vmem>>
          %dma_wait3A_231 = tpu.memref_squeeze %dma_wait3A_230 : memref<1x64xi32, #tpu.memory_space<vmem>> -> memref<64xi32, #tpu.memory_space<vmem>>
          %dma_wait3A_232 = arith.constant 0 : i32
          %dma_wait3A_233 = arith.constant 0 : i32
          %dma_wait3A_234 = tpu.memref_slice %arg18[%dma_wait3A_232, %dma_wait3A_233] : memref<10240x128xf32, #tpu.memory_space<vmem_shared>> -> memref<10240x128xf32, #tpu.memory_space<vmem_shared>>
          tpu.wait_indirect_dma semaphore(%arg24 : memref<!tpu.dma_semaphore, #tpu.memory_space<semaphore_mem>>) src(%arg17 : memref<64x128xf32, #tpu.memory_space<vmem>>) dst(%dma_wait3A_234 : memref<10240x128xf32, #tpu.memory_space<vmem_shared>>)
        } else {
        }
        %dma_start3A_221 = arith.constant 0 : i32
        %dma_start3A_222 = arith.constant 0 : i32
        %dma_start3A_223 = tpu.memref_slice %arg13[%dma_start3A_221, %dma_start3A_222] : memref<2x64xi32, #tpu.memory_space<vmem>> -> memref<1x64xi32, #tpu.memory_space<vmem>>
        %dma_start3A_224 = tpu.memref_squeeze %dma_start3A_223 : memref<1x64xi32, #tpu.memory_space<vmem>> -> memref<64xi32, #tpu.memory_space<vmem>>
        %dma_start3A_225 = arith.constant 0 : i32
        %dma_start3A_226 = arith.constant 0 : i32
        %dma_start3A_227 = tpu.memref_slice %arg6[%dma_start3A_225, %dma_start3A_226] : memref<10240x128xf32, #tpu.memory_space<hbm>> -> memref<10240x128xf32, #tpu.memory_space<hbm>>
        tpu.enqueue_indirect_dma source(%dma_start3A_227 : memref<10240x128xf32, #tpu.memory_space<hbm>>) target(%arg17 : memref<64x128xf32, #tpu.memory_space<vmem>>) offsets(%dma_start3A_224 : memref<64xi32, #tpu.memory_space<vmem>>) semaphore(%arg22 : memref<!tpu.dma_semaphore, #tpu.memory_space<semaphore_mem>>)
      } else {
      }
      %mul3A_126 = arith.constant 64 : i32
      %mul3A_127 = arith.muli %mul3A_122, %mul3A_126 : i32
      %add3A_128 = arith.addi %mul3A_46, %mul3A_127 : i32
      %scan3A_129 = arith.constant 0 : i32
      %scan3A_130 = arith.constant 0 : i32
      %scan3A_131 = arith.constant 4 : i32
      %scan3A_132 = arith.addi %scan3A_130, %scan3A_131 : i32
      %scan3A_133 = arith.constant 1 : i32
      scf.for %scan3A_206 = %scan3A_130 to %scan3A_132 step %scan3A_133  : i32 {
        %mul3A_207 = arith.constant 16 : i32
        %mul3A_208 = arith.muli %scan3A_206, %mul3A_207 : i32
        %get3A = arith.constant 0 : i32
        %get3A_209 = arith.index_cast %get3A : i32 to index
        %get3A_210 = arith.index_cast %mul3A_208 : i32 to index
        %get3A_211 = tpu.vector_load %arg12[%get3A_209, %get3A_210] {strides = array<i32>} : memref<2x64xi32, #tpu.memory_space<vmem>>, vector<16xi32>,
        %mul3A_212 = arith.constant 16 : i32
        %mul3A_213 = arith.muli %scan3A_206, %mul3A_212 : i32
        %get3A_214 = arith.constant 1 : i32
        %get3A_215 = arith.index_cast %get3A_214 : i32 to index
        %get3A_216 = arith.index_cast %mul3A_213 : i32 to index
        %get3A_217 = tpu.vector_load %arg12[%get3A_215, %get3A_216] {strides = array<i32>} : memref<2x64xi32, #tpu.memory_space<vmem>>, vector<16xi32>,
        %gather3A = tpu.vector_load_idx %arg9[%get3A_211] : memref<10000xf32, #tpu.memory_space<vmem>>[vector<16xi32>], vector<16xf32>,
        %gather3A_218 = tpu.vector_load_idx %arg10[%get3A_217] : memref<10000xf32, #tpu.memory_space<vmem>>[vector<16xi32>], vector<16xf32>,
        %add3A_219 = arith.addf %gather3A, %gather3A_218 : vector<16xf32>
        %mul3A_220 = arith.constant 2.000000e-01 : f32
        %mul3A_221 = vector.broadcast %mul3A_220 : f32 to vector<16xf32>
        %mul3A_222 = arith.mulf %mul3A_221, %add3A_219 : vector<16xf32>
        %max3A = arith.maximumf %add3A_219, %mul3A_222 : vector<16xf32>
        %exp3A = math.exp %max3A : vector<16xf32>
        %mul3A_223 = arith.constant 16 : i32
        %mul3A_224 = arith.muli %scan3A_206, %mul3A_223 : i32
        %add3A_225 = arith.addi %add3A_128, %mul3A_224 : i32
        %iota3A = tpu.iota {dimensions = array<i32: 0>} : vector<16xi32>
        %add3A_226 = vector.broadcast %add3A_225 : i32 to vector<16xi32>
        %add3A_227 = arith.addi %add3A_226, %iota3A : vector<16xi32>
        %lt3A_228 = arith.constant 170000 : i32
        %lt3A_229 = vector.broadcast %lt3A_228 : i32 to vector<16xi32>
        %lt3A_230 = arith.cmpi slt, %add3A_227, %lt3A_229 : vector<16xi32>
        %jit3A_231 = arith.constant 0.000000e+00 : f32
        %broadcast_in_dim3A = vector.broadcast %jit3A_231 : f32 to vector<16xf32>
        %select_n3A_232 = arith.select %lt3A_230, %exp3A, %broadcast_in_dim3A : vector<16xi1>, vector<16xf32>
        %mul3A_233 = arith.constant 16 : i32
        %mul3A_234 = arith.muli %scan3A_206, %mul3A_233 : i32
        %swap3A = arith.index_cast %mul3A_234 : i32 to index
        %swap3A_235 = tpu.vector_load %arg14[%swap3A] {strides = array<i32>} : memref<64xf32, #tpu.memory_space<vmem>>, vector<16xf32>,
        tpu.vector_store %arg14[%swap3A], %select_n3A_232 {strides = array<i32>} : memref<64xf32, #tpu.memory_space<vmem>>, vector<16xf32>,
        %scatter3A = arith.constant 0 : i32
        %scatter3A_236 = arith.constant 0 : i32
        %scatter3A_237 = tpu.memref_slice %arg11[%scatter3A, %scatter3A_236] : memref<1x10000xf32, #tpu.memory_space<vmem>> -> memref<1x10000xf32, #tpu.memory_space<vmem>>
        %scatter3A_238 = tpu.memref_squeeze %scatter3A_237 : memref<1x10000xf32, #tpu.memory_space<vmem>> -> memref<10000xf32, #tpu.memory_space<vmem>>
        tpu.vector_store_idx %scatter3A_238[%get3A_217], %select_n3A_232 {add = true} : memref<10000xf32, #tpu.memory_space<vmem>>[vector<16xi32>], vector<16xf32>,
      }
      %scan3A_134 = arith.constant 4 : i32
      %dma_wait3A_135 = arith.constant 0 : i32
      %dma_wait3A_136 = arith.constant 0 : i32
      %dma_wait3A_137 = tpu.memref_slice %arg12[%dma_wait3A_135, %dma_wait3A_136] : memref<2x64xi32, #tpu.memory_space<vmem>> -> memref<1x64xi32, #tpu.memory_space<vmem>>
      %dma_wait3A_138 = tpu.memref_squeeze %dma_wait3A_137 : memref<1x64xi32, #tpu.memory_space<vmem>> -> memref<64xi32, #tpu.memory_space<vmem>>
      %dma_wait3A_139 = arith.constant 0 : i32
      %dma_wait3A_140 = arith.constant 0 : i32
      %dma_wait3A_141 = tpu.memref_slice %arg6[%dma_wait3A_139, %dma_wait3A_140] : memref<10240x128xf32, #tpu.memory_space<hbm>> -> memref<10240x128xf32, #tpu.memory_space<hbm>>
      tpu.wait_indirect_dma semaphore(%arg21 : memref<!tpu.dma_semaphore, #tpu.memory_space<semaphore_mem>>) src(%dma_wait3A_141 : memref<10240x128xf32, #tpu.memory_space<hbm>>) dst(%arg16 : memref<64x128xf32, #tpu.memory_space<vmem>>)
      %scan3A_142 = arith.constant 0 : i32
      %scan3A_143 = arith.constant 0 : i32
      %scan3A_144 = arith.constant 32 : i32
      %scan3A_145 = arith.addi %scan3A_143, %scan3A_144 : i32
      %scan3A_146 = arith.constant 1 : i32
      scf.for %scan3A_206 = %scan3A_143 to %scan3A_145 step %scan3A_146  : i32 {
        %mul3A_207 = arith.constant 2 : i32
        %mul3A_208 = arith.muli %mul3A_207, %scan3A_206 : i32
        %add3A_209 = arith.constant 0 : i32
        %add3A_210 = arith.addi %mul3A_208, %add3A_209 : i32
        %broadcast_in_dim3A = vector.broadcast %add3A_210 : i32 to vector<16xi32>
        %gather3A = tpu.vector_load_idx %arg14[%broadcast_in_dim3A] : memref<64xf32, #tpu.memory_space<vmem>>[vector<16xi32>], vector<16xf32>,
        %get3A = arith.index_cast %add3A_210 : i32 to index
        %get3A_211 = arith.constant 0 : index
        %get3A_212 = tpu.vector_load %arg16[%get3A, %get3A_211] {strides = array<i32>} : memref<64x128xf32, #tpu.memory_space<vmem>>, vector<16xf32>,
        %mul3A_213 = arith.mulf %get3A_212, %gather3A : vector<16xf32>
        %swap3A = arith.index_cast %add3A_210 : i32 to index
        %swap3A_214 = arith.constant 0 : index
        %swap3A_215 = tpu.vector_load %arg16[%swap3A, %swap3A_214] {strides = array<i32>} : memref<64x128xf32, #tpu.memory_space<vmem>>, vector<16xf32>,
        tpu.vector_store %arg16[%swap3A, %swap3A_214], %mul3A_213 {strides = array<i32>} : memref<64x128xf32, #tpu.memory_space<vmem>>, vector<16xf32>,
        %get3A_216 = arith.index_cast %add3A_210 : i32 to index
        %get3A_217 = arith.constant 16 : index
        %get3A_218 = tpu.vector_load %arg16[%get3A_216, %get3A_217] {strides = array<i32>} : memref<64x128xf32, #tpu.memory_space<vmem>>, vector<16xf32>,
        %mul3A_219 = arith.mulf %get3A_218, %gather3A : vector<16xf32>
        %swap3A_220 = arith.index_cast %add3A_210 : i32 to index
        %swap3A_221 = arith.constant 16 : index
        %swap3A_222 = tpu.vector_load %arg16[%swap3A_220, %swap3A_221] {strides = array<i32>} : memref<64x128xf32, #tpu.memory_space<vmem>>, vector<16xf32>,
        tpu.vector_store %arg16[%swap3A_220, %swap3A_221], %mul3A_219 {strides = array<i32>} : memref<64x128xf32, #tpu.memory_space<vmem>>, vector<16xf32>,
        %get3A_223 = arith.index_cast %add3A_210 : i32 to index
        %get3A_224 = arith.constant 32 : index
        %get3A_225 = tpu.vector_load %arg16[%get3A_223, %get3A_224] {strides = array<i32>} : memref<64x128xf32, #tpu.memory_space<vmem>>, vector<16xf32>,
        %mul3A_226 = arith.mulf %get3A_225, %gather3A : vector<16xf32>
        %swap3A_227 = arith.index_cast %add3A_210 : i32 to index
        %swap3A_228 = arith.constant 32 : index
        %swap3A_229 = tpu.vector_load %arg16[%swap3A_227, %swap3A_228] {strides = array<i32>} : memref<64x128xf32, #tpu.memory_space<vmem>>, vector<16xf32>,
        tpu.vector_store %arg16[%swap3A_227, %swap3A_228], %mul3A_226 {strides = array<i32>} : memref<64x128xf32, #tpu.memory_space<vmem>>, vector<16xf32>,
        %get3A_230 = arith.index_cast %add3A_210 : i32 to index
        %get3A_231 = arith.constant 48 : index
        %get3A_232 = tpu.vector_load %arg16[%get3A_230, %get3A_231] {strides = array<i32>} : memref<64x128xf32, #tpu.memory_space<vmem>>, vector<16xf32>,
        %mul3A_233 = arith.mulf %get3A_232, %gather3A : vector<16xf32>
        %swap3A_234 = arith.index_cast %add3A_210 : i32 to index
        %swap3A_235 = arith.constant 48 : index
        %swap3A_236 = tpu.vector_load %arg16[%swap3A_234, %swap3A_235] {strides = array<i32>} : memref<64x128xf32, #tpu.memory_space<vmem>>, vector<16xf32>,
        tpu.vector_store %arg16[%swap3A_234, %swap3A_235], %mul3A_233 {strides = array<i32>} : memref<64x128xf32, #tpu.memory_space<vmem>>, vector<16xf32>,
        %get3A_237 = arith.index_cast %add3A_210 : i32 to index
        %get3A_238 = arith.constant 64 : index
        %get3A_239 = tpu.vector_load %arg16[%get3A_237, %get3A_238] {strides = array<i32>} : memref<64x128xf32, #tpu.memory_space<vmem>>, vector<16xf32>,
        %mul3A_240 = arith.mulf %get3A_239, %gather3A : vector<16xf32>
        %swap3A_241 = arith.index_cast %add3A_210 : i32 to index
        %swap3A_242 = arith.constant 64 : index
        %swap3A_243 = tpu.vector_load %arg16[%swap3A_241, %swap3A_242] {strides = array<i32>} : memref<64x128xf32, #tpu.memory_space<vmem>>, vector<16xf32>,
        tpu.vector_store %arg16[%swap3A_241, %swap3A_242], %mul3A_240 {strides = array<i32>} : memref<64x128xf32, #tpu.memory_space<vmem>>, vector<16xf32>,
        %get3A_244 = arith.index_cast %add3A_210 : i32 to index
        %get3A_245 = arith.constant 80 : index
        %get3A_246 = tpu.vector_load %arg16[%get3A_244, %get3A_245] {strides = array<i32>} : memref<64x128xf32, #tpu.memory_space<vmem>>, vector<16xf32>,
        %mul3A_247 = arith.mulf %get3A_246, %gather3A : vector<16xf32>
        %swap3A_248 = arith.index_cast %add3A_210 : i32 to index
        %swap3A_249 = arith.constant 80 : index
        %swap3A_250 = tpu.vector_load %arg16[%swap3A_248, %swap3A_249] {strides = array<i32>} : memref<64x128xf32, #tpu.memory_space<vmem>>, vector<16xf32>,
        tpu.vector_store %arg16[%swap3A_248, %swap3A_249], %mul3A_247 {strides = array<i32>} : memref<64x128xf32, #tpu.memory_space<vmem>>, vector<16xf32>,
        %get3A_251 = arith.index_cast %add3A_210 : i32 to index
        %get3A_252 = arith.constant 96 : index
        %get3A_253 = tpu.vector_load %arg16[%get3A_251, %get3A_252] {strides = array<i32>} : memref<64x128xf32, #tpu.memory_space<vmem>>, vector<16xf32>,
        %mul3A_254 = arith.mulf %get3A_253, %gather3A : vector<16xf32>
        %swap3A_255 = arith.index_cast %add3A_210 : i32 to index
        %swap3A_256 = arith.constant 96 : index
        %swap3A_257 = tpu.vector_load %arg16[%swap3A_255, %swap3A_256] {strides = array<i32>} : memref<64x128xf32, #tpu.memory_space<vmem>>, vector<16xf32>,
        tpu.vector_store %arg16[%swap3A_255, %swap3A_256], %mul3A_254 {strides = array<i32>} : memref<64x128xf32, #tpu.memory_space<vmem>>, vector<16xf32>,
        %get3A_258 = arith.index_cast %add3A_210 : i32 to index
        %get3A_259 = arith.constant 112 : index
        %get3A_260 = tpu.vector_load %arg16[%get3A_258, %get3A_259] {strides = array<i32>} : memref<64x128xf32, #tpu.memory_space<vmem>>, vector<16xf32>,
        %mul3A_261 = arith.mulf %get3A_260, %gather3A : vector<16xf32>
        %swap3A_262 = arith.index_cast %add3A_210 : i32 to index
        %swap3A_263 = arith.constant 112 : index
        %swap3A_264 = tpu.vector_load %arg16[%swap3A_262, %swap3A_263] {strides = array<i32>} : memref<64x128xf32, #tpu.memory_space<vmem>>, vector<16xf32>,
        tpu.vector_store %arg16[%swap3A_262, %swap3A_263], %mul3A_261 {strides = array<i32>} : memref<64x128xf32, #tpu.memory_space<vmem>>, vector<16xf32>,
        %mul3A_265 = arith.constant 2 : i32
        %mul3A_266 = arith.muli %mul3A_265, %scan3A_206 : i32
        %add3A_267 = arith.constant 1 : i32
        %add3A_268 = arith.addi %mul3A_266, %add3A_267 : i32
        %broadcast_in_dim3A_269 = vector.broadcast %add3A_268 : i32 to vector<16xi32>
        %gather3A_270 = tpu.vector_load_idx %arg14[%broadcast_in_dim3A_269] : memref<64xf32, #tpu.memory_space<vmem>>[vector<16xi32>], vector<16xf32>,
        %get3A_271 = arith.index_cast %add3A_268 : i32 to index
        %get3A_272 = arith.constant 0 : index
        %get3A_273 = tpu.vector_load %arg16[%get3A_271, %get3A_272] {strides = array<i32>} : memref<64x128xf32, #tpu.memory_space<vmem>>, vector<16xf32>,
        %mul3A_274 = arith.mulf %get3A_273, %gather3A_270 : vector<16xf32>
        %swap3A_275 = arith.index_cast %add3A_268 : i32 to index
        %swap3A_276 = arith.constant 0 : index
        %swap3A_277 = tpu.vector_load %arg16[%swap3A_275, %swap3A_276] {strides = array<i32>} : memref<64x128xf32, #tpu.memory_space<vmem>>, vector<16xf32>,
        tpu.vector_store %arg16[%swap3A_275, %swap3A_276], %mul3A_274 {strides = array<i32>} : memref<64x128xf32, #tpu.memory_space<vmem>>, vector<16xf32>,
        %get3A_278 = arith.index_cast %add3A_268 : i32 to index
        %get3A_279 = arith.constant 16 : index
        %get3A_280 = tpu.vector_load %arg16[%get3A_278, %get3A_279] {strides = array<i32>} : memref<64x128xf32, #tpu.memory_space<vmem>>, vector<16xf32>,
        %mul3A_281 = arith.mulf %get3A_280, %gather3A_270 : vector<16xf32>
        %swap3A_282 = arith.index_cast %add3A_268 : i32 to index
        %swap3A_283 = arith.constant 16 : index
        %swap3A_284 = tpu.vector_load %arg16[%swap3A_282, %swap3A_283] {strides = array<i32>} : memref<64x128xf32, #tpu.memory_space<vmem>>, vector<16xf32>,
        tpu.vector_store %arg16[%swap3A_282, %swap3A_283], %mul3A_281 {strides = array<i32>} : memref<64x128xf32, #tpu.memory_space<vmem>>, vector<16xf32>,
        %get3A_285 = arith.index_cast %add3A_268 : i32 to index
        %get3A_286 = arith.constant 32 : index
        %get3A_287 = tpu.vector_load %arg16[%get3A_285, %get3A_286] {strides = array<i32>} : memref<64x128xf32, #tpu.memory_space<vmem>>, vector<16xf32>,
        %mul3A_288 = arith.mulf %get3A_287, %gather3A_270 : vector<16xf32>
        %swap3A_289 = arith.index_cast %add3A_268 : i32 to index
        %swap3A_290 = arith.constant 32 : index
        %swap3A_291 = tpu.vector_load %arg16[%swap3A_289, %swap3A_290] {strides = array<i32>} : memref<64x128xf32, #tpu.memory_space<vmem>>, vector<16xf32>,
        tpu.vector_store %arg16[%swap3A_289, %swap3A_290], %mul3A_288 {strides = array<i32>} : memref<64x128xf32, #tpu.memory_space<vmem>>, vector<16xf32>,
        %get3A_292 = arith.index_cast %add3A_268 : i32 to index
        %get3A_293 = arith.constant 48 : index
        %get3A_294 = tpu.vector_load %arg16[%get3A_292, %get3A_293] {strides = array<i32>} : memref<64x128xf32, #tpu.memory_space<vmem>>, vector<16xf32>,
        %mul3A_295 = arith.mulf %get3A_294, %gather3A_270 : vector<16xf32>
        %swap3A_296 = arith.index_cast %add3A_268 : i32 to index
        %swap3A_297 = arith.constant 48 : index
        %swap3A_298 = tpu.vector_load %arg16[%swap3A_296, %swap3A_297] {strides = array<i32>} : memref<64x128xf32, #tpu.memory_space<vmem>>, vector<16xf32>,
        tpu.vector_store %arg16[%swap3A_296, %swap3A_297], %mul3A_295 {strides = array<i32>} : memref<64x128xf32, #tpu.memory_space<vmem>>, vector<16xf32>,
        %get3A_299 = arith.index_cast %add3A_268 : i32 to index
        %get3A_300 = arith.constant 64 : index
        %get3A_301 = tpu.vector_load %arg16[%get3A_299, %get3A_300] {strides = array<i32>} : memref<64x128xf32, #tpu.memory_space<vmem>>, vector<16xf32>,
        %mul3A_302 = arith.mulf %get3A_301, %gather3A_270 : vector<16xf32>
        %swap3A_303 = arith.index_cast %add3A_268 : i32 to index
        %swap3A_304 = arith.constant 64 : index
        %swap3A_305 = tpu.vector_load %arg16[%swap3A_303, %swap3A_304] {strides = array<i32>} : memref<64x128xf32, #tpu.memory_space<vmem>>, vector<16xf32>,
        tpu.vector_store %arg16[%swap3A_303, %swap3A_304], %mul3A_302 {strides = array<i32>} : memref<64x128xf32, #tpu.memory_space<vmem>>, vector<16xf32>,
        %get3A_306 = arith.index_cast %add3A_268 : i32 to index
        %get3A_307 = arith.constant 80 : index
        %get3A_308 = tpu.vector_load %arg16[%get3A_306, %get3A_307] {strides = array<i32>} : memref<64x128xf32, #tpu.memory_space<vmem>>, vector<16xf32>,
        %mul3A_309 = arith.mulf %get3A_308, %gather3A_270 : vector<16xf32>
        %swap3A_310 = arith.index_cast %add3A_268 : i32 to index
        %swap3A_311 = arith.constant 80 : index
        %swap3A_312 = tpu.vector_load %arg16[%swap3A_310, %swap3A_311] {strides = array<i32>} : memref<64x128xf32, #tpu.memory_space<vmem>>, vector<16xf32>,
        tpu.vector_store %arg16[%swap3A_310, %swap3A_311], %mul3A_309 {strides = array<i32>} : memref<64x128xf32, #tpu.memory_space<vmem>>, vector<16xf32>,
        %get3A_313 = arith.index_cast %add3A_268 : i32 to index
        %get3A_314 = arith.constant 96 : index
        %get3A_315 = tpu.vector_load %arg16[%get3A_313, %get3A_314] {strides = array<i32>} : memref<64x128xf32, #tpu.memory_space<vmem>>, vector<16xf32>,
        %mul3A_316 = arith.mulf %get3A_315, %gather3A_270 : vector<16xf32>
        %swap3A_317 = arith.index_cast %add3A_268 : i32 to index
        %swap3A_318 = arith.constant 96 : index
        %swap3A_319 = tpu.vector_load %arg16[%swap3A_317, %swap3A_318] {strides = array<i32>} : memref<64x128xf32, #tpu.memory_space<vmem>>, vector<16xf32>,
        tpu.vector_store %arg16[%swap3A_317, %swap3A_318], %mul3A_316 {strides = array<i32>} : memref<64x128xf32, #tpu.memory_space<vmem>>, vector<16xf32>,
        %get3A_320 = arith.index_cast %add3A_268 : i32 to index
        %get3A_321 = arith.constant 112 : index
        %get3A_322 = tpu.vector_load %arg16[%get3A_320, %get3A_321] {strides = array<i32>} : memref<64x128xf32, #tpu.memory_space<vmem>>, vector<16xf32>,
        %mul3A_323 = arith.mulf %get3A_322, %gather3A_270 : vector<16xf32>
        %swap3A_324 = arith.index_cast %add3A_268 : i32 to index
        %swap3A_325 = arith.constant 112 : index
        %swap3A_326 = tpu.vector_load %arg16[%swap3A_324, %swap3A_325] {strides = array<i32>} : memref<64x128xf32, #tpu.memory_space<vmem>>, vector<16xf32>,
        tpu.vector_store %arg16[%swap3A_324, %swap3A_325], %mul3A_323 {strides = array<i32>} : memref<64x128xf32, #tpu.memory_space<vmem>>, vector<16xf32>,
      }
      %scan3A_147 = arith.constant 32 : i32
      %dma_start3A_148 = arith.constant 1 : i32
      %dma_start3A_149 = arith.constant 0 : i32
      %dma_start3A_150 = tpu.memref_slice %arg12[%dma_start3A_148, %dma_start3A_149] : memref<2x64xi32, #tpu.memory_space<vmem>> -> memref<1x64xi32, #tpu.memory_space<vmem>>
      %dma_start3A_151 = tpu.memref_squeeze %dma_start3A_150 : memref<1x64xi32, #tpu.memory_space<vmem>> -> memref<64xi32, #tpu.memory_space<vmem>>
      %dma_start3A_152 = arith.constant 0 : i32
      %dma_start3A_153 = arith.constant 0 : i32
      %dma_start3A_154 = tpu.memref_slice %arg18[%dma_start3A_152, %dma_start3A_153] : memref<10240x128xf32, #tpu.memory_space<vmem_shared>> -> memref<10240x128xf32, #tpu.memory_space<vmem_shared>>
      tpu.enqueue_indirect_dma source(%arg16 : memref<64x128xf32, #tpu.memory_space<vmem>>) target(%dma_start3A_154 : memref<10240x128xf32, #tpu.memory_space<vmem_shared>>) offsets(%dma_start3A_151 : memref<64xi32, #tpu.memory_space<vmem>>) semaphore(%arg23 : memref<!tpu.dma_semaphore, #tpu.memory_space<semaphore_mem>>) {add = true}
      %add3A_155 = arith.constant 2 : i32
      %add3A_156 = arith.addi %mul3A_122, %add3A_155 : i32
      %lt3A_157 = arith.cmpi slt, %add3A_156, %select_n3A : i32
      %convert_element_type3A_158 = arith.extui %lt3A_157 : i1 to i32
      %cond3A_159 = arith.constant 0 : i32
      %cond3A_160 = arith.cmpi ne, %convert_element_type3A_158, %cond3A_159 : i32
      scf.if %cond3A_160 {
        %add3A_206 = arith.addi %select_n3A_44, %mul3A_122 : i32
        %add3A_207 = arith.constant 2 : i32
        %add3A_208 = arith.addi %add3A_206, %add3A_207 : i32
        %dma_start3A_209 = arith.constant 0 : i32
        %dma_start3A_210 = arith.constant 0 : i32
        %dma_start3A_211 = tpu.memref_slice %arg2[%add3A_208, %dma_start3A_209, %dma_start3A_210] : memref<2688x2x64xi32, #tpu.memory_space<hbm>> -> memref<1x2x64xi32, #tpu.memory_space<hbm>>
        %dma_start3A_212 = tpu.memref_squeeze %dma_start3A_211 : memref<1x2x64xi32, #tpu.memory_space<hbm>> -> memref<2x64xi32, #tpu.memory_space<hbm>>
        %dma_start3A_213 = arith.constant 0 : i32
        %dma_start3A_214 = arith.constant 0 : i32
        %dma_start3A_215 = tpu.memref_slice %arg2[%add3A_208, %dma_start3A_213, %dma_start3A_214] : memref<2688x2x64xi32, #tpu.memory_space<hbm>> -> memref<1x2x64xi32, #tpu.memory_space<hbm>>
        %dma_start3A_216 = tpu.memref_squeeze %dma_start3A_215 : memref<1x2x64xi32, #tpu.memory_space<hbm>> -> memref<2x64xi32, #tpu.memory_space<hbm>>
        tpu.enqueue_dma source(%dma_start3A_216 : memref<2x64xi32, #tpu.memory_space<hbm>>) target(%arg12 : memref<2x64xi32, #tpu.memory_space<vmem>>) target_semaphore(%arg19 : memref<!tpu.dma_semaphore, #tpu.memory_space<semaphore_mem>>)
      } else {
      }
      %mul3A_161 = arith.constant 2 : i32
      %mul3A_162 = arith.muli %mul3A_161, %while3A_120 : i32
      %add3A_163 = arith.constant 1 : i32
      %add3A_164 = arith.addi %mul3A_162, %add3A_163 : i32
      %add3A_165 = arith.constant 1 : i32
      %add3A_166 = arith.addi %add3A_164, %add3A_165 : i32
      %lt3A_167 = arith.cmpi slt, %add3A_166, %select_n3A : i32
      %convert_element_type3A_168 = arith.extui %lt3A_167 : i1 to i32
      %cond3A_169 = arith.constant 0 : i32
      %cond3A_170 = arith.cmpi ne, %convert_element_type3A_168, %cond3A_169 : i32
      scf.if %cond3A_170 {
        %add3A_206 = arith.addi %select_n3A_44, %add3A_164 : i32
        %add3A_207 = arith.constant 1 : i32
        %add3A_208 = arith.addi %add3A_206, %add3A_207 : i32
        %dma_wait3A_209 = arith.constant 0 : i32
        %dma_wait3A_210 = arith.constant 0 : i32
        %dma_wait3A_211 = tpu.memref_slice %arg2[%add3A_208, %dma_wait3A_209, %dma_wait3A_210] : memref<2688x2x64xi32, #tpu.memory_space<hbm>> -> memref<1x2x64xi32, #tpu.memory_space<hbm>>
        %dma_wait3A_212 = tpu.memref_squeeze %dma_wait3A_211 : memref<1x2x64xi32, #tpu.memory_space<hbm>> -> memref<2x64xi32, #tpu.memory_space<hbm>>
        %dma_wait3A_213 = arith.constant 0 : i32
        %dma_wait3A_214 = arith.constant 0 : i32
        %dma_wait3A_215 = tpu.memref_slice %arg2[%add3A_208, %dma_wait3A_213, %dma_wait3A_214] : memref<2688x2x64xi32, #tpu.memory_space<hbm>> -> memref<1x2x64xi32, #tpu.memory_space<hbm>>
        %dma_wait3A_216 = tpu.memref_squeeze %dma_wait3A_215 : memref<1x2x64xi32, #tpu.memory_space<hbm>> -> memref<2x64xi32, #tpu.memory_space<hbm>>
        tpu.wait_dma2 semaphore(%arg19 : memref<!tpu.dma_semaphore, #tpu.memory_space<semaphore_mem>>) src(%dma_wait3A_216 : memref<2x64xi32, #tpu.memory_space<hbm>>) dst(%arg12 : memref<2x64xi32, #tpu.memory_space<vmem>>)
        %ge3A = arith.constant 1 : i32
        %ge3A_217 = arith.cmpi sge, %add3A_164, %ge3A : i32
        %convert_element_type3A_218 = arith.extui %ge3A_217 : i1 to i32
        %cond3A_219 = arith.constant 0 : i32
        %cond3A_220 = arith.cmpi ne, %convert_element_type3A_218, %cond3A_219 : i32
        scf.if %cond3A_220 {
          %dma_wait3A_228 = arith.constant 1 : i32
          %dma_wait3A_229 = arith.constant 0 : i32
          %dma_wait3A_230 = tpu.memref_slice %arg12[%dma_wait3A_228, %dma_wait3A_229] : memref<2x64xi32, #tpu.memory_space<vmem>> -> memref<1x64xi32, #tpu.memory_space<vmem>>
          %dma_wait3A_231 = tpu.memref_squeeze %dma_wait3A_230 : memref<1x64xi32, #tpu.memory_space<vmem>> -> memref<64xi32, #tpu.memory_space<vmem>>
          %dma_wait3A_232 = arith.constant 0 : i32
          %dma_wait3A_233 = arith.constant 0 : i32
          %dma_wait3A_234 = tpu.memref_slice %arg18[%dma_wait3A_232, %dma_wait3A_233] : memref<10240x128xf32, #tpu.memory_space<vmem_shared>> -> memref<10240x128xf32, #tpu.memory_space<vmem_shared>>
          tpu.wait_indirect_dma semaphore(%arg23 : memref<!tpu.dma_semaphore, #tpu.memory_space<semaphore_mem>>) src(%arg16 : memref<64x128xf32, #tpu.memory_space<vmem>>) dst(%dma_wait3A_234 : memref<10240x128xf32, #tpu.memory_space<vmem_shared>>)
        } else {
        }
        %dma_start3A_221 = arith.constant 0 : i32
        %dma_start3A_222 = arith.constant 0 : i32
        %dma_start3A_223 = tpu.memref_slice %arg12[%dma_start3A_221, %dma_start3A_222] : memref<2x64xi32, #tpu.memory_space<vmem>> -> memref<1x64xi32, #tpu.memory_space<vmem>>
        %dma_start3A_224 = tpu.memref_squeeze %dma_start3A_223 : memref<1x64xi32, #tpu.memory_space<vmem>> -> memref<64xi32, #tpu.memory_space<vmem>>
        %dma_start3A_225 = arith.constant 0 : i32
        %dma_start3A_226 = arith.constant 0 : i32
        %dma_start3A_227 = tpu.memref_slice %arg6[%dma_start3A_225, %dma_start3A_226] : memref<10240x128xf32, #tpu.memory_space<hbm>> -> memref<10240x128xf32, #tpu.memory_space<hbm>>
        tpu.enqueue_indirect_dma source(%dma_start3A_227 : memref<10240x128xf32, #tpu.memory_space<hbm>>) target(%arg16 : memref<64x128xf32, #tpu.memory_space<vmem>>) offsets(%dma_start3A_224 : memref<64xi32, #tpu.memory_space<vmem>>) semaphore(%arg21 : memref<!tpu.dma_semaphore, #tpu.memory_space<semaphore_mem>>)
      } else {
      }
      %mul3A_171 = arith.constant 64 : i32
      %mul3A_172 = arith.muli %add3A_164, %mul3A_171 : i32
      %add3A_173 = arith.addi %mul3A_46, %mul3A_172 : i32
      %scan3A_174 = arith.constant 0 : i32
      %scan3A_175 = arith.constant 0 : i32
      %scan3A_176 = arith.constant 4 : i32
      %scan3A_177 = arith.addi %scan3A_175, %scan3A_176 : i32
      %scan3A_178 = arith.constant 1 : i32
      scf.for %scan3A_206 = %scan3A_175 to %scan3A_177 step %scan3A_178  : i32 {
        %mul3A_207 = arith.constant 16 : i32
        %mul3A_208 = arith.muli %scan3A_206, %mul3A_207 : i32
        %get3A = arith.constant 0 : i32
        %get3A_209 = arith.index_cast %get3A : i32 to index
        %get3A_210 = arith.index_cast %mul3A_208 : i32 to index
        %get3A_211 = tpu.vector_load %arg13[%get3A_209, %get3A_210] {strides = array<i32>} : memref<2x64xi32, #tpu.memory_space<vmem>>, vector<16xi32>,
        %mul3A_212 = arith.constant 16 : i32
        %mul3A_213 = arith.muli %scan3A_206, %mul3A_212 : i32
        %get3A_214 = arith.constant 1 : i32
        %get3A_215 = arith.index_cast %get3A_214 : i32 to index
        %get3A_216 = arith.index_cast %mul3A_213 : i32 to index
        %get3A_217 = tpu.vector_load %arg13[%get3A_215, %get3A_216] {strides = array<i32>} : memref<2x64xi32, #tpu.memory_space<vmem>>, vector<16xi32>,
        %gather3A = tpu.vector_load_idx %arg9[%get3A_211] : memref<10000xf32, #tpu.memory_space<vmem>>[vector<16xi32>], vector<16xf32>,
        %gather3A_218 = tpu.vector_load_idx %arg10[%get3A_217] : memref<10000xf32, #tpu.memory_space<vmem>>[vector<16xi32>], vector<16xf32>,
        %add3A_219 = arith.addf %gather3A, %gather3A_218 : vector<16xf32>
        %mul3A_220 = arith.constant 2.000000e-01 : f32
        %mul3A_221 = vector.broadcast %mul3A_220 : f32 to vector<16xf32>
        %mul3A_222 = arith.mulf %mul3A_221, %add3A_219 : vector<16xf32>
        %max3A = arith.maximumf %add3A_219, %mul3A_222 : vector<16xf32>
        %exp3A = math.exp %max3A : vector<16xf32>
        %mul3A_223 = arith.constant 16 : i32
        %mul3A_224 = arith.muli %scan3A_206, %mul3A_223 : i32
        %add3A_225 = arith.addi %add3A_173, %mul3A_224 : i32
        %iota3A = tpu.iota {dimensions = array<i32: 0>} : vector<16xi32>
        %add3A_226 = vector.broadcast %add3A_225 : i32 to vector<16xi32>
        %add3A_227 = arith.addi %add3A_226, %iota3A : vector<16xi32>
        %lt3A_228 = arith.constant 170000 : i32
        %lt3A_229 = vector.broadcast %lt3A_228 : i32 to vector<16xi32>
        %lt3A_230 = arith.cmpi slt, %add3A_227, %lt3A_229 : vector<16xi32>
        %jit3A_231 = arith.constant 0.000000e+00 : f32
        %broadcast_in_dim3A = vector.broadcast %jit3A_231 : f32 to vector<16xf32>
        %select_n3A_232 = arith.select %lt3A_230, %exp3A, %broadcast_in_dim3A : vector<16xi1>, vector<16xf32>
        %mul3A_233 = arith.constant 16 : i32
        %mul3A_234 = arith.muli %scan3A_206, %mul3A_233 : i32
        %swap3A = arith.index_cast %mul3A_234 : i32 to index
        %swap3A_235 = tpu.vector_load %arg15[%swap3A] {strides = array<i32>} : memref<64xf32, #tpu.memory_space<vmem>>, vector<16xf32>,
        tpu.vector_store %arg15[%swap3A], %select_n3A_232 {strides = array<i32>} : memref<64xf32, #tpu.memory_space<vmem>>, vector<16xf32>,
        %scatter3A = arith.constant 0 : i32
        %scatter3A_236 = arith.constant 0 : i32
        %scatter3A_237 = tpu.memref_slice %arg11[%scatter3A, %scatter3A_236] : memref<1x10000xf32, #tpu.memory_space<vmem>> -> memref<1x10000xf32, #tpu.memory_space<vmem>>
        %scatter3A_238 = tpu.memref_squeeze %scatter3A_237 : memref<1x10000xf32, #tpu.memory_space<vmem>> -> memref<10000xf32, #tpu.memory_space<vmem>>
        tpu.vector_store_idx %scatter3A_238[%get3A_217], %select_n3A_232 {add = true} : memref<10000xf32, #tpu.memory_space<vmem>>[vector<16xi32>], vector<16xf32>,
      }
      %scan3A_179 = arith.constant 4 : i32
      %dma_wait3A_180 = arith.constant 0 : i32
      %dma_wait3A_181 = arith.constant 0 : i32
      %dma_wait3A_182 = tpu.memref_slice %arg13[%dma_wait3A_180, %dma_wait3A_181] : memref<2x64xi32, #tpu.memory_space<vmem>> -> memref<1x64xi32, #tpu.memory_space<vmem>>
      %dma_wait3A_183 = tpu.memref_squeeze %dma_wait3A_182 : memref<1x64xi32, #tpu.memory_space<vmem>> -> memref<64xi32, #tpu.memory_space<vmem>>
      %dma_wait3A_184 = arith.constant 0 : i32
      %dma_wait3A_185 = arith.constant 0 : i32
      %dma_wait3A_186 = tpu.memref_slice %arg6[%dma_wait3A_184, %dma_wait3A_185] : memref<10240x128xf32, #tpu.memory_space<hbm>> -> memref<10240x128xf32, #tpu.memory_space<hbm>>
      tpu.wait_indirect_dma semaphore(%arg22 : memref<!tpu.dma_semaphore, #tpu.memory_space<semaphore_mem>>) src(%dma_wait3A_186 : memref<10240x128xf32, #tpu.memory_space<hbm>>) dst(%arg17 : memref<64x128xf32, #tpu.memory_space<vmem>>)
      %scan3A_187 = arith.constant 0 : i32
      %scan3A_188 = arith.constant 0 : i32
      %scan3A_189 = arith.constant 32 : i32
      %scan3A_190 = arith.addi %scan3A_188, %scan3A_189 : i32
      %scan3A_191 = arith.constant 1 : i32
      scf.for %scan3A_206 = %scan3A_188 to %scan3A_190 step %scan3A_191  : i32 {
        %mul3A_207 = arith.constant 2 : i32
        %mul3A_208 = arith.muli %mul3A_207, %scan3A_206 : i32
        %add3A_209 = arith.constant 0 : i32
        %add3A_210 = arith.addi %mul3A_208, %add3A_209 : i32
        %broadcast_in_dim3A = vector.broadcast %add3A_210 : i32 to vector<16xi32>
        %gather3A = tpu.vector_load_idx %arg15[%broadcast_in_dim3A] : memref<64xf32, #tpu.memory_space<vmem>>[vector<16xi32>], vector<16xf32>,
        %get3A = arith.index_cast %add3A_210 : i32 to index
        %get3A_211 = arith.constant 0 : index
        %get3A_212 = tpu.vector_load %arg17[%get3A, %get3A_211] {strides = array<i32>} : memref<64x128xf32, #tpu.memory_space<vmem>>, vector<16xf32>,
        %mul3A_213 = arith.mulf %get3A_212, %gather3A : vector<16xf32>
        %swap3A = arith.index_cast %add3A_210 : i32 to index
        %swap3A_214 = arith.constant 0 : index
        %swap3A_215 = tpu.vector_load %arg17[%swap3A, %swap3A_214] {strides = array<i32>} : memref<64x128xf32, #tpu.memory_space<vmem>>, vector<16xf32>,
        tpu.vector_store %arg17[%swap3A, %swap3A_214], %mul3A_213 {strides = array<i32>} : memref<64x128xf32, #tpu.memory_space<vmem>>, vector<16xf32>,
        %get3A_216 = arith.index_cast %add3A_210 : i32 to index
        %get3A_217 = arith.constant 16 : index
        %get3A_218 = tpu.vector_load %arg17[%get3A_216, %get3A_217] {strides = array<i32>} : memref<64x128xf32, #tpu.memory_space<vmem>>, vector<16xf32>,
        %mul3A_219 = arith.mulf %get3A_218, %gather3A : vector<16xf32>
        %swap3A_220 = arith.index_cast %add3A_210 : i32 to index
        %swap3A_221 = arith.constant 16 : index
        %swap3A_222 = tpu.vector_load %arg17[%swap3A_220, %swap3A_221] {strides = array<i32>} : memref<64x128xf32, #tpu.memory_space<vmem>>, vector<16xf32>,
        tpu.vector_store %arg17[%swap3A_220, %swap3A_221], %mul3A_219 {strides = array<i32>} : memref<64x128xf32, #tpu.memory_space<vmem>>, vector<16xf32>,
        %get3A_223 = arith.index_cast %add3A_210 : i32 to index
        %get3A_224 = arith.constant 32 : index
        %get3A_225 = tpu.vector_load %arg17[%get3A_223, %get3A_224] {strides = array<i32>} : memref<64x128xf32, #tpu.memory_space<vmem>>, vector<16xf32>,
        %mul3A_226 = arith.mulf %get3A_225, %gather3A : vector<16xf32>
        %swap3A_227 = arith.index_cast %add3A_210 : i32 to index
        %swap3A_228 = arith.constant 32 : index
        %swap3A_229 = tpu.vector_load %arg17[%swap3A_227, %swap3A_228] {strides = array<i32>} : memref<64x128xf32, #tpu.memory_space<vmem>>, vector<16xf32>,
        tpu.vector_store %arg17[%swap3A_227, %swap3A_228], %mul3A_226 {strides = array<i32>} : memref<64x128xf32, #tpu.memory_space<vmem>>, vector<16xf32>,
        %get3A_230 = arith.index_cast %add3A_210 : i32 to index
        %get3A_231 = arith.constant 48 : index
        %get3A_232 = tpu.vector_load %arg17[%get3A_230, %get3A_231] {strides = array<i32>} : memref<64x128xf32, #tpu.memory_space<vmem>>, vector<16xf32>,
        %mul3A_233 = arith.mulf %get3A_232, %gather3A : vector<16xf32>
        %swap3A_234 = arith.index_cast %add3A_210 : i32 to index
        %swap3A_235 = arith.constant 48 : index
        %swap3A_236 = tpu.vector_load %arg17[%swap3A_234, %swap3A_235] {strides = array<i32>} : memref<64x128xf32, #tpu.memory_space<vmem>>, vector<16xf32>,
        tpu.vector_store %arg17[%swap3A_234, %swap3A_235], %mul3A_233 {strides = array<i32>} : memref<64x128xf32, #tpu.memory_space<vmem>>, vector<16xf32>,
        %get3A_237 = arith.index_cast %add3A_210 : i32 to index
        %get3A_238 = arith.constant 64 : index
        %get3A_239 = tpu.vector_load %arg17[%get3A_237, %get3A_238] {strides = array<i32>} : memref<64x128xf32, #tpu.memory_space<vmem>>, vector<16xf32>,
        %mul3A_240 = arith.mulf %get3A_239, %gather3A : vector<16xf32>
        %swap3A_241 = arith.index_cast %add3A_210 : i32 to index
        %swap3A_242 = arith.constant 64 : index
        %swap3A_243 = tpu.vector_load %arg17[%swap3A_241, %swap3A_242] {strides = array<i32>} : memref<64x128xf32, #tpu.memory_space<vmem>>, vector<16xf32>,
        tpu.vector_store %arg17[%swap3A_241, %swap3A_242], %mul3A_240 {strides = array<i32>} : memref<64x128xf32, #tpu.memory_space<vmem>>, vector<16xf32>,
        %get3A_244 = arith.index_cast %add3A_210 : i32 to index
        %get3A_245 = arith.constant 80 : index
        %get3A_246 = tpu.vector_load %arg17[%get3A_244, %get3A_245] {strides = array<i32>} : memref<64x128xf32, #tpu.memory_space<vmem>>, vector<16xf32>,
        %mul3A_247 = arith.mulf %get3A_246, %gather3A : vector<16xf32>
        %swap3A_248 = arith.index_cast %add3A_210 : i32 to index
        %swap3A_249 = arith.constant 80 : index
        %swap3A_250 = tpu.vector_load %arg17[%swap3A_248, %swap3A_249] {strides = array<i32>} : memref<64x128xf32, #tpu.memory_space<vmem>>, vector<16xf32>,
        tpu.vector_store %arg17[%swap3A_248, %swap3A_249], %mul3A_247 {strides = array<i32>} : memref<64x128xf32, #tpu.memory_space<vmem>>, vector<16xf32>,
        %get3A_251 = arith.index_cast %add3A_210 : i32 to index
        %get3A_252 = arith.constant 96 : index
        %get3A_253 = tpu.vector_load %arg17[%get3A_251, %get3A_252] {strides = array<i32>} : memref<64x128xf32, #tpu.memory_space<vmem>>, vector<16xf32>,
        %mul3A_254 = arith.mulf %get3A_253, %gather3A : vector<16xf32>
        %swap3A_255 = arith.index_cast %add3A_210 : i32 to index
        %swap3A_256 = arith.constant 96 : index
        %swap3A_257 = tpu.vector_load %arg17[%swap3A_255, %swap3A_256] {strides = array<i32>} : memref<64x128xf32, #tpu.memory_space<vmem>>, vector<16xf32>,
        tpu.vector_store %arg17[%swap3A_255, %swap3A_256], %mul3A_254 {strides = array<i32>} : memref<64x128xf32, #tpu.memory_space<vmem>>, vector<16xf32>,
        %get3A_258 = arith.index_cast %add3A_210 : i32 to index
        %get3A_259 = arith.constant 112 : index
        %get3A_260 = tpu.vector_load %arg17[%get3A_258, %get3A_259] {strides = array<i32>} : memref<64x128xf32, #tpu.memory_space<vmem>>, vector<16xf32>,
        %mul3A_261 = arith.mulf %get3A_260, %gather3A : vector<16xf32>
        %swap3A_262 = arith.index_cast %add3A_210 : i32 to index
        %swap3A_263 = arith.constant 112 : index
        %swap3A_264 = tpu.vector_load %arg17[%swap3A_262, %swap3A_263] {strides = array<i32>} : memref<64x128xf32, #tpu.memory_space<vmem>>, vector<16xf32>,
        tpu.vector_store %arg17[%swap3A_262, %swap3A_263], %mul3A_261 {strides = array<i32>} : memref<64x128xf32, #tpu.memory_space<vmem>>, vector<16xf32>,
        %mul3A_265 = arith.constant 2 : i32
        %mul3A_266 = arith.muli %mul3A_265, %scan3A_206 : i32
        %add3A_267 = arith.constant 1 : i32
        %add3A_268 = arith.addi %mul3A_266, %add3A_267 : i32
        %broadcast_in_dim3A_269 = vector.broadcast %add3A_268 : i32 to vector<16xi32>
        %gather3A_270 = tpu.vector_load_idx %arg15[%broadcast_in_dim3A_269] : memref<64xf32, #tpu.memory_space<vmem>>[vector<16xi32>], vector<16xf32>,
        %get3A_271 = arith.index_cast %add3A_268 : i32 to index
        %get3A_272 = arith.constant 0 : index
        %get3A_273 = tpu.vector_load %arg17[%get3A_271, %get3A_272] {strides = array<i32>} : memref<64x128xf32, #tpu.memory_space<vmem>>, vector<16xf32>,
        %mul3A_274 = arith.mulf %get3A_273, %gather3A_270 : vector<16xf32>
        %swap3A_275 = arith.index_cast %add3A_268 : i32 to index
        %swap3A_276 = arith.constant 0 : index
        %swap3A_277 = tpu.vector_load %arg17[%swap3A_275, %swap3A_276] {strides = array<i32>} : memref<64x128xf32, #tpu.memory_space<vmem>>, vector<16xf32>,
        tpu.vector_store %arg17[%swap3A_275, %swap3A_276], %mul3A_274 {strides = array<i32>} : memref<64x128xf32, #tpu.memory_space<vmem>>, vector<16xf32>,
        %get3A_278 = arith.index_cast %add3A_268 : i32 to index
        %get3A_279 = arith.constant 16 : index
        %get3A_280 = tpu.vector_load %arg17[%get3A_278, %get3A_279] {strides = array<i32>} : memref<64x128xf32, #tpu.memory_space<vmem>>, vector<16xf32>,
        %mul3A_281 = arith.mulf %get3A_280, %gather3A_270 : vector<16xf32>
        %swap3A_282 = arith.index_cast %add3A_268 : i32 to index
        %swap3A_283 = arith.constant 16 : index
        %swap3A_284 = tpu.vector_load %arg17[%swap3A_282, %swap3A_283] {strides = array<i32>} : memref<64x128xf32, #tpu.memory_space<vmem>>, vector<16xf32>,
        tpu.vector_store %arg17[%swap3A_282, %swap3A_283], %mul3A_281 {strides = array<i32>} : memref<64x128xf32, #tpu.memory_space<vmem>>, vector<16xf32>,
        %get3A_285 = arith.index_cast %add3A_268 : i32 to index
        %get3A_286 = arith.constant 32 : index
        %get3A_287 = tpu.vector_load %arg17[%get3A_285, %get3A_286] {strides = array<i32>} : memref<64x128xf32, #tpu.memory_space<vmem>>, vector<16xf32>,
        %mul3A_288 = arith.mulf %get3A_287, %gather3A_270 : vector<16xf32>
        %swap3A_289 = arith.index_cast %add3A_268 : i32 to index
        %swap3A_290 = arith.constant 32 : index
        %swap3A_291 = tpu.vector_load %arg17[%swap3A_289, %swap3A_290] {strides = array<i32>} : memref<64x128xf32, #tpu.memory_space<vmem>>, vector<16xf32>,
        tpu.vector_store %arg17[%swap3A_289, %swap3A_290], %mul3A_288 {strides = array<i32>} : memref<64x128xf32, #tpu.memory_space<vmem>>, vector<16xf32>,
        %get3A_292 = arith.index_cast %add3A_268 : i32 to index
        %get3A_293 = arith.constant 48 : index
        %get3A_294 = tpu.vector_load %arg17[%get3A_292, %get3A_293] {strides = array<i32>} : memref<64x128xf32, #tpu.memory_space<vmem>>, vector<16xf32>,
        %mul3A_295 = arith.mulf %get3A_294, %gather3A_270 : vector<16xf32>
        %swap3A_296 = arith.index_cast %add3A_268 : i32 to index
        %swap3A_297 = arith.constant 48 : index
        %swap3A_298 = tpu.vector_load %arg17[%swap3A_296, %swap3A_297] {strides = array<i32>} : memref<64x128xf32, #tpu.memory_space<vmem>>, vector<16xf32>,
        tpu.vector_store %arg17[%swap3A_296, %swap3A_297], %mul3A_295 {strides = array<i32>} : memref<64x128xf32, #tpu.memory_space<vmem>>, vector<16xf32>,
        %get3A_299 = arith.index_cast %add3A_268 : i32 to index
        %get3A_300 = arith.constant 64 : index
        %get3A_301 = tpu.vector_load %arg17[%get3A_299, %get3A_300] {strides = array<i32>} : memref<64x128xf32, #tpu.memory_space<vmem>>, vector<16xf32>,
        %mul3A_302 = arith.mulf %get3A_301, %gather3A_270 : vector<16xf32>
        %swap3A_303 = arith.index_cast %add3A_268 : i32 to index
        %swap3A_304 = arith.constant 64 : index
        %swap3A_305 = tpu.vector_load %arg17[%swap3A_303, %swap3A_304] {strides = array<i32>} : memref<64x128xf32, #tpu.memory_space<vmem>>, vector<16xf32>,
        tpu.vector_store %arg17[%swap3A_303, %swap3A_304], %mul3A_302 {strides = array<i32>} : memref<64x128xf32, #tpu.memory_space<vmem>>, vector<16xf32>,
        %get3A_306 = arith.index_cast %add3A_268 : i32 to index
        %get3A_307 = arith.constant 80 : index
        %get3A_308 = tpu.vector_load %arg17[%get3A_306, %get3A_307] {strides = array<i32>} : memref<64x128xf32, #tpu.memory_space<vmem>>, vector<16xf32>,
        %mul3A_309 = arith.mulf %get3A_308, %gather3A_270 : vector<16xf32>
        %swap3A_310 = arith.index_cast %add3A_268 : i32 to index
        %swap3A_311 = arith.constant 80 : index
        %swap3A_312 = tpu.vector_load %arg17[%swap3A_310, %swap3A_311] {strides = array<i32>} : memref<64x128xf32, #tpu.memory_space<vmem>>, vector<16xf32>,
        tpu.vector_store %arg17[%swap3A_310, %swap3A_311], %mul3A_309 {strides = array<i32>} : memref<64x128xf32, #tpu.memory_space<vmem>>, vector<16xf32>,
        %get3A_313 = arith.index_cast %add3A_268 : i32 to index
        %get3A_314 = arith.constant 96 : index
        %get3A_315 = tpu.vector_load %arg17[%get3A_313, %get3A_314] {strides = array<i32>} : memref<64x128xf32, #tpu.memory_space<vmem>>, vector<16xf32>,
        %mul3A_316 = arith.mulf %get3A_315, %gather3A_270 : vector<16xf32>
        %swap3A_317 = arith.index_cast %add3A_268 : i32 to index
        %swap3A_318 = arith.constant 96 : index
        %swap3A_319 = tpu.vector_load %arg17[%swap3A_317, %swap3A_318] {strides = array<i32>} : memref<64x128xf32, #tpu.memory_space<vmem>>, vector<16xf32>,
        tpu.vector_store %arg17[%swap3A_317, %swap3A_318], %mul3A_316 {strides = array<i32>} : memref<64x128xf32, #tpu.memory_space<vmem>>, vector<16xf32>,
        %get3A_320 = arith.index_cast %add3A_268 : i32 to index
        %get3A_321 = arith.constant 112 : index
        %get3A_322 = tpu.vector_load %arg17[%get3A_320, %get3A_321] {strides = array<i32>} : memref<64x128xf32, #tpu.memory_space<vmem>>, vector<16xf32>,
        %mul3A_323 = arith.mulf %get3A_322, %gather3A_270 : vector<16xf32>
        %swap3A_324 = arith.index_cast %add3A_268 : i32 to index
        %swap3A_325 = arith.constant 112 : index
        %swap3A_326 = tpu.vector_load %arg17[%swap3A_324, %swap3A_325] {strides = array<i32>} : memref<64x128xf32, #tpu.memory_space<vmem>>, vector<16xf32>,
        tpu.vector_store %arg17[%swap3A_324, %swap3A_325], %mul3A_323 {strides = array<i32>} : memref<64x128xf32, #tpu.memory_space<vmem>>, vector<16xf32>,
      }
      %scan3A_192 = arith.constant 32 : i32
      %dma_start3A_193 = arith.constant 1 : i32
      %dma_start3A_194 = arith.constant 0 : i32
      %dma_start3A_195 = tpu.memref_slice %arg13[%dma_start3A_193, %dma_start3A_194] : memref<2x64xi32, #tpu.memory_space<vmem>> -> memref<1x64xi32, #tpu.memory_space<vmem>>
      %dma_start3A_196 = tpu.memref_squeeze %dma_start3A_195 : memref<1x64xi32, #tpu.memory_space<vmem>> -> memref<64xi32, #tpu.memory_space<vmem>>
      %dma_start3A_197 = arith.constant 0 : i32
      %dma_start3A_198 = arith.constant 0 : i32
      %dma_start3A_199 = tpu.memref_slice %arg18[%dma_start3A_197, %dma_start3A_198] : memref<10240x128xf32, #tpu.memory_space<vmem_shared>> -> memref<10240x128xf32, #tpu.memory_space<vmem_shared>>
      tpu.enqueue_indirect_dma source(%arg17 : memref<64x128xf32, #tpu.memory_space<vmem>>) target(%dma_start3A_199 : memref<10240x128xf32, #tpu.memory_space<vmem_shared>>) offsets(%dma_start3A_196 : memref<64xi32, #tpu.memory_space<vmem>>) semaphore(%arg24 : memref<!tpu.dma_semaphore, #tpu.memory_space<semaphore_mem>>) {add = true}
      %add3A_200 = arith.constant 2 : i32
      %add3A_201 = arith.addi %add3A_164, %add3A_200 : i32
      %lt3A_202 = arith.cmpi slt, %add3A_201, %select_n3A : i32
      %convert_element_type3A_203 = arith.extui %lt3A_202 : i1 to i32
      %cond3A_204 = arith.constant 0 : i32
      %cond3A_205 = arith.cmpi ne, %convert_element_type3A_203, %cond3A_204 : i32
      scf.if %cond3A_205 {
        %add3A_206 = arith.addi %select_n3A_44, %add3A_164 : i32
        %add3A_207 = arith.constant 2 : i32
        %add3A_208 = arith.addi %add3A_206, %add3A_207 : i32
        %dma_start3A_209 = arith.constant 0 : i32
        %dma_start3A_210 = arith.constant 0 : i32
        %dma_start3A_211 = tpu.memref_slice %arg2[%add3A_208, %dma_start3A_209, %dma_start3A_210] : memref<2688x2x64xi32, #tpu.memory_space<hbm>> -> memref<1x2x64xi32, #tpu.memory_space<hbm>>
        %dma_start3A_212 = tpu.memref_squeeze %dma_start3A_211 : memref<1x2x64xi32, #tpu.memory_space<hbm>> -> memref<2x64xi32, #tpu.memory_space<hbm>>
        %dma_start3A_213 = arith.constant 0 : i32
        %dma_start3A_214 = arith.constant 0 : i32
        %dma_start3A_215 = tpu.memref_slice %arg2[%add3A_208, %dma_start3A_213, %dma_start3A_214] : memref<2688x2x64xi32, #tpu.memory_space<hbm>> -> memref<1x2x64xi32, #tpu.memory_space<hbm>>
        %dma_start3A_216 = tpu.memref_squeeze %dma_start3A_215 : memref<1x2x64xi32, #tpu.memory_space<hbm>> -> memref<2x64xi32, #tpu.memory_space<hbm>>
        tpu.enqueue_dma source(%dma_start3A_216 : memref<2x64xi32, #tpu.memory_space<hbm>>) target(%arg13 : memref<2x64xi32, #tpu.memory_space<vmem>>) target_semaphore(%arg20 : memref<!tpu.dma_semaphore, #tpu.memory_space<semaphore_mem>>)
      } else {
      }
    }
    %dma_wait3A_105 = arith.constant 1 : i32
    %dma_wait3A_106 = arith.constant 0 : i32
    %dma_wait3A_107 = tpu.memref_slice %arg12[%dma_wait3A_105, %dma_wait3A_106] : memref<2x64xi32, #tpu.memory_space<vmem>> -> memref<1x64xi32, #tpu.memory_space<vmem>>
    %dma_wait3A_108 = tpu.memref_squeeze %dma_wait3A_107 : memref<1x64xi32, #tpu.memory_space<vmem>> -> memref<64xi32, #tpu.memory_space<vmem>>
    %dma_wait3A_109 = arith.constant 0 : i32
    %dma_wait3A_110 = arith.constant 0 : i32
    %dma_wait3A_111 = tpu.memref_slice %arg18[%dma_wait3A_109, %dma_wait3A_110] : memref<10240x128xf32, #tpu.memory_space<vmem_shared>> -> memref<10240x128xf32, #tpu.memory_space<vmem_shared>>
    tpu.wait_indirect_dma semaphore(%arg23 : memref<!tpu.dma_semaphore, #tpu.memory_space<semaphore_mem>>) src(%arg16 : memref<64x128xf32, #tpu.memory_space<vmem>>) dst(%dma_wait3A_111 : memref<10240x128xf32, #tpu.memory_space<vmem_shared>>)
    %dma_wait3A_112 = arith.constant 1 : i32
    %dma_wait3A_113 = arith.constant 0 : i32
    %dma_wait3A_114 = tpu.memref_slice %arg13[%dma_wait3A_112, %dma_wait3A_113] : memref<2x64xi32, #tpu.memory_space<vmem>> -> memref<1x64xi32, #tpu.memory_space<vmem>>
    %dma_wait3A_115 = tpu.memref_squeeze %dma_wait3A_114 : memref<1x64xi32, #tpu.memory_space<vmem>> -> memref<64xi32, #tpu.memory_space<vmem>>
    %dma_wait3A_116 = arith.constant 0 : i32
    %dma_wait3A_117 = arith.constant 0 : i32
    %dma_wait3A_118 = tpu.memref_slice %arg18[%dma_wait3A_116, %dma_wait3A_117] : memref<10240x128xf32, #tpu.memory_space<vmem_shared>> -> memref<10240x128xf32, #tpu.memory_space<vmem_shared>>
    tpu.wait_indirect_dma semaphore(%arg24 : memref<!tpu.dma_semaphore, #tpu.memory_space<semaphore_mem>>) src(%arg17 : memref<64x128xf32, #tpu.memory_space<vmem>>) dst(%dma_wait3A_118 : memref<10240x128xf32, #tpu.memory_space<vmem_shared>>)
    "tpu.region"() ({
      %run_scoped3A = tpu.sem_alloc : memref<!tpu.dma_semaphore, #tpu.memory_space<semaphore_mem>>
      %dma_start3A_120 = arith.constant 0 : i32
      %dma_start3A_121 = arith.constant 0 : i32
      %dma_start3A_122 = tpu.memref_slice %arg8[%add3A, %dma_start3A_120, %dma_start3A_121] : memref<32x1x10000xf32, #tpu.memory_space<hbm>> -> memref<1x1x10000xf32, #tpu.memory_space<hbm>>
      %dma_start3A_123 = tpu.memref_squeeze %dma_start3A_122 : memref<1x1x10000xf32, #tpu.memory_space<hbm>> -> memref<1x10000xf32, #tpu.memory_space<hbm>>
      %dma_start3A_124 = arith.constant 0 : i32
      %dma_start3A_125 = arith.constant 0 : i32
      %dma_start3A_126 = tpu.memref_slice %arg8[%add3A, %dma_start3A_124, %dma_start3A_125] : memref<32x1x10000xf32, #tpu.memory_space<hbm>> -> memref<1x1x10000xf32, #tpu.memory_space<hbm>>
      %dma_start3A_127 = tpu.memref_squeeze %dma_start3A_126 : memref<1x1x10000xf32, #tpu.memory_space<hbm>> -> memref<1x10000xf32, #tpu.memory_space<hbm>>
      tpu.enqueue_dma source(%arg11 : memref<1x10000xf32, #tpu.memory_space<vmem>>) target(%dma_start3A_127 : memref<1x10000xf32, #tpu.memory_space<hbm>>) target_semaphore(%run_scoped3A : memref<!tpu.dma_semaphore, #tpu.memory_space<semaphore_mem>>)
      %dma_wait3A_128 = arith.constant 0 : i32
      %dma_wait3A_129 = arith.constant 0 : i32
      %dma_wait3A_130 = tpu.memref_slice %arg8[%add3A, %dma_wait3A_128, %dma_wait3A_129] : memref<32x1x10000xf32, #tpu.memory_space<hbm>> -> memref<1x1x10000xf32, #tpu.memory_space<hbm>>
      %dma_wait3A_131 = tpu.memref_squeeze %dma_wait3A_130 : memref<1x1x10000xf32, #tpu.memory_space<hbm>> -> memref<1x10000xf32, #tpu.memory_space<hbm>>
      %dma_wait3A_132 = arith.constant 0 : i32
      %dma_wait3A_133 = arith.constant 0 : i32
      %dma_wait3A_134 = tpu.memref_slice %arg8[%add3A, %dma_wait3A_132, %dma_wait3A_133] : memref<32x1x10000xf32, #tpu.memory_space<hbm>> -> memref<1x1x10000xf32, #tpu.memory_space<hbm>>
      %dma_wait3A_135 = tpu.memref_squeeze %dma_wait3A_134 : memref<1x1x10000xf32, #tpu.memory_space<hbm>> -> memref<1x10000xf32, #tpu.memory_space<hbm>>
      tpu.wait_dma2 semaphore(%run_scoped3A : memref<!tpu.dma_semaphore, #tpu.memory_space<semaphore_mem>>) src(%arg11 : memref<1x10000xf32, #tpu.memory_space<vmem>>) dst(%dma_wait3A_135 : memref<1x10000xf32, #tpu.memory_space<hbm>>)
      tpu.yield
    }) : () -> ()
    %barrier3A_119 = arith.constant 0 : index
    tpu.barrier barrier_id(%barrier3A_119)
    "tpu.region"() ({
      %run_scoped3A = tpu.sem_alloc : memref<!tpu.dma_semaphore, #tpu.memory_space<semaphore_mem>>
      %dma_start3A_120 = arith.constant 0 : i32
      %dma_start3A_121 = tpu.memref_slice %arg7[%arg0, %mul3A_13, %dma_start3A_120] : memref<2x10240x128xf32, #tpu.memory_space<hbm>> -> memref<1x640x128xf32, #tpu.memory_space<hbm>>
      %dma_start3A_122 = tpu.memref_squeeze %dma_start3A_121 : memref<1x640x128xf32, #tpu.memory_space<hbm>> -> memref<640x128xf32, #tpu.memory_space<hbm>>
      %dma_start3A_123 = arith.constant 0 : i32
      %dma_start3A_124 = tpu.memref_slice %arg18[%mul3A_13, %dma_start3A_123] : memref<10240x128xf32, #tpu.memory_space<vmem_shared>> -> memref<640x128xf32, #tpu.memory_space<vmem_shared>>
      tpu.enqueue_dma source(%dma_start3A_124 : memref<640x128xf32, #tpu.memory_space<vmem_shared>>) target(%dma_start3A_122 : memref<640x128xf32, #tpu.memory_space<hbm>>) target_semaphore(%run_scoped3A : memref<!tpu.dma_semaphore, #tpu.memory_space<semaphore_mem>>)
      %dma_wait3A_125 = arith.constant 0 : i32
      %dma_wait3A_126 = tpu.memref_slice %arg7[%arg0, %mul3A_13, %dma_wait3A_125] : memref<2x10240x128xf32, #tpu.memory_space<hbm>> -> memref<1x640x128xf32, #tpu.memory_space<hbm>>
      %dma_wait3A_127 = tpu.memref_squeeze %dma_wait3A_126 : memref<1x640x128xf32, #tpu.memory_space<hbm>> -> memref<640x128xf32, #tpu.memory_space<hbm>>
      %dma_wait3A_128 = arith.constant 0 : i32
      %dma_wait3A_129 = tpu.memref_slice %arg18[%mul3A_13, %dma_wait3A_128] : memref<10240x128xf32, #tpu.memory_space<vmem_shared>> -> memref<640x128xf32, #tpu.memory_space<vmem_shared>>
      tpu.wait_dma2 semaphore(%run_scoped3A : memref<!tpu.dma_semaphore, #tpu.memory_space<semaphore_mem>>) src(%dma_wait3A_129 : memref<640x128xf32, #tpu.memory_space<vmem_shared>>) dst(%dma_wait3A_127 : memref<640x128xf32, #tpu.memory_space<hbm>>)
      tpu.yield
    }) : () -> ()
    return
  }
}

#map = affine_map<(d0, d1) -> (0, 0, 0)>
#map1 = affine_map<(d0, d1) -> (0)>
#map2 = affine_map<(d0, d1) -> (0, 0)>
module attributes {stable_mosaic.version = 14 : i64} {
  func.func @_sc_edge_body(%arg0: i32, %arg1: i32, %arg2: memref<2688x2x64xi32, #tpu.memory_space<hbm>>, %arg3: memref<172032xi32, #tpu.memory_space<hbm>>, %arg4: memref<10000xf32, #tpu.memory_space<hbm>>, %arg5: memref<10000xf32, #tpu.memory_space<hbm>>, %arg6: memref<10000x128xf32, #tpu.memory_space<hbm>>, %arg7: memref<2x10240x128xf32, #tpu.memory_space<hbm>>, %arg8: memref<32x1x10000xf32, #tpu.memory_space<hbm>>, %arg9: memref<10000xf32, #tpu.memory_space<vmem>>, %arg10: memref<10000xf32, #tpu.memory_space<vmem>>, %arg11: memref<1x10000xf32, #tpu.memory_space<vmem>>, %arg12: memref<2x64xi32, #tpu.memory_space<vmem>>, %arg13: memref<2x64xi32, #tpu.memory_space<vmem>>, %arg14: memref<64xf32, #tpu.memory_space<vmem>>, %arg15: memref<64xf32, #tpu.memory_space<vmem>>, %arg16: memref<64x128xf32, #tpu.memory_space<vmem>>, %arg17: memref<64x128xf32, #tpu.memory_space<vmem>>, %arg18: memref<10240x128xf32, #tpu.memory_space<vmem_shared>>, %arg19: memref<!tpu.dma_semaphore, #tpu.memory_space<semaphore_mem>>, %arg20: memref<!tpu.dma_semaphore, #tpu.memory_space<semaphore_mem>>, %arg21: memref<!tpu.dma_semaphore, #tpu.memory_space<semaphore_mem>>, %arg22: memref<!tpu.dma_semaphore, #tpu.memory_space<semaphore_mem>>, %arg23: memref<!tpu.dma_semaphore, #tpu.memory_space<semaphore_mem>>, %arg24: memref<!tpu.dma_semaphore, #tpu.memory_space<semaphore_mem>>) attributes {dimension_semantics = [#tpu.dimension_semantics<core_parallel>, #tpu.dimension_semantics<subcore_parallel>], iteration_bounds = array<i64: 2, 16>, scalar_prefetch = 0 : i64, scratch_operands = 16 : i64, tpu.core_type = #tpu.core_type<sc_vector_subcore>, window_params = [{transform_indices = #map}, {transform_indices = #map1}, {transform_indices = #map1}, {transform_indices = #map1}, {transform_indices = #map2}, {transform_indices = #map}, {transform_indices = #map}]} {
    %mul3A = arith.constant 16 : i32
    %mul3A_0 = arith.muli %arg0, %mul3A : i32
    %add3A = arith.addi %mul3A_0, %arg1 : i32
    "tpu.region"() ({
      %run_scoped3A = tpu.sem_alloc : memref<!tpu.dma_semaphore, #tpu.memory_space<semaphore_mem>>
      tpu.enqueue_dma source(%arg4 : memref<10000xf32, #tpu.memory_space<hbm>>) target(%arg9 : memref<10000xf32, #tpu.memory_space<vmem>>) target_semaphore(%run_scoped3A : memref<!tpu.dma_semaphore, #tpu.memory_space<semaphore_mem>>)
      tpu.wait_dma2 semaphore(%run_scoped3A : memref<!tpu.dma_semaphore, #tpu.memory_space<semaphore_mem>>) src(%arg4 : memref<10000xf32, #tpu.memory_space<hbm>>) dst(%arg9 : memref<10000xf32, #tpu.memory_space<vmem>>)
      tpu.yield
    }) : () -> ()
    "tpu.region"() ({
      %run_scoped3A = tpu.sem_alloc : memref<!tpu.dma_semaphore, #tpu.memory_space<semaphore_mem>>
      tpu.enqueue_dma source(%arg5 : memref<10000xf32, #tpu.memory_space<hbm>>) target(%arg10 : memref<10000xf32, #tpu.memory_space<vmem>>) target_semaphore(%run_scoped3A : memref<!tpu.dma_semaphore, #tpu.memory_space<semaphore_mem>>)
      tpu.wait_dma2 semaphore(%run_scoped3A : memref<!tpu.dma_semaphore, #tpu.memory_space<semaphore_mem>>) src(%arg5 : memref<10000xf32, #tpu.memory_space<hbm>>) dst(%arg10 : memref<10000xf32, #tpu.memory_space<vmem>>)
      tpu.yield
    }) : () -> ()
    %scan3A = arith.constant 0 : i32
    %scan3A_1 = arith.constant 0 : i32
    %scan3A_2 = arith.constant 625 : i32
    %scan3A_3 = arith.addi %scan3A_1, %scan3A_2 : i32
    %scan3A_4 = arith.constant 1 : i32
    scf.for %scan3A_120 = %scan3A_1 to %scan3A_3 step %scan3A_4  : i32 {
      %broadcast_in_dim3A = arith.constant 0.000000e+00 : f32
      %broadcast_in_dim3A_121 = vector.broadcast %broadcast_in_dim3A : f32 to vector<16xf32>
      %mul3A_122 = arith.constant 16 : i32
      %mul3A_123 = arith.muli %scan3A_120, %mul3A_122 : i32
      %swap3A = arith.constant 0 : i32
      %swap3A_124 = arith.index_cast %swap3A : i32 to index
      %swap3A_125 = arith.index_cast %mul3A_123 : i32 to index
      %swap3A_126 = tpu.vector_load %arg11[%swap3A_124, %swap3A_125] {strides = array<i32>} : memref<1x10000xf32, #tpu.memory_space<vmem>>, vector<16xf32>,
      tpu.vector_store %arg11[%swap3A_124, %swap3A_125], %broadcast_in_dim3A_121 {strides = array<i32>} : memref<1x10000xf32, #tpu.memory_space<vmem>>, vector<16xf32>,
    }
    %scan3A_5 = arith.constant 625 : i32
    %scan3A_6 = arith.constant 0 : i32
    %scan3A_7 = arith.constant 0 : i32
    %scan3A_8 = arith.constant 64 : i32
    %scan3A_9 = arith.addi %scan3A_7, %scan3A_8 : i32
    %scan3A_10 = arith.constant 1 : i32
    scf.for %scan3A_120 = %scan3A_7 to %scan3A_9 step %scan3A_10  : i32 {
      %broadcast_in_dim3A = arith.constant 0.000000e+00 : f32
      %broadcast_in_dim3A_121 = vector.broadcast %broadcast_in_dim3A : f32 to vector<16xf32>
      %swap3A = arith.index_cast %scan3A_120 : i32 to index
      %swap3A_122 = arith.constant 0 : index
      %swap3A_123 = tpu.vector_load %arg16[%swap3A, %swap3A_122] {strides = array<i32>} : memref<64x128xf32, #tpu.memory_space<vmem>>, vector<16xf32>,
      tpu.vector_store %arg16[%swap3A, %swap3A_122], %broadcast_in_dim3A_121 {strides = array<i32>} : memref<64x128xf32, #tpu.memory_space<vmem>>, vector<16xf32>,
      %broadcast_in_dim3A_124 = arith.constant 0.000000e+00 : f32
      %broadcast_in_dim3A_125 = vector.broadcast %broadcast_in_dim3A_124 : f32 to vector<16xf32>
      %swap3A_126 = arith.index_cast %scan3A_120 : i32 to index
      %swap3A_127 = arith.constant 16 : index
      %swap3A_128 = tpu.vector_load %arg16[%swap3A_126, %swap3A_127] {strides = array<i32>} : memref<64x128xf32, #tpu.memory_space<vmem>>, vector<16xf32>,
      tpu.vector_store %arg16[%swap3A_126, %swap3A_127], %broadcast_in_dim3A_125 {strides = array<i32>} : memref<64x128xf32, #tpu.memory_space<vmem>>, vector<16xf32>,
      %broadcast_in_dim3A_129 = arith.constant 0.000000e+00 : f32
      %broadcast_in_dim3A_130 = vector.broadcast %broadcast_in_dim3A_129 : f32 to vector<16xf32>
      %swap3A_131 = arith.index_cast %scan3A_120 : i32 to index
      %swap3A_132 = arith.constant 32 : index
      %swap3A_133 = tpu.vector_load %arg16[%swap3A_131, %swap3A_132] {strides = array<i32>} : memref<64x128xf32, #tpu.memory_space<vmem>>, vector<16xf32>,
      tpu.vector_store %arg16[%swap3A_131, %swap3A_132], %broadcast_in_dim3A_130 {strides = array<i32>} : memref<64x128xf32, #tpu.memory_space<vmem>>, vector<16xf32>,
      %broadcast_in_dim3A_134 = arith.constant 0.000000e+00 : f32
      %broadcast_in_dim3A_135 = vector.broadcast %broadcast_in_dim3A_134 : f32 to vector<16xf32>
      %swap3A_136 = arith.index_cast %scan3A_120 : i32 to index
      %swap3A_137 = arith.constant 48 : index
      %swap3A_138 = tpu.vector_load %arg16[%swap3A_136, %swap3A_137] {strides = array<i32>} : memref<64x128xf32, #tpu.memory_space<vmem>>, vector<16xf32>,
      tpu.vector_store %arg16[%swap3A_136, %swap3A_137], %broadcast_in_dim3A_135 {strides = array<i32>} : memref<64x128xf32, #tpu.memory_space<vmem>>, vector<16xf32>,
      %broadcast_in_dim3A_139 = arith.constant 0.000000e+00 : f32
      %broadcast_in_dim3A_140 = vector.broadcast %broadcast_in_dim3A_139 : f32 to vector<16xf32>
      %swap3A_141 = arith.index_cast %scan3A_120 : i32 to index
      %swap3A_142 = arith.constant 64 : index
      %swap3A_143 = tpu.vector_load %arg16[%swap3A_141, %swap3A_142] {strides = array<i32>} : memref<64x128xf32, #tpu.memory_space<vmem>>, vector<16xf32>,
      tpu.vector_store %arg16[%swap3A_141, %swap3A_142], %broadcast_in_dim3A_140 {strides = array<i32>} : memref<64x128xf32, #tpu.memory_space<vmem>>, vector<16xf32>,
      %broadcast_in_dim3A_144 = arith.constant 0.000000e+00 : f32
      %broadcast_in_dim3A_145 = vector.broadcast %broadcast_in_dim3A_144 : f32 to vector<16xf32>
      %swap3A_146 = arith.index_cast %scan3A_120 : i32 to index
      %swap3A_147 = arith.constant 80 : index
      %swap3A_148 = tpu.vector_load %arg16[%swap3A_146, %swap3A_147] {strides = array<i32>} : memref<64x128xf32, #tpu.memory_space<vmem>>, vector<16xf32>,
      tpu.vector_store %arg16[%swap3A_146, %swap3A_147], %broadcast_in_dim3A_145 {strides = array<i32>} : memref<64x128xf32, #tpu.memory_space<vmem>>, vector<16xf32>,
      %broadcast_in_dim3A_149 = arith.constant 0.000000e+00 : f32
      %broadcast_in_dim3A_150 = vector.broadcast %broadcast_in_dim3A_149 : f32 to vector<16xf32>
      %swap3A_151 = arith.index_cast %scan3A_120 : i32 to index
      %swap3A_152 = arith.constant 96 : index
      %swap3A_153 = tpu.vector_load %arg16[%swap3A_151, %swap3A_152] {strides = array<i32>} : memref<64x128xf32, #tpu.memory_space<vmem>>, vector<16xf32>,
      tpu.vector_store %arg16[%swap3A_151, %swap3A_152], %broadcast_in_dim3A_150 {strides = array<i32>} : memref<64x128xf32, #tpu.memory_space<vmem>>, vector<16xf32>,
      %broadcast_in_dim3A_154 = arith.constant 0.000000e+00 : f32
      %broadcast_in_dim3A_155 = vector.broadcast %broadcast_in_dim3A_154 : f32 to vector<16xf32>
      %swap3A_156 = arith.index_cast %scan3A_120 : i32 to index
      %swap3A_157 = arith.constant 112 : index
      %swap3A_158 = tpu.vector_load %arg16[%swap3A_156, %swap3A_157] {strides = array<i32>} : memref<64x128xf32, #tpu.memory_space<vmem>>, vector<16xf32>,
      tpu.vector_store %arg16[%swap3A_156, %swap3A_157], %broadcast_in_dim3A_155 {strides = array<i32>} : memref<64x128xf32, #tpu.memory_space<vmem>>, vector<16xf32>,
    }
    %scan3A_11 = arith.constant 64 : i32
    %mul3A_12 = arith.constant 640 : i32
    %mul3A_13 = arith.muli %arg1, %mul3A_12 : i32
    %add3A_14 = arith.constant 0 : i32
    %add3A_15 = arith.addi %mul3A_13, %add3A_14 : i32
    "tpu.region"() ({
      %run_scoped3A = tpu.sem_alloc : memref<!tpu.dma_semaphore, #tpu.memory_space<semaphore_mem>>
      %dma_start3A_120 = arith.constant 0 : i32
      %dma_start3A_121 = tpu.memref_slice %arg18[%add3A_15, %dma_start3A_120] : memref<10240x128xf32, #tpu.memory_space<vmem_shared>> -> memref<64x128xf32, #tpu.memory_space<vmem_shared>>
      %dma_start3A_122 = arith.constant 0 : i32
      %dma_start3A_123 = tpu.memref_slice %arg18[%add3A_15, %dma_start3A_122] : memref<10240x128xf32, #tpu.memory_space<vmem_shared>> -> memref<64x128xf32, #tpu.memory_space<vmem_shared>>
      tpu.enqueue_dma source(%arg16 : memref<64x128xf32, #tpu.memory_space<vmem>>) target(%dma_start3A_123 : memref<64x128xf32, #tpu.memory_space<vmem_shared>>) target_semaphore(%run_scoped3A : memref<!tpu.dma_semaphore, #tpu.memory_space<semaphore_mem>>)
      %dma_wait3A_124 = arith.constant 0 : i32
      %dma_wait3A_125 = tpu.memref_slice %arg18[%add3A_15, %dma_wait3A_124] : memref<10240x128xf32, #tpu.memory_space<vmem_shared>> -> memref<64x128xf32, #tpu.memory_space<vmem_shared>>
      %dma_wait3A_126 = arith.constant 0 : i32
      %dma_wait3A_127 = tpu.memref_slice %arg18[%add3A_15, %dma_wait3A_126] : memref<10240x128xf32, #tpu.memory_space<vmem_shared>> -> memref<64x128xf32, #tpu.memory_space<vmem_shared>>
      tpu.wait_dma2 semaphore(%run_scoped3A : memref<!tpu.dma_semaphore, #tpu.memory_space<semaphore_mem>>) src(%arg16 : memref<64x128xf32, #tpu.memory_space<vmem>>) dst(%dma_wait3A_127 : memref<64x128xf32, #tpu.memory_space<vmem_shared>>)
      tpu.yield
    }) : () -> ()
    %add3A_16 = arith.constant 64 : i32
    %add3A_17 = arith.addi %mul3A_13, %add3A_16 : i32
    "tpu.region"() ({
      %run_scoped3A = tpu.sem_alloc : memref<!tpu.dma_semaphore, #tpu.memory_space<semaphore_mem>>
      %dma_start3A_120 = arith.constant 0 : i32
      %dma_start3A_121 = tpu.memref_slice %arg18[%add3A_17, %dma_start3A_120] : memref<10240x128xf32, #tpu.memory_space<vmem_shared>> -> memref<64x128xf32, #tpu.memory_space<vmem_shared>>
      %dma_start3A_122 = arith.constant 0 : i32
      %dma_start3A_123 = tpu.memref_slice %arg18[%add3A_17, %dma_start3A_122] : memref<10240x128xf32, #tpu.memory_space<vmem_shared>> -> memref<64x128xf32, #tpu.memory_space<vmem_shared>>
      tpu.enqueue_dma source(%arg16 : memref<64x128xf32, #tpu.memory_space<vmem>>) target(%dma_start3A_123 : memref<64x128xf32, #tpu.memory_space<vmem_shared>>) target_semaphore(%run_scoped3A : memref<!tpu.dma_semaphore, #tpu.memory_space<semaphore_mem>>)
      %dma_wait3A_124 = arith.constant 0 : i32
      %dma_wait3A_125 = tpu.memref_slice %arg18[%add3A_17, %dma_wait3A_124] : memref<10240x128xf32, #tpu.memory_space<vmem_shared>> -> memref<64x128xf32, #tpu.memory_space<vmem_shared>>
      %dma_wait3A_126 = arith.constant 0 : i32
      %dma_wait3A_127 = tpu.memref_slice %arg18[%add3A_17, %dma_wait3A_126] : memref<10240x128xf32, #tpu.memory_space<vmem_shared>> -> memref<64x128xf32, #tpu.memory_space<vmem_shared>>
      tpu.wait_dma2 semaphore(%run_scoped3A : memref<!tpu.dma_semaphore, #tpu.memory_space<semaphore_mem>>) src(%arg16 : memref<64x128xf32, #tpu.memory_space<vmem>>) dst(%dma_wait3A_127 : memref<64x128xf32, #tpu.memory_space<vmem_shared>>)
      tpu.yield
    }) : () -> ()
    %add3A_18 = arith.constant 128 : i32
    %add3A_19 = arith.addi %mul3A_13, %add3A_18 : i32
    "tpu.region"() ({
      %run_scoped3A = tpu.sem_alloc : memref<!tpu.dma_semaphore, #tpu.memory_space<semaphore_mem>>
      %dma_start3A_120 = arith.constant 0 : i32
      %dma_start3A_121 = tpu.memref_slice %arg18[%add3A_19, %dma_start3A_120] : memref<10240x128xf32, #tpu.memory_space<vmem_shared>> -> memref<64x128xf32, #tpu.memory_space<vmem_shared>>
      %dma_start3A_122 = arith.constant 0 : i32
      %dma_start3A_123 = tpu.memref_slice %arg18[%add3A_19, %dma_start3A_122] : memref<10240x128xf32, #tpu.memory_space<vmem_shared>> -> memref<64x128xf32, #tpu.memory_space<vmem_shared>>
      tpu.enqueue_dma source(%arg16 : memref<64x128xf32, #tpu.memory_space<vmem>>) target(%dma_start3A_123 : memref<64x128xf32, #tpu.memory_space<vmem_shared>>) target_semaphore(%run_scoped3A : memref<!tpu.dma_semaphore, #tpu.memory_space<semaphore_mem>>)
      %dma_wait3A_124 = arith.constant 0 : i32
      %dma_wait3A_125 = tpu.memref_slice %arg18[%add3A_19, %dma_wait3A_124] : memref<10240x128xf32, #tpu.memory_space<vmem_shared>> -> memref<64x128xf32, #tpu.memory_space<vmem_shared>>
      %dma_wait3A_126 = arith.constant 0 : i32
      %dma_wait3A_127 = tpu.memref_slice %arg18[%add3A_19, %dma_wait3A_126] : memref<10240x128xf32, #tpu.memory_space<vmem_shared>> -> memref<64x128xf32, #tpu.memory_space<vmem_shared>>
      tpu.wait_dma2 semaphore(%run_scoped3A : memref<!tpu.dma_semaphore, #tpu.memory_space<semaphore_mem>>) src(%arg16 : memref<64x128xf32, #tpu.memory_space<vmem>>) dst(%dma_wait3A_127 : memref<64x128xf32, #tpu.memory_space<vmem_shared>>)
      tpu.yield
    }) : () -> ()
    %add3A_20 = arith.constant 192 : i32
    %add3A_21 = arith.addi %mul3A_13, %add3A_20 : i32
    "tpu.region"() ({
      %run_scoped3A = tpu.sem_alloc : memref<!tpu.dma_semaphore, #tpu.memory_space<semaphore_mem>>
      %dma_start3A_120 = arith.constant 0 : i32
      %dma_start3A_121 = tpu.memref_slice %arg18[%add3A_21, %dma_start3A_120] : memref<10240x128xf32, #tpu.memory_space<vmem_shared>> -> memref<64x128xf32, #tpu.memory_space<vmem_shared>>
      %dma_start3A_122 = arith.constant 0 : i32
      %dma_start3A_123 = tpu.memref_slice %arg18[%add3A_21, %dma_start3A_122] : memref<10240x128xf32, #tpu.memory_space<vmem_shared>> -> memref<64x128xf32, #tpu.memory_space<vmem_shared>>
      tpu.enqueue_dma source(%arg16 : memref<64x128xf32, #tpu.memory_space<vmem>>) target(%dma_start3A_123 : memref<64x128xf32, #tpu.memory_space<vmem_shared>>) target_semaphore(%run_scoped3A : memref<!tpu.dma_semaphore, #tpu.memory_space<semaphore_mem>>)
      %dma_wait3A_124 = arith.constant 0 : i32
      %dma_wait3A_125 = tpu.memref_slice %arg18[%add3A_21, %dma_wait3A_124] : memref<10240x128xf32, #tpu.memory_space<vmem_shared>> -> memref<64x128xf32, #tpu.memory_space<vmem_shared>>
      %dma_wait3A_126 = arith.constant 0 : i32
      %dma_wait3A_127 = tpu.memref_slice %arg18[%add3A_21, %dma_wait3A_126] : memref<10240x128xf32, #tpu.memory_space<vmem_shared>> -> memref<64x128xf32, #tpu.memory_space<vmem_shared>>
      tpu.wait_dma2 semaphore(%run_scoped3A : memref<!tpu.dma_semaphore, #tpu.memory_space<semaphore_mem>>) src(%arg16 : memref<64x128xf32, #tpu.memory_space<vmem>>) dst(%dma_wait3A_127 : memref<64x128xf32, #tpu.memory_space<vmem_shared>>)
      tpu.yield
    }) : () -> ()
    %add3A_22 = arith.constant 256 : i32
    %add3A_23 = arith.addi %mul3A_13, %add3A_22 : i32
    "tpu.region"() ({
      %run_scoped3A = tpu.sem_alloc : memref<!tpu.dma_semaphore, #tpu.memory_space<semaphore_mem>>
      %dma_start3A_120 = arith.constant 0 : i32
      %dma_start3A_121 = tpu.memref_slice %arg18[%add3A_23, %dma_start3A_120] : memref<10240x128xf32, #tpu.memory_space<vmem_shared>> -> memref<64x128xf32, #tpu.memory_space<vmem_shared>>
      %dma_start3A_122 = arith.constant 0 : i32
      %dma_start3A_123 = tpu.memref_slice %arg18[%add3A_23, %dma_start3A_122] : memref<10240x128xf32, #tpu.memory_space<vmem_shared>> -> memref<64x128xf32, #tpu.memory_space<vmem_shared>>
      tpu.enqueue_dma source(%arg16 : memref<64x128xf32, #tpu.memory_space<vmem>>) target(%dma_start3A_123 : memref<64x128xf32, #tpu.memory_space<vmem_shared>>) target_semaphore(%run_scoped3A : memref<!tpu.dma_semaphore, #tpu.memory_space<semaphore_mem>>)
      %dma_wait3A_124 = arith.constant 0 : i32
      %dma_wait3A_125 = tpu.memref_slice %arg18[%add3A_23, %dma_wait3A_124] : memref<10240x128xf32, #tpu.memory_space<vmem_shared>> -> memref<64x128xf32, #tpu.memory_space<vmem_shared>>
      %dma_wait3A_126 = arith.constant 0 : i32
      %dma_wait3A_127 = tpu.memref_slice %arg18[%add3A_23, %dma_wait3A_126] : memref<10240x128xf32, #tpu.memory_space<vmem_shared>> -> memref<64x128xf32, #tpu.memory_space<vmem_shared>>
      tpu.wait_dma2 semaphore(%run_scoped3A : memref<!tpu.dma_semaphore, #tpu.memory_space<semaphore_mem>>) src(%arg16 : memref<64x128xf32, #tpu.memory_space<vmem>>) dst(%dma_wait3A_127 : memref<64x128xf32, #tpu.memory_space<vmem_shared>>)
      tpu.yield
    }) : () -> ()
    %add3A_24 = arith.constant 320 : i32
    %add3A_25 = arith.addi %mul3A_13, %add3A_24 : i32
    "tpu.region"() ({
      %run_scoped3A = tpu.sem_alloc : memref<!tpu.dma_semaphore, #tpu.memory_space<semaphore_mem>>
      %dma_start3A_120 = arith.constant 0 : i32
      %dma_start3A_121 = tpu.memref_slice %arg18[%add3A_25, %dma_start3A_120] : memref<10240x128xf32, #tpu.memory_space<vmem_shared>> -> memref<64x128xf32, #tpu.memory_space<vmem_shared>>
      %dma_start3A_122 = arith.constant 0 : i32
      %dma_start3A_123 = tpu.memref_slice %arg18[%add3A_25, %dma_start3A_122] : memref<10240x128xf32, #tpu.memory_space<vmem_shared>> -> memref<64x128xf32, #tpu.memory_space<vmem_shared>>
      tpu.enqueue_dma source(%arg16 : memref<64x128xf32, #tpu.memory_space<vmem>>) target(%dma_start3A_123 : memref<64x128xf32, #tpu.memory_space<vmem_shared>>) target_semaphore(%run_scoped3A : memref<!tpu.dma_semaphore, #tpu.memory_space<semaphore_mem>>)
      %dma_wait3A_124 = arith.constant 0 : i32
      %dma_wait3A_125 = tpu.memref_slice %arg18[%add3A_25, %dma_wait3A_124] : memref<10240x128xf32, #tpu.memory_space<vmem_shared>> -> memref<64x128xf32, #tpu.memory_space<vmem_shared>>
      %dma_wait3A_126 = arith.constant 0 : i32
      %dma_wait3A_127 = tpu.memref_slice %arg18[%add3A_25, %dma_wait3A_126] : memref<10240x128xf32, #tpu.memory_space<vmem_shared>> -> memref<64x128xf32, #tpu.memory_space<vmem_shared>>
      tpu.wait_dma2 semaphore(%run_scoped3A : memref<!tpu.dma_semaphore, #tpu.memory_space<semaphore_mem>>) src(%arg16 : memref<64x128xf32, #tpu.memory_space<vmem>>) dst(%dma_wait3A_127 : memref<64x128xf32, #tpu.memory_space<vmem_shared>>)
      tpu.yield
    }) : () -> ()
    %add3A_26 = arith.constant 384 : i32
    %add3A_27 = arith.addi %mul3A_13, %add3A_26 : i32
    "tpu.region"() ({
      %run_scoped3A = tpu.sem_alloc : memref<!tpu.dma_semaphore, #tpu.memory_space<semaphore_mem>>
      %dma_start3A_120 = arith.constant 0 : i32
      %dma_start3A_121 = tpu.memref_slice %arg18[%add3A_27, %dma_start3A_120] : memref<10240x128xf32, #tpu.memory_space<vmem_shared>> -> memref<64x128xf32, #tpu.memory_space<vmem_shared>>
      %dma_start3A_122 = arith.constant 0 : i32
      %dma_start3A_123 = tpu.memref_slice %arg18[%add3A_27, %dma_start3A_122] : memref<10240x128xf32, #tpu.memory_space<vmem_shared>> -> memref<64x128xf32, #tpu.memory_space<vmem_shared>>
      tpu.enqueue_dma source(%arg16 : memref<64x128xf32, #tpu.memory_space<vmem>>) target(%dma_start3A_123 : memref<64x128xf32, #tpu.memory_space<vmem_shared>>) target_semaphore(%run_scoped3A : memref<!tpu.dma_semaphore, #tpu.memory_space<semaphore_mem>>)
      %dma_wait3A_124 = arith.constant 0 : i32
      %dma_wait3A_125 = tpu.memref_slice %arg18[%add3A_27, %dma_wait3A_124] : memref<10240x128xf32, #tpu.memory_space<vmem_shared>> -> memref<64x128xf32, #tpu.memory_space<vmem_shared>>
      %dma_wait3A_126 = arith.constant 0 : i32
      %dma_wait3A_127 = tpu.memref_slice %arg18[%add3A_27, %dma_wait3A_126] : memref<10240x128xf32, #tpu.memory_space<vmem_shared>> -> memref<64x128xf32, #tpu.memory_space<vmem_shared>>
      tpu.wait_dma2 semaphore(%run_scoped3A : memref<!tpu.dma_semaphore, #tpu.memory_space<semaphore_mem>>) src(%arg16 : memref<64x128xf32, #tpu.memory_space<vmem>>) dst(%dma_wait3A_127 : memref<64x128xf32, #tpu.memory_space<vmem_shared>>)
      tpu.yield
    }) : () -> ()
    %add3A_28 = arith.constant 448 : i32
    %add3A_29 = arith.addi %mul3A_13, %add3A_28 : i32
    "tpu.region"() ({
      %run_scoped3A = tpu.sem_alloc : memref<!tpu.dma_semaphore, #tpu.memory_space<semaphore_mem>>
      %dma_start3A_120 = arith.constant 0 : i32
      %dma_start3A_121 = tpu.memref_slice %arg18[%add3A_29, %dma_start3A_120] : memref<10240x128xf32, #tpu.memory_space<vmem_shared>> -> memref<64x128xf32, #tpu.memory_space<vmem_shared>>
      %dma_start3A_122 = arith.constant 0 : i32
      %dma_start3A_123 = tpu.memref_slice %arg18[%add3A_29, %dma_start3A_122] : memref<10240x128xf32, #tpu.memory_space<vmem_shared>> -> memref<64x128xf32, #tpu.memory_space<vmem_shared>>
      tpu.enqueue_dma source(%arg16 : memref<64x128xf32, #tpu.memory_space<vmem>>) target(%dma_start3A_123 : memref<64x128xf32, #tpu.memory_space<vmem_shared>>) target_semaphore(%run_scoped3A : memref<!tpu.dma_semaphore, #tpu.memory_space<semaphore_mem>>)
      %dma_wait3A_124 = arith.constant 0 : i32
      %dma_wait3A_125 = tpu.memref_slice %arg18[%add3A_29, %dma_wait3A_124] : memref<10240x128xf32, #tpu.memory_space<vmem_shared>> -> memref<64x128xf32, #tpu.memory_space<vmem_shared>>
      %dma_wait3A_126 = arith.constant 0 : i32
      %dma_wait3A_127 = tpu.memref_slice %arg18[%add3A_29, %dma_wait3A_126] : memref<10240x128xf32, #tpu.memory_space<vmem_shared>> -> memref<64x128xf32, #tpu.memory_space<vmem_shared>>
      tpu.wait_dma2 semaphore(%run_scoped3A : memref<!tpu.dma_semaphore, #tpu.memory_space<semaphore_mem>>) src(%arg16 : memref<64x128xf32, #tpu.memory_space<vmem>>) dst(%dma_wait3A_127 : memref<64x128xf32, #tpu.memory_space<vmem_shared>>)
      tpu.yield
    }) : () -> ()
    %add3A_30 = arith.constant 512 : i32
    %add3A_31 = arith.addi %mul3A_13, %add3A_30 : i32
    "tpu.region"() ({
      %run_scoped3A = tpu.sem_alloc : memref<!tpu.dma_semaphore, #tpu.memory_space<semaphore_mem>>
      %dma_start3A_120 = arith.constant 0 : i32
      %dma_start3A_121 = tpu.memref_slice %arg18[%add3A_31, %dma_start3A_120] : memref<10240x128xf32, #tpu.memory_space<vmem_shared>> -> memref<64x128xf32, #tpu.memory_space<vmem_shared>>
      %dma_start3A_122 = arith.constant 0 : i32
      %dma_start3A_123 = tpu.memref_slice %arg18[%add3A_31, %dma_start3A_122] : memref<10240x128xf32, #tpu.memory_space<vmem_shared>> -> memref<64x128xf32, #tpu.memory_space<vmem_shared>>
      tpu.enqueue_dma source(%arg16 : memref<64x128xf32, #tpu.memory_space<vmem>>) target(%dma_start3A_123 : memref<64x128xf32, #tpu.memory_space<vmem_shared>>) target_semaphore(%run_scoped3A : memref<!tpu.dma_semaphore, #tpu.memory_space<semaphore_mem>>)
      %dma_wait3A_124 = arith.constant 0 : i32
      %dma_wait3A_125 = tpu.memref_slice %arg18[%add3A_31, %dma_wait3A_124] : memref<10240x128xf32, #tpu.memory_space<vmem_shared>> -> memref<64x128xf32, #tpu.memory_space<vmem_shared>>
      %dma_wait3A_126 = arith.constant 0 : i32
      %dma_wait3A_127 = tpu.memref_slice %arg18[%add3A_31, %dma_wait3A_126] : memref<10240x128xf32, #tpu.memory_space<vmem_shared>> -> memref<64x128xf32, #tpu.memory_space<vmem_shared>>
      tpu.wait_dma2 semaphore(%run_scoped3A : memref<!tpu.dma_semaphore, #tpu.memory_space<semaphore_mem>>) src(%arg16 : memref<64x128xf32, #tpu.memory_space<vmem>>) dst(%dma_wait3A_127 : memref<64x128xf32, #tpu.memory_space<vmem_shared>>)
      tpu.yield
    }) : () -> ()
    %add3A_32 = arith.constant 576 : i32
    %add3A_33 = arith.addi %mul3A_13, %add3A_32 : i32
    "tpu.region"() ({
      %run_scoped3A = tpu.sem_alloc : memref<!tpu.dma_semaphore, #tpu.memory_space<semaphore_mem>>
      %dma_start3A_120 = arith.constant 0 : i32
      %dma_start3A_121 = tpu.memref_slice %arg18[%add3A_33, %dma_start3A_120] : memref<10240x128xf32, #tpu.memory_space<vmem_shared>> -> memref<64x128xf32, #tpu.memory_space<vmem_shared>>
      %dma_start3A_122 = arith.constant 0 : i32
      %dma_start3A_123 = tpu.memref_slice %arg18[%add3A_33, %dma_start3A_122] : memref<10240x128xf32, #tpu.memory_space<vmem_shared>> -> memref<64x128xf32, #tpu.memory_space<vmem_shared>>
      tpu.enqueue_dma source(%arg16 : memref<64x128xf32, #tpu.memory_space<vmem>>) target(%dma_start3A_123 : memref<64x128xf32, #tpu.memory_space<vmem_shared>>) target_semaphore(%run_scoped3A : memref<!tpu.dma_semaphore, #tpu.memory_space<semaphore_mem>>)
      %dma_wait3A_124 = arith.constant 0 : i32
      %dma_wait3A_125 = tpu.memref_slice %arg18[%add3A_33, %dma_wait3A_124] : memref<10240x128xf32, #tpu.memory_space<vmem_shared>> -> memref<64x128xf32, #tpu.memory_space<vmem_shared>>
      %dma_wait3A_126 = arith.constant 0 : i32
      %dma_wait3A_127 = tpu.memref_slice %arg18[%add3A_33, %dma_wait3A_126] : memref<10240x128xf32, #tpu.memory_space<vmem_shared>> -> memref<64x128xf32, #tpu.memory_space<vmem_shared>>
      tpu.wait_dma2 semaphore(%run_scoped3A : memref<!tpu.dma_semaphore, #tpu.memory_space<semaphore_mem>>) src(%arg16 : memref<64x128xf32, #tpu.memory_space<vmem>>) dst(%dma_wait3A_127 : memref<64x128xf32, #tpu.memory_space<vmem_shared>>)
      tpu.yield
    }) : () -> ()
    %barrier3A = arith.constant 0 : index
    tpu.barrier barrier_id(%barrier3A)
    %eq3A = arith.constant 0 : i32
    %eq3A_34 = arith.cmpi eq, %arg0, %eq3A : i32
    %jit3A = arith.constant 112 : i32
    %jit3A_35 = arith.constant 56 : i32
    %select_n3A = arith.select %eq3A_34, %jit3A, %jit3A_35 : i32
    %eq3A_36 = arith.constant 0 : i32
    %eq3A_37 = arith.cmpi eq, %arg0, %eq3A_36 : i32
    %mul3A_38 = arith.constant 112 : i32
    %mul3A_39 = arith.muli %arg1, %mul3A_38 : i32
    %mul3A_40 = arith.constant 56 : i32
    %mul3A_41 = arith.muli %arg1, %mul3A_40 : i32
    %add3A_42 = arith.constant 1792 : i32
    %add3A_43 = arith.addi %add3A_42, %mul3A_41 : i32
    %select_n3A_44 = arith.select %eq3A_37, %mul3A_39, %add3A_43 : i32
    %mul3A_45 = arith.constant 64 : i32
    %mul3A_46 = arith.muli %select_n3A_44, %mul3A_45 : i32
    %dma_start3A = arith.constant 0 : i32
    %dma_start3A_47 = arith.constant 0 : i32
    %dma_start3A_48 = tpu.memref_slice %arg2[%select_n3A_44, %dma_start3A, %dma_start3A_47] : memref<2688x2x64xi32, #tpu.memory_space<hbm>> -> memref<1x2x64xi32, #tpu.memory_space<hbm>>
    %dma_start3A_49 = tpu.memref_squeeze %dma_start3A_48 : memref<1x2x64xi32, #tpu.memory_space<hbm>> -> memref<2x64xi32, #tpu.memory_space<hbm>>
    %dma_start3A_50 = arith.constant 0 : i32
    %dma_start3A_51 = arith.constant 0 : i32
    %dma_start3A_52 = tpu.memref_slice %arg2[%select_n3A_44, %dma_start3A_50, %dma_start3A_51] : memref<2688x2x64xi32, #tpu.memory_space<hbm>> -> memref<1x2x64xi32, #tpu.memory_space<hbm>>
    %dma_start3A_53 = tpu.memref_squeeze %dma_start3A_52 : memref<1x2x64xi32, #tpu.memory_space<hbm>> -> memref<2x64xi32, #tpu.memory_space<hbm>>
    tpu.enqueue_dma source(%dma_start3A_53 : memref<2x64xi32, #tpu.memory_space<hbm>>) target(%arg12 : memref<2x64xi32, #tpu.memory_space<vmem>>) target_semaphore(%arg19 : memref<!tpu.dma_semaphore, #tpu.memory_space<semaphore_mem>>)
    %dma_wait3A = arith.constant 0 : i32
    %dma_wait3A_54 = arith.constant 0 : i32
    %dma_wait3A_55 = tpu.memref_slice %arg2[%select_n3A_44, %dma_wait3A, %dma_wait3A_54] : memref<2688x2x64xi32, #tpu.memory_space<hbm>> -> memref<1x2x64xi32, #tpu.memory_space<hbm>>
    %dma_wait3A_56 = tpu.memref_squeeze %dma_wait3A_55 : memref<1x2x64xi32, #tpu.memory_space<hbm>> -> memref<2x64xi32, #tpu.memory_space<hbm>>
    %dma_wait3A_57 = arith.constant 0 : i32
    %dma_wait3A_58 = arith.constant 0 : i32
    %dma_wait3A_59 = tpu.memref_slice %arg2[%select_n3A_44, %dma_wait3A_57, %dma_wait3A_58] : memref<2688x2x64xi32, #tpu.memory_space<hbm>> -> memref<1x2x64xi32, #tpu.memory_space<hbm>>
    %dma_wait3A_60 = tpu.memref_squeeze %dma_wait3A_59 : memref<1x2x64xi32, #tpu.memory_space<hbm>> -> memref<2x64xi32, #tpu.memory_space<hbm>>
    tpu.wait_dma2 semaphore(%arg19 : memref<!tpu.dma_semaphore, #tpu.memory_space<semaphore_mem>>) src(%dma_wait3A_60 : memref<2x64xi32, #tpu.memory_space<hbm>>) dst(%arg12 : memref<2x64xi32, #tpu.memory_space<vmem>>)
    %add3A_61 = arith.constant 1 : i32
    %add3A_62 = arith.addi %select_n3A_44, %add3A_61 : i32
    %dma_start3A_63 = arith.constant 0 : i32
    %dma_start3A_64 = arith.constant 0 : i32
    %dma_start3A_65 = tpu.memref_slice %arg2[%add3A_62, %dma_start3A_63, %dma_start3A_64] : memref<2688x2x64xi32, #tpu.memory_space<hbm>> -> memref<1x2x64xi32, #tpu.memory_space<hbm>>
    %dma_start3A_66 = tpu.memref_squeeze %dma_start3A_65 : memref<1x2x64xi32, #tpu.memory_space<hbm>> -> memref<2x64xi32, #tpu.memory_space<hbm>>
    %dma_start3A_67 = arith.constant 0 : i32
    %dma_start3A_68 = arith.constant 0 : i32
    %dma_start3A_69 = tpu.memref_slice %arg2[%add3A_62, %dma_start3A_67, %dma_start3A_68] : memref<2688x2x64xi32, #tpu.memory_space<hbm>> -> memref<1x2x64xi32, #tpu.memory_space<hbm>>
    %dma_start3A_70 = tpu.memref_squeeze %dma_start3A_69 : memref<1x2x64xi32, #tpu.memory_space<hbm>> -> memref<2x64xi32, #tpu.memory_space<hbm>>
    tpu.enqueue_dma source(%dma_start3A_70 : memref<2x64xi32, #tpu.memory_space<hbm>>) target(%arg13 : memref<2x64xi32, #tpu.memory_space<vmem>>) target_semaphore(%arg20 : memref<!tpu.dma_semaphore, #tpu.memory_space<semaphore_mem>>)
    %dma_start3A_71 = arith.constant 0 : i32
    %dma_start3A_72 = arith.constant 0 : i32
    %dma_start3A_73 = tpu.memref_slice %arg12[%dma_start3A_71, %dma_start3A_72] : memref<2x64xi32, #tpu.memory_space<vmem>> -> memref<1x64xi32, #tpu.memory_space<vmem>>
    %dma_start3A_74 = tpu.memref_squeeze %dma_start3A_73 : memref<1x64xi32, #tpu.memory_space<vmem>> -> memref<64xi32, #tpu.memory_space<vmem>>
    %dma_start3A_75 = arith.constant 0 : i32
    %dma_start3A_76 = arith.constant 0 : i32
    %dma_start3A_77 = tpu.memref_slice %arg6[%dma_start3A_75, %dma_start3A_76] : memref<10000x128xf32, #tpu.memory_space<hbm>> -> memref<10000x128xf32, #tpu.memory_space<hbm>>
    tpu.enqueue_indirect_dma source(%dma_start3A_77 : memref<10000x128xf32, #tpu.memory_space<hbm>>) target(%arg16 : memref<64x128xf32, #tpu.memory_space<vmem>>) offsets(%dma_start3A_74 : memref<64xi32, #tpu.memory_space<vmem>>) semaphore(%arg21 : memref<!tpu.dma_semaphore, #tpu.memory_space<semaphore_mem>>)
    %jit3A_78 = arith.constant 2 : i32
    %div3A = arith.divsi %select_n3A, %jit3A_78 : i32
    %sign3A = arith.constant 0 : i32
    %sign3A_79 = arith.cmpi sgt, %select_n3A, %sign3A : i32
    %sign3A_80 = arith.extui %sign3A_79 : i1 to i32
    %sign3A_81 = arith.constant 0 : i32
    %sign3A_82 = arith.cmpi slt, %select_n3A, %sign3A_81 : i32
    %sign3A_83 = arith.extui %sign3A_82 : i1 to i32
    %sign3A_84 = arith.subi %sign3A_80, %sign3A_83 : i32
    %sign3A_85 = arith.constant 0 : i32
    %sign3A_86 = arith.cmpi sgt, %jit3A_78, %sign3A_85 : i32
    %sign3A_87 = arith.extui %sign3A_86 : i1 to i32
    %sign3A_88 = arith.constant 0 : i32
    %sign3A_89 = arith.cmpi slt, %jit3A_78, %sign3A_88 : i32
    %sign3A_90 = arith.extui %sign3A_89 : i1 to i32
    %sign3A_91 = arith.subi %sign3A_87, %sign3A_90 : i32
    %ne3A = arith.cmpi ne, %sign3A_84, %sign3A_91 : i32
    %rem3A = arith.remsi %select_n3A, %jit3A_78 : i32
    %ne3A_92 = arith.constant 0 : i32
    %ne3A_93 = arith.cmpi ne, %rem3A, %ne3A_92 : i32
    %and3A = arith.andi %ne3A, %ne3A_93 : i1
    %sub3A = arith.constant 1 : i32
    %sub3A_94 = arith.subi %div3A, %sub3A : i32
    %select_n3A_95 = arith.select %and3A, %sub3A_94, %div3A : i32
    %while3A = arith.constant 0 : i32
    %while3A_96 = arith.constant 0 : i32
    %while3A_97 = arith.subi %select_n3A_95, %while3A_96 : i32
    %while3A_98 = arith.addi %while3A_96, %while3A_97 : i32
    %while3A_99 = arith.constant 1 : i32
    %while3A_100 = arith.divsi %while3A_97, %while3A_99 : i32
    %while3A_101 = arith.muli %while3A_100, %while3A_99 : i32
    %while3A_102 = arith.addi %while3A_96, %while3A_101 : i32
    %while3A_103 = arith.constant 1 : i32
    scf.for %while3A_120 = %while3A_96 to %while3A_102 step %while3A_103  : i32 {
      %mul3A_121 = arith.constant 2 : i32
      %mul3A_122 = arith.muli %mul3A_121, %while3A_120 : i32
      %add3A_123 = arith.constant 1 : i32
      %add3A_124 = arith.addi %mul3A_122, %add3A_123 : i32
      %lt3A = arith.cmpi slt, %add3A_124, %select_n3A : i32
      %convert_element_type3A = arith.extui %lt3A : i1 to i32
      %cond3A = arith.constant 0 : i32
      %cond3A_125 = arith.cmpi ne, %convert_element_type3A, %cond3A : i32
      scf.if %cond3A_125 {
        %add3A_206 = arith.addi %select_n3A_44, %mul3A_122 : i32
        %add3A_207 = arith.constant 1 : i32
        %add3A_208 = arith.addi %add3A_206, %add3A_207 : i32
        %dma_wait3A_209 = arith.constant 0 : i32
        %dma_wait3A_210 = arith.constant 0 : i32
        %dma_wait3A_211 = tpu.memref_slice %arg2[%add3A_208, %dma_wait3A_209, %dma_wait3A_210] : memref<2688x2x64xi32, #tpu.memory_space<hbm>> -> memref<1x2x64xi32, #tpu.memory_space<hbm>>
        %dma_wait3A_212 = tpu.memref_squeeze %dma_wait3A_211 : memref<1x2x64xi32, #tpu.memory_space<hbm>> -> memref<2x64xi32, #tpu.memory_space<hbm>>
        %dma_wait3A_213 = arith.constant 0 : i32
        %dma_wait3A_214 = arith.constant 0 : i32
        %dma_wait3A_215 = tpu.memref_slice %arg2[%add3A_208, %dma_wait3A_213, %dma_wait3A_214] : memref<2688x2x64xi32, #tpu.memory_space<hbm>> -> memref<1x2x64xi32, #tpu.memory_space<hbm>>
        %dma_wait3A_216 = tpu.memref_squeeze %dma_wait3A_215 : memref<1x2x64xi32, #tpu.memory_space<hbm>> -> memref<2x64xi32, #tpu.memory_space<hbm>>
        tpu.wait_dma2 semaphore(%arg20 : memref<!tpu.dma_semaphore, #tpu.memory_space<semaphore_mem>>) src(%dma_wait3A_216 : memref<2x64xi32, #tpu.memory_space<hbm>>) dst(%arg13 : memref<2x64xi32, #tpu.memory_space<vmem>>)
        %ge3A = arith.constant 1 : i32
        %ge3A_217 = arith.cmpi sge, %mul3A_122, %ge3A : i32
        %convert_element_type3A_218 = arith.extui %ge3A_217 : i1 to i32
        %cond3A_219 = arith.constant 0 : i32
        %cond3A_220 = arith.cmpi ne, %convert_element_type3A_218, %cond3A_219 : i32
        scf.if %cond3A_220 {
          %dma_wait3A_228 = arith.constant 1 : i32
          %dma_wait3A_229 = arith.constant 0 : i32
          %dma_wait3A_230 = tpu.memref_slice %arg13[%dma_wait3A_228, %dma_wait3A_229] : memref<2x64xi32, #tpu.memory_space<vmem>> -> memref<1x64xi32, #tpu.memory_space<vmem>>
          %dma_wait3A_231 = tpu.memref_squeeze %dma_wait3A_230 : memref<1x64xi32, #tpu.memory_space<vmem>> -> memref<64xi32, #tpu.memory_space<vmem>>
          %dma_wait3A_232 = arith.constant 0 : i32
          %dma_wait3A_233 = arith.constant 0 : i32
          %dma_wait3A_234 = tpu.memref_slice %arg18[%dma_wait3A_232, %dma_wait3A_233] : memref<10240x128xf32, #tpu.memory_space<vmem_shared>> -> memref<10240x128xf32, #tpu.memory_space<vmem_shared>>
          tpu.wait_indirect_dma semaphore(%arg24 : memref<!tpu.dma_semaphore, #tpu.memory_space<semaphore_mem>>) src(%arg17 : memref<64x128xf32, #tpu.memory_space<vmem>>) dst(%dma_wait3A_234 : memref<10240x128xf32, #tpu.memory_space<vmem_shared>>)
        } else {
        }
        %dma_start3A_221 = arith.constant 0 : i32
        %dma_start3A_222 = arith.constant 0 : i32
        %dma_start3A_223 = tpu.memref_slice %arg13[%dma_start3A_221, %dma_start3A_222] : memref<2x64xi32, #tpu.memory_space<vmem>> -> memref<1x64xi32, #tpu.memory_space<vmem>>
        %dma_start3A_224 = tpu.memref_squeeze %dma_start3A_223 : memref<1x64xi32, #tpu.memory_space<vmem>> -> memref<64xi32, #tpu.memory_space<vmem>>
        %dma_start3A_225 = arith.constant 0 : i32
        %dma_start3A_226 = arith.constant 0 : i32
        %dma_start3A_227 = tpu.memref_slice %arg6[%dma_start3A_225, %dma_start3A_226] : memref<10000x128xf32, #tpu.memory_space<hbm>> -> memref<10000x128xf32, #tpu.memory_space<hbm>>
        tpu.enqueue_indirect_dma source(%dma_start3A_227 : memref<10000x128xf32, #tpu.memory_space<hbm>>) target(%arg17 : memref<64x128xf32, #tpu.memory_space<vmem>>) offsets(%dma_start3A_224 : memref<64xi32, #tpu.memory_space<vmem>>) semaphore(%arg22 : memref<!tpu.dma_semaphore, #tpu.memory_space<semaphore_mem>>)
      } else {
      }
      %mul3A_126 = arith.constant 64 : i32
      %mul3A_127 = arith.muli %mul3A_122, %mul3A_126 : i32
      %add3A_128 = arith.addi %mul3A_46, %mul3A_127 : i32
      %scan3A_129 = arith.constant 0 : i32
      %scan3A_130 = arith.constant 0 : i32
      %scan3A_131 = arith.constant 4 : i32
      %scan3A_132 = arith.addi %scan3A_130, %scan3A_131 : i32
      %scan3A_133 = arith.constant 1 : i32
      scf.for %scan3A_206 = %scan3A_130 to %scan3A_132 step %scan3A_133  : i32 {
        %mul3A_207 = arith.constant 16 : i32
        %mul3A_208 = arith.muli %scan3A_206, %mul3A_207 : i32
        %get3A = arith.constant 0 : i32
        %get3A_209 = arith.index_cast %get3A : i32 to index
        %get3A_210 = arith.index_cast %mul3A_208 : i32 to index
        %get3A_211 = tpu.vector_load %arg12[%get3A_209, %get3A_210] {strides = array<i32>} : memref<2x64xi32, #tpu.memory_space<vmem>>, vector<16xi32>,
        %mul3A_212 = arith.constant 16 : i32
        %mul3A_213 = arith.muli %scan3A_206, %mul3A_212 : i32
        %get3A_214 = arith.constant 1 : i32
        %get3A_215 = arith.index_cast %get3A_214 : i32 to index
        %get3A_216 = arith.index_cast %mul3A_213 : i32 to index
        %get3A_217 = tpu.vector_load %arg12[%get3A_215, %get3A_216] {strides = array<i32>} : memref<2x64xi32, #tpu.memory_space<vmem>>, vector<16xi32>,
        %gather3A = tpu.vector_load_idx %arg9[%get3A_211] : memref<10000xf32, #tpu.memory_space<vmem>>[vector<16xi32>], vector<16xf32>,
        %gather3A_218 = tpu.vector_load_idx %arg10[%get3A_217] : memref<10000xf32, #tpu.memory_space<vmem>>[vector<16xi32>], vector<16xf32>,
        %add3A_219 = arith.addf %gather3A, %gather3A_218 : vector<16xf32>
        %mul3A_220 = arith.constant 2.000000e-01 : f32
        %mul3A_221 = vector.broadcast %mul3A_220 : f32 to vector<16xf32>
        %mul3A_222 = arith.mulf %mul3A_221, %add3A_219 : vector<16xf32>
        %max3A = arith.maximumf %add3A_219, %mul3A_222 : vector<16xf32>
        %exp3A = math.exp %max3A : vector<16xf32>
        %mul3A_223 = arith.constant 16 : i32
        %mul3A_224 = arith.muli %scan3A_206, %mul3A_223 : i32
        %add3A_225 = arith.addi %add3A_128, %mul3A_224 : i32
        %iota3A = tpu.iota {dimensions = array<i32: 0>} : vector<16xi32>
        %add3A_226 = vector.broadcast %add3A_225 : i32 to vector<16xi32>
        %add3A_227 = arith.addi %add3A_226, %iota3A : vector<16xi32>
        %lt3A_228 = arith.constant 170000 : i32
        %lt3A_229 = vector.broadcast %lt3A_228 : i32 to vector<16xi32>
        %lt3A_230 = arith.cmpi slt, %add3A_227, %lt3A_229 : vector<16xi32>
        %jit3A_231 = arith.constant 0.000000e+00 : f32
        %broadcast_in_dim3A = vector.broadcast %jit3A_231 : f32 to vector<16xf32>
        %select_n3A_232 = arith.select %lt3A_230, %exp3A, %broadcast_in_dim3A : vector<16xi1>, vector<16xf32>
        %mul3A_233 = arith.constant 16 : i32
        %mul3A_234 = arith.muli %scan3A_206, %mul3A_233 : i32
        %swap3A = arith.index_cast %mul3A_234 : i32 to index
        %swap3A_235 = tpu.vector_load %arg14[%swap3A] {strides = array<i32>} : memref<64xf32, #tpu.memory_space<vmem>>, vector<16xf32>,
        tpu.vector_store %arg14[%swap3A], %select_n3A_232 {strides = array<i32>} : memref<64xf32, #tpu.memory_space<vmem>>, vector<16xf32>,
        %scatter3A = arith.constant 0 : i32
        %scatter3A_236 = arith.constant 0 : i32
        %scatter3A_237 = tpu.memref_slice %arg11[%scatter3A, %scatter3A_236] : memref<1x10000xf32, #tpu.memory_space<vmem>> -> memref<1x10000xf32, #tpu.memory_space<vmem>>
        %scatter3A_238 = tpu.memref_squeeze %scatter3A_237 : memref<1x10000xf32, #tpu.memory_space<vmem>> -> memref<10000xf32, #tpu.memory_space<vmem>>
        tpu.vector_store_idx %scatter3A_238[%get3A_217], %select_n3A_232 {add = true} : memref<10000xf32, #tpu.memory_space<vmem>>[vector<16xi32>], vector<16xf32>,
      }
      %scan3A_134 = arith.constant 4 : i32
      %dma_wait3A_135 = arith.constant 0 : i32
      %dma_wait3A_136 = arith.constant 0 : i32
      %dma_wait3A_137 = tpu.memref_slice %arg12[%dma_wait3A_135, %dma_wait3A_136] : memref<2x64xi32, #tpu.memory_space<vmem>> -> memref<1x64xi32, #tpu.memory_space<vmem>>
      %dma_wait3A_138 = tpu.memref_squeeze %dma_wait3A_137 : memref<1x64xi32, #tpu.memory_space<vmem>> -> memref<64xi32, #tpu.memory_space<vmem>>
      %dma_wait3A_139 = arith.constant 0 : i32
      %dma_wait3A_140 = arith.constant 0 : i32
      %dma_wait3A_141 = tpu.memref_slice %arg6[%dma_wait3A_139, %dma_wait3A_140] : memref<10000x128xf32, #tpu.memory_space<hbm>> -> memref<10000x128xf32, #tpu.memory_space<hbm>>
      tpu.wait_indirect_dma semaphore(%arg21 : memref<!tpu.dma_semaphore, #tpu.memory_space<semaphore_mem>>) src(%dma_wait3A_141 : memref<10000x128xf32, #tpu.memory_space<hbm>>) dst(%arg16 : memref<64x128xf32, #tpu.memory_space<vmem>>)
      %scan3A_142 = arith.constant 0 : i32
      %scan3A_143 = arith.constant 0 : i32
      %scan3A_144 = arith.constant 32 : i32
      %scan3A_145 = arith.addi %scan3A_143, %scan3A_144 : i32
      %scan3A_146 = arith.constant 1 : i32
      scf.for %scan3A_206 = %scan3A_143 to %scan3A_145 step %scan3A_146  : i32 {
        %mul3A_207 = arith.constant 2 : i32
        %mul3A_208 = arith.muli %mul3A_207, %scan3A_206 : i32
        %add3A_209 = arith.constant 0 : i32
        %add3A_210 = arith.addi %mul3A_208, %add3A_209 : i32
        %broadcast_in_dim3A = vector.broadcast %add3A_210 : i32 to vector<16xi32>
        %gather3A = tpu.vector_load_idx %arg14[%broadcast_in_dim3A] : memref<64xf32, #tpu.memory_space<vmem>>[vector<16xi32>], vector<16xf32>,
        %get3A = arith.index_cast %add3A_210 : i32 to index
        %get3A_211 = arith.constant 0 : index
        %get3A_212 = tpu.vector_load %arg16[%get3A, %get3A_211] {strides = array<i32>} : memref<64x128xf32, #tpu.memory_space<vmem>>, vector<16xf32>,
        %mul3A_213 = arith.mulf %get3A_212, %gather3A : vector<16xf32>
        %swap3A = arith.index_cast %add3A_210 : i32 to index
        %swap3A_214 = arith.constant 0 : index
        %swap3A_215 = tpu.vector_load %arg16[%swap3A, %swap3A_214] {strides = array<i32>} : memref<64x128xf32, #tpu.memory_space<vmem>>, vector<16xf32>,
        tpu.vector_store %arg16[%swap3A, %swap3A_214], %mul3A_213 {strides = array<i32>} : memref<64x128xf32, #tpu.memory_space<vmem>>, vector<16xf32>,
        %get3A_216 = arith.index_cast %add3A_210 : i32 to index
        %get3A_217 = arith.constant 16 : index
        %get3A_218 = tpu.vector_load %arg16[%get3A_216, %get3A_217] {strides = array<i32>} : memref<64x128xf32, #tpu.memory_space<vmem>>, vector<16xf32>,
        %mul3A_219 = arith.mulf %get3A_218, %gather3A : vector<16xf32>
        %swap3A_220 = arith.index_cast %add3A_210 : i32 to index
        %swap3A_221 = arith.constant 16 : index
        %swap3A_222 = tpu.vector_load %arg16[%swap3A_220, %swap3A_221] {strides = array<i32>} : memref<64x128xf32, #tpu.memory_space<vmem>>, vector<16xf32>,
        tpu.vector_store %arg16[%swap3A_220, %swap3A_221], %mul3A_219 {strides = array<i32>} : memref<64x128xf32, #tpu.memory_space<vmem>>, vector<16xf32>,
        %get3A_223 = arith.index_cast %add3A_210 : i32 to index
        %get3A_224 = arith.constant 32 : index
        %get3A_225 = tpu.vector_load %arg16[%get3A_223, %get3A_224] {strides = array<i32>} : memref<64x128xf32, #tpu.memory_space<vmem>>, vector<16xf32>,
        %mul3A_226 = arith.mulf %get3A_225, %gather3A : vector<16xf32>
        %swap3A_227 = arith.index_cast %add3A_210 : i32 to index
        %swap3A_228 = arith.constant 32 : index
        %swap3A_229 = tpu.vector_load %arg16[%swap3A_227, %swap3A_228] {strides = array<i32>} : memref<64x128xf32, #tpu.memory_space<vmem>>, vector<16xf32>,
        tpu.vector_store %arg16[%swap3A_227, %swap3A_228], %mul3A_226 {strides = array<i32>} : memref<64x128xf32, #tpu.memory_space<vmem>>, vector<16xf32>,
        %get3A_230 = arith.index_cast %add3A_210 : i32 to index
        %get3A_231 = arith.constant 48 : index
        %get3A_232 = tpu.vector_load %arg16[%get3A_230, %get3A_231] {strides = array<i32>} : memref<64x128xf32, #tpu.memory_space<vmem>>, vector<16xf32>,
        %mul3A_233 = arith.mulf %get3A_232, %gather3A : vector<16xf32>
        %swap3A_234 = arith.index_cast %add3A_210 : i32 to index
        %swap3A_235 = arith.constant 48 : index
        %swap3A_236 = tpu.vector_load %arg16[%swap3A_234, %swap3A_235] {strides = array<i32>} : memref<64x128xf32, #tpu.memory_space<vmem>>, vector<16xf32>,
        tpu.vector_store %arg16[%swap3A_234, %swap3A_235], %mul3A_233 {strides = array<i32>} : memref<64x128xf32, #tpu.memory_space<vmem>>, vector<16xf32>,
        %get3A_237 = arith.index_cast %add3A_210 : i32 to index
        %get3A_238 = arith.constant 64 : index
        %get3A_239 = tpu.vector_load %arg16[%get3A_237, %get3A_238] {strides = array<i32>} : memref<64x128xf32, #tpu.memory_space<vmem>>, vector<16xf32>,
        %mul3A_240 = arith.mulf %get3A_239, %gather3A : vector<16xf32>
        %swap3A_241 = arith.index_cast %add3A_210 : i32 to index
        %swap3A_242 = arith.constant 64 : index
        %swap3A_243 = tpu.vector_load %arg16[%swap3A_241, %swap3A_242] {strides = array<i32>} : memref<64x128xf32, #tpu.memory_space<vmem>>, vector<16xf32>,
        tpu.vector_store %arg16[%swap3A_241, %swap3A_242], %mul3A_240 {strides = array<i32>} : memref<64x128xf32, #tpu.memory_space<vmem>>, vector<16xf32>,
        %get3A_244 = arith.index_cast %add3A_210 : i32 to index
        %get3A_245 = arith.constant 80 : index
        %get3A_246 = tpu.vector_load %arg16[%get3A_244, %get3A_245] {strides = array<i32>} : memref<64x128xf32, #tpu.memory_space<vmem>>, vector<16xf32>,
        %mul3A_247 = arith.mulf %get3A_246, %gather3A : vector<16xf32>
        %swap3A_248 = arith.index_cast %add3A_210 : i32 to index
        %swap3A_249 = arith.constant 80 : index
        %swap3A_250 = tpu.vector_load %arg16[%swap3A_248, %swap3A_249] {strides = array<i32>} : memref<64x128xf32, #tpu.memory_space<vmem>>, vector<16xf32>,
        tpu.vector_store %arg16[%swap3A_248, %swap3A_249], %mul3A_247 {strides = array<i32>} : memref<64x128xf32, #tpu.memory_space<vmem>>, vector<16xf32>,
        %get3A_251 = arith.index_cast %add3A_210 : i32 to index
        %get3A_252 = arith.constant 96 : index
        %get3A_253 = tpu.vector_load %arg16[%get3A_251, %get3A_252] {strides = array<i32>} : memref<64x128xf32, #tpu.memory_space<vmem>>, vector<16xf32>,
        %mul3A_254 = arith.mulf %get3A_253, %gather3A : vector<16xf32>
        %swap3A_255 = arith.index_cast %add3A_210 : i32 to index
        %swap3A_256 = arith.constant 96 : index
        %swap3A_257 = tpu.vector_load %arg16[%swap3A_255, %swap3A_256] {strides = array<i32>} : memref<64x128xf32, #tpu.memory_space<vmem>>, vector<16xf32>,
        tpu.vector_store %arg16[%swap3A_255, %swap3A_256], %mul3A_254 {strides = array<i32>} : memref<64x128xf32, #tpu.memory_space<vmem>>, vector<16xf32>,
        %get3A_258 = arith.index_cast %add3A_210 : i32 to index
        %get3A_259 = arith.constant 112 : index
        %get3A_260 = tpu.vector_load %arg16[%get3A_258, %get3A_259] {strides = array<i32>} : memref<64x128xf32, #tpu.memory_space<vmem>>, vector<16xf32>,
        %mul3A_261 = arith.mulf %get3A_260, %gather3A : vector<16xf32>
        %swap3A_262 = arith.index_cast %add3A_210 : i32 to index
        %swap3A_263 = arith.constant 112 : index
        %swap3A_264 = tpu.vector_load %arg16[%swap3A_262, %swap3A_263] {strides = array<i32>} : memref<64x128xf32, #tpu.memory_space<vmem>>, vector<16xf32>,
        tpu.vector_store %arg16[%swap3A_262, %swap3A_263], %mul3A_261 {strides = array<i32>} : memref<64x128xf32, #tpu.memory_space<vmem>>, vector<16xf32>,
        %mul3A_265 = arith.constant 2 : i32
        %mul3A_266 = arith.muli %mul3A_265, %scan3A_206 : i32
        %add3A_267 = arith.constant 1 : i32
        %add3A_268 = arith.addi %mul3A_266, %add3A_267 : i32
        %broadcast_in_dim3A_269 = vector.broadcast %add3A_268 : i32 to vector<16xi32>
        %gather3A_270 = tpu.vector_load_idx %arg14[%broadcast_in_dim3A_269] : memref<64xf32, #tpu.memory_space<vmem>>[vector<16xi32>], vector<16xf32>,
        %get3A_271 = arith.index_cast %add3A_268 : i32 to index
        %get3A_272 = arith.constant 0 : index
        %get3A_273 = tpu.vector_load %arg16[%get3A_271, %get3A_272] {strides = array<i32>} : memref<64x128xf32, #tpu.memory_space<vmem>>, vector<16xf32>,
        %mul3A_274 = arith.mulf %get3A_273, %gather3A_270 : vector<16xf32>
        %swap3A_275 = arith.index_cast %add3A_268 : i32 to index
        %swap3A_276 = arith.constant 0 : index
        %swap3A_277 = tpu.vector_load %arg16[%swap3A_275, %swap3A_276] {strides = array<i32>} : memref<64x128xf32, #tpu.memory_space<vmem>>, vector<16xf32>,
        tpu.vector_store %arg16[%swap3A_275, %swap3A_276], %mul3A_274 {strides = array<i32>} : memref<64x128xf32, #tpu.memory_space<vmem>>, vector<16xf32>,
        %get3A_278 = arith.index_cast %add3A_268 : i32 to index
        %get3A_279 = arith.constant 16 : index
        %get3A_280 = tpu.vector_load %arg16[%get3A_278, %get3A_279] {strides = array<i32>} : memref<64x128xf32, #tpu.memory_space<vmem>>, vector<16xf32>,
        %mul3A_281 = arith.mulf %get3A_280, %gather3A_270 : vector<16xf32>
        %swap3A_282 = arith.index_cast %add3A_268 : i32 to index
        %swap3A_283 = arith.constant 16 : index
        %swap3A_284 = tpu.vector_load %arg16[%swap3A_282, %swap3A_283] {strides = array<i32>} : memref<64x128xf32, #tpu.memory_space<vmem>>, vector<16xf32>,
        tpu.vector_store %arg16[%swap3A_282, %swap3A_283], %mul3A_281 {strides = array<i32>} : memref<64x128xf32, #tpu.memory_space<vmem>>, vector<16xf32>,
        %get3A_285 = arith.index_cast %add3A_268 : i32 to index
        %get3A_286 = arith.constant 32 : index
        %get3A_287 = tpu.vector_load %arg16[%get3A_285, %get3A_286] {strides = array<i32>} : memref<64x128xf32, #tpu.memory_space<vmem>>, vector<16xf32>,
        %mul3A_288 = arith.mulf %get3A_287, %gather3A_270 : vector<16xf32>
        %swap3A_289 = arith.index_cast %add3A_268 : i32 to index
        %swap3A_290 = arith.constant 32 : index
        %swap3A_291 = tpu.vector_load %arg16[%swap3A_289, %swap3A_290] {strides = array<i32>} : memref<64x128xf32, #tpu.memory_space<vmem>>, vector<16xf32>,
        tpu.vector_store %arg16[%swap3A_289, %swap3A_290], %mul3A_288 {strides = array<i32>} : memref<64x128xf32, #tpu.memory_space<vmem>>, vector<16xf32>,
        %get3A_292 = arith.index_cast %add3A_268 : i32 to index
        %get3A_293 = arith.constant 48 : index
        %get3A_294 = tpu.vector_load %arg16[%get3A_292, %get3A_293] {strides = array<i32>} : memref<64x128xf32, #tpu.memory_space<vmem>>, vector<16xf32>,
        %mul3A_295 = arith.mulf %get3A_294, %gather3A_270 : vector<16xf32>
        %swap3A_296 = arith.index_cast %add3A_268 : i32 to index
        %swap3A_297 = arith.constant 48 : index
        %swap3A_298 = tpu.vector_load %arg16[%swap3A_296, %swap3A_297] {strides = array<i32>} : memref<64x128xf32, #tpu.memory_space<vmem>>, vector<16xf32>,
        tpu.vector_store %arg16[%swap3A_296, %swap3A_297], %mul3A_295 {strides = array<i32>} : memref<64x128xf32, #tpu.memory_space<vmem>>, vector<16xf32>,
        %get3A_299 = arith.index_cast %add3A_268 : i32 to index
        %get3A_300 = arith.constant 64 : index
        %get3A_301 = tpu.vector_load %arg16[%get3A_299, %get3A_300] {strides = array<i32>} : memref<64x128xf32, #tpu.memory_space<vmem>>, vector<16xf32>,
        %mul3A_302 = arith.mulf %get3A_301, %gather3A_270 : vector<16xf32>
        %swap3A_303 = arith.index_cast %add3A_268 : i32 to index
        %swap3A_304 = arith.constant 64 : index
        %swap3A_305 = tpu.vector_load %arg16[%swap3A_303, %swap3A_304] {strides = array<i32>} : memref<64x128xf32, #tpu.memory_space<vmem>>, vector<16xf32>,
        tpu.vector_store %arg16[%swap3A_303, %swap3A_304], %mul3A_302 {strides = array<i32>} : memref<64x128xf32, #tpu.memory_space<vmem>>, vector<16xf32>,
        %get3A_306 = arith.index_cast %add3A_268 : i32 to index
        %get3A_307 = arith.constant 80 : index
        %get3A_308 = tpu.vector_load %arg16[%get3A_306, %get3A_307] {strides = array<i32>} : memref<64x128xf32, #tpu.memory_space<vmem>>, vector<16xf32>,
        %mul3A_309 = arith.mulf %get3A_308, %gather3A_270 : vector<16xf32>
        %swap3A_310 = arith.index_cast %add3A_268 : i32 to index
        %swap3A_311 = arith.constant 80 : index
        %swap3A_312 = tpu.vector_load %arg16[%swap3A_310, %swap3A_311] {strides = array<i32>} : memref<64x128xf32, #tpu.memory_space<vmem>>, vector<16xf32>,
        tpu.vector_store %arg16[%swap3A_310, %swap3A_311], %mul3A_309 {strides = array<i32>} : memref<64x128xf32, #tpu.memory_space<vmem>>, vector<16xf32>,
        %get3A_313 = arith.index_cast %add3A_268 : i32 to index
        %get3A_314 = arith.constant 96 : index
        %get3A_315 = tpu.vector_load %arg16[%get3A_313, %get3A_314] {strides = array<i32>} : memref<64x128xf32, #tpu.memory_space<vmem>>, vector<16xf32>,
        %mul3A_316 = arith.mulf %get3A_315, %gather3A_270 : vector<16xf32>
        %swap3A_317 = arith.index_cast %add3A_268 : i32 to index
        %swap3A_318 = arith.constant 96 : index
        %swap3A_319 = tpu.vector_load %arg16[%swap3A_317, %swap3A_318] {strides = array<i32>} : memref<64x128xf32, #tpu.memory_space<vmem>>, vector<16xf32>,
        tpu.vector_store %arg16[%swap3A_317, %swap3A_318], %mul3A_316 {strides = array<i32>} : memref<64x128xf32, #tpu.memory_space<vmem>>, vector<16xf32>,
        %get3A_320 = arith.index_cast %add3A_268 : i32 to index
        %get3A_321 = arith.constant 112 : index
        %get3A_322 = tpu.vector_load %arg16[%get3A_320, %get3A_321] {strides = array<i32>} : memref<64x128xf32, #tpu.memory_space<vmem>>, vector<16xf32>,
        %mul3A_323 = arith.mulf %get3A_322, %gather3A_270 : vector<16xf32>
        %swap3A_324 = arith.index_cast %add3A_268 : i32 to index
        %swap3A_325 = arith.constant 112 : index
        %swap3A_326 = tpu.vector_load %arg16[%swap3A_324, %swap3A_325] {strides = array<i32>} : memref<64x128xf32, #tpu.memory_space<vmem>>, vector<16xf32>,
        tpu.vector_store %arg16[%swap3A_324, %swap3A_325], %mul3A_323 {strides = array<i32>} : memref<64x128xf32, #tpu.memory_space<vmem>>, vector<16xf32>,
      }
      %scan3A_147 = arith.constant 32 : i32
      %dma_start3A_148 = arith.constant 1 : i32
      %dma_start3A_149 = arith.constant 0 : i32
      %dma_start3A_150 = tpu.memref_slice %arg12[%dma_start3A_148, %dma_start3A_149] : memref<2x64xi32, #tpu.memory_space<vmem>> -> memref<1x64xi32, #tpu.memory_space<vmem>>
      %dma_start3A_151 = tpu.memref_squeeze %dma_start3A_150 : memref<1x64xi32, #tpu.memory_space<vmem>> -> memref<64xi32, #tpu.memory_space<vmem>>
      %dma_start3A_152 = arith.constant 0 : i32
      %dma_start3A_153 = arith.constant 0 : i32
      %dma_start3A_154 = tpu.memref_slice %arg18[%dma_start3A_152, %dma_start3A_153] : memref<10240x128xf32, #tpu.memory_space<vmem_shared>> -> memref<10240x128xf32, #tpu.memory_space<vmem_shared>>
      tpu.enqueue_indirect_dma source(%arg16 : memref<64x128xf32, #tpu.memory_space<vmem>>) target(%dma_start3A_154 : memref<10240x128xf32, #tpu.memory_space<vmem_shared>>) offsets(%dma_start3A_151 : memref<64xi32, #tpu.memory_space<vmem>>) semaphore(%arg23 : memref<!tpu.dma_semaphore, #tpu.memory_space<semaphore_mem>>) {add = true}
      %add3A_155 = arith.constant 2 : i32
      %add3A_156 = arith.addi %mul3A_122, %add3A_155 : i32
      %lt3A_157 = arith.cmpi slt, %add3A_156, %select_n3A : i32
      %convert_element_type3A_158 = arith.extui %lt3A_157 : i1 to i32
      %cond3A_159 = arith.constant 0 : i32
      %cond3A_160 = arith.cmpi ne, %convert_element_type3A_158, %cond3A_159 : i32
      scf.if %cond3A_160 {
        %add3A_206 = arith.addi %select_n3A_44, %mul3A_122 : i32
        %add3A_207 = arith.constant 2 : i32
        %add3A_208 = arith.addi %add3A_206, %add3A_207 : i32
        %dma_start3A_209 = arith.constant 0 : i32
        %dma_start3A_210 = arith.constant 0 : i32
        %dma_start3A_211 = tpu.memref_slice %arg2[%add3A_208, %dma_start3A_209, %dma_start3A_210] : memref<2688x2x64xi32, #tpu.memory_space<hbm>> -> memref<1x2x64xi32, #tpu.memory_space<hbm>>
        %dma_start3A_212 = tpu.memref_squeeze %dma_start3A_211 : memref<1x2x64xi32, #tpu.memory_space<hbm>> -> memref<2x64xi32, #tpu.memory_space<hbm>>
        %dma_start3A_213 = arith.constant 0 : i32
        %dma_start3A_214 = arith.constant 0 : i32
        %dma_start3A_215 = tpu.memref_slice %arg2[%add3A_208, %dma_start3A_213, %dma_start3A_214] : memref<2688x2x64xi32, #tpu.memory_space<hbm>> -> memref<1x2x64xi32, #tpu.memory_space<hbm>>
        %dma_start3A_216 = tpu.memref_squeeze %dma_start3A_215 : memref<1x2x64xi32, #tpu.memory_space<hbm>> -> memref<2x64xi32, #tpu.memory_space<hbm>>
        tpu.enqueue_dma source(%dma_start3A_216 : memref<2x64xi32, #tpu.memory_space<hbm>>) target(%arg12 : memref<2x64xi32, #tpu.memory_space<vmem>>) target_semaphore(%arg19 : memref<!tpu.dma_semaphore, #tpu.memory_space<semaphore_mem>>)
      } else {
      }
      %mul3A_161 = arith.constant 2 : i32
      %mul3A_162 = arith.muli %mul3A_161, %while3A_120 : i32
      %add3A_163 = arith.constant 1 : i32
      %add3A_164 = arith.addi %mul3A_162, %add3A_163 : i32
      %add3A_165 = arith.constant 1 : i32
      %add3A_166 = arith.addi %add3A_164, %add3A_165 : i32
      %lt3A_167 = arith.cmpi slt, %add3A_166, %select_n3A : i32
      %convert_element_type3A_168 = arith.extui %lt3A_167 : i1 to i32
      %cond3A_169 = arith.constant 0 : i32
      %cond3A_170 = arith.cmpi ne, %convert_element_type3A_168, %cond3A_169 : i32
      scf.if %cond3A_170 {
        %add3A_206 = arith.addi %select_n3A_44, %add3A_164 : i32
        %add3A_207 = arith.constant 1 : i32
        %add3A_208 = arith.addi %add3A_206, %add3A_207 : i32
        %dma_wait3A_209 = arith.constant 0 : i32
        %dma_wait3A_210 = arith.constant 0 : i32
        %dma_wait3A_211 = tpu.memref_slice %arg2[%add3A_208, %dma_wait3A_209, %dma_wait3A_210] : memref<2688x2x64xi32, #tpu.memory_space<hbm>> -> memref<1x2x64xi32, #tpu.memory_space<hbm>>
        %dma_wait3A_212 = tpu.memref_squeeze %dma_wait3A_211 : memref<1x2x64xi32, #tpu.memory_space<hbm>> -> memref<2x64xi32, #tpu.memory_space<hbm>>
        %dma_wait3A_213 = arith.constant 0 : i32
        %dma_wait3A_214 = arith.constant 0 : i32
        %dma_wait3A_215 = tpu.memref_slice %arg2[%add3A_208, %dma_wait3A_213, %dma_wait3A_214] : memref<2688x2x64xi32, #tpu.memory_space<hbm>> -> memref<1x2x64xi32, #tpu.memory_space<hbm>>
        %dma_wait3A_216 = tpu.memref_squeeze %dma_wait3A_215 : memref<1x2x64xi32, #tpu.memory_space<hbm>> -> memref<2x64xi32, #tpu.memory_space<hbm>>
        tpu.wait_dma2 semaphore(%arg19 : memref<!tpu.dma_semaphore, #tpu.memory_space<semaphore_mem>>) src(%dma_wait3A_216 : memref<2x64xi32, #tpu.memory_space<hbm>>) dst(%arg12 : memref<2x64xi32, #tpu.memory_space<vmem>>)
        %ge3A = arith.constant 1 : i32
        %ge3A_217 = arith.cmpi sge, %add3A_164, %ge3A : i32
        %convert_element_type3A_218 = arith.extui %ge3A_217 : i1 to i32
        %cond3A_219 = arith.constant 0 : i32
        %cond3A_220 = arith.cmpi ne, %convert_element_type3A_218, %cond3A_219 : i32
        scf.if %cond3A_220 {
          %dma_wait3A_228 = arith.constant 1 : i32
          %dma_wait3A_229 = arith.constant 0 : i32
          %dma_wait3A_230 = tpu.memref_slice %arg12[%dma_wait3A_228, %dma_wait3A_229] : memref<2x64xi32, #tpu.memory_space<vmem>> -> memref<1x64xi32, #tpu.memory_space<vmem>>
          %dma_wait3A_231 = tpu.memref_squeeze %dma_wait3A_230 : memref<1x64xi32, #tpu.memory_space<vmem>> -> memref<64xi32, #tpu.memory_space<vmem>>
          %dma_wait3A_232 = arith.constant 0 : i32
          %dma_wait3A_233 = arith.constant 0 : i32
          %dma_wait3A_234 = tpu.memref_slice %arg18[%dma_wait3A_232, %dma_wait3A_233] : memref<10240x128xf32, #tpu.memory_space<vmem_shared>> -> memref<10240x128xf32, #tpu.memory_space<vmem_shared>>
          tpu.wait_indirect_dma semaphore(%arg23 : memref<!tpu.dma_semaphore, #tpu.memory_space<semaphore_mem>>) src(%arg16 : memref<64x128xf32, #tpu.memory_space<vmem>>) dst(%dma_wait3A_234 : memref<10240x128xf32, #tpu.memory_space<vmem_shared>>)
        } else {
        }
        %dma_start3A_221 = arith.constant 0 : i32
        %dma_start3A_222 = arith.constant 0 : i32
        %dma_start3A_223 = tpu.memref_slice %arg12[%dma_start3A_221, %dma_start3A_222] : memref<2x64xi32, #tpu.memory_space<vmem>> -> memref<1x64xi32, #tpu.memory_space<vmem>>
        %dma_start3A_224 = tpu.memref_squeeze %dma_start3A_223 : memref<1x64xi32, #tpu.memory_space<vmem>> -> memref<64xi32, #tpu.memory_space<vmem>>
        %dma_start3A_225 = arith.constant 0 : i32
        %dma_start3A_226 = arith.constant 0 : i32
        %dma_start3A_227 = tpu.memref_slice %arg6[%dma_start3A_225, %dma_start3A_226] : memref<10000x128xf32, #tpu.memory_space<hbm>> -> memref<10000x128xf32, #tpu.memory_space<hbm>>
        tpu.enqueue_indirect_dma source(%dma_start3A_227 : memref<10000x128xf32, #tpu.memory_space<hbm>>) target(%arg16 : memref<64x128xf32, #tpu.memory_space<vmem>>) offsets(%dma_start3A_224 : memref<64xi32, #tpu.memory_space<vmem>>) semaphore(%arg21 : memref<!tpu.dma_semaphore, #tpu.memory_space<semaphore_mem>>)
      } else {
      }
      %mul3A_171 = arith.constant 64 : i32
      %mul3A_172 = arith.muli %add3A_164, %mul3A_171 : i32
      %add3A_173 = arith.addi %mul3A_46, %mul3A_172 : i32
      %scan3A_174 = arith.constant 0 : i32
      %scan3A_175 = arith.constant 0 : i32
      %scan3A_176 = arith.constant 4 : i32
      %scan3A_177 = arith.addi %scan3A_175, %scan3A_176 : i32
      %scan3A_178 = arith.constant 1 : i32
      scf.for %scan3A_206 = %scan3A_175 to %scan3A_177 step %scan3A_178  : i32 {
        %mul3A_207 = arith.constant 16 : i32
        %mul3A_208 = arith.muli %scan3A_206, %mul3A_207 : i32
        %get3A = arith.constant 0 : i32
        %get3A_209 = arith.index_cast %get3A : i32 to index
        %get3A_210 = arith.index_cast %mul3A_208 : i32 to index
        %get3A_211 = tpu.vector_load %arg13[%get3A_209, %get3A_210] {strides = array<i32>} : memref<2x64xi32, #tpu.memory_space<vmem>>, vector<16xi32>,
        %mul3A_212 = arith.constant 16 : i32
        %mul3A_213 = arith.muli %scan3A_206, %mul3A_212 : i32
        %get3A_214 = arith.constant 1 : i32
        %get3A_215 = arith.index_cast %get3A_214 : i32 to index
        %get3A_216 = arith.index_cast %mul3A_213 : i32 to index
        %get3A_217 = tpu.vector_load %arg13[%get3A_215, %get3A_216] {strides = array<i32>} : memref<2x64xi32, #tpu.memory_space<vmem>>, vector<16xi32>,
        %gather3A = tpu.vector_load_idx %arg9[%get3A_211] : memref<10000xf32, #tpu.memory_space<vmem>>[vector<16xi32>], vector<16xf32>,
        %gather3A_218 = tpu.vector_load_idx %arg10[%get3A_217] : memref<10000xf32, #tpu.memory_space<vmem>>[vector<16xi32>], vector<16xf32>,
        %add3A_219 = arith.addf %gather3A, %gather3A_218 : vector<16xf32>
        %mul3A_220 = arith.constant 2.000000e-01 : f32
        %mul3A_221 = vector.broadcast %mul3A_220 : f32 to vector<16xf32>
        %mul3A_222 = arith.mulf %mul3A_221, %add3A_219 : vector<16xf32>
        %max3A = arith.maximumf %add3A_219, %mul3A_222 : vector<16xf32>
        %exp3A = math.exp %max3A : vector<16xf32>
        %mul3A_223 = arith.constant 16 : i32
        %mul3A_224 = arith.muli %scan3A_206, %mul3A_223 : i32
        %add3A_225 = arith.addi %add3A_173, %mul3A_224 : i32
        %iota3A = tpu.iota {dimensions = array<i32: 0>} : vector<16xi32>
        %add3A_226 = vector.broadcast %add3A_225 : i32 to vector<16xi32>
        %add3A_227 = arith.addi %add3A_226, %iota3A : vector<16xi32>
        %lt3A_228 = arith.constant 170000 : i32
        %lt3A_229 = vector.broadcast %lt3A_228 : i32 to vector<16xi32>
        %lt3A_230 = arith.cmpi slt, %add3A_227, %lt3A_229 : vector<16xi32>
        %jit3A_231 = arith.constant 0.000000e+00 : f32
        %broadcast_in_dim3A = vector.broadcast %jit3A_231 : f32 to vector<16xf32>
        %select_n3A_232 = arith.select %lt3A_230, %exp3A, %broadcast_in_dim3A : vector<16xi1>, vector<16xf32>
        %mul3A_233 = arith.constant 16 : i32
        %mul3A_234 = arith.muli %scan3A_206, %mul3A_233 : i32
        %swap3A = arith.index_cast %mul3A_234 : i32 to index
        %swap3A_235 = tpu.vector_load %arg15[%swap3A] {strides = array<i32>} : memref<64xf32, #tpu.memory_space<vmem>>, vector<16xf32>,
        tpu.vector_store %arg15[%swap3A], %select_n3A_232 {strides = array<i32>} : memref<64xf32, #tpu.memory_space<vmem>>, vector<16xf32>,
        %scatter3A = arith.constant 0 : i32
        %scatter3A_236 = arith.constant 0 : i32
        %scatter3A_237 = tpu.memref_slice %arg11[%scatter3A, %scatter3A_236] : memref<1x10000xf32, #tpu.memory_space<vmem>> -> memref<1x10000xf32, #tpu.memory_space<vmem>>
        %scatter3A_238 = tpu.memref_squeeze %scatter3A_237 : memref<1x10000xf32, #tpu.memory_space<vmem>> -> memref<10000xf32, #tpu.memory_space<vmem>>
        tpu.vector_store_idx %scatter3A_238[%get3A_217], %select_n3A_232 {add = true} : memref<10000xf32, #tpu.memory_space<vmem>>[vector<16xi32>], vector<16xf32>,
      }
      %scan3A_179 = arith.constant 4 : i32
      %dma_wait3A_180 = arith.constant 0 : i32
      %dma_wait3A_181 = arith.constant 0 : i32
      %dma_wait3A_182 = tpu.memref_slice %arg13[%dma_wait3A_180, %dma_wait3A_181] : memref<2x64xi32, #tpu.memory_space<vmem>> -> memref<1x64xi32, #tpu.memory_space<vmem>>
      %dma_wait3A_183 = tpu.memref_squeeze %dma_wait3A_182 : memref<1x64xi32, #tpu.memory_space<vmem>> -> memref<64xi32, #tpu.memory_space<vmem>>
      %dma_wait3A_184 = arith.constant 0 : i32
      %dma_wait3A_185 = arith.constant 0 : i32
      %dma_wait3A_186 = tpu.memref_slice %arg6[%dma_wait3A_184, %dma_wait3A_185] : memref<10000x128xf32, #tpu.memory_space<hbm>> -> memref<10000x128xf32, #tpu.memory_space<hbm>>
      tpu.wait_indirect_dma semaphore(%arg22 : memref<!tpu.dma_semaphore, #tpu.memory_space<semaphore_mem>>) src(%dma_wait3A_186 : memref<10000x128xf32, #tpu.memory_space<hbm>>) dst(%arg17 : memref<64x128xf32, #tpu.memory_space<vmem>>)
      %scan3A_187 = arith.constant 0 : i32
      %scan3A_188 = arith.constant 0 : i32
      %scan3A_189 = arith.constant 32 : i32
      %scan3A_190 = arith.addi %scan3A_188, %scan3A_189 : i32
      %scan3A_191 = arith.constant 1 : i32
      scf.for %scan3A_206 = %scan3A_188 to %scan3A_190 step %scan3A_191  : i32 {
        %mul3A_207 = arith.constant 2 : i32
        %mul3A_208 = arith.muli %mul3A_207, %scan3A_206 : i32
        %add3A_209 = arith.constant 0 : i32
        %add3A_210 = arith.addi %mul3A_208, %add3A_209 : i32
        %broadcast_in_dim3A = vector.broadcast %add3A_210 : i32 to vector<16xi32>
        %gather3A = tpu.vector_load_idx %arg15[%broadcast_in_dim3A] : memref<64xf32, #tpu.memory_space<vmem>>[vector<16xi32>], vector<16xf32>,
        %get3A = arith.index_cast %add3A_210 : i32 to index
        %get3A_211 = arith.constant 0 : index
        %get3A_212 = tpu.vector_load %arg17[%get3A, %get3A_211] {strides = array<i32>} : memref<64x128xf32, #tpu.memory_space<vmem>>, vector<16xf32>,
        %mul3A_213 = arith.mulf %get3A_212, %gather3A : vector<16xf32>
        %swap3A = arith.index_cast %add3A_210 : i32 to index
        %swap3A_214 = arith.constant 0 : index
        %swap3A_215 = tpu.vector_load %arg17[%swap3A, %swap3A_214] {strides = array<i32>} : memref<64x128xf32, #tpu.memory_space<vmem>>, vector<16xf32>,
        tpu.vector_store %arg17[%swap3A, %swap3A_214], %mul3A_213 {strides = array<i32>} : memref<64x128xf32, #tpu.memory_space<vmem>>, vector<16xf32>,
        %get3A_216 = arith.index_cast %add3A_210 : i32 to index
        %get3A_217 = arith.constant 16 : index
        %get3A_218 = tpu.vector_load %arg17[%get3A_216, %get3A_217] {strides = array<i32>} : memref<64x128xf32, #tpu.memory_space<vmem>>, vector<16xf32>,
        %mul3A_219 = arith.mulf %get3A_218, %gather3A : vector<16xf32>
        %swap3A_220 = arith.index_cast %add3A_210 : i32 to index
        %swap3A_221 = arith.constant 16 : index
        %swap3A_222 = tpu.vector_load %arg17[%swap3A_220, %swap3A_221] {strides = array<i32>} : memref<64x128xf32, #tpu.memory_space<vmem>>, vector<16xf32>,
        tpu.vector_store %arg17[%swap3A_220, %swap3A_221], %mul3A_219 {strides = array<i32>} : memref<64x128xf32, #tpu.memory_space<vmem>>, vector<16xf32>,
        %get3A_223 = arith.index_cast %add3A_210 : i32 to index
        %get3A_224 = arith.constant 32 : index
        %get3A_225 = tpu.vector_load %arg17[%get3A_223, %get3A_224] {strides = array<i32>} : memref<64x128xf32, #tpu.memory_space<vmem>>, vector<16xf32>,
        %mul3A_226 = arith.mulf %get3A_225, %gather3A : vector<16xf32>
        %swap3A_227 = arith.index_cast %add3A_210 : i32 to index
        %swap3A_228 = arith.constant 32 : index
        %swap3A_229 = tpu.vector_load %arg17[%swap3A_227, %swap3A_228] {strides = array<i32>} : memref<64x128xf32, #tpu.memory_space<vmem>>, vector<16xf32>,
        tpu.vector_store %arg17[%swap3A_227, %swap3A_228], %mul3A_226 {strides = array<i32>} : memref<64x128xf32, #tpu.memory_space<vmem>>, vector<16xf32>,
        %get3A_230 = arith.index_cast %add3A_210 : i32 to index
        %get3A_231 = arith.constant 48 : index
        %get3A_232 = tpu.vector_load %arg17[%get3A_230, %get3A_231] {strides = array<i32>} : memref<64x128xf32, #tpu.memory_space<vmem>>, vector<16xf32>,
        %mul3A_233 = arith.mulf %get3A_232, %gather3A : vector<16xf32>
        %swap3A_234 = arith.index_cast %add3A_210 : i32 to index
        %swap3A_235 = arith.constant 48 : index
        %swap3A_236 = tpu.vector_load %arg17[%swap3A_234, %swap3A_235] {strides = array<i32>} : memref<64x128xf32, #tpu.memory_space<vmem>>, vector<16xf32>,
        tpu.vector_store %arg17[%swap3A_234, %swap3A_235], %mul3A_233 {strides = array<i32>} : memref<64x128xf32, #tpu.memory_space<vmem>>, vector<16xf32>,
        %get3A_237 = arith.index_cast %add3A_210 : i32 to index
        %get3A_238 = arith.constant 64 : index
        %get3A_239 = tpu.vector_load %arg17[%get3A_237, %get3A_238] {strides = array<i32>} : memref<64x128xf32, #tpu.memory_space<vmem>>, vector<16xf32>,
        %mul3A_240 = arith.mulf %get3A_239, %gather3A : vector<16xf32>
        %swap3A_241 = arith.index_cast %add3A_210 : i32 to index
        %swap3A_242 = arith.constant 64 : index
        %swap3A_243 = tpu.vector_load %arg17[%swap3A_241, %swap3A_242] {strides = array<i32>} : memref<64x128xf32, #tpu.memory_space<vmem>>, vector<16xf32>,
        tpu.vector_store %arg17[%swap3A_241, %swap3A_242], %mul3A_240 {strides = array<i32>} : memref<64x128xf32, #tpu.memory_space<vmem>>, vector<16xf32>,
        %get3A_244 = arith.index_cast %add3A_210 : i32 to index
        %get3A_245 = arith.constant 80 : index
        %get3A_246 = tpu.vector_load %arg17[%get3A_244, %get3A_245] {strides = array<i32>} : memref<64x128xf32, #tpu.memory_space<vmem>>, vector<16xf32>,
        %mul3A_247 = arith.mulf %get3A_246, %gather3A : vector<16xf32>
        %swap3A_248 = arith.index_cast %add3A_210 : i32 to index
        %swap3A_249 = arith.constant 80 : index
        %swap3A_250 = tpu.vector_load %arg17[%swap3A_248, %swap3A_249] {strides = array<i32>} : memref<64x128xf32, #tpu.memory_space<vmem>>, vector<16xf32>,
        tpu.vector_store %arg17[%swap3A_248, %swap3A_249], %mul3A_247 {strides = array<i32>} : memref<64x128xf32, #tpu.memory_space<vmem>>, vector<16xf32>,
        %get3A_251 = arith.index_cast %add3A_210 : i32 to index
        %get3A_252 = arith.constant 96 : index
        %get3A_253 = tpu.vector_load %arg17[%get3A_251, %get3A_252] {strides = array<i32>} : memref<64x128xf32, #tpu.memory_space<vmem>>, vector<16xf32>,
        %mul3A_254 = arith.mulf %get3A_253, %gather3A : vector<16xf32>
        %swap3A_255 = arith.index_cast %add3A_210 : i32 to index
        %swap3A_256 = arith.constant 96 : index
        %swap3A_257 = tpu.vector_load %arg17[%swap3A_255, %swap3A_256] {strides = array<i32>} : memref<64x128xf32, #tpu.memory_space<vmem>>, vector<16xf32>,
        tpu.vector_store %arg17[%swap3A_255, %swap3A_256], %mul3A_254 {strides = array<i32>} : memref<64x128xf32, #tpu.memory_space<vmem>>, vector<16xf32>,
        %get3A_258 = arith.index_cast %add3A_210 : i32 to index
        %get3A_259 = arith.constant 112 : index
        %get3A_260 = tpu.vector_load %arg17[%get3A_258, %get3A_259] {strides = array<i32>} : memref<64x128xf32, #tpu.memory_space<vmem>>, vector<16xf32>,
        %mul3A_261 = arith.mulf %get3A_260, %gather3A : vector<16xf32>
        %swap3A_262 = arith.index_cast %add3A_210 : i32 to index
        %swap3A_263 = arith.constant 112 : index
        %swap3A_264 = tpu.vector_load %arg17[%swap3A_262, %swap3A_263] {strides = array<i32>} : memref<64x128xf32, #tpu.memory_space<vmem>>, vector<16xf32>,
        tpu.vector_store %arg17[%swap3A_262, %swap3A_263], %mul3A_261 {strides = array<i32>} : memref<64x128xf32, #tpu.memory_space<vmem>>, vector<16xf32>,
        %mul3A_265 = arith.constant 2 : i32
        %mul3A_266 = arith.muli %mul3A_265, %scan3A_206 : i32
        %add3A_267 = arith.constant 1 : i32
        %add3A_268 = arith.addi %mul3A_266, %add3A_267 : i32
        %broadcast_in_dim3A_269 = vector.broadcast %add3A_268 : i32 to vector<16xi32>
        %gather3A_270 = tpu.vector_load_idx %arg15[%broadcast_in_dim3A_269] : memref<64xf32, #tpu.memory_space<vmem>>[vector<16xi32>], vector<16xf32>,
        %get3A_271 = arith.index_cast %add3A_268 : i32 to index
        %get3A_272 = arith.constant 0 : index
        %get3A_273 = tpu.vector_load %arg17[%get3A_271, %get3A_272] {strides = array<i32>} : memref<64x128xf32, #tpu.memory_space<vmem>>, vector<16xf32>,
        %mul3A_274 = arith.mulf %get3A_273, %gather3A_270 : vector<16xf32>
        %swap3A_275 = arith.index_cast %add3A_268 : i32 to index
        %swap3A_276 = arith.constant 0 : index
        %swap3A_277 = tpu.vector_load %arg17[%swap3A_275, %swap3A_276] {strides = array<i32>} : memref<64x128xf32, #tpu.memory_space<vmem>>, vector<16xf32>,
        tpu.vector_store %arg17[%swap3A_275, %swap3A_276], %mul3A_274 {strides = array<i32>} : memref<64x128xf32, #tpu.memory_space<vmem>>, vector<16xf32>,
        %get3A_278 = arith.index_cast %add3A_268 : i32 to index
        %get3A_279 = arith.constant 16 : index
        %get3A_280 = tpu.vector_load %arg17[%get3A_278, %get3A_279] {strides = array<i32>} : memref<64x128xf32, #tpu.memory_space<vmem>>, vector<16xf32>,
        %mul3A_281 = arith.mulf %get3A_280, %gather3A_270 : vector<16xf32>
        %swap3A_282 = arith.index_cast %add3A_268 : i32 to index
        %swap3A_283 = arith.constant 16 : index
        %swap3A_284 = tpu.vector_load %arg17[%swap3A_282, %swap3A_283] {strides = array<i32>} : memref<64x128xf32, #tpu.memory_space<vmem>>, vector<16xf32>,
        tpu.vector_store %arg17[%swap3A_282, %swap3A_283], %mul3A_281 {strides = array<i32>} : memref<64x128xf32, #tpu.memory_space<vmem>>, vector<16xf32>,
        %get3A_285 = arith.index_cast %add3A_268 : i32 to index
        %get3A_286 = arith.constant 32 : index
        %get3A_287 = tpu.vector_load %arg17[%get3A_285, %get3A_286] {strides = array<i32>} : memref<64x128xf32, #tpu.memory_space<vmem>>, vector<16xf32>,
        %mul3A_288 = arith.mulf %get3A_287, %gather3A_270 : vector<16xf32>
        %swap3A_289 = arith.index_cast %add3A_268 : i32 to index
        %swap3A_290 = arith.constant 32 : index
        %swap3A_291 = tpu.vector_load %arg17[%swap3A_289, %swap3A_290] {strides = array<i32>} : memref<64x128xf32, #tpu.memory_space<vmem>>, vector<16xf32>,
        tpu.vector_store %arg17[%swap3A_289, %swap3A_290], %mul3A_288 {strides = array<i32>} : memref<64x128xf32, #tpu.memory_space<vmem>>, vector<16xf32>,
        %get3A_292 = arith.index_cast %add3A_268 : i32 to index
        %get3A_293 = arith.constant 48 : index
        %get3A_294 = tpu.vector_load %arg17[%get3A_292, %get3A_293] {strides = array<i32>} : memref<64x128xf32, #tpu.memory_space<vmem>>, vector<16xf32>,
        %mul3A_295 = arith.mulf %get3A_294, %gather3A_270 : vector<16xf32>
        %swap3A_296 = arith.index_cast %add3A_268 : i32 to index
        %swap3A_297 = arith.constant 48 : index
        %swap3A_298 = tpu.vector_load %arg17[%swap3A_296, %swap3A_297] {strides = array<i32>} : memref<64x128xf32, #tpu.memory_space<vmem>>, vector<16xf32>,
        tpu.vector_store %arg17[%swap3A_296, %swap3A_297], %mul3A_295 {strides = array<i32>} : memref<64x128xf32, #tpu.memory_space<vmem>>, vector<16xf32>,
        %get3A_299 = arith.index_cast %add3A_268 : i32 to index
        %get3A_300 = arith.constant 64 : index
        %get3A_301 = tpu.vector_load %arg17[%get3A_299, %get3A_300] {strides = array<i32>} : memref<64x128xf32, #tpu.memory_space<vmem>>, vector<16xf32>,
        %mul3A_302 = arith.mulf %get3A_301, %gather3A_270 : vector<16xf32>
        %swap3A_303 = arith.index_cast %add3A_268 : i32 to index
        %swap3A_304 = arith.constant 64 : index
        %swap3A_305 = tpu.vector_load %arg17[%swap3A_303, %swap3A_304] {strides = array<i32>} : memref<64x128xf32, #tpu.memory_space<vmem>>, vector<16xf32>,
        tpu.vector_store %arg17[%swap3A_303, %swap3A_304], %mul3A_302 {strides = array<i32>} : memref<64x128xf32, #tpu.memory_space<vmem>>, vector<16xf32>,
        %get3A_306 = arith.index_cast %add3A_268 : i32 to index
        %get3A_307 = arith.constant 80 : index
        %get3A_308 = tpu.vector_load %arg17[%get3A_306, %get3A_307] {strides = array<i32>} : memref<64x128xf32, #tpu.memory_space<vmem>>, vector<16xf32>,
        %mul3A_309 = arith.mulf %get3A_308, %gather3A_270 : vector<16xf32>
        %swap3A_310 = arith.index_cast %add3A_268 : i32 to index
        %swap3A_311 = arith.constant 80 : index
        %swap3A_312 = tpu.vector_load %arg17[%swap3A_310, %swap3A_311] {strides = array<i32>} : memref<64x128xf32, #tpu.memory_space<vmem>>, vector<16xf32>,
        tpu.vector_store %arg17[%swap3A_310, %swap3A_311], %mul3A_309 {strides = array<i32>} : memref<64x128xf32, #tpu.memory_space<vmem>>, vector<16xf32>,
        %get3A_313 = arith.index_cast %add3A_268 : i32 to index
        %get3A_314 = arith.constant 96 : index
        %get3A_315 = tpu.vector_load %arg17[%get3A_313, %get3A_314] {strides = array<i32>} : memref<64x128xf32, #tpu.memory_space<vmem>>, vector<16xf32>,
        %mul3A_316 = arith.mulf %get3A_315, %gather3A_270 : vector<16xf32>
        %swap3A_317 = arith.index_cast %add3A_268 : i32 to index
        %swap3A_318 = arith.constant 96 : index
        %swap3A_319 = tpu.vector_load %arg17[%swap3A_317, %swap3A_318] {strides = array<i32>} : memref<64x128xf32, #tpu.memory_space<vmem>>, vector<16xf32>,
        tpu.vector_store %arg17[%swap3A_317, %swap3A_318], %mul3A_316 {strides = array<i32>} : memref<64x128xf32, #tpu.memory_space<vmem>>, vector<16xf32>,
        %get3A_320 = arith.index_cast %add3A_268 : i32 to index
        %get3A_321 = arith.constant 112 : index
        %get3A_322 = tpu.vector_load %arg17[%get3A_320, %get3A_321] {strides = array<i32>} : memref<64x128xf32, #tpu.memory_space<vmem>>, vector<16xf32>,
        %mul3A_323 = arith.mulf %get3A_322, %gather3A_270 : vector<16xf32>
        %swap3A_324 = arith.index_cast %add3A_268 : i32 to index
        %swap3A_325 = arith.constant 112 : index
        %swap3A_326 = tpu.vector_load %arg17[%swap3A_324, %swap3A_325] {strides = array<i32>} : memref<64x128xf32, #tpu.memory_space<vmem>>, vector<16xf32>,
        tpu.vector_store %arg17[%swap3A_324, %swap3A_325], %mul3A_323 {strides = array<i32>} : memref<64x128xf32, #tpu.memory_space<vmem>>, vector<16xf32>,
      }
      %scan3A_192 = arith.constant 32 : i32
      %dma_start3A_193 = arith.constant 1 : i32
      %dma_start3A_194 = arith.constant 0 : i32
      %dma_start3A_195 = tpu.memref_slice %arg13[%dma_start3A_193, %dma_start3A_194] : memref<2x64xi32, #tpu.memory_space<vmem>> -> memref<1x64xi32, #tpu.memory_space<vmem>>
      %dma_start3A_196 = tpu.memref_squeeze %dma_start3A_195 : memref<1x64xi32, #tpu.memory_space<vmem>> -> memref<64xi32, #tpu.memory_space<vmem>>
      %dma_start3A_197 = arith.constant 0 : i32
      %dma_start3A_198 = arith.constant 0 : i32
      %dma_start3A_199 = tpu.memref_slice %arg18[%dma_start3A_197, %dma_start3A_198] : memref<10240x128xf32, #tpu.memory_space<vmem_shared>> -> memref<10240x128xf32, #tpu.memory_space<vmem_shared>>
      tpu.enqueue_indirect_dma source(%arg17 : memref<64x128xf32, #tpu.memory_space<vmem>>) target(%dma_start3A_199 : memref<10240x128xf32, #tpu.memory_space<vmem_shared>>) offsets(%dma_start3A_196 : memref<64xi32, #tpu.memory_space<vmem>>) semaphore(%arg24 : memref<!tpu.dma_semaphore, #tpu.memory_space<semaphore_mem>>) {add = true}
      %add3A_200 = arith.constant 2 : i32
      %add3A_201 = arith.addi %add3A_164, %add3A_200 : i32
      %lt3A_202 = arith.cmpi slt, %add3A_201, %select_n3A : i32
      %convert_element_type3A_203 = arith.extui %lt3A_202 : i1 to i32
      %cond3A_204 = arith.constant 0 : i32
      %cond3A_205 = arith.cmpi ne, %convert_element_type3A_203, %cond3A_204 : i32
      scf.if %cond3A_205 {
        %add3A_206 = arith.addi %select_n3A_44, %add3A_164 : i32
        %add3A_207 = arith.constant 2 : i32
        %add3A_208 = arith.addi %add3A_206, %add3A_207 : i32
        %dma_start3A_209 = arith.constant 0 : i32
        %dma_start3A_210 = arith.constant 0 : i32
        %dma_start3A_211 = tpu.memref_slice %arg2[%add3A_208, %dma_start3A_209, %dma_start3A_210] : memref<2688x2x64xi32, #tpu.memory_space<hbm>> -> memref<1x2x64xi32, #tpu.memory_space<hbm>>
        %dma_start3A_212 = tpu.memref_squeeze %dma_start3A_211 : memref<1x2x64xi32, #tpu.memory_space<hbm>> -> memref<2x64xi32, #tpu.memory_space<hbm>>
        %dma_start3A_213 = arith.constant 0 : i32
        %dma_start3A_214 = arith.constant 0 : i32
        %dma_start3A_215 = tpu.memref_slice %arg2[%add3A_208, %dma_start3A_213, %dma_start3A_214] : memref<2688x2x64xi32, #tpu.memory_space<hbm>> -> memref<1x2x64xi32, #tpu.memory_space<hbm>>
        %dma_start3A_216 = tpu.memref_squeeze %dma_start3A_215 : memref<1x2x64xi32, #tpu.memory_space<hbm>> -> memref<2x64xi32, #tpu.memory_space<hbm>>
        tpu.enqueue_dma source(%dma_start3A_216 : memref<2x64xi32, #tpu.memory_space<hbm>>) target(%arg13 : memref<2x64xi32, #tpu.memory_space<vmem>>) target_semaphore(%arg20 : memref<!tpu.dma_semaphore, #tpu.memory_space<semaphore_mem>>)
      } else {
      }
    }
    %while3A_104 = arith.constant 1 : i32
    scf.for %while3A_120 = %while3A_102 to %while3A_98 step %while3A_104  : i32 {
      %mul3A_121 = arith.constant 2 : i32
      %mul3A_122 = arith.muli %mul3A_121, %while3A_120 : i32
      %add3A_123 = arith.constant 1 : i32
      %add3A_124 = arith.addi %mul3A_122, %add3A_123 : i32
      %lt3A = arith.cmpi slt, %add3A_124, %select_n3A : i32
      %convert_element_type3A = arith.extui %lt3A : i1 to i32
      %cond3A = arith.constant 0 : i32
      %cond3A_125 = arith.cmpi ne, %convert_element_type3A, %cond3A : i32
      scf.if %cond3A_125 {
        %add3A_206 = arith.addi %select_n3A_44, %mul3A_122 : i32
        %add3A_207 = arith.constant 1 : i32
        %add3A_208 = arith.addi %add3A_206, %add3A_207 : i32
        %dma_wait3A_209 = arith.constant 0 : i32
        %dma_wait3A_210 = arith.constant 0 : i32
        %dma_wait3A_211 = tpu.memref_slice %arg2[%add3A_208, %dma_wait3A_209, %dma_wait3A_210] : memref<2688x2x64xi32, #tpu.memory_space<hbm>> -> memref<1x2x64xi32, #tpu.memory_space<hbm>>
        %dma_wait3A_212 = tpu.memref_squeeze %dma_wait3A_211 : memref<1x2x64xi32, #tpu.memory_space<hbm>> -> memref<2x64xi32, #tpu.memory_space<hbm>>
        %dma_wait3A_213 = arith.constant 0 : i32
        %dma_wait3A_214 = arith.constant 0 : i32
        %dma_wait3A_215 = tpu.memref_slice %arg2[%add3A_208, %dma_wait3A_213, %dma_wait3A_214] : memref<2688x2x64xi32, #tpu.memory_space<hbm>> -> memref<1x2x64xi32, #tpu.memory_space<hbm>>
        %dma_wait3A_216 = tpu.memref_squeeze %dma_wait3A_215 : memref<1x2x64xi32, #tpu.memory_space<hbm>> -> memref<2x64xi32, #tpu.memory_space<hbm>>
        tpu.wait_dma2 semaphore(%arg20 : memref<!tpu.dma_semaphore, #tpu.memory_space<semaphore_mem>>) src(%dma_wait3A_216 : memref<2x64xi32, #tpu.memory_space<hbm>>) dst(%arg13 : memref<2x64xi32, #tpu.memory_space<vmem>>)
        %ge3A = arith.constant 1 : i32
        %ge3A_217 = arith.cmpi sge, %mul3A_122, %ge3A : i32
        %convert_element_type3A_218 = arith.extui %ge3A_217 : i1 to i32
        %cond3A_219 = arith.constant 0 : i32
        %cond3A_220 = arith.cmpi ne, %convert_element_type3A_218, %cond3A_219 : i32
        scf.if %cond3A_220 {
          %dma_wait3A_228 = arith.constant 1 : i32
          %dma_wait3A_229 = arith.constant 0 : i32
          %dma_wait3A_230 = tpu.memref_slice %arg13[%dma_wait3A_228, %dma_wait3A_229] : memref<2x64xi32, #tpu.memory_space<vmem>> -> memref<1x64xi32, #tpu.memory_space<vmem>>
          %dma_wait3A_231 = tpu.memref_squeeze %dma_wait3A_230 : memref<1x64xi32, #tpu.memory_space<vmem>> -> memref<64xi32, #tpu.memory_space<vmem>>
          %dma_wait3A_232 = arith.constant 0 : i32
          %dma_wait3A_233 = arith.constant 0 : i32
          %dma_wait3A_234 = tpu.memref_slice %arg18[%dma_wait3A_232, %dma_wait3A_233] : memref<10240x128xf32, #tpu.memory_space<vmem_shared>> -> memref<10240x128xf32, #tpu.memory_space<vmem_shared>>
          tpu.wait_indirect_dma semaphore(%arg24 : memref<!tpu.dma_semaphore, #tpu.memory_space<semaphore_mem>>) src(%arg17 : memref<64x128xf32, #tpu.memory_space<vmem>>) dst(%dma_wait3A_234 : memref<10240x128xf32, #tpu.memory_space<vmem_shared>>)
        } else {
        }
        %dma_start3A_221 = arith.constant 0 : i32
        %dma_start3A_222 = arith.constant 0 : i32
        %dma_start3A_223 = tpu.memref_slice %arg13[%dma_start3A_221, %dma_start3A_222] : memref<2x64xi32, #tpu.memory_space<vmem>> -> memref<1x64xi32, #tpu.memory_space<vmem>>
        %dma_start3A_224 = tpu.memref_squeeze %dma_start3A_223 : memref<1x64xi32, #tpu.memory_space<vmem>> -> memref<64xi32, #tpu.memory_space<vmem>>
        %dma_start3A_225 = arith.constant 0 : i32
        %dma_start3A_226 = arith.constant 0 : i32
        %dma_start3A_227 = tpu.memref_slice %arg6[%dma_start3A_225, %dma_start3A_226] : memref<10000x128xf32, #tpu.memory_space<hbm>> -> memref<10000x128xf32, #tpu.memory_space<hbm>>
        tpu.enqueue_indirect_dma source(%dma_start3A_227 : memref<10000x128xf32, #tpu.memory_space<hbm>>) target(%arg17 : memref<64x128xf32, #tpu.memory_space<vmem>>) offsets(%dma_start3A_224 : memref<64xi32, #tpu.memory_space<vmem>>) semaphore(%arg22 : memref<!tpu.dma_semaphore, #tpu.memory_space<semaphore_mem>>)
      } else {
      }
      %mul3A_126 = arith.constant 64 : i32
      %mul3A_127 = arith.muli %mul3A_122, %mul3A_126 : i32
      %add3A_128 = arith.addi %mul3A_46, %mul3A_127 : i32
      %scan3A_129 = arith.constant 0 : i32
      %scan3A_130 = arith.constant 0 : i32
      %scan3A_131 = arith.constant 4 : i32
      %scan3A_132 = arith.addi %scan3A_130, %scan3A_131 : i32
      %scan3A_133 = arith.constant 1 : i32
      scf.for %scan3A_206 = %scan3A_130 to %scan3A_132 step %scan3A_133  : i32 {
        %mul3A_207 = arith.constant 16 : i32
        %mul3A_208 = arith.muli %scan3A_206, %mul3A_207 : i32
        %get3A = arith.constant 0 : i32
        %get3A_209 = arith.index_cast %get3A : i32 to index
        %get3A_210 = arith.index_cast %mul3A_208 : i32 to index
        %get3A_211 = tpu.vector_load %arg12[%get3A_209, %get3A_210] {strides = array<i32>} : memref<2x64xi32, #tpu.memory_space<vmem>>, vector<16xi32>,
        %mul3A_212 = arith.constant 16 : i32
        %mul3A_213 = arith.muli %scan3A_206, %mul3A_212 : i32
        %get3A_214 = arith.constant 1 : i32
        %get3A_215 = arith.index_cast %get3A_214 : i32 to index
        %get3A_216 = arith.index_cast %mul3A_213 : i32 to index
        %get3A_217 = tpu.vector_load %arg12[%get3A_215, %get3A_216] {strides = array<i32>} : memref<2x64xi32, #tpu.memory_space<vmem>>, vector<16xi32>,
        %gather3A = tpu.vector_load_idx %arg9[%get3A_211] : memref<10000xf32, #tpu.memory_space<vmem>>[vector<16xi32>], vector<16xf32>,
        %gather3A_218 = tpu.vector_load_idx %arg10[%get3A_217] : memref<10000xf32, #tpu.memory_space<vmem>>[vector<16xi32>], vector<16xf32>,
        %add3A_219 = arith.addf %gather3A, %gather3A_218 : vector<16xf32>
        %mul3A_220 = arith.constant 2.000000e-01 : f32
        %mul3A_221 = vector.broadcast %mul3A_220 : f32 to vector<16xf32>
        %mul3A_222 = arith.mulf %mul3A_221, %add3A_219 : vector<16xf32>
        %max3A = arith.maximumf %add3A_219, %mul3A_222 : vector<16xf32>
        %exp3A = math.exp %max3A : vector<16xf32>
        %mul3A_223 = arith.constant 16 : i32
        %mul3A_224 = arith.muli %scan3A_206, %mul3A_223 : i32
        %add3A_225 = arith.addi %add3A_128, %mul3A_224 : i32
        %iota3A = tpu.iota {dimensions = array<i32: 0>} : vector<16xi32>
        %add3A_226 = vector.broadcast %add3A_225 : i32 to vector<16xi32>
        %add3A_227 = arith.addi %add3A_226, %iota3A : vector<16xi32>
        %lt3A_228 = arith.constant 170000 : i32
        %lt3A_229 = vector.broadcast %lt3A_228 : i32 to vector<16xi32>
        %lt3A_230 = arith.cmpi slt, %add3A_227, %lt3A_229 : vector<16xi32>
        %jit3A_231 = arith.constant 0.000000e+00 : f32
        %broadcast_in_dim3A = vector.broadcast %jit3A_231 : f32 to vector<16xf32>
        %select_n3A_232 = arith.select %lt3A_230, %exp3A, %broadcast_in_dim3A : vector<16xi1>, vector<16xf32>
        %mul3A_233 = arith.constant 16 : i32
        %mul3A_234 = arith.muli %scan3A_206, %mul3A_233 : i32
        %swap3A = arith.index_cast %mul3A_234 : i32 to index
        %swap3A_235 = tpu.vector_load %arg14[%swap3A] {strides = array<i32>} : memref<64xf32, #tpu.memory_space<vmem>>, vector<16xf32>,
        tpu.vector_store %arg14[%swap3A], %select_n3A_232 {strides = array<i32>} : memref<64xf32, #tpu.memory_space<vmem>>, vector<16xf32>,
        %scatter3A = arith.constant 0 : i32
        %scatter3A_236 = arith.constant 0 : i32
        %scatter3A_237 = tpu.memref_slice %arg11[%scatter3A, %scatter3A_236] : memref<1x10000xf32, #tpu.memory_space<vmem>> -> memref<1x10000xf32, #tpu.memory_space<vmem>>
        %scatter3A_238 = tpu.memref_squeeze %scatter3A_237 : memref<1x10000xf32, #tpu.memory_space<vmem>> -> memref<10000xf32, #tpu.memory_space<vmem>>
        tpu.vector_store_idx %scatter3A_238[%get3A_217], %select_n3A_232 {add = true} : memref<10000xf32, #tpu.memory_space<vmem>>[vector<16xi32>], vector<16xf32>,
      }
      %scan3A_134 = arith.constant 4 : i32
      %dma_wait3A_135 = arith.constant 0 : i32
      %dma_wait3A_136 = arith.constant 0 : i32
      %dma_wait3A_137 = tpu.memref_slice %arg12[%dma_wait3A_135, %dma_wait3A_136] : memref<2x64xi32, #tpu.memory_space<vmem>> -> memref<1x64xi32, #tpu.memory_space<vmem>>
      %dma_wait3A_138 = tpu.memref_squeeze %dma_wait3A_137 : memref<1x64xi32, #tpu.memory_space<vmem>> -> memref<64xi32, #tpu.memory_space<vmem>>
      %dma_wait3A_139 = arith.constant 0 : i32
      %dma_wait3A_140 = arith.constant 0 : i32
      %dma_wait3A_141 = tpu.memref_slice %arg6[%dma_wait3A_139, %dma_wait3A_140] : memref<10000x128xf32, #tpu.memory_space<hbm>> -> memref<10000x128xf32, #tpu.memory_space<hbm>>
      tpu.wait_indirect_dma semaphore(%arg21 : memref<!tpu.dma_semaphore, #tpu.memory_space<semaphore_mem>>) src(%dma_wait3A_141 : memref<10000x128xf32, #tpu.memory_space<hbm>>) dst(%arg16 : memref<64x128xf32, #tpu.memory_space<vmem>>)
      %scan3A_142 = arith.constant 0 : i32
      %scan3A_143 = arith.constant 0 : i32
      %scan3A_144 = arith.constant 32 : i32
      %scan3A_145 = arith.addi %scan3A_143, %scan3A_144 : i32
      %scan3A_146 = arith.constant 1 : i32
      scf.for %scan3A_206 = %scan3A_143 to %scan3A_145 step %scan3A_146  : i32 {
        %mul3A_207 = arith.constant 2 : i32
        %mul3A_208 = arith.muli %mul3A_207, %scan3A_206 : i32
        %add3A_209 = arith.constant 0 : i32
        %add3A_210 = arith.addi %mul3A_208, %add3A_209 : i32
        %broadcast_in_dim3A = vector.broadcast %add3A_210 : i32 to vector<16xi32>
        %gather3A = tpu.vector_load_idx %arg14[%broadcast_in_dim3A] : memref<64xf32, #tpu.memory_space<vmem>>[vector<16xi32>], vector<16xf32>,
        %get3A = arith.index_cast %add3A_210 : i32 to index
        %get3A_211 = arith.constant 0 : index
        %get3A_212 = tpu.vector_load %arg16[%get3A, %get3A_211] {strides = array<i32>} : memref<64x128xf32, #tpu.memory_space<vmem>>, vector<16xf32>,
        %mul3A_213 = arith.mulf %get3A_212, %gather3A : vector<16xf32>
        %swap3A = arith.index_cast %add3A_210 : i32 to index
        %swap3A_214 = arith.constant 0 : index
        %swap3A_215 = tpu.vector_load %arg16[%swap3A, %swap3A_214] {strides = array<i32>} : memref<64x128xf32, #tpu.memory_space<vmem>>, vector<16xf32>,
        tpu.vector_store %arg16[%swap3A, %swap3A_214], %mul3A_213 {strides = array<i32>} : memref<64x128xf32, #tpu.memory_space<vmem>>, vector<16xf32>,
        %get3A_216 = arith.index_cast %add3A_210 : i32 to index
        %get3A_217 = arith.constant 16 : index
        %get3A_218 = tpu.vector_load %arg16[%get3A_216, %get3A_217] {strides = array<i32>} : memref<64x128xf32, #tpu.memory_space<vmem>>, vector<16xf32>,
        %mul3A_219 = arith.mulf %get3A_218, %gather3A : vector<16xf32>
        %swap3A_220 = arith.index_cast %add3A_210 : i32 to index
        %swap3A_221 = arith.constant 16 : index
        %swap3A_222 = tpu.vector_load %arg16[%swap3A_220, %swap3A_221] {strides = array<i32>} : memref<64x128xf32, #tpu.memory_space<vmem>>, vector<16xf32>,
        tpu.vector_store %arg16[%swap3A_220, %swap3A_221], %mul3A_219 {strides = array<i32>} : memref<64x128xf32, #tpu.memory_space<vmem>>, vector<16xf32>,
        %get3A_223 = arith.index_cast %add3A_210 : i32 to index
        %get3A_224 = arith.constant 32 : index
        %get3A_225 = tpu.vector_load %arg16[%get3A_223, %get3A_224] {strides = array<i32>} : memref<64x128xf32, #tpu.memory_space<vmem>>, vector<16xf32>,
        %mul3A_226 = arith.mulf %get3A_225, %gather3A : vector<16xf32>
        %swap3A_227 = arith.index_cast %add3A_210 : i32 to index
        %swap3A_228 = arith.constant 32 : index
        %swap3A_229 = tpu.vector_load %arg16[%swap3A_227, %swap3A_228] {strides = array<i32>} : memref<64x128xf32, #tpu.memory_space<vmem>>, vector<16xf32>,
        tpu.vector_store %arg16[%swap3A_227, %swap3A_228], %mul3A_226 {strides = array<i32>} : memref<64x128xf32, #tpu.memory_space<vmem>>, vector<16xf32>,
        %get3A_230 = arith.index_cast %add3A_210 : i32 to index
        %get3A_231 = arith.constant 48 : index
        %get3A_232 = tpu.vector_load %arg16[%get3A_230, %get3A_231] {strides = array<i32>} : memref<64x128xf32, #tpu.memory_space<vmem>>, vector<16xf32>,
        %mul3A_233 = arith.mulf %get3A_232, %gather3A : vector<16xf32>
        %swap3A_234 = arith.index_cast %add3A_210 : i32 to index
        %swap3A_235 = arith.constant 48 : index
        %swap3A_236 = tpu.vector_load %arg16[%swap3A_234, %swap3A_235] {strides = array<i32>} : memref<64x128xf32, #tpu.memory_space<vmem>>, vector<16xf32>,
        tpu.vector_store %arg16[%swap3A_234, %swap3A_235], %mul3A_233 {strides = array<i32>} : memref<64x128xf32, #tpu.memory_space<vmem>>, vector<16xf32>,
        %get3A_237 = arith.index_cast %add3A_210 : i32 to index
        %get3A_238 = arith.constant 64 : index
        %get3A_239 = tpu.vector_load %arg16[%get3A_237, %get3A_238] {strides = array<i32>} : memref<64x128xf32, #tpu.memory_space<vmem>>, vector<16xf32>,
        %mul3A_240 = arith.mulf %get3A_239, %gather3A : vector<16xf32>
        %swap3A_241 = arith.index_cast %add3A_210 : i32 to index
        %swap3A_242 = arith.constant 64 : index
        %swap3A_243 = tpu.vector_load %arg16[%swap3A_241, %swap3A_242] {strides = array<i32>} : memref<64x128xf32, #tpu.memory_space<vmem>>, vector<16xf32>,
        tpu.vector_store %arg16[%swap3A_241, %swap3A_242], %mul3A_240 {strides = array<i32>} : memref<64x128xf32, #tpu.memory_space<vmem>>, vector<16xf32>,
        %get3A_244 = arith.index_cast %add3A_210 : i32 to index
        %get3A_245 = arith.constant 80 : index
        %get3A_246 = tpu.vector_load %arg16[%get3A_244, %get3A_245] {strides = array<i32>} : memref<64x128xf32, #tpu.memory_space<vmem>>, vector<16xf32>,
        %mul3A_247 = arith.mulf %get3A_246, %gather3A : vector<16xf32>
        %swap3A_248 = arith.index_cast %add3A_210 : i32 to index
        %swap3A_249 = arith.constant 80 : index
        %swap3A_250 = tpu.vector_load %arg16[%swap3A_248, %swap3A_249] {strides = array<i32>} : memref<64x128xf32, #tpu.memory_space<vmem>>, vector<16xf32>,
        tpu.vector_store %arg16[%swap3A_248, %swap3A_249], %mul3A_247 {strides = array<i32>} : memref<64x128xf32, #tpu.memory_space<vmem>>, vector<16xf32>,
        %get3A_251 = arith.index_cast %add3A_210 : i32 to index
        %get3A_252 = arith.constant 96 : index
        %get3A_253 = tpu.vector_load %arg16[%get3A_251, %get3A_252] {strides = array<i32>} : memref<64x128xf32, #tpu.memory_space<vmem>>, vector<16xf32>,
        %mul3A_254 = arith.mulf %get3A_253, %gather3A : vector<16xf32>
        %swap3A_255 = arith.index_cast %add3A_210 : i32 to index
        %swap3A_256 = arith.constant 96 : index
        %swap3A_257 = tpu.vector_load %arg16[%swap3A_255, %swap3A_256] {strides = array<i32>} : memref<64x128xf32, #tpu.memory_space<vmem>>, vector<16xf32>,
        tpu.vector_store %arg16[%swap3A_255, %swap3A_256], %mul3A_254 {strides = array<i32>} : memref<64x128xf32, #tpu.memory_space<vmem>>, vector<16xf32>,
        %get3A_258 = arith.index_cast %add3A_210 : i32 to index
        %get3A_259 = arith.constant 112 : index
        %get3A_260 = tpu.vector_load %arg16[%get3A_258, %get3A_259] {strides = array<i32>} : memref<64x128xf32, #tpu.memory_space<vmem>>, vector<16xf32>,
        %mul3A_261 = arith.mulf %get3A_260, %gather3A : vector<16xf32>
        %swap3A_262 = arith.index_cast %add3A_210 : i32 to index
        %swap3A_263 = arith.constant 112 : index
        %swap3A_264 = tpu.vector_load %arg16[%swap3A_262, %swap3A_263] {strides = array<i32>} : memref<64x128xf32, #tpu.memory_space<vmem>>, vector<16xf32>,
        tpu.vector_store %arg16[%swap3A_262, %swap3A_263], %mul3A_261 {strides = array<i32>} : memref<64x128xf32, #tpu.memory_space<vmem>>, vector<16xf32>,
        %mul3A_265 = arith.constant 2 : i32
        %mul3A_266 = arith.muli %mul3A_265, %scan3A_206 : i32
        %add3A_267 = arith.constant 1 : i32
        %add3A_268 = arith.addi %mul3A_266, %add3A_267 : i32
        %broadcast_in_dim3A_269 = vector.broadcast %add3A_268 : i32 to vector<16xi32>
        %gather3A_270 = tpu.vector_load_idx %arg14[%broadcast_in_dim3A_269] : memref<64xf32, #tpu.memory_space<vmem>>[vector<16xi32>], vector<16xf32>,
        %get3A_271 = arith.index_cast %add3A_268 : i32 to index
        %get3A_272 = arith.constant 0 : index
        %get3A_273 = tpu.vector_load %arg16[%get3A_271, %get3A_272] {strides = array<i32>} : memref<64x128xf32, #tpu.memory_space<vmem>>, vector<16xf32>,
        %mul3A_274 = arith.mulf %get3A_273, %gather3A_270 : vector<16xf32>
        %swap3A_275 = arith.index_cast %add3A_268 : i32 to index
        %swap3A_276 = arith.constant 0 : index
        %swap3A_277 = tpu.vector_load %arg16[%swap3A_275, %swap3A_276] {strides = array<i32>} : memref<64x128xf32, #tpu.memory_space<vmem>>, vector<16xf32>,
        tpu.vector_store %arg16[%swap3A_275, %swap3A_276], %mul3A_274 {strides = array<i32>} : memref<64x128xf32, #tpu.memory_space<vmem>>, vector<16xf32>,
        %get3A_278 = arith.index_cast %add3A_268 : i32 to index
        %get3A_279 = arith.constant 16 : index
        %get3A_280 = tpu.vector_load %arg16[%get3A_278, %get3A_279] {strides = array<i32>} : memref<64x128xf32, #tpu.memory_space<vmem>>, vector<16xf32>,
        %mul3A_281 = arith.mulf %get3A_280, %gather3A_270 : vector<16xf32>
        %swap3A_282 = arith.index_cast %add3A_268 : i32 to index
        %swap3A_283 = arith.constant 16 : index
        %swap3A_284 = tpu.vector_load %arg16[%swap3A_282, %swap3A_283] {strides = array<i32>} : memref<64x128xf32, #tpu.memory_space<vmem>>, vector<16xf32>,
        tpu.vector_store %arg16[%swap3A_282, %swap3A_283], %mul3A_281 {strides = array<i32>} : memref<64x128xf32, #tpu.memory_space<vmem>>, vector<16xf32>,
        %get3A_285 = arith.index_cast %add3A_268 : i32 to index
        %get3A_286 = arith.constant 32 : index
        %get3A_287 = tpu.vector_load %arg16[%get3A_285, %get3A_286] {strides = array<i32>} : memref<64x128xf32, #tpu.memory_space<vmem>>, vector<16xf32>,
        %mul3A_288 = arith.mulf %get3A_287, %gather3A_270 : vector<16xf32>
        %swap3A_289 = arith.index_cast %add3A_268 : i32 to index
        %swap3A_290 = arith.constant 32 : index
        %swap3A_291 = tpu.vector_load %arg16[%swap3A_289, %swap3A_290] {strides = array<i32>} : memref<64x128xf32, #tpu.memory_space<vmem>>, vector<16xf32>,
        tpu.vector_store %arg16[%swap3A_289, %swap3A_290], %mul3A_288 {strides = array<i32>} : memref<64x128xf32, #tpu.memory_space<vmem>>, vector<16xf32>,
        %get3A_292 = arith.index_cast %add3A_268 : i32 to index
        %get3A_293 = arith.constant 48 : index
        %get3A_294 = tpu.vector_load %arg16[%get3A_292, %get3A_293] {strides = array<i32>} : memref<64x128xf32, #tpu.memory_space<vmem>>, vector<16xf32>,
        %mul3A_295 = arith.mulf %get3A_294, %gather3A_270 : vector<16xf32>
        %swap3A_296 = arith.index_cast %add3A_268 : i32 to index
        %swap3A_297 = arith.constant 48 : index
        %swap3A_298 = tpu.vector_load %arg16[%swap3A_296, %swap3A_297] {strides = array<i32>} : memref<64x128xf32, #tpu.memory_space<vmem>>, vector<16xf32>,
        tpu.vector_store %arg16[%swap3A_296, %swap3A_297], %mul3A_295 {strides = array<i32>} : memref<64x128xf32, #tpu.memory_space<vmem>>, vector<16xf32>,
        %get3A_299 = arith.index_cast %add3A_268 : i32 to index
        %get3A_300 = arith.constant 64 : index
        %get3A_301 = tpu.vector_load %arg16[%get3A_299, %get3A_300] {strides = array<i32>} : memref<64x128xf32, #tpu.memory_space<vmem>>, vector<16xf32>,
        %mul3A_302 = arith.mulf %get3A_301, %gather3A_270 : vector<16xf32>
        %swap3A_303 = arith.index_cast %add3A_268 : i32 to index
        %swap3A_304 = arith.constant 64 : index
        %swap3A_305 = tpu.vector_load %arg16[%swap3A_303, %swap3A_304] {strides = array<i32>} : memref<64x128xf32, #tpu.memory_space<vmem>>, vector<16xf32>,
        tpu.vector_store %arg16[%swap3A_303, %swap3A_304], %mul3A_302 {strides = array<i32>} : memref<64x128xf32, #tpu.memory_space<vmem>>, vector<16xf32>,
        %get3A_306 = arith.index_cast %add3A_268 : i32 to index
        %get3A_307 = arith.constant 80 : index
        %get3A_308 = tpu.vector_load %arg16[%get3A_306, %get3A_307] {strides = array<i32>} : memref<64x128xf32, #tpu.memory_space<vmem>>, vector<16xf32>,
        %mul3A_309 = arith.mulf %get3A_308, %gather3A_270 : vector<16xf32>
        %swap3A_310 = arith.index_cast %add3A_268 : i32 to index
        %swap3A_311 = arith.constant 80 : index
        %swap3A_312 = tpu.vector_load %arg16[%swap3A_310, %swap3A_311] {strides = array<i32>} : memref<64x128xf32, #tpu.memory_space<vmem>>, vector<16xf32>,
        tpu.vector_store %arg16[%swap3A_310, %swap3A_311], %mul3A_309 {strides = array<i32>} : memref<64x128xf32, #tpu.memory_space<vmem>>, vector<16xf32>,
        %get3A_313 = arith.index_cast %add3A_268 : i32 to index
        %get3A_314 = arith.constant 96 : index
        %get3A_315 = tpu.vector_load %arg16[%get3A_313, %get3A_314] {strides = array<i32>} : memref<64x128xf32, #tpu.memory_space<vmem>>, vector<16xf32>,
        %mul3A_316 = arith.mulf %get3A_315, %gather3A_270 : vector<16xf32>
        %swap3A_317 = arith.index_cast %add3A_268 : i32 to index
        %swap3A_318 = arith.constant 96 : index
        %swap3A_319 = tpu.vector_load %arg16[%swap3A_317, %swap3A_318] {strides = array<i32>} : memref<64x128xf32, #tpu.memory_space<vmem>>, vector<16xf32>,
        tpu.vector_store %arg16[%swap3A_317, %swap3A_318], %mul3A_316 {strides = array<i32>} : memref<64x128xf32, #tpu.memory_space<vmem>>, vector<16xf32>,
        %get3A_320 = arith.index_cast %add3A_268 : i32 to index
        %get3A_321 = arith.constant 112 : index
        %get3A_322 = tpu.vector_load %arg16[%get3A_320, %get3A_321] {strides = array<i32>} : memref<64x128xf32, #tpu.memory_space<vmem>>, vector<16xf32>,
        %mul3A_323 = arith.mulf %get3A_322, %gather3A_270 : vector<16xf32>
        %swap3A_324 = arith.index_cast %add3A_268 : i32 to index
        %swap3A_325 = arith.constant 112 : index
        %swap3A_326 = tpu.vector_load %arg16[%swap3A_324, %swap3A_325] {strides = array<i32>} : memref<64x128xf32, #tpu.memory_space<vmem>>, vector<16xf32>,
        tpu.vector_store %arg16[%swap3A_324, %swap3A_325], %mul3A_323 {strides = array<i32>} : memref<64x128xf32, #tpu.memory_space<vmem>>, vector<16xf32>,
      }
      %scan3A_147 = arith.constant 32 : i32
      %dma_start3A_148 = arith.constant 1 : i32
      %dma_start3A_149 = arith.constant 0 : i32
      %dma_start3A_150 = tpu.memref_slice %arg12[%dma_start3A_148, %dma_start3A_149] : memref<2x64xi32, #tpu.memory_space<vmem>> -> memref<1x64xi32, #tpu.memory_space<vmem>>
      %dma_start3A_151 = tpu.memref_squeeze %dma_start3A_150 : memref<1x64xi32, #tpu.memory_space<vmem>> -> memref<64xi32, #tpu.memory_space<vmem>>
      %dma_start3A_152 = arith.constant 0 : i32
      %dma_start3A_153 = arith.constant 0 : i32
      %dma_start3A_154 = tpu.memref_slice %arg18[%dma_start3A_152, %dma_start3A_153] : memref<10240x128xf32, #tpu.memory_space<vmem_shared>> -> memref<10240x128xf32, #tpu.memory_space<vmem_shared>>
      tpu.enqueue_indirect_dma source(%arg16 : memref<64x128xf32, #tpu.memory_space<vmem>>) target(%dma_start3A_154 : memref<10240x128xf32, #tpu.memory_space<vmem_shared>>) offsets(%dma_start3A_151 : memref<64xi32, #tpu.memory_space<vmem>>) semaphore(%arg23 : memref<!tpu.dma_semaphore, #tpu.memory_space<semaphore_mem>>) {add = true}
      %add3A_155 = arith.constant 2 : i32
      %add3A_156 = arith.addi %mul3A_122, %add3A_155 : i32
      %lt3A_157 = arith.cmpi slt, %add3A_156, %select_n3A : i32
      %convert_element_type3A_158 = arith.extui %lt3A_157 : i1 to i32
      %cond3A_159 = arith.constant 0 : i32
      %cond3A_160 = arith.cmpi ne, %convert_element_type3A_158, %cond3A_159 : i32
      scf.if %cond3A_160 {
        %add3A_206 = arith.addi %select_n3A_44, %mul3A_122 : i32
        %add3A_207 = arith.constant 2 : i32
        %add3A_208 = arith.addi %add3A_206, %add3A_207 : i32
        %dma_start3A_209 = arith.constant 0 : i32
        %dma_start3A_210 = arith.constant 0 : i32
        %dma_start3A_211 = tpu.memref_slice %arg2[%add3A_208, %dma_start3A_209, %dma_start3A_210] : memref<2688x2x64xi32, #tpu.memory_space<hbm>> -> memref<1x2x64xi32, #tpu.memory_space<hbm>>
        %dma_start3A_212 = tpu.memref_squeeze %dma_start3A_211 : memref<1x2x64xi32, #tpu.memory_space<hbm>> -> memref<2x64xi32, #tpu.memory_space<hbm>>
        %dma_start3A_213 = arith.constant 0 : i32
        %dma_start3A_214 = arith.constant 0 : i32
        %dma_start3A_215 = tpu.memref_slice %arg2[%add3A_208, %dma_start3A_213, %dma_start3A_214] : memref<2688x2x64xi32, #tpu.memory_space<hbm>> -> memref<1x2x64xi32, #tpu.memory_space<hbm>>
        %dma_start3A_216 = tpu.memref_squeeze %dma_start3A_215 : memref<1x2x64xi32, #tpu.memory_space<hbm>> -> memref<2x64xi32, #tpu.memory_space<hbm>>
        tpu.enqueue_dma source(%dma_start3A_216 : memref<2x64xi32, #tpu.memory_space<hbm>>) target(%arg12 : memref<2x64xi32, #tpu.memory_space<vmem>>) target_semaphore(%arg19 : memref<!tpu.dma_semaphore, #tpu.memory_space<semaphore_mem>>)
      } else {
      }
      %mul3A_161 = arith.constant 2 : i32
      %mul3A_162 = arith.muli %mul3A_161, %while3A_120 : i32
      %add3A_163 = arith.constant 1 : i32
      %add3A_164 = arith.addi %mul3A_162, %add3A_163 : i32
      %add3A_165 = arith.constant 1 : i32
      %add3A_166 = arith.addi %add3A_164, %add3A_165 : i32
      %lt3A_167 = arith.cmpi slt, %add3A_166, %select_n3A : i32
      %convert_element_type3A_168 = arith.extui %lt3A_167 : i1 to i32
      %cond3A_169 = arith.constant 0 : i32
      %cond3A_170 = arith.cmpi ne, %convert_element_type3A_168, %cond3A_169 : i32
      scf.if %cond3A_170 {
        %add3A_206 = arith.addi %select_n3A_44, %add3A_164 : i32
        %add3A_207 = arith.constant 1 : i32
        %add3A_208 = arith.addi %add3A_206, %add3A_207 : i32
        %dma_wait3A_209 = arith.constant 0 : i32
        %dma_wait3A_210 = arith.constant 0 : i32
        %dma_wait3A_211 = tpu.memref_slice %arg2[%add3A_208, %dma_wait3A_209, %dma_wait3A_210] : memref<2688x2x64xi32, #tpu.memory_space<hbm>> -> memref<1x2x64xi32, #tpu.memory_space<hbm>>
        %dma_wait3A_212 = tpu.memref_squeeze %dma_wait3A_211 : memref<1x2x64xi32, #tpu.memory_space<hbm>> -> memref<2x64xi32, #tpu.memory_space<hbm>>
        %dma_wait3A_213 = arith.constant 0 : i32
        %dma_wait3A_214 = arith.constant 0 : i32
        %dma_wait3A_215 = tpu.memref_slice %arg2[%add3A_208, %dma_wait3A_213, %dma_wait3A_214] : memref<2688x2x64xi32, #tpu.memory_space<hbm>> -> memref<1x2x64xi32, #tpu.memory_space<hbm>>
        %dma_wait3A_216 = tpu.memref_squeeze %dma_wait3A_215 : memref<1x2x64xi32, #tpu.memory_space<hbm>> -> memref<2x64xi32, #tpu.memory_space<hbm>>
        tpu.wait_dma2 semaphore(%arg19 : memref<!tpu.dma_semaphore, #tpu.memory_space<semaphore_mem>>) src(%dma_wait3A_216 : memref<2x64xi32, #tpu.memory_space<hbm>>) dst(%arg12 : memref<2x64xi32, #tpu.memory_space<vmem>>)
        %ge3A = arith.constant 1 : i32
        %ge3A_217 = arith.cmpi sge, %add3A_164, %ge3A : i32
        %convert_element_type3A_218 = arith.extui %ge3A_217 : i1 to i32
        %cond3A_219 = arith.constant 0 : i32
        %cond3A_220 = arith.cmpi ne, %convert_element_type3A_218, %cond3A_219 : i32
        scf.if %cond3A_220 {
          %dma_wait3A_228 = arith.constant 1 : i32
          %dma_wait3A_229 = arith.constant 0 : i32
          %dma_wait3A_230 = tpu.memref_slice %arg12[%dma_wait3A_228, %dma_wait3A_229] : memref<2x64xi32, #tpu.memory_space<vmem>> -> memref<1x64xi32, #tpu.memory_space<vmem>>
          %dma_wait3A_231 = tpu.memref_squeeze %dma_wait3A_230 : memref<1x64xi32, #tpu.memory_space<vmem>> -> memref<64xi32, #tpu.memory_space<vmem>>
          %dma_wait3A_232 = arith.constant 0 : i32
          %dma_wait3A_233 = arith.constant 0 : i32
          %dma_wait3A_234 = tpu.memref_slice %arg18[%dma_wait3A_232, %dma_wait3A_233] : memref<10240x128xf32, #tpu.memory_space<vmem_shared>> -> memref<10240x128xf32, #tpu.memory_space<vmem_shared>>
          tpu.wait_indirect_dma semaphore(%arg23 : memref<!tpu.dma_semaphore, #tpu.memory_space<semaphore_mem>>) src(%arg16 : memref<64x128xf32, #tpu.memory_space<vmem>>) dst(%dma_wait3A_234 : memref<10240x128xf32, #tpu.memory_space<vmem_shared>>)
        } else {
        }
        %dma_start3A_221 = arith.constant 0 : i32
        %dma_start3A_222 = arith.constant 0 : i32
        %dma_start3A_223 = tpu.memref_slice %arg12[%dma_start3A_221, %dma_start3A_222] : memref<2x64xi32, #tpu.memory_space<vmem>> -> memref<1x64xi32, #tpu.memory_space<vmem>>
        %dma_start3A_224 = tpu.memref_squeeze %dma_start3A_223 : memref<1x64xi32, #tpu.memory_space<vmem>> -> memref<64xi32, #tpu.memory_space<vmem>>
        %dma_start3A_225 = arith.constant 0 : i32
        %dma_start3A_226 = arith.constant 0 : i32
        %dma_start3A_227 = tpu.memref_slice %arg6[%dma_start3A_225, %dma_start3A_226] : memref<10000x128xf32, #tpu.memory_space<hbm>> -> memref<10000x128xf32, #tpu.memory_space<hbm>>
        tpu.enqueue_indirect_dma source(%dma_start3A_227 : memref<10000x128xf32, #tpu.memory_space<hbm>>) target(%arg16 : memref<64x128xf32, #tpu.memory_space<vmem>>) offsets(%dma_start3A_224 : memref<64xi32, #tpu.memory_space<vmem>>) semaphore(%arg21 : memref<!tpu.dma_semaphore, #tpu.memory_space<semaphore_mem>>)
      } else {
      }
      %mul3A_171 = arith.constant 64 : i32
      %mul3A_172 = arith.muli %add3A_164, %mul3A_171 : i32
      %add3A_173 = arith.addi %mul3A_46, %mul3A_172 : i32
      %scan3A_174 = arith.constant 0 : i32
      %scan3A_175 = arith.constant 0 : i32
      %scan3A_176 = arith.constant 4 : i32
      %scan3A_177 = arith.addi %scan3A_175, %scan3A_176 : i32
      %scan3A_178 = arith.constant 1 : i32
      scf.for %scan3A_206 = %scan3A_175 to %scan3A_177 step %scan3A_178  : i32 {
        %mul3A_207 = arith.constant 16 : i32
        %mul3A_208 = arith.muli %scan3A_206, %mul3A_207 : i32
        %get3A = arith.constant 0 : i32
        %get3A_209 = arith.index_cast %get3A : i32 to index
        %get3A_210 = arith.index_cast %mul3A_208 : i32 to index
        %get3A_211 = tpu.vector_load %arg13[%get3A_209, %get3A_210] {strides = array<i32>} : memref<2x64xi32, #tpu.memory_space<vmem>>, vector<16xi32>,
        %mul3A_212 = arith.constant 16 : i32
        %mul3A_213 = arith.muli %scan3A_206, %mul3A_212 : i32
        %get3A_214 = arith.constant 1 : i32
        %get3A_215 = arith.index_cast %get3A_214 : i32 to index
        %get3A_216 = arith.index_cast %mul3A_213 : i32 to index
        %get3A_217 = tpu.vector_load %arg13[%get3A_215, %get3A_216] {strides = array<i32>} : memref<2x64xi32, #tpu.memory_space<vmem>>, vector<16xi32>,
        %gather3A = tpu.vector_load_idx %arg9[%get3A_211] : memref<10000xf32, #tpu.memory_space<vmem>>[vector<16xi32>], vector<16xf32>,
        %gather3A_218 = tpu.vector_load_idx %arg10[%get3A_217] : memref<10000xf32, #tpu.memory_space<vmem>>[vector<16xi32>], vector<16xf32>,
        %add3A_219 = arith.addf %gather3A, %gather3A_218 : vector<16xf32>
        %mul3A_220 = arith.constant 2.000000e-01 : f32
        %mul3A_221 = vector.broadcast %mul3A_220 : f32 to vector<16xf32>
        %mul3A_222 = arith.mulf %mul3A_221, %add3A_219 : vector<16xf32>
        %max3A = arith.maximumf %add3A_219, %mul3A_222 : vector<16xf32>
        %exp3A = math.exp %max3A : vector<16xf32>
        %mul3A_223 = arith.constant 16 : i32
        %mul3A_224 = arith.muli %scan3A_206, %mul3A_223 : i32
        %add3A_225 = arith.addi %add3A_173, %mul3A_224 : i32
        %iota3A = tpu.iota {dimensions = array<i32: 0>} : vector<16xi32>
        %add3A_226 = vector.broadcast %add3A_225 : i32 to vector<16xi32>
        %add3A_227 = arith.addi %add3A_226, %iota3A : vector<16xi32>
        %lt3A_228 = arith.constant 170000 : i32
        %lt3A_229 = vector.broadcast %lt3A_228 : i32 to vector<16xi32>
        %lt3A_230 = arith.cmpi slt, %add3A_227, %lt3A_229 : vector<16xi32>
        %jit3A_231 = arith.constant 0.000000e+00 : f32
        %broadcast_in_dim3A = vector.broadcast %jit3A_231 : f32 to vector<16xf32>
        %select_n3A_232 = arith.select %lt3A_230, %exp3A, %broadcast_in_dim3A : vector<16xi1>, vector<16xf32>
        %mul3A_233 = arith.constant 16 : i32
        %mul3A_234 = arith.muli %scan3A_206, %mul3A_233 : i32
        %swap3A = arith.index_cast %mul3A_234 : i32 to index
        %swap3A_235 = tpu.vector_load %arg15[%swap3A] {strides = array<i32>} : memref<64xf32, #tpu.memory_space<vmem>>, vector<16xf32>,
        tpu.vector_store %arg15[%swap3A], %select_n3A_232 {strides = array<i32>} : memref<64xf32, #tpu.memory_space<vmem>>, vector<16xf32>,
        %scatter3A = arith.constant 0 : i32
        %scatter3A_236 = arith.constant 0 : i32
        %scatter3A_237 = tpu.memref_slice %arg11[%scatter3A, %scatter3A_236] : memref<1x10000xf32, #tpu.memory_space<vmem>> -> memref<1x10000xf32, #tpu.memory_space<vmem>>
        %scatter3A_238 = tpu.memref_squeeze %scatter3A_237 : memref<1x10000xf32, #tpu.memory_space<vmem>> -> memref<10000xf32, #tpu.memory_space<vmem>>
        tpu.vector_store_idx %scatter3A_238[%get3A_217], %select_n3A_232 {add = true} : memref<10000xf32, #tpu.memory_space<vmem>>[vector<16xi32>], vector<16xf32>,
      }
      %scan3A_179 = arith.constant 4 : i32
      %dma_wait3A_180 = arith.constant 0 : i32
      %dma_wait3A_181 = arith.constant 0 : i32
      %dma_wait3A_182 = tpu.memref_slice %arg13[%dma_wait3A_180, %dma_wait3A_181] : memref<2x64xi32, #tpu.memory_space<vmem>> -> memref<1x64xi32, #tpu.memory_space<vmem>>
      %dma_wait3A_183 = tpu.memref_squeeze %dma_wait3A_182 : memref<1x64xi32, #tpu.memory_space<vmem>> -> memref<64xi32, #tpu.memory_space<vmem>>
      %dma_wait3A_184 = arith.constant 0 : i32
      %dma_wait3A_185 = arith.constant 0 : i32
      %dma_wait3A_186 = tpu.memref_slice %arg6[%dma_wait3A_184, %dma_wait3A_185] : memref<10000x128xf32, #tpu.memory_space<hbm>> -> memref<10000x128xf32, #tpu.memory_space<hbm>>
      tpu.wait_indirect_dma semaphore(%arg22 : memref<!tpu.dma_semaphore, #tpu.memory_space<semaphore_mem>>) src(%dma_wait3A_186 : memref<10000x128xf32, #tpu.memory_space<hbm>>) dst(%arg17 : memref<64x128xf32, #tpu.memory_space<vmem>>)
      %scan3A_187 = arith.constant 0 : i32
      %scan3A_188 = arith.constant 0 : i32
      %scan3A_189 = arith.constant 32 : i32
      %scan3A_190 = arith.addi %scan3A_188, %scan3A_189 : i32
      %scan3A_191 = arith.constant 1 : i32
      scf.for %scan3A_206 = %scan3A_188 to %scan3A_190 step %scan3A_191  : i32 {
        %mul3A_207 = arith.constant 2 : i32
        %mul3A_208 = arith.muli %mul3A_207, %scan3A_206 : i32
        %add3A_209 = arith.constant 0 : i32
        %add3A_210 = arith.addi %mul3A_208, %add3A_209 : i32
        %broadcast_in_dim3A = vector.broadcast %add3A_210 : i32 to vector<16xi32>
        %gather3A = tpu.vector_load_idx %arg15[%broadcast_in_dim3A] : memref<64xf32, #tpu.memory_space<vmem>>[vector<16xi32>], vector<16xf32>,
        %get3A = arith.index_cast %add3A_210 : i32 to index
        %get3A_211 = arith.constant 0 : index
        %get3A_212 = tpu.vector_load %arg17[%get3A, %get3A_211] {strides = array<i32>} : memref<64x128xf32, #tpu.memory_space<vmem>>, vector<16xf32>,
        %mul3A_213 = arith.mulf %get3A_212, %gather3A : vector<16xf32>
        %swap3A = arith.index_cast %add3A_210 : i32 to index
        %swap3A_214 = arith.constant 0 : index
        %swap3A_215 = tpu.vector_load %arg17[%swap3A, %swap3A_214] {strides = array<i32>} : memref<64x128xf32, #tpu.memory_space<vmem>>, vector<16xf32>,
        tpu.vector_store %arg17[%swap3A, %swap3A_214], %mul3A_213 {strides = array<i32>} : memref<64x128xf32, #tpu.memory_space<vmem>>, vector<16xf32>,
        %get3A_216 = arith.index_cast %add3A_210 : i32 to index
        %get3A_217 = arith.constant 16 : index
        %get3A_218 = tpu.vector_load %arg17[%get3A_216, %get3A_217] {strides = array<i32>} : memref<64x128xf32, #tpu.memory_space<vmem>>, vector<16xf32>,
        %mul3A_219 = arith.mulf %get3A_218, %gather3A : vector<16xf32>
        %swap3A_220 = arith.index_cast %add3A_210 : i32 to index
        %swap3A_221 = arith.constant 16 : index
        %swap3A_222 = tpu.vector_load %arg17[%swap3A_220, %swap3A_221] {strides = array<i32>} : memref<64x128xf32, #tpu.memory_space<vmem>>, vector<16xf32>,
        tpu.vector_store %arg17[%swap3A_220, %swap3A_221], %mul3A_219 {strides = array<i32>} : memref<64x128xf32, #tpu.memory_space<vmem>>, vector<16xf32>,
        %get3A_223 = arith.index_cast %add3A_210 : i32 to index
        %get3A_224 = arith.constant 32 : index
        %get3A_225 = tpu.vector_load %arg17[%get3A_223, %get3A_224] {strides = array<i32>} : memref<64x128xf32, #tpu.memory_space<vmem>>, vector<16xf32>,
        %mul3A_226 = arith.mulf %get3A_225, %gather3A : vector<16xf32>
        %swap3A_227 = arith.index_cast %add3A_210 : i32 to index
        %swap3A_228 = arith.constant 32 : index
        %swap3A_229 = tpu.vector_load %arg17[%swap3A_227, %swap3A_228] {strides = array<i32>} : memref<64x128xf32, #tpu.memory_space<vmem>>, vector<16xf32>,
        tpu.vector_store %arg17[%swap3A_227, %swap3A_228], %mul3A_226 {strides = array<i32>} : memref<64x128xf32, #tpu.memory_space<vmem>>, vector<16xf32>,
        %get3A_230 = arith.index_cast %add3A_210 : i32 to index
        %get3A_231 = arith.constant 48 : index
        %get3A_232 = tpu.vector_load %arg17[%get3A_230, %get3A_231] {strides = array<i32>} : memref<64x128xf32, #tpu.memory_space<vmem>>, vector<16xf32>,
        %mul3A_233 = arith.mulf %get3A_232, %gather3A : vector<16xf32>
        %swap3A_234 = arith.index_cast %add3A_210 : i32 to index
        %swap3A_235 = arith.constant 48 : index
        %swap3A_236 = tpu.vector_load %arg17[%swap3A_234, %swap3A_235] {strides = array<i32>} : memref<64x128xf32, #tpu.memory_space<vmem>>, vector<16xf32>,
        tpu.vector_store %arg17[%swap3A_234, %swap3A_235], %mul3A_233 {strides = array<i32>} : memref<64x128xf32, #tpu.memory_space<vmem>>, vector<16xf32>,
        %get3A_237 = arith.index_cast %add3A_210 : i32 to index
        %get3A_238 = arith.constant 64 : index
        %get3A_239 = tpu.vector_load %arg17[%get3A_237, %get3A_238] {strides = array<i32>} : memref<64x128xf32, #tpu.memory_space<vmem>>, vector<16xf32>,
        %mul3A_240 = arith.mulf %get3A_239, %gather3A : vector<16xf32>
        %swap3A_241 = arith.index_cast %add3A_210 : i32 to index
        %swap3A_242 = arith.constant 64 : index
        %swap3A_243 = tpu.vector_load %arg17[%swap3A_241, %swap3A_242] {strides = array<i32>} : memref<64x128xf32, #tpu.memory_space<vmem>>, vector<16xf32>,
        tpu.vector_store %arg17[%swap3A_241, %swap3A_242], %mul3A_240 {strides = array<i32>} : memref<64x128xf32, #tpu.memory_space<vmem>>, vector<16xf32>,
        %get3A_244 = arith.index_cast %add3A_210 : i32 to index
        %get3A_245 = arith.constant 80 : index
        %get3A_246 = tpu.vector_load %arg17[%get3A_244, %get3A_245] {strides = array<i32>} : memref<64x128xf32, #tpu.memory_space<vmem>>, vector<16xf32>,
        %mul3A_247 = arith.mulf %get3A_246, %gather3A : vector<16xf32>
        %swap3A_248 = arith.index_cast %add3A_210 : i32 to index
        %swap3A_249 = arith.constant 80 : index
        %swap3A_250 = tpu.vector_load %arg17[%swap3A_248, %swap3A_249] {strides = array<i32>} : memref<64x128xf32, #tpu.memory_space<vmem>>, vector<16xf32>,
        tpu.vector_store %arg17[%swap3A_248, %swap3A_249], %mul3A_247 {strides = array<i32>} : memref<64x128xf32, #tpu.memory_space<vmem>>, vector<16xf32>,
        %get3A_251 = arith.index_cast %add3A_210 : i32 to index
        %get3A_252 = arith.constant 96 : index
        %get3A_253 = tpu.vector_load %arg17[%get3A_251, %get3A_252] {strides = array<i32>} : memref<64x128xf32, #tpu.memory_space<vmem>>, vector<16xf32>,
        %mul3A_254 = arith.mulf %get3A_253, %gather3A : vector<16xf32>
        %swap3A_255 = arith.index_cast %add3A_210 : i32 to index
        %swap3A_256 = arith.constant 96 : index
        %swap3A_257 = tpu.vector_load %arg17[%swap3A_255, %swap3A_256] {strides = array<i32>} : memref<64x128xf32, #tpu.memory_space<vmem>>, vector<16xf32>,
        tpu.vector_store %arg17[%swap3A_255, %swap3A_256], %mul3A_254 {strides = array<i32>} : memref<64x128xf32, #tpu.memory_space<vmem>>, vector<16xf32>,
        %get3A_258 = arith.index_cast %add3A_210 : i32 to index
        %get3A_259 = arith.constant 112 : index
        %get3A_260 = tpu.vector_load %arg17[%get3A_258, %get3A_259] {strides = array<i32>} : memref<64x128xf32, #tpu.memory_space<vmem>>, vector<16xf32>,
        %mul3A_261 = arith.mulf %get3A_260, %gather3A : vector<16xf32>
        %swap3A_262 = arith.index_cast %add3A_210 : i32 to index
        %swap3A_263 = arith.constant 112 : index
        %swap3A_264 = tpu.vector_load %arg17[%swap3A_262, %swap3A_263] {strides = array<i32>} : memref<64x128xf32, #tpu.memory_space<vmem>>, vector<16xf32>,
        tpu.vector_store %arg17[%swap3A_262, %swap3A_263], %mul3A_261 {strides = array<i32>} : memref<64x128xf32, #tpu.memory_space<vmem>>, vector<16xf32>,
        %mul3A_265 = arith.constant 2 : i32
        %mul3A_266 = arith.muli %mul3A_265, %scan3A_206 : i32
        %add3A_267 = arith.constant 1 : i32
        %add3A_268 = arith.addi %mul3A_266, %add3A_267 : i32
        %broadcast_in_dim3A_269 = vector.broadcast %add3A_268 : i32 to vector<16xi32>
        %gather3A_270 = tpu.vector_load_idx %arg15[%broadcast_in_dim3A_269] : memref<64xf32, #tpu.memory_space<vmem>>[vector<16xi32>], vector<16xf32>,
        %get3A_271 = arith.index_cast %add3A_268 : i32 to index
        %get3A_272 = arith.constant 0 : index
        %get3A_273 = tpu.vector_load %arg17[%get3A_271, %get3A_272] {strides = array<i32>} : memref<64x128xf32, #tpu.memory_space<vmem>>, vector<16xf32>,
        %mul3A_274 = arith.mulf %get3A_273, %gather3A_270 : vector<16xf32>
        %swap3A_275 = arith.index_cast %add3A_268 : i32 to index
        %swap3A_276 = arith.constant 0 : index
        %swap3A_277 = tpu.vector_load %arg17[%swap3A_275, %swap3A_276] {strides = array<i32>} : memref<64x128xf32, #tpu.memory_space<vmem>>, vector<16xf32>,
        tpu.vector_store %arg17[%swap3A_275, %swap3A_276], %mul3A_274 {strides = array<i32>} : memref<64x128xf32, #tpu.memory_space<vmem>>, vector<16xf32>,
        %get3A_278 = arith.index_cast %add3A_268 : i32 to index
        %get3A_279 = arith.constant 16 : index
        %get3A_280 = tpu.vector_load %arg17[%get3A_278, %get3A_279] {strides = array<i32>} : memref<64x128xf32, #tpu.memory_space<vmem>>, vector<16xf32>,
        %mul3A_281 = arith.mulf %get3A_280, %gather3A_270 : vector<16xf32>
        %swap3A_282 = arith.index_cast %add3A_268 : i32 to index
        %swap3A_283 = arith.constant 16 : index
        %swap3A_284 = tpu.vector_load %arg17[%swap3A_282, %swap3A_283] {strides = array<i32>} : memref<64x128xf32, #tpu.memory_space<vmem>>, vector<16xf32>,
        tpu.vector_store %arg17[%swap3A_282, %swap3A_283], %mul3A_281 {strides = array<i32>} : memref<64x128xf32, #tpu.memory_space<vmem>>, vector<16xf32>,
        %get3A_285 = arith.index_cast %add3A_268 : i32 to index
        %get3A_286 = arith.constant 32 : index
        %get3A_287 = tpu.vector_load %arg17[%get3A_285, %get3A_286] {strides = array<i32>} : memref<64x128xf32, #tpu.memory_space<vmem>>, vector<16xf32>,
        %mul3A_288 = arith.mulf %get3A_287, %gather3A_270 : vector<16xf32>
        %swap3A_289 = arith.index_cast %add3A_268 : i32 to index
        %swap3A_290 = arith.constant 32 : index
        %swap3A_291 = tpu.vector_load %arg17[%swap3A_289, %swap3A_290] {strides = array<i32>} : memref<64x128xf32, #tpu.memory_space<vmem>>, vector<16xf32>,
        tpu.vector_store %arg17[%swap3A_289, %swap3A_290], %mul3A_288 {strides = array<i32>} : memref<64x128xf32, #tpu.memory_space<vmem>>, vector<16xf32>,
        %get3A_292 = arith.index_cast %add3A_268 : i32 to index
        %get3A_293 = arith.constant 48 : index
        %get3A_294 = tpu.vector_load %arg17[%get3A_292, %get3A_293] {strides = array<i32>} : memref<64x128xf32, #tpu.memory_space<vmem>>, vector<16xf32>,
        %mul3A_295 = arith.mulf %get3A_294, %gather3A_270 : vector<16xf32>
        %swap3A_296 = arith.index_cast %add3A_268 : i32 to index
        %swap3A_297 = arith.constant 48 : index
        %swap3A_298 = tpu.vector_load %arg17[%swap3A_296, %swap3A_297] {strides = array<i32>} : memref<64x128xf32, #tpu.memory_space<vmem>>, vector<16xf32>,
        tpu.vector_store %arg17[%swap3A_296, %swap3A_297], %mul3A_295 {strides = array<i32>} : memref<64x128xf32, #tpu.memory_space<vmem>>, vector<16xf32>,
        %get3A_299 = arith.index_cast %add3A_268 : i32 to index
        %get3A_300 = arith.constant 64 : index
        %get3A_301 = tpu.vector_load %arg17[%get3A_299, %get3A_300] {strides = array<i32>} : memref<64x128xf32, #tpu.memory_space<vmem>>, vector<16xf32>,
        %mul3A_302 = arith.mulf %get3A_301, %gather3A_270 : vector<16xf32>
        %swap3A_303 = arith.index_cast %add3A_268 : i32 to index
        %swap3A_304 = arith.constant 64 : index
        %swap3A_305 = tpu.vector_load %arg17[%swap3A_303, %swap3A_304] {strides = array<i32>} : memref<64x128xf32, #tpu.memory_space<vmem>>, vector<16xf32>,
        tpu.vector_store %arg17[%swap3A_303, %swap3A_304], %mul3A_302 {strides = array<i32>} : memref<64x128xf32, #tpu.memory_space<vmem>>, vector<16xf32>,
        %get3A_306 = arith.index_cast %add3A_268 : i32 to index
        %get3A_307 = arith.constant 80 : index
        %get3A_308 = tpu.vector_load %arg17[%get3A_306, %get3A_307] {strides = array<i32>} : memref<64x128xf32, #tpu.memory_space<vmem>>, vector<16xf32>,
        %mul3A_309 = arith.mulf %get3A_308, %gather3A_270 : vector<16xf32>
        %swap3A_310 = arith.index_cast %add3A_268 : i32 to index
        %swap3A_311 = arith.constant 80 : index
        %swap3A_312 = tpu.vector_load %arg17[%swap3A_310, %swap3A_311] {strides = array<i32>} : memref<64x128xf32, #tpu.memory_space<vmem>>, vector<16xf32>,
        tpu.vector_store %arg17[%swap3A_310, %swap3A_311], %mul3A_309 {strides = array<i32>} : memref<64x128xf32, #tpu.memory_space<vmem>>, vector<16xf32>,
        %get3A_313 = arith.index_cast %add3A_268 : i32 to index
        %get3A_314 = arith.constant 96 : index
        %get3A_315 = tpu.vector_load %arg17[%get3A_313, %get3A_314] {strides = array<i32>} : memref<64x128xf32, #tpu.memory_space<vmem>>, vector<16xf32>,
        %mul3A_316 = arith.mulf %get3A_315, %gather3A_270 : vector<16xf32>
        %swap3A_317 = arith.index_cast %add3A_268 : i32 to index
        %swap3A_318 = arith.constant 96 : index
        %swap3A_319 = tpu.vector_load %arg17[%swap3A_317, %swap3A_318] {strides = array<i32>} : memref<64x128xf32, #tpu.memory_space<vmem>>, vector<16xf32>,
        tpu.vector_store %arg17[%swap3A_317, %swap3A_318], %mul3A_316 {strides = array<i32>} : memref<64x128xf32, #tpu.memory_space<vmem>>, vector<16xf32>,
        %get3A_320 = arith.index_cast %add3A_268 : i32 to index
        %get3A_321 = arith.constant 112 : index
        %get3A_322 = tpu.vector_load %arg17[%get3A_320, %get3A_321] {strides = array<i32>} : memref<64x128xf32, #tpu.memory_space<vmem>>, vector<16xf32>,
        %mul3A_323 = arith.mulf %get3A_322, %gather3A_270 : vector<16xf32>
        %swap3A_324 = arith.index_cast %add3A_268 : i32 to index
        %swap3A_325 = arith.constant 112 : index
        %swap3A_326 = tpu.vector_load %arg17[%swap3A_324, %swap3A_325] {strides = array<i32>} : memref<64x128xf32, #tpu.memory_space<vmem>>, vector<16xf32>,
        tpu.vector_store %arg17[%swap3A_324, %swap3A_325], %mul3A_323 {strides = array<i32>} : memref<64x128xf32, #tpu.memory_space<vmem>>, vector<16xf32>,
      }
      %scan3A_192 = arith.constant 32 : i32
      %dma_start3A_193 = arith.constant 1 : i32
      %dma_start3A_194 = arith.constant 0 : i32
      %dma_start3A_195 = tpu.memref_slice %arg13[%dma_start3A_193, %dma_start3A_194] : memref<2x64xi32, #tpu.memory_space<vmem>> -> memref<1x64xi32, #tpu.memory_space<vmem>>
      %dma_start3A_196 = tpu.memref_squeeze %dma_start3A_195 : memref<1x64xi32, #tpu.memory_space<vmem>> -> memref<64xi32, #tpu.memory_space<vmem>>
      %dma_start3A_197 = arith.constant 0 : i32
      %dma_start3A_198 = arith.constant 0 : i32
      %dma_start3A_199 = tpu.memref_slice %arg18[%dma_start3A_197, %dma_start3A_198] : memref<10240x128xf32, #tpu.memory_space<vmem_shared>> -> memref<10240x128xf32, #tpu.memory_space<vmem_shared>>
      tpu.enqueue_indirect_dma source(%arg17 : memref<64x128xf32, #tpu.memory_space<vmem>>) target(%dma_start3A_199 : memref<10240x128xf32, #tpu.memory_space<vmem_shared>>) offsets(%dma_start3A_196 : memref<64xi32, #tpu.memory_space<vmem>>) semaphore(%arg24 : memref<!tpu.dma_semaphore, #tpu.memory_space<semaphore_mem>>) {add = true}
      %add3A_200 = arith.constant 2 : i32
      %add3A_201 = arith.addi %add3A_164, %add3A_200 : i32
      %lt3A_202 = arith.cmpi slt, %add3A_201, %select_n3A : i32
      %convert_element_type3A_203 = arith.extui %lt3A_202 : i1 to i32
      %cond3A_204 = arith.constant 0 : i32
      %cond3A_205 = arith.cmpi ne, %convert_element_type3A_203, %cond3A_204 : i32
      scf.if %cond3A_205 {
        %add3A_206 = arith.addi %select_n3A_44, %add3A_164 : i32
        %add3A_207 = arith.constant 2 : i32
        %add3A_208 = arith.addi %add3A_206, %add3A_207 : i32
        %dma_start3A_209 = arith.constant 0 : i32
        %dma_start3A_210 = arith.constant 0 : i32
        %dma_start3A_211 = tpu.memref_slice %arg2[%add3A_208, %dma_start3A_209, %dma_start3A_210] : memref<2688x2x64xi32, #tpu.memory_space<hbm>> -> memref<1x2x64xi32, #tpu.memory_space<hbm>>
        %dma_start3A_212 = tpu.memref_squeeze %dma_start3A_211 : memref<1x2x64xi32, #tpu.memory_space<hbm>> -> memref<2x64xi32, #tpu.memory_space<hbm>>
        %dma_start3A_213 = arith.constant 0 : i32
        %dma_start3A_214 = arith.constant 0 : i32
        %dma_start3A_215 = tpu.memref_slice %arg2[%add3A_208, %dma_start3A_213, %dma_start3A_214] : memref<2688x2x64xi32, #tpu.memory_space<hbm>> -> memref<1x2x64xi32, #tpu.memory_space<hbm>>
        %dma_start3A_216 = tpu.memref_squeeze %dma_start3A_215 : memref<1x2x64xi32, #tpu.memory_space<hbm>> -> memref<2x64xi32, #tpu.memory_space<hbm>>
        tpu.enqueue_dma source(%dma_start3A_216 : memref<2x64xi32, #tpu.memory_space<hbm>>) target(%arg13 : memref<2x64xi32, #tpu.memory_space<vmem>>) target_semaphore(%arg20 : memref<!tpu.dma_semaphore, #tpu.memory_space<semaphore_mem>>)
      } else {
      }
    }
    %dma_wait3A_105 = arith.constant 1 : i32
    %dma_wait3A_106 = arith.constant 0 : i32
    %dma_wait3A_107 = tpu.memref_slice %arg12[%dma_wait3A_105, %dma_wait3A_106] : memref<2x64xi32, #tpu.memory_space<vmem>> -> memref<1x64xi32, #tpu.memory_space<vmem>>
    %dma_wait3A_108 = tpu.memref_squeeze %dma_wait3A_107 : memref<1x64xi32, #tpu.memory_space<vmem>> -> memref<64xi32, #tpu.memory_space<vmem>>
    %dma_wait3A_109 = arith.constant 0 : i32
    %dma_wait3A_110 = arith.constant 0 : i32
    %dma_wait3A_111 = tpu.memref_slice %arg18[%dma_wait3A_109, %dma_wait3A_110] : memref<10240x128xf32, #tpu.memory_space<vmem_shared>> -> memref<10240x128xf32, #tpu.memory_space<vmem_shared>>
    tpu.wait_indirect_dma semaphore(%arg23 : memref<!tpu.dma_semaphore, #tpu.memory_space<semaphore_mem>>) src(%arg16 : memref<64x128xf32, #tpu.memory_space<vmem>>) dst(%dma_wait3A_111 : memref<10240x128xf32, #tpu.memory_space<vmem_shared>>)
    %dma_wait3A_112 = arith.constant 1 : i32
    %dma_wait3A_113 = arith.constant 0 : i32
    %dma_wait3A_114 = tpu.memref_slice %arg13[%dma_wait3A_112, %dma_wait3A_113] : memref<2x64xi32, #tpu.memory_space<vmem>> -> memref<1x64xi32, #tpu.memory_space<vmem>>
    %dma_wait3A_115 = tpu.memref_squeeze %dma_wait3A_114 : memref<1x64xi32, #tpu.memory_space<vmem>> -> memref<64xi32, #tpu.memory_space<vmem>>
    %dma_wait3A_116 = arith.constant 0 : i32
    %dma_wait3A_117 = arith.constant 0 : i32
    %dma_wait3A_118 = tpu.memref_slice %arg18[%dma_wait3A_116, %dma_wait3A_117] : memref<10240x128xf32, #tpu.memory_space<vmem_shared>> -> memref<10240x128xf32, #tpu.memory_space<vmem_shared>>
    tpu.wait_indirect_dma semaphore(%arg24 : memref<!tpu.dma_semaphore, #tpu.memory_space<semaphore_mem>>) src(%arg17 : memref<64x128xf32, #tpu.memory_space<vmem>>) dst(%dma_wait3A_118 : memref<10240x128xf32, #tpu.memory_space<vmem_shared>>)
    "tpu.region"() ({
      %run_scoped3A = tpu.sem_alloc : memref<!tpu.dma_semaphore, #tpu.memory_space<semaphore_mem>>
      %dma_start3A_120 = arith.constant 0 : i32
      %dma_start3A_121 = arith.constant 0 : i32
      %dma_start3A_122 = tpu.memref_slice %arg8[%add3A, %dma_start3A_120, %dma_start3A_121] : memref<32x1x10000xf32, #tpu.memory_space<hbm>> -> memref<1x1x10000xf32, #tpu.memory_space<hbm>>
      %dma_start3A_123 = tpu.memref_squeeze %dma_start3A_122 : memref<1x1x10000xf32, #tpu.memory_space<hbm>> -> memref<1x10000xf32, #tpu.memory_space<hbm>>
      %dma_start3A_124 = arith.constant 0 : i32
      %dma_start3A_125 = arith.constant 0 : i32
      %dma_start3A_126 = tpu.memref_slice %arg8[%add3A, %dma_start3A_124, %dma_start3A_125] : memref<32x1x10000xf32, #tpu.memory_space<hbm>> -> memref<1x1x10000xf32, #tpu.memory_space<hbm>>
      %dma_start3A_127 = tpu.memref_squeeze %dma_start3A_126 : memref<1x1x10000xf32, #tpu.memory_space<hbm>> -> memref<1x10000xf32, #tpu.memory_space<hbm>>
      tpu.enqueue_dma source(%arg11 : memref<1x10000xf32, #tpu.memory_space<vmem>>) target(%dma_start3A_127 : memref<1x10000xf32, #tpu.memory_space<hbm>>) target_semaphore(%run_scoped3A : memref<!tpu.dma_semaphore, #tpu.memory_space<semaphore_mem>>)
      %dma_wait3A_128 = arith.constant 0 : i32
      %dma_wait3A_129 = arith.constant 0 : i32
      %dma_wait3A_130 = tpu.memref_slice %arg8[%add3A, %dma_wait3A_128, %dma_wait3A_129] : memref<32x1x10000xf32, #tpu.memory_space<hbm>> -> memref<1x1x10000xf32, #tpu.memory_space<hbm>>
      %dma_wait3A_131 = tpu.memref_squeeze %dma_wait3A_130 : memref<1x1x10000xf32, #tpu.memory_space<hbm>> -> memref<1x10000xf32, #tpu.memory_space<hbm>>
      %dma_wait3A_132 = arith.constant 0 : i32
      %dma_wait3A_133 = arith.constant 0 : i32
      %dma_wait3A_134 = tpu.memref_slice %arg8[%add3A, %dma_wait3A_132, %dma_wait3A_133] : memref<32x1x10000xf32, #tpu.memory_space<hbm>> -> memref<1x1x10000xf32, #tpu.memory_space<hbm>>
      %dma_wait3A_135 = tpu.memref_squeeze %dma_wait3A_134 : memref<1x1x10000xf32, #tpu.memory_space<hbm>> -> memref<1x10000xf32, #tpu.memory_space<hbm>>
      tpu.wait_dma2 semaphore(%run_scoped3A : memref<!tpu.dma_semaphore, #tpu.memory_space<semaphore_mem>>) src(%arg11 : memref<1x10000xf32, #tpu.memory_space<vmem>>) dst(%dma_wait3A_135 : memref<1x10000xf32, #tpu.memory_space<hbm>>)
      tpu.yield
    }) : () -> ()
    %barrier3A_119 = arith.constant 0 : index
    tpu.barrier barrier_id(%barrier3A_119)
    "tpu.region"() ({
      %run_scoped3A = tpu.sem_alloc : memref<!tpu.dma_semaphore, #tpu.memory_space<semaphore_mem>>
      %dma_start3A_120 = arith.constant 0 : i32
      %dma_start3A_121 = tpu.memref_slice %arg7[%arg0, %mul3A_13, %dma_start3A_120] : memref<2x10240x128xf32, #tpu.memory_space<hbm>> -> memref<1x640x128xf32, #tpu.memory_space<hbm>>
      %dma_start3A_122 = tpu.memref_squeeze %dma_start3A_121 : memref<1x640x128xf32, #tpu.memory_space<hbm>> -> memref<640x128xf32, #tpu.memory_space<hbm>>
      %dma_start3A_123 = arith.constant 0 : i32
      %dma_start3A_124 = tpu.memref_slice %arg18[%mul3A_13, %dma_start3A_123] : memref<10240x128xf32, #tpu.memory_space<vmem_shared>> -> memref<640x128xf32, #tpu.memory_space<vmem_shared>>
      tpu.enqueue_dma source(%dma_start3A_124 : memref<640x128xf32, #tpu.memory_space<vmem_shared>>) target(%dma_start3A_122 : memref<640x128xf32, #tpu.memory_space<hbm>>) target_semaphore(%run_scoped3A : memref<!tpu.dma_semaphore, #tpu.memory_space<semaphore_mem>>)
      %dma_wait3A_125 = arith.constant 0 : i32
      %dma_wait3A_126 = tpu.memref_slice %arg7[%arg0, %mul3A_13, %dma_wait3A_125] : memref<2x10240x128xf32, #tpu.memory_space<hbm>> -> memref<1x640x128xf32, #tpu.memory_space<hbm>>
      %dma_wait3A_127 = tpu.memref_squeeze %dma_wait3A_126 : memref<1x640x128xf32, #tpu.memory_space<hbm>> -> memref<640x128xf32, #tpu.memory_space<hbm>>
      %dma_wait3A_128 = arith.constant 0 : i32
      %dma_wait3A_129 = tpu.memref_slice %arg18[%mul3A_13, %dma_wait3A_128] : memref<10240x128xf32, #tpu.memory_space<vmem_shared>> -> memref<640x128xf32, #tpu.memory_space<vmem_shared>>
      tpu.wait_dma2 semaphore(%run_scoped3A : memref<!tpu.dma_semaphore, #tpu.memory_space<semaphore_mem>>) src(%dma_wait3A_129 : memref<640x128xf32, #tpu.memory_space<vmem_shared>>) dst(%dma_wait3A_127 : memref<640x128xf32, #tpu.memory_space<hbm>>)
      tpu.yield
    }) : () -> ()
    return
  }
}

module attributes {stable_mosaic.version = 14 : i64} {
  func.func @_alpha1_body(%arg0: i32, %arg1: memref<10000x128xf32, #tpu.memory_space<vmem>>, %arg2: memref<128x4096xf32, #tpu.memory_space<vmem>>, %arg3: memref<4096x128xf32, #tpu.memory_space<vmem>>, %arg4: memref<1x4096xf32, #tpu.memory_space<vmem>>, %arg5: memref<1x4096xf32, #tpu.memory_space<vmem>>, %arg6: memref<1x10000xf32, #tpu.memory_space<vmem>>, %arg7: memref<1x10000xf32, #tpu.memory_space<vmem>>, %arg8: memref<128x4096xbf16, #tpu.memory_space<vmem>>, %arg9: memref<4096x128xbf16, #tpu.memory_space<vmem>>) attributes {dimension_semantics = [#tpu.dimension_semantics<arbitrary>], iteration_bounds = array<i64: 1>, scalar_prefetch = 0 : i64, scratch_operands = 0 : i64, tpu.core_type = #tpu.core_type<tc>, window_params = [{pipeline_mode = #tpu.pipeline_mode<synchronous>, transform_indices = @transform_0, window_bounds = array<i64: 10000, 128>}, {pipeline_mode = #tpu.pipeline_mode<synchronous>, transform_indices = @transform_1, window_bounds = array<i64: 128, 4096>}, {pipeline_mode = #tpu.pipeline_mode<synchronous>, transform_indices = @transform_2, window_bounds = array<i64: 4096, 128>}, {pipeline_mode = #tpu.pipeline_mode<synchronous>, transform_indices = @transform_3, window_bounds = array<i64: 1, 4096>}, {pipeline_mode = #tpu.pipeline_mode<synchronous>, transform_indices = @transform_4, window_bounds = array<i64: 1, 4096>}, {pipeline_mode = #tpu.pipeline_mode<synchronous>, transform_indices = @transform_5, window_bounds = array<i64: 1, 10000>}, {pipeline_mode = #tpu.pipeline_mode<synchronous>, transform_indices = @transform_6, window_bounds = array<i64: 1, 10000>}, {pipeline_mode = #tpu.pipeline_mode<synchronous>, transform_indices = @transform_7, window_bounds = array<i64: 128, 4096>}, {pipeline_mode = #tpu.pipeline_mode<synchronous>, transform_indices = @transform_8, window_bounds = array<i64: 4096, 128>}]} {
    %get3A = arith.constant 0 : index
    %get3A_0 = arith.constant 0 : index
    %get3A_1 = vector.load %arg2[%get3A, %get3A_0] : memref<128x4096xf32, #tpu.memory_space<vmem>>, vector<128x4096xf32>
    %get3A_2 = arith.constant 0 : index
    %get3A_3 = arith.constant 0 : index
    %get3A_4 = vector.load %arg4[%get3A_2, %get3A_3] : memref<1x4096xf32, #tpu.memory_space<vmem>>, vector<1x4096xf32>
    %mul3A = vector.broadcast %get3A_4 : vector<1x4096xf32> to vector<128x4096xf32>
    %mul3A_5 = arith.mulf %get3A_1, %mul3A : vector<128x4096xf32>
    %reduce_sum3A = arith.constant dense<0.000000e+00> : vector<128xf32>
    %reduce_sum3A_6 = vector.multi_reduction <add>, %mul3A_5, %reduce_sum3A [1] : vector<128x4096xf32> to vector<128xf32>
    %broadcast_in_dim3A = vector.shape_cast %reduce_sum3A_6 : vector<128xf32> to vector<128x1xf32>
    %get3A_7 = arith.constant 0 : index
    %get3A_8 = arith.constant 0 : index
    %get3A_9 = vector.load %arg2[%get3A_7, %get3A_8] : memref<128x4096xf32, #tpu.memory_space<vmem>>, vector<128x4096xf32>
    %get3A_10 = arith.constant 0 : index
    %get3A_11 = arith.constant 0 : index
    %get3A_12 = vector.load %arg5[%get3A_10, %get3A_11] : memref<1x4096xf32, #tpu.memory_space<vmem>>, vector<1x4096xf32>
    %mul3A_13 = vector.broadcast %get3A_12 : vector<1x4096xf32> to vector<128x4096xf32>
    %mul3A_14 = arith.mulf %get3A_9, %mul3A_13 : vector<128x4096xf32>
    %reduce_sum3A_15 = arith.constant dense<0.000000e+00> : vector<128xf32>
    %reduce_sum3A_16 = vector.multi_reduction <add>, %mul3A_14, %reduce_sum3A_15 [1] : vector<128x4096xf32> to vector<128xf32>
    %broadcast_in_dim3A_17 = vector.shape_cast %reduce_sum3A_16 : vector<128xf32> to vector<128x1xf32>
    %get3A_18 = arith.constant 0 : index
    %get3A_19 = arith.constant 0 : index
    %get3A_20 = vector.load %arg1[%get3A_18, %get3A_19] : memref<10000x128xf32, #tpu.memory_space<vmem>>, vector<10000x128xf32>
    %dot_general3A = arith.constant dense<0.000000e+00> : vector<1x10000xf32>
    %dot_general3A_21 = tpu.matmul %broadcast_in_dim3A, %get3A_20, %dot_general3A {dimension_numbers = #tpu.dot_dimension_numbers<[0], [1], [1], [0], [0, 1, 1, 0], [], []>, transpose_lhs_hint = false} : vector<128x1xf32>, vector<10000x128xf32>, vector<1x10000xf32> -> vector<1x10000xf32>
    %swap3A = arith.constant 0 : index
    %swap3A_22 = arith.constant 0 : index
    %swap3A_23 = vector.load %arg6[%swap3A, %swap3A_22] : memref<1x10000xf32, #tpu.memory_space<vmem>>, vector<1x10000xf32>
    tpu.vector_store %arg6[%swap3A, %swap3A_22], %dot_general3A_21 {strides = array<i32>} : memref<1x10000xf32, #tpu.memory_space<vmem>>, vector<1x10000xf32>,
    %dot_general3A_24 = arith.constant dense<0.000000e+00> : vector<1x10000xf32>
    %dot_general3A_25 = tpu.matmul %broadcast_in_dim3A_17, %get3A_20, %dot_general3A_24 {dimension_numbers = #tpu.dot_dimension_numbers<[0], [1], [1], [0], [0, 1, 1, 0], [], []>, transpose_lhs_hint = false} : vector<128x1xf32>, vector<10000x128xf32>, vector<1x10000xf32> -> vector<1x10000xf32>
    %swap3A_26 = arith.constant 0 : index
    %swap3A_27 = arith.constant 0 : index
    %swap3A_28 = vector.load %arg7[%swap3A_26, %swap3A_27] : memref<1x10000xf32, #tpu.memory_space<vmem>>, vector<1x10000xf32>
    tpu.vector_store %arg7[%swap3A_26, %swap3A_27], %dot_general3A_25 {strides = array<i32>} : memref<1x10000xf32, #tpu.memory_space<vmem>>, vector<1x10000xf32>,
    %get3A_29 = arith.constant 0 : index
    %get3A_30 = arith.constant 0 : index
    %get3A_31 = vector.load %arg2[%get3A_29, %get3A_30] : memref<128x4096xf32, #tpu.memory_space<vmem>>, vector<128x4096xf32>
    %convert_element_type3A = arith.truncf %get3A_31 : vector<128x4096xf32> to vector<128x4096xbf16>
    %swap3A_32 = arith.constant 0 : index
    %swap3A_33 = arith.constant 0 : index
    %swap3A_34 = vector.load %arg8[%swap3A_32, %swap3A_33] : memref<128x4096xbf16, #tpu.memory_space<vmem>>, vector<128x4096xbf16>
    tpu.vector_store %arg8[%swap3A_32, %swap3A_33], %convert_element_type3A {strides = array<i32>} : memref<128x4096xbf16, #tpu.memory_space<vmem>>, vector<128x4096xbf16>,
    %get3A_35 = arith.constant 0 : index
    %get3A_36 = arith.constant 0 : index
    %get3A_37 = vector.load %arg3[%get3A_35, %get3A_36] : memref<4096x128xf32, #tpu.memory_space<vmem>>, vector<4096x128xf32>
    %convert_element_type3A_38 = arith.truncf %get3A_37 : vector<4096x128xf32> to vector<4096x128xbf16>
    %swap3A_39 = arith.constant 0 : index
    %swap3A_40 = arith.constant 0 : index
    %swap3A_41 = vector.load %arg9[%swap3A_39, %swap3A_40] : memref<4096x128xbf16, #tpu.memory_space<vmem>>, vector<4096x128xbf16>
    tpu.vector_store %arg9[%swap3A_39, %swap3A_40], %convert_element_type3A_38 {strides = array<i32>} : memref<4096x128xbf16, #tpu.memory_space<vmem>>, vector<4096x128xbf16>,
    return
  }
  func.func @transform_0(%arg0: i32) -> (i32, i32) {
    %c0_i32 = arith.constant 0 : i32
    %c0_i32_0 = arith.constant 0 : i32
    %c0_i32_1 = arith.constant 0 : i32
    return %c0_i32, %c0_i32_0 : i32, i32
  }
  func.func @transform_1(%arg0: i32) -> (i32, i32) {
    %c0_i32 = arith.constant 0 : i32
    %c0_i32_0 = arith.constant 0 : i32
    %c0_i32_1 = arith.constant 0 : i32
    return %c0_i32, %c0_i32_0 : i32, i32
  }
  func.func @transform_2(%arg0: i32) -> (i32, i32) {
    %c0_i32 = arith.constant 0 : i32
    %c0_i32_0 = arith.constant 0 : i32
    %c0_i32_1 = arith.constant 0 : i32
    return %c0_i32, %c0_i32_0 : i32, i32
  }
  func.func @transform_3(%arg0: i32) -> (i32, i32) {
    %c0_i32 = arith.constant 0 : i32
    %c0_i32_0 = arith.constant 0 : i32
    %c0_i32_1 = arith.constant 0 : i32
    return %c0_i32, %c0_i32_0 : i32, i32
  }
  func.func @transform_4(%arg0: i32) -> (i32, i32) {
    %c0_i32 = arith.constant 0 : i32
    %c0_i32_0 = arith.constant 0 : i32
    %c0_i32_1 = arith.constant 0 : i32
    return %c0_i32, %c0_i32_0 : i32, i32
  }
  func.func @transform_5(%arg0: i32) -> (i32, i32) {
    %c0_i32 = arith.constant 0 : i32
    %c0_i32_0 = arith.constant 0 : i32
    %c0_i32_1 = arith.constant 0 : i32
    return %c0_i32, %c0_i32_0 : i32, i32
  }
  func.func @transform_6(%arg0: i32) -> (i32, i32) {
    %c0_i32 = arith.constant 0 : i32
    %c0_i32_0 = arith.constant 0 : i32
    %c0_i32_1 = arith.constant 0 : i32
    return %c0_i32, %c0_i32_0 : i32, i32
  }
  func.func @transform_7(%arg0: i32) -> (i32, i32) {
    %c0_i32 = arith.constant 0 : i32
    %c0_i32_0 = arith.constant 0 : i32
    %c0_i32_1 = arith.constant 0 : i32
    return %c0_i32, %c0_i32_0 : i32, i32
  }
  func.func @transform_8(%arg0: i32) -> (i32, i32) {
    %c0_i32 = arith.constant 0 : i32
    %c0_i32_0 = arith.constant 0 : i32
    %c0_i32_1 = arith.constant 0 : i32
    return %c0_i32, %c0_i32_0 : i32, i32
  }
}

module attributes {stable_mosaic.version = 14 : i64} {
  func.func @_dense_body(%arg0: i32, %arg1: memref<2x512x128xf32, #tpu.memory_space<vmem>>, %arg2: memref<1x512x32xf32, #tpu.memory_space<vmem>>, %arg3: memref<128x4096xbf16, #tpu.memory_space<vmem>>, %arg4: memref<1x4096xf32, #tpu.memory_space<vmem>>, %arg5: memref<4096x128xbf16, #tpu.memory_space<vmem>>, %arg6: memref<2x128xf32, #tpu.memory_space<vmem>>, %arg7: memref<512x128xf32, #tpu.memory_space<vmem>>, %arg8: memref<1x8x512xf32, #tpu.memory_space<vmem>>, %arg9: memref<1x8x512xf32, #tpu.memory_space<vmem>>) attributes {dimension_semantics = [#tpu.dimension_semantics<arbitrary>], iteration_bounds = array<i64: 20>, scalar_prefetch = 0 : i64, scratch_operands = 0 : i64, tpu.core_type = #tpu.core_type<tc>, window_params = [{transform_indices = @transform_0, window_bounds = array<i64: 2, 512, 128>}, {transform_indices = @transform_1, window_bounds = array<i64: 1, 512, 32>}, {pipeline_mode = #tpu.pipeline_mode<synchronous>, transform_indices = @transform_2, window_bounds = array<i64: 128, 4096>}, {pipeline_mode = #tpu.pipeline_mode<synchronous>, transform_indices = @transform_3, window_bounds = array<i64: 1, 4096>}, {pipeline_mode = #tpu.pipeline_mode<synchronous>, transform_indices = @transform_4, window_bounds = array<i64: 4096, 128>}, {pipeline_mode = #tpu.pipeline_mode<synchronous>, transform_indices = @transform_5, window_bounds = array<i64: 2, 128>}, {transform_indices = @transform_6, window_bounds = array<i64: 512, 128>}, {transform_indices = @transform_7, window_bounds = array<i64: 1, 8, 512>}, {transform_indices = @transform_8, window_bounds = array<i64: 1, 8, 512>}]} {
    %get3A = arith.constant 0 : index
    %get3A_0 = arith.constant 0 : index
    %get3A_1 = arith.constant 0 : index
    %get3A_2 = vector.load %arg1[%get3A, %get3A_0, %get3A_1] : memref<2x512x128xf32, #tpu.memory_space<vmem>>, vector<1x512x128xf32>
    %get3A_3 = vector.shape_cast %get3A_2 : vector<1x512x128xf32> to vector<512x128xf32>
    %get3A_4 = arith.constant 1 : index
    %get3A_5 = arith.constant 0 : index
    %get3A_6 = arith.constant 0 : index
    %get3A_7 = vector.load %arg1[%get3A_4, %get3A_5, %get3A_6] : memref<2x512x128xf32, #tpu.memory_space<vmem>>, vector<1x512x128xf32>
    %get3A_8 = vector.shape_cast %get3A_7 : vector<1x512x128xf32> to vector<512x128xf32>
    %add3A = arith.addf %get3A_3, %get3A_8 : vector<512x128xf32>
    %get3A_9 = arith.constant 0 : index
    %get3A_10 = arith.constant 0 : index
    %get3A_11 = arith.constant 0 : index
    %get3A_12 = vector.load %arg2[%get3A_9, %get3A_10, %get3A_11] : memref<1x512x32xf32, #tpu.memory_space<vmem>>, vector<1x512x32xf32>
    %get3A_13 = vector.shape_cast %get3A_12 : vector<1x512x32xf32> to vector<512x32xf32>
    %reduce_sum3A = arith.constant dense<0.000000e+00> : vector<512xf32>
    %reduce_sum3A_14 = vector.multi_reduction <add>, %get3A_13, %reduce_sum3A [1] : vector<512x32xf32> to vector<512xf32>
    %broadcast_in_dim3A = vector.shape_cast %reduce_sum3A_14 : vector<512xf32> to vector<512x1xf32>
    %gt3A = arith.constant 0.000000e+00 : f32
    %gt3A_15 = vector.broadcast %gt3A : f32 to vector<512x1xf32>
    %gt3A_16 = arith.cmpf ogt, %broadcast_in_dim3A, %gt3A_15 : vector<512x1xf32>
    %jit3A = arith.constant 1.000000e+00 : f32
    %broadcast_in_dim3A_17 = vector.broadcast %jit3A : f32 to vector<512x1xf32>
    %select_n3A = arith.select %gt3A_16, %broadcast_in_dim3A, %broadcast_in_dim3A_17 : vector<512x1xi1>, vector<512x1xf32>
    %div3A = vector.broadcast %select_n3A : vector<512x1xf32> to vector<512x128xf32>
    %div3A_18 = arith.divf %add3A, %div3A : vector<512x128xf32>
    %convert_element_type3A = arith.truncf %div3A_18 : vector<512x128xf32> to vector<512x128xbf16>
    %get3A_19 = arith.constant 0 : index
    %get3A_20 = arith.constant 0 : index
    %get3A_21 = vector.load %arg3[%get3A_19, %get3A_20] : memref<128x4096xbf16, #tpu.memory_space<vmem>>, vector<128x4096xbf16>
    %dot_general3A = arith.constant dense<0.000000e+00> : vector<512x4096xf32>
    %dot_general3A_22 = tpu.matmul %convert_element_type3A, %get3A_21, %dot_general3A {dimension_numbers = #tpu.dot_dimension_numbers<[1], [0], [0], [1], [0, 0, 1, 1], [], []>, transpose_lhs_hint = false} : vector<512x128xbf16>, vector<128x4096xbf16>, vector<512x4096xf32> -> vector<512x4096xf32>
    %get3A_23 = arith.constant 0 : index
    %get3A_24 = arith.constant 0 : index
    %get3A_25 = vector.load %arg4[%get3A_23, %get3A_24] : memref<1x4096xf32, #tpu.memory_space<vmem>>, vector<1x4096xf32>
    %add3A_26 = vector.broadcast %get3A_25 : vector<1x4096xf32> to vector<512x4096xf32>
    %add3A_27 = arith.addf %dot_general3A_22, %add3A_26 : vector<512x4096xf32>
    %max3A = arith.constant 0.000000e+00 : f32
    %max3A_28 = vector.broadcast %max3A : f32 to vector<512x4096xf32>
    %max3A_29 = arith.maximumf %add3A_27, %max3A_28 : vector<512x4096xf32>
    %convert_element_type3A_30 = arith.truncf %max3A_29 : vector<512x4096xf32> to vector<512x4096xbf16>
    %get3A_31 = arith.constant 0 : index
    %get3A_32 = arith.constant 0 : index
    %get3A_33 = vector.load %arg5[%get3A_31, %get3A_32] : memref<4096x128xbf16, #tpu.memory_space<vmem>>, vector<4096x128xbf16>
    %dot_general3A_34 = arith.constant dense<0.000000e+00> : vector<512x128xf32>
    %dot_general3A_35 = tpu.matmul %convert_element_type3A_30, %get3A_33, %dot_general3A_34 {dimension_numbers = #tpu.dot_dimension_numbers<[1], [0], [0], [1], [0, 0, 1, 1], [], []>, transpose_lhs_hint = false} : vector<512x4096xbf16>, vector<4096x128xbf16>, vector<512x128xf32> -> vector<512x128xf32>
    %swap3A = arith.constant 0 : index
    %swap3A_36 = arith.constant 0 : index
    %swap3A_37 = vector.load %arg7[%swap3A, %swap3A_36] : memref<512x128xf32, #tpu.memory_space<vmem>>, vector<512x128xf32>
    tpu.vector_store %arg7[%swap3A, %swap3A_36], %dot_general3A_35 {strides = array<i32>} : memref<512x128xf32, #tpu.memory_space<vmem>>, vector<512x128xf32>,
    %get3A_38 = arith.constant 0 : index
    %get3A_39 = arith.constant 0 : index
    %get3A_40 = vector.load %arg6[%get3A_38, %get3A_39] : memref<2x128xf32, #tpu.memory_space<vmem>>, vector<2x128xf32>
    %dot_general3A_41 = arith.constant dense<0.000000e+00> : vector<2x512xf32>
    %dot_general3A_42 = tpu.matmul %get3A_40, %dot_general3A_35, %dot_general3A_41 {dimension_numbers = #tpu.dot_dimension_numbers<[1], [1], [0], [0], [0, 0, 1, 0], [], []>, transpose_lhs_hint = false} : vector<2x128xf32>, vector<512x128xf32>, vector<2x512xf32> -> vector<2x512xf32>
    %slice3A = vector.extract_strided_slice %dot_general3A_42 {offsets = [0, 0], sizes = [1, 512], strides = [1, 1]} : vector<2x512xf32> to vector<1x512xf32>
    %broadcast_in_dim3A_43 = vector.shape_cast %slice3A : vector<1x512xf32> to vector<1x1x512xf32>
    %broadcast_in_dim3A_44 = vector.broadcast %broadcast_in_dim3A_43 : vector<1x1x512xf32> to vector<1x8x512xf32>
    %swap3A_45 = arith.constant 0 : index
    %swap3A_46 = arith.constant 0 : index
    %swap3A_47 = arith.constant 0 : index
    %swap3A_48 = vector.load %arg8[%swap3A_45, %swap3A_46, %swap3A_47] : memref<1x8x512xf32, #tpu.memory_space<vmem>>, vector<1x8x512xf32>
    tpu.vector_store %arg8[%swap3A_45, %swap3A_46, %swap3A_47], %broadcast_in_dim3A_44 {strides = array<i32>} : memref<1x8x512xf32, #tpu.memory_space<vmem>>, vector<1x8x512xf32>,
    %slice3A_49 = vector.extract_strided_slice %dot_general3A_42 {offsets = [1, 0], sizes = [1, 512], strides = [1, 1]} : vector<2x512xf32> to vector<1x512xf32>
    %broadcast_in_dim3A_50 = vector.shape_cast %slice3A_49 : vector<1x512xf32> to vector<1x1x512xf32>
    %broadcast_in_dim3A_51 = vector.broadcast %broadcast_in_dim3A_50 : vector<1x1x512xf32> to vector<1x8x512xf32>
    %swap3A_52 = arith.constant 0 : index
    %swap3A_53 = arith.constant 0 : index
    %swap3A_54 = arith.constant 0 : index
    %swap3A_55 = vector.load %arg9[%swap3A_52, %swap3A_53, %swap3A_54] : memref<1x8x512xf32, #tpu.memory_space<vmem>>, vector<1x8x512xf32>
    tpu.vector_store %arg9[%swap3A_52, %swap3A_53, %swap3A_54], %broadcast_in_dim3A_51 {strides = array<i32>} : memref<1x8x512xf32, #tpu.memory_space<vmem>>, vector<1x8x512xf32>,
    return
  }
  func.func @transform_0(%arg0: i32) -> (i32, i32, i32) {
    %c0_i32 = arith.constant 0 : i32
    %c0_i32_0 = arith.constant 0 : i32
    %c0_i32_1 = arith.constant 0 : i32
    return %c0_i32, %arg0, %c0_i32_0 : i32, i32, i32
  }
  func.func @transform_1(%arg0: i32) -> (i32, i32, i32) {
    %c0_i32 = arith.constant 0 : i32
    %c0_i32_0 = arith.constant 0 : i32
    %c0_i32_1 = arith.constant 0 : i32
    return %arg0, %c0_i32, %c0_i32_0 : i32, i32, i32
  }
  func.func @transform_2(%arg0: i32) -> (i32, i32) {
    %c0_i32 = arith.constant 0 : i32
    %c0_i32_0 = arith.constant 0 : i32
    %c0_i32_1 = arith.constant 0 : i32
    return %c0_i32, %c0_i32_0 : i32, i32
  }
  func.func @transform_3(%arg0: i32) -> (i32, i32) {
    %c0_i32 = arith.constant 0 : i32
    %c0_i32_0 = arith.constant 0 : i32
    %c0_i32_1 = arith.constant 0 : i32
    return %c0_i32, %c0_i32_0 : i32, i32
  }
  func.func @transform_4(%arg0: i32) -> (i32, i32) {
    %c0_i32 = arith.constant 0 : i32
    %c0_i32_0 = arith.constant 0 : i32
    %c0_i32_1 = arith.constant 0 : i32
    return %c0_i32, %c0_i32_0 : i32, i32
  }
  func.func @transform_5(%arg0: i32) -> (i32, i32) {
    %c0_i32 = arith.constant 0 : i32
    %c0_i32_0 = arith.constant 0 : i32
    %c0_i32_1 = arith.constant 0 : i32
    return %c0_i32, %c0_i32_0 : i32, i32
  }
  func.func @transform_6(%arg0: i32) -> (i32, i32) {
    %c0_i32 = arith.constant 0 : i32
    %c0_i32_0 = arith.constant 0 : i32
    return %arg0, %c0_i32 : i32, i32
  }
  func.func @transform_7(%arg0: i32) -> (i32, i32, i32) {
    %c0_i32 = arith.constant 0 : i32
    %c0_i32_0 = arith.constant 0 : i32
    %c0_i32_1 = arith.constant 0 : i32
    return %arg0, %c0_i32, %c0_i32_0 : i32, i32, i32
  }
  func.func @transform_8(%arg0: i32) -> (i32, i32, i32) {
    %c0_i32 = arith.constant 0 : i32
    %c0_i32_0 = arith.constant 0 : i32
    %c0_i32_1 = arith.constant 0 : i32
    return %arg0, %c0_i32, %c0_i32_0 : i32, i32, i32
  }
}

module attributes {stable_mosaic.version = 14 : i64} {
  func.func @_finish_body(%arg0: i32, %arg1: memref<2x512x128xf32, #tpu.memory_space<vmem>>, %arg2: memref<1x512x32xf32, #tpu.memory_space<vmem>>, %arg3: memref<1x128xf32, #tpu.memory_space<vmem>>, %arg4: memref<512x128xf32, #tpu.memory_space<vmem>>) attributes {dimension_semantics = [#tpu.dimension_semantics<arbitrary>], iteration_bounds = array<i64: 20>, scalar_prefetch = 0 : i64, scratch_operands = 0 : i64, tpu.core_type = #tpu.core_type<tc>, window_params = [{transform_indices = @transform_0, window_bounds = array<i64: 2, 512, 128>}, {transform_indices = @transform_1, window_bounds = array<i64: 1, 512, 32>}, {pipeline_mode = #tpu.pipeline_mode<synchronous>, transform_indices = @transform_2, window_bounds = array<i64: 1, 128>}, {transform_indices = @transform_3, window_bounds = array<i64: 512, 128>}]} {
    %get3A = arith.constant 0 : index
    %get3A_0 = arith.constant 0 : index
    %get3A_1 = arith.constant 0 : index
    %get3A_2 = vector.load %arg1[%get3A, %get3A_0, %get3A_1] : memref<2x512x128xf32, #tpu.memory_space<vmem>>, vector<1x512x128xf32>
    %get3A_3 = vector.shape_cast %get3A_2 : vector<1x512x128xf32> to vector<512x128xf32>
    %get3A_4 = arith.constant 1 : index
    %get3A_5 = arith.constant 0 : index
    %get3A_6 = arith.constant 0 : index
    %get3A_7 = vector.load %arg1[%get3A_4, %get3A_5, %get3A_6] : memref<2x512x128xf32, #tpu.memory_space<vmem>>, vector<1x512x128xf32>
    %get3A_8 = vector.shape_cast %get3A_7 : vector<1x512x128xf32> to vector<512x128xf32>
    %add3A = arith.addf %get3A_3, %get3A_8 : vector<512x128xf32>
    %get3A_9 = arith.constant 0 : index
    %get3A_10 = arith.constant 0 : index
    %get3A_11 = arith.constant 0 : index
    %get3A_12 = vector.load %arg2[%get3A_9, %get3A_10, %get3A_11] : memref<1x512x32xf32, #tpu.memory_space<vmem>>, vector<1x512x32xf32>
    %get3A_13 = vector.shape_cast %get3A_12 : vector<1x512x32xf32> to vector<512x32xf32>
    %reduce_sum3A = arith.constant dense<0.000000e+00> : vector<512xf32>
    %reduce_sum3A_14 = vector.multi_reduction <add>, %get3A_13, %reduce_sum3A [1] : vector<512x32xf32> to vector<512xf32>
    %broadcast_in_dim3A = vector.shape_cast %reduce_sum3A_14 : vector<512xf32> to vector<512x1xf32>
    %gt3A = arith.constant 0.000000e+00 : f32
    %gt3A_15 = vector.broadcast %gt3A : f32 to vector<512x1xf32>
    %gt3A_16 = arith.cmpf ogt, %broadcast_in_dim3A, %gt3A_15 : vector<512x1xf32>
    %jit3A = arith.constant 1.000000e+00 : f32
    %broadcast_in_dim3A_17 = vector.broadcast %jit3A : f32 to vector<512x1xf32>
    %select_n3A = arith.select %gt3A_16, %broadcast_in_dim3A, %broadcast_in_dim3A_17 : vector<512x1xi1>, vector<512x1xf32>
    %div3A = vector.broadcast %select_n3A : vector<512x1xf32> to vector<512x128xf32>
    %div3A_18 = arith.divf %add3A, %div3A : vector<512x128xf32>
    %get3A_19 = arith.constant 0 : index
    %get3A_20 = arith.constant 0 : index
    %get3A_21 = vector.load %arg3[%get3A_19, %get3A_20] : memref<1x128xf32, #tpu.memory_space<vmem>>, vector<1x128xf32>
    %add3A_22 = vector.broadcast %get3A_21 : vector<1x128xf32> to vector<512x128xf32>
    %add3A_23 = arith.addf %div3A_18, %add3A_22 : vector<512x128xf32>
    %reduce_max3A = arith.constant dense<0xFF800000> : vector<512xf32>
    %reduce_max3A_24 = vector.multi_reduction <maximumf>, %add3A_23, %reduce_max3A [1] : vector<512x128xf32> to vector<512xf32>
    %broadcast_in_dim3A_25 = vector.shape_cast %reduce_max3A_24 : vector<512xf32> to vector<512x1xf32>
    %sub3A = vector.broadcast %broadcast_in_dim3A_25 : vector<512x1xf32> to vector<512x128xf32>
    %sub3A_26 = arith.subf %add3A_23, %sub3A : vector<512x128xf32>
    %exp3A = math.exp %sub3A_26 : vector<512x128xf32>
    %reduce_sum3A_27 = arith.constant dense<0.000000e+00> : vector<512xf32>
    %reduce_sum3A_28 = vector.multi_reduction <add>, %exp3A, %reduce_sum3A_27 [1] : vector<512x128xf32> to vector<512xf32>
    %broadcast_in_dim3A_29 = vector.shape_cast %reduce_sum3A_28 : vector<512xf32> to vector<512x1xf32>
    %sub3A_30 = vector.broadcast %broadcast_in_dim3A_25 : vector<512x1xf32> to vector<512x128xf32>
    %sub3A_31 = arith.subf %add3A_23, %sub3A_30 : vector<512x128xf32>
    %log3A = math.log %broadcast_in_dim3A_29 : vector<512x1xf32>
    %sub3A_32 = vector.broadcast %log3A : vector<512x1xf32> to vector<512x128xf32>
    %sub3A_33 = arith.subf %sub3A_31, %sub3A_32 : vector<512x128xf32>
    %swap3A = arith.constant 0 : index
    %swap3A_34 = arith.constant 0 : index
    %swap3A_35 = vector.load %arg4[%swap3A, %swap3A_34] : memref<512x128xf32, #tpu.memory_space<vmem>>, vector<512x128xf32>
    tpu.vector_store %arg4[%swap3A, %swap3A_34], %sub3A_33 {strides = array<i32>} : memref<512x128xf32, #tpu.memory_space<vmem>>, vector<512x128xf32>,
    return
  }
  func.func @transform_0(%arg0: i32) -> (i32, i32, i32) {
    %c0_i32 = arith.constant 0 : i32
    %c0_i32_0 = arith.constant 0 : i32
    %c0_i32_1 = arith.constant 0 : i32
    return %c0_i32, %arg0, %c0_i32_0 : i32, i32, i32
  }
  func.func @transform_1(%arg0: i32) -> (i32, i32, i32) {
    %c0_i32 = arith.constant 0 : i32
    %c0_i32_0 = arith.constant 0 : i32
    %c0_i32_1 = arith.constant 0 : i32
    return %arg0, %c0_i32, %c0_i32_0 : i32, i32, i32
  }
  func.func @transform_2(%arg0: i32) -> (i32, i32) {
    %c0_i32 = arith.constant 0 : i32
    %c0_i32_0 = arith.constant 0 : i32
    %c0_i32_1 = arith.constant 0 : i32
    return %c0_i32, %c0_i32_0 : i32, i32
  }
  func.func @transform_3(%arg0: i32) -> (i32, i32) {
    %c0_i32 = arith.constant 0 : i32
    %c0_i32_0 = arith.constant 0 : i32
    return %arg0, %c0_i32 : i32, i32
  }
}

</mosaic_0001>

<sc_bundles>
// kernel: kernel.10.cloned.1.call-start
scs
__scs_entry_jumppad:
0x0: {  	(pc) =	sbr.rel $0x88, $3  }
0x1: {  	(tag) =	ssettag $0x0;
	lr =	simm.s32 $0x1  }
0x2: {  	[smem:$0x3F97] =	sst lr;
	_ =	strace $0xD0000000  }
0x3: {  	_ = 	snop  }
0x4: {  	_ = 	snop  }
0x5: {  	_ = 	snop  }
0x6: {  	_ = 	snop  }
0x7: {  	_ = 	snop  }
__scs_overlays_trampoline_lowered:
0x8: {  	[smem:$0x3FA6] =	sst s0  }
0x9: {  	[smem:$0x3FA7] =	sst s1  }
0xa: {  	[smem:$0x3FA8] =	sst s2  }
0xb: {  	[smem:$0x3FA9] =	sst s3  }
0xc: {  	[smem:$0x3FAA] =	sst s4  }
0xd: {  	[smem:$0x3FAB] =	sst s5  }
0xe: {  	[smem:$0x3FAC] =	sst s6  }
0xf: {  	[smem:$0x3FAD] =	sst s7  }
0x10: {  	[smem:$0x3FAE] =	sst s8  }
0x11: {  	[smem:$0x3FAF] =	sst s9;
	s0 =	simm.s32 @!p0 $0x0  }
0x12: {  	s1 =	sld [smem:$0x3F95];
	s0 =	simm.s32 @p0 $0x1  }
0x13: {  	[smem:$0x3FB0] =	sst s0;
	s0 =	simm.s32 @!p1 $0x0  }
0x14: {  	s2 =	sld [smem:$0x3F94];
	s0 =	simm.s32 @p1 $0x1  }
0x15: {  	[smem:$0x3FB1] =	sst s0;
	s0 =	simm.s32 @!p2 $0x0  }
0x16: {  	s3 =	sld [smem:$0x3FDB];
	s0 =	simm.s32 @p2 $0x1  }
0x17: {  	s4 =	simm.s32 $0x1BF5;
	[smem:$0x3FB3] =	sst s0  }
0x18: {  	s0 =	sld [smem:$0x3F96];
	_ =	swait.ge [sflag:s4], $0x0  }
0x19: {  	s7 =	sld [smem:$0x3F97]  }
0x1a: {  	s8 =	sadd.s32 $0xFFFFE003, lr  }
0x1b: {  	s9 =	sadd.s32 $0xFFFFFEF7, lr;
	s5 =	simm.s32 $0xFFFFFFFF;
	p2 =	slt.u32 s8, $0xFFFFF086  }
0x1c: {  	p1 =	slt.u32 s9, $0xF7A;
	s5 =	simm.s32 @!p2 $0x0  }
0x1d: {  	s5 =	simm.s32 @p1 $0x1;
	p0 =	seq.s32 s7, s2  }
0x1e: {  	s7 =	smul.u32 @!p0 $0xF7A, s2;
	p2 =	seq.s32 @!p0 s5, $0x0  }
0x1f: {  	s9 =	smul.u32 $0xF7A, s1;
	s8 =	simm.s32 @!p0 $0x1BF5;
	p2 =	por !p2, p0  }
0x20: {  	[sflag:s8] =	ssyncset.s32 @!p0 $0xFFFFF086;
	s6 =	sadd.s32 @!p0 s3, s7;
	s7 =	simm.s32 @!p0 $0x108  }
0x21: {  	s3 =	sadd.s32 s3, s9;
	s6 =	sadd.s32 @!p0 $0x88, s6;
	s7 =	simm.s32 @p2 $0x1082  }
0x22: {  	[simem:s7], [sflag:s8] =	dma.local @!p0 [hbm:s6], $0xF7A  }
0x23: {  	s9 =	sor.u32 $0xD0000000, s2;
	s6 =	simm.s32 $0x108;
	_ =	swait.ge @!p0 [sflag:s8], $0x0  }
0x24: {  	s3 =	sadd.s32 $0x88, s3;
	s6 =	simm.s32 @!p1 $0x1082;
	[sflag:s4] =	ssyncset.s32 $0xFFFFF086  }
0x25: {  	[simem:s6], [sflag:s4] =	dma.local [hbm:s3], $0xF7A  }
0x26: {  	[smem:$0x3F97] =	sst s1;
	(tag) =	ssettag s2;
	_ =	strace s9  }
0x27: {  	s1 =	sld [smem:$0x3FA7]  }
0x28: {  	s2 =	sld [smem:$0x3FA8]  }
0x29: {  	s4 =	sld [smem:$0x3FAA]  }
0x2a: {  	p0 =	seq.s32 s5, $0x0;
	s5 =	sld [smem:$0x3FAB]  }
0x2b: {  	s6 =	sld [smem:$0x3FAC]  }
0x2c: {  	s7 =	sld [smem:$0x3FAD]  }
0x2d: {  	s3 =	simm.s32 $0x108;
	s8 =	sld [smem:$0x3FAE]  }
0x2e: {  	s3 =	simm.s32 @!p0 $0x1082;
	s9 =	sld [smem:$0x3FAF]  }
0x2f: {  	lr =	sadd.s32 s0, s3;
	s0 =	sld [smem:$0x3FA6]  }
0x30: {  	s3 =	sld [smem:$0x3FA9]  }
0x31: {  	[smem:$0x3FB2] =	sst s10  }
0x32: {  	s10 =	sld [smem:$0x3FB0];
	_ =	sdelay $0x3  }
0x33: {  	p0 =	seq.s32 s10, $0x1;
	s10 =	sld [smem:$0x3FB2];
	_ =	sdelay $0x3  }
0x34: {  	[smem:$0x3FB2] =	sst s10  }
0x35: {  	s10 =	sld [smem:$0x3FB1];
	_ =	sdelay $0x3  }
0x36: {  	p1 =	seq.s32 s10, $0x1;
	s10 =	sld [smem:$0x3FB2];
	_ =	sdelay $0x3  }
0x37: {  	[smem:$0x3FB2] =	sst s10  }
0x38: {  	s10 =	sld [smem:$0x3FB3]  }
0x39: {  	_ = 	snop;
	(pc) =	sbr.ind lr, $3  }
0x3a: {  	_ = 	snop  }
0x3b: {  	_ = 	snop  }
0x3c: {  	p2 =	seq.s32 s10, $0x1;
	s10 =	sld [smem:$0x3FB2]  }
0x3d: {  	_ =	shalt  }
0x3e: {  	_ =	shalt  }
0x3f: {  	_ =	shalt  }
0x40: {  	_ =	shalt  }
0x41: {  	_ =	shalt  }
0x42: {  	_ =	shalt  }
0x43: {  	_ =	shalt  }
0x44: {  	_ =	shalt  }
0x45: {  	_ =	shalt  }
0x46: {  	_ =	shalt  }
0x47: {  	_ =	shalt  }
0x48: {  	_ =	shalt  }
0x49: {  	_ =	shalt  }
0x4a: {  	_ =	shalt  }
0x4b: {  	_ =	shalt  }
0x4c: {  	_ =	shalt  }
0x4d: {  	_ =	shalt  }
0x4e: {  	_ =	shalt  }
0x4f: {  	_ =	shalt  }
0x50: {  	_ =	shalt  }
0x51: {  	_ =	shalt  }
0x52: {  	_ =	shalt  }
0x53: {  	_ =	shalt  }
0x54: {  	_ =	shalt  }
0x55: {  	_ =	shalt  }
0x56: {  	_ =	shalt  }
0x57: {  	_ =	shalt  }
0x58: {  	_ =	shalt  }
0x59: {  	_ =	shalt  }
0x5a: {  	_ =	shalt  }
0x5b: {  	_ =	shalt  }
0x5c: {  	_ =	shalt  }
0x5d: {  	_ =	shalt  }
0x5e: {  	_ =	shalt  }
0x5f: {  	_ =	shalt  }
0x60: {  	_ =	shalt  }
0x61: {  	_ =	shalt  }
0x62: {  	_ =	shalt  }
0x63: {  	_ =	shalt  }
0x64: {  	_ =	shalt  }
0x65: {  	_ =	shalt  }
0x66: {  	_ =	shalt  }
0x67: {  	_ =	shalt  }
0x68: {  	_ =	shalt  }
0x69: {  	_ =	shalt  }
0x6a: {  	_ =	shalt  }
0x6b: {  	_ =	shalt  }
0x6c: {  	_ =	shalt  }
0x6d: {  	_ =	shalt  }
0x6e: {  	_ =	shalt  }
0x6f: {  	_ =	shalt  }
0x70: {  	_ =	shalt  }
0x71: {  	_ =	shalt  }
0x72: {  	_ =	shalt  }
0x73: {  	_ =	shalt  }
0x74: {  	_ =	shalt  }
0x75: {  	_ =	shalt  }
0x76: {  	_ =	shalt  }
0x77: {  	_ =	shalt  }
0x78: {  	_ =	shalt  }
0x79: {  	_ =	shalt  }
0x7a: {  	_ =	shalt  }
0x7b: {  	_ =	shalt  }
0x7c: {  	_ =	shalt  }
0x7d: {  	_ =	shalt  }
0x7e: {  	_ =	shalt  }
0x7f: {  	_ =	shalt  }
0x80: {  	_ =	shalt  }
0x81: {  	_ =	shalt  }
0x82: {  	_ =	shalt  }
0x83: {  	_ =	shalt  }
0x84: {  	_ =	shalt  }
0x85: {  	_ =	shalt  }
0x86: {  	_ =	shalt  }
0x87: {  	_ =	shalt  }
.Lfunc_end0:
.L_simem_size_0:
called_computation.1_lowered:
.L_overlay_start_0:
0x88: {  	s2 =	sld [smem:$0x3FD9]  }
0x89: {  	s3 =	sld [smem:$0x3FFE];
	_ =	sdelay $0x1  }
0x8a: {  	s1 =	srdreg.scid  }
0x8b: {  	s0 =	sand.u32 $0x1, s1  }
0x8c: {  	s17 =	sshll.u32 s0, $0xA;
	s2 =	sadd.s32 s3, s2  }
0x8d: {  	s2 =	sadd.s32 s2, s17  }
0x8e: {  	[smem:$0x3FBE] =	sst s2  }
0x8f: {  	_ = 	snop  }
0x90: {  	s2 =	sld [smem:$0x3FD0];
	(tm) =	ssettm $0x1  }
0x91: {  	s18 =	sld [smem:$0x3FFB];
	_ =	sdelay $0x3  }
0x92: {  	_ =	strace s18  }
0x93: {  	s3 =	sld [smem:$0x3FFC];
	_ =	sdelay $0x3  }
0x94: {  	_ =	strace s3  }
0x95: {  	s3 =	sld [smem:$0x3FFD];
	_ =	sdelay $0x3  }
0x96: {  	_ =	strace s3  }
0x97: {  	_ =	strace $0x8FFFFFFF  }
0x98: {  	s19 =	sld [smem:$0x3FDB];
	_ =	sdelay $0x1  }
0x99: {  	s4 =	simm.s32 $_scs_section_size  }
0x9a: {  	s5 =	simm.s32 $_size__tile_overlayer_lowered;
	s6 =	simm.s32 $_tile_overlayer_lowered  }
0x9b: {  	s22 =	simm.s32 $0x1BFF;
	s21 =	sshll.u32 s6, $0x1;
	s3 =	sadd.s32 s4, s19  }
0x9c: {  	s7 =	simm.s32 $0x0;
	s20 =	sshll.u32 s5, $0x1;
	s5 =	sadd.s32 s21, s3  }
0x9d: {  	[timem:s7], [sflag:s22] =	dma.local [hbm:s5], s20  }
0x9e: {  	_ =	swait.ge [sflag:s22], s20  }
0x9f: {  	s4 =	ssub.s32 $0x0, s20;
	[sflag:s22] =	ssyncset.done $0x0  }
0xa0: {  	[sflag:s22] =	ssyncadd.s32 s4;
	_ =	sdelay $0x1  }
0xa1: {  	s23 =	simm.s32 $0x1B8B  }
0xa2: {  	_ =	swait.ge [sflag:s23], $0x1  }
0xa3: {  	[sflag:s23] =	ssyncset.done $0x0  }
0xa4: {  	s25 =	simm.s32 $0x1B8E;
	s24 =	sld [smem:$0x3FFE];
	[sflag:s23] =	ssyncadd.s32 $0xFFFFFFFF  }
0xa5: {  	s26 =	simm.s32 $execute0_lowered;
	[smem:$0x3FD2] =	sst s25  }
0xa6: {  	s5 =	sshll.u32 s26, $0x1;
	_ =	strace $0x80000049;
	[dreg:$0x1] =	wrdreg $0xFFFFFFFF  }
0xa7: {  	s28 =	simm.s32 $_size_execute0_lowered;
	s3 =	sadd.s32 s3, s5;
	[dreg:$0x0] =	wrdreg $0x0  }
0xa8: {  	s5 =	sshll.u32 s28, $0x1;
	[dreg:$0x2] =	wrdreg s3  }
0xa9: {  	[dreg:$0x3] =	wrdreg s5  }
0xaa: {  	[dreg:$0x4] =	wrdreg $0xC0  }
0xab: {  	_ =	task [dreg:s7], $0x5FFFF  }
0xac: {  	[dreg:$0x1] =	wrdreg $0xFFFFFFFF  }
0xad: {  	[dreg:$0x0] =	wrdreg $0x60  }
0xae: {  	[dreg:$0x2] =	wrdreg s2  }
0xaf: {  	[dreg:$0x3] =	wrdreg s24  }
0xb0: {  	[dreg:$0x4] =	wrdreg $0xB9800  }
0xb1: {  	[dreg:$0x5] =	wrdreg $0x9  }
0xb2: {  	_ =	task.clear_ibuf [dreg:s7], $0x6FFFF;
	_ =	strace $0x90000049  }
0xb3: {  	s29 =	simm.s32 $0x9;
	_ =	strace $0x8000004B  }
0xb4: {  	_ =	swait.ge [sflag:s29], $0x1  }
0xb5: {  	[sflag:s29] =	ssyncadd.s32 $0xFFFFFFFF  }
0xb6: {  	_ =	strace $0x9000004B  }
0xb7: {  	_ =	sfence  }
0xb8: {  	s30 =	sld [smem:$0x0];
	_ =	sdelay $0x2  }
0xb9: {  	s31 =	sshll.u32 s1, $0xD;
	s1 =	sshrl.u32 s1, $0x2  }
0xba: {  	s3 =	sand.u32 $0x4000, s31;
	s1 =	sadd.s32 s1, s30  }
0xbb: {  	s0 =	sor.u32 s3, s0;
	s1 =	sshll.u32 s1, $0x11  }
0xbc: {  	s0 =	sor.u32 s1, s0  }
0xbd: {  	s0 =	sadd.s32 $0x8F2B, s0  }
0xbe: {  	[sflag:s0] =	ssyncadd.remote.s32 $0x1  }
0xbf: {  	_ =	sfence.sel $0xFFFF  }
0xc0: {  	[dreg:$0x0] =	wrdreg $0xFFFFFFFF;
	(pc) =	sbr.abs _section_cstart, $3  }
0xc1: {  	[dreg:$0x1] =	wrdreg $0xFFFFFFFF  }
0xc2: {  	_ =	task.clear_ibuf [dreg:s7], $0x2FFFF;
	_ =	strace $0x9FFFFFFF  }
0xc3: {  	(tm) =	ssettm $0x7FFFFFFF  }
tec
execute0_lowered:
.L_overlay_start_1:
0x0: {  	(tag) =	ssettag $0x1  }
0x1: {  	s1 =	rddreg [dreg:$0x0]  }
0x2: {  	s0 =	rddreg [dreg:$0x1]  }
0x3: {  	s2 =	rddreg [dreg:$0x2];
	s18 =	simm.s32 $0x0;
	s3 =	srdreg.scid  }
0x4: {  	s10 =	stileid.u32;
	s30 =	simm.s32 $0x7;
	s31 =	simm.s32 $0x2780  }
0x5: {  	[smem:$0x7FF] =	sst s18;
	s3 =	sand.u32 $0x1, s3;
	s5 =	smul.u32 $0x14000, s10  }
0x6: {  	s6 =	sadd.s32 $0x2EC00, s0;
	s8 =	sadd.s32 $0x2F200, s0;
	s12 =	smul.u32 $0x50000, s10  }
0x7: {  	s14 =	smul.u32 $0x38, s10;
	_ =	strace $0x8000004A;
	[dreg:$0x4] =	wrdreg s6  }
0x8: {  	s7 =	sadd.s32 $0x6C00, s0;
	s4 =	smul.u32 $0x140000, s3;
	[dreg:$0x5] =	wrdreg s8  }
0x9: {  	s9 =	sshll.u32 s3, $0x4;
	p0 =	seq.s32 s3, $0x0;
	s6 =	sshrl.u32 s12, $0x2  }
0xa: {  	s11 =	sor.u32 s10, s9;
	s9 =	ssub.s32 $0x2, s3;
	s8 =	sadd.s32 s6, s2  }
0xb: {  	s12 =	simm.s32 $0x7700;
	s4 =	sadd.s32 s5, s4;
	s6 =	sadd.s32 $0x2000, s8  }
0xc: {  	s5 =	smul.u32 $0x4F0, s11;
	s15 =	sadd.s32 $0x4000, s8;
	[dreg:$0x6] =	wrdreg s6  }
0xd: {  	s13 =	sshrl.u32 s9, $0x1;
	s16 =	sadd.s32 $0x6000, s8;
	[dreg:$0x7] =	wrdreg s15  }
0xe: {  	s11 =	simm.s32 $0x7880;
	s17 =	sadd.s32 $0x8000, s8;
	[dreg:$0x8] =	wrdreg s16  }
0xf: {  	s4 =	sshrl.u32 s4, $0x3;
	s19 =	sadd.s32 $0xA000, s8;
	[dreg:$0x9] =	wrdreg s17  }
0x10: {  	s20 =	sadd.s32 $0xC000, s8;
	s21 =	sadd.s32 $0xE000, s8;
	[dreg:$0xa] =	wrdreg s19  }
0x11: {  	s22 =	sadd.s32 $0x10000, s8;
	s24 =	sadd.s32 $0x12000, s8;
	[dreg:$0xb] =	wrdreg s20  }
0x12: {  	s4 =	sadd.s32 s4, s0;
	s0 =	sadd.s32 s5, s0;
	[dreg:$0xc] =	wrdreg s21  }
0x13: {  	s5 =	ssub.s32 s9, s13;
	s9 =	smul.u32 $0x70, s10;
	[dreg:$0xd] =	wrdreg s22  }
0x14: {  	s13 =	sadd.s32 $0x700, s14;
	[dreg:$0xe] =	wrdreg s24;
	s19 =	simm.s32 $0x70  }
0x15: {  	s6 =	simm.s32 $0x40;
	s10 =	simm.s32 $0x3;
	s14 =	simm.s32 $0x4  }
0x16: {  	s15 =	simm.s32 $0x7900;
	s16 =	simm.s32 $0x7800;
	s0 =	sadd.s32 $0x2F800, s0  }
0x17: {  	s17 =	simm.s32 $0x9980;
	s25 =	sadd.s32 $0x39600, s4;
	[dreg:$0x11] =	wrdreg s0  }
0x18: {  	s22 =	simm.s32 $0x0;
	s26 =	smax.u32 s5, $0x1;
	[dreg:$0x12] =	wrdreg s25  }
0x19: {  	s19 =	simm.s32 @!p0 $0x38;
	s13 =	smov.u32 @p0 s9;
	[dreg:$0x13] =	wrdreg s26  }
0x1a: {  	v0 =	vlaneseq.u32;
	s26 =	sshrl.u32 s19, $0x1;
	s28 =	sadd.s32 $0xFFFFFFFE, s19;
	s23 =	sshll.u32 s13, $0x5  }
0x1b: {  	v1 =	vmul.u32 $0xFFFFFFFF, v0;
	s29 =	sadd.s32 $0xFFFFFFFD, s19;
	s0 =	simm.s32 $0x7980;
	s3 =	sadd.s32 s1, s23  }
0x1c: {  	s9 =	simm.s32 $0x4F00;
	[dreg:$0xf] =	wrdreg s3;
	s3 =	sadd.s32 $0x20, s3  }
0x1d: {  	v0 =	vimm.f32 $0.0e+00;
	v1 =	vadd.s32 $0x29810, v1;
	s21 =	sshll.u32 s13, $0x6;
	s23 =	simm.s32 $0x0;
	[dreg:$0x10] =	wrdreg s3  }
.LBB2_1:
0x1e: {  	s3 =	rddreg [dreg:$0x4]  }
0x1f: {  	[tilespmem:s18], [sflag:$0x7] =	stream.linear.gather [hbm4b:s3+s18], $0x2780, $0x38;
	[tilespmem:$0x1F980] =	vst v63  }
0x20: {  	_ =	swait.ge [sflag:s30], $0x2780  }
0x21: {  	[sflag:s30] =	ssyncset.done $0x0  }
0x22: {  	s25 =	rddreg [dreg:$0x5];
	[sflag:s30] =	ssyncadd.s32 $0xFFFFD880  }
0x23: {  	[tilespmem:s31], [sflag:$0x7] =	stream.linear.gather [hbm4b:s25+s18], $0x2780, $0x38;
	[tilespmem:$0x1F980] =	vst v63  }
0x24: {  	_ =	swait.ge [sflag:s30], $0x2780  }
0x25: {  	[sflag:s30] =	ssyncset.done $0x0  }
0x26: {  	s3 =	simm.s32 $0x0;
	[sflag:s30] =	ssyncadd.s32 $0xFFFFD880  }
.LBB2_2:
0x27: {  	p0 =	sne.s32 s3, $0x9C00  }
.Ltmp0:
0x28: {  	_ = 	snop;
	(pc) =	sbr.rel @p0 .LBB2_2-.Ltmp0, $3  }
0x29: {  	_ =	sdelay $0x1  }
0x2a: {  	s4 =	sshra.s32 s3, $0x2  }
0x2b: {  	s3 =	sadd.s32 $0x40, s3;
	[tilespmem:s4+$0x4F00] =	vst v0  }
0x2c: {  	s3 =	simm.s32 $0x0;
	s4 =	simm.s32 $0x200  }
.LBB2_4:
0x2d: {  	p0 =	sne.s32 s4, $0x7E00;
	[tilespmem:s3+$0x79F0] =	vst v0  }
0x2e: {  	[tilespmem:s3+$0x7980] =	vst v0  }
0x2f: {  	[tilespmem:s3+$0x7990] =	vst v0  }
.Ltmp1:
0x30: {  	[tilespmem:s3+$0x79A0] =	vst v0;
	(pc) =	sbr.rel @p0 .LBB2_4-.Ltmp1, $4  }
0x31: {  	[tilespmem:s3+$0x79B0] =	vst v0  }
0x32: {  	[tilespmem:s3+$0x79C0] =	vst v0  }
0x33: {  	[tilespmem:s3+$0x79D0] =	vst v0  }
0x34: {  	[tilespmem:s3+$0x79E0] =	vst v0;
	s3 =	sshra.s32 s4, $0x2;
	s4 =	sadd.s32 $0x200, s4  }
0x35: {  	[tilespmem:s3+$0x79F0] =	vst v0  }
0x36: {  	[tilespmem:s3+$0x7980] =	vst v0  }
0x37: {  	[tilespmem:s3+$0x7990] =	vst v0  }
0x38: {  	[tilespmem:s3+$0x79A0] =	vst v0  }
0x39: {  	[tilespmem:s3+$0x79B0] =	vst v0  }
0x3a: {  	[tilespmem:s3+$0x79C0] =	vst v0  }
0x3b: {  	[tilespmem:s3+$0x79D0] =	vst v0  }
0x3c: {  	[tilespmem:s3+$0x79E0] =	vst v0  }
0x3d: {  	[spmem:s8] =	stream.linear.scatter [tilespmem:s0], [sflag:$0x7], $0x2000, $0x38;
	[tilespmem:$0x1F980] =	vst v63  }
0x3e: {  	_ =	swait.ge [sflag:s30], $0x2000  }
0x3f: {  	[sflag:s30] =	ssyncset.done $0x0  }
0x40: {  	s4 =	rddreg [dreg:$0x6];
	[sflag:s30] =	ssyncadd.s32 $0xFFFFE000  }
0x41: {  	[spmem:s4] =	stream.linear.scatter [tilespmem:s0], [sflag:$0x7], $0x2000, $0x38;
	[tilespmem:$0x1F980] =	vst v63  }
0x42: {  	_ =	swait.ge [sflag:s30], $0x2000  }
0x43: {  	[sflag:s30] =	ssyncset.done $0x0  }
0x44: {  	s5 =	rddreg [dreg:$0x7];
	[sflag:s30] =	ssyncadd.s32 $0xFFFFE000  }
0x45: {  	[spmem:s5] =	stream.linear.scatter [tilespmem:s0], [sflag:$0x7], $0x2000, $0x38;
	[tilespmem:$0x1F980] =	vst v63  }
0x46: {  	_ =	swait.ge [sflag:s30], $0x2000  }
0x47: {  	[sflag:s30] =	ssyncset.done $0x0  }
0x48: {  	s18 =	rddreg [dreg:$0x8];
	[sflag:s30] =	ssyncadd.s32 $0xFFFFE000  }
0x49: {  	[spmem:s18] =	stream.linear.scatter [tilespmem:s0], [sflag:$0x7], $0x2000, $0x38;
	[tilespmem:$0x1F980] =	vst v63  }
0x4a: {  	_ =	swait.ge [sflag:s30], $0x2000  }
0x4b: {  	[sflag:s30] =	ssyncset.done $0x0  }
0x4c: {  	s20 =	rddreg [dreg:$0x9];
	[sflag:s30] =	ssyncadd.s32 $0xFFFFE000  }
0x4d: {  	[spmem:s20] =	stream.linear.scatter [tilespmem:s0], [sflag:$0x7], $0x2000, $0x38;
	[tilespmem:$0x1F980] =	vst v63  }
0x4e: {  	_ =	swait.ge [sflag:s30], $0x2000  }
0x4f: {  	[sflag:s30] =	ssyncset.done $0x0  }
0x50: {  	s24 =	rddreg [dreg:$0xa];
	[sflag:s30] =	ssyncadd.s32 $0xFFFFE000  }
0x51: {  	[spmem:s24] =	stream.linear.scatter [tilespmem:s0], [sflag:$0x7], $0x2000, $0x38;
	[tilespmem:$0x1F980] =	vst v63  }
0x52: {  	_ =	swait.ge [sflag:s30], $0x2000  }
0x53: {  	[sflag:s30] =	ssyncset.done $0x0  }
0x54: {  	s25 =	rddreg [dreg:$0xb];
	[sflag:s30] =	ssyncadd.s32 $0xFFFFE000  }
0x55: {  	[spmem:s25] =	stream.linear.scatter [tilespmem:s0], [sflag:$0x7], $0x2000, $0x38;
	[tilespmem:$0x1F980] =	vst v63  }
0x56: {  	_ =	swait.ge [sflag:s30], $0x2000  }
0x57: {  	[sflag:s30] =	ssyncset.done $0x0  }
0x58: {  	s4 =	rddreg [dreg:$0xc];
	[sflag:s30] =	ssyncadd.s32 $0xFFFFE000  }
0x59: {  	[spmem:s4] =	stream.linear.scatter [tilespmem:s0], [sflag:$0x7], $0x2000, $0x38;
	[tilespmem:$0x1F980] =	vst v63  }
0x5a: {  	_ =	swait.ge [sflag:s30], $0x2000  }
0x5b: {  	[sflag:s30] =	ssyncset.done $0x0  }
0x5c: {  	s5 =	rddreg [dreg:$0xd];
	[sflag:s30] =	ssyncadd.s32 $0xFFFFE000  }
0x5d: {  	[spmem:s5] =	stream.linear.scatter [tilespmem:s0], [sflag:$0x7], $0x2000, $0x38;
	[tilespmem:$0x1F980] =	vst v63  }
0x5e: {  	_ =	swait.ge [sflag:s30], $0x2000  }
0x5f: {  	[sflag:s30] =	ssyncset.done $0x0  }
0x60: {  	s18 =	rddreg [dreg:$0xe];
	[sflag:s30] =	ssyncadd.s32 $0xFFFFE000  }
0x61: {  	[spmem:s18] =	stream.linear.scatter [tilespmem:s0], [sflag:$0x7], $0x2000, $0x38;
	[tilespmem:$0x1F980] =	vst v63  }
0x62: {  	_ =	swait.ge [sflag:s30], $0x2000  }
0x63: {  	[sflag:s30] =	ssyncset.done $0x0  }
0x64: {  	[sflag:s30] =	ssyncadd.s32 $0xFFFFE000  }
0x65: {  	[bflag:$0x0] =	sbarrier.arrive $0xFFFF  }
0x66: {  	s24 =	simm.s32 $0x1;
	s4 =	simm.s32 $0x7680;
	s20 =	rddreg [dreg:$0xf]  }
0x67: {  	[tilespmem:s4], [sflag:$0x1] =	stream.linear.gather [hbm4b:s20+s23], $0x100, $0x38;
	[tilespmem:$0x1F980] =	vst v63  }
0x68: {  	_ =	swait.ge [sflag:s24], $0x100  }
0x69: {  	[sflag:s24] =	ssyncset.done $0x0  }
0x6a: {  	s5 =	simm.s32 $0x7780;
	s25 =	rddreg [dreg:$0x10];
	[sflag:s24] =	ssyncadd.s32 $0xFFFFFF00  }
0x6b: {  	[tilespmem:s5], [sflag:$0x2] =	stream.linear.gather [hbm4b:s25+s23], $0x100, $0x38;
	[tilespmem:$0x1F980] =	vst v63  }
0x6c: {  	s24 =	simm.s32 $0x0  }
0x6d: {  	[tilespmem:s0], [sflag:$0x3] =	stream.indirect.gather [hbm4b:s7+s6], $0x80, s4, s6, $0xb8;
	[tilespmem:$0x1F980] =	vst v63  }
.LBB2_6:
0x6e: {  	s20 =	sshllo.u32 s24, $0x1  }
0x6f: {  	p0 =	sge.u32 s20, s19  }
0x70: {  	s3 =	simm.s32 @!p0 $0x2  }
0x71: {  	p1 =	seq.s32 @!p0 s24, $0x0;
	_ =	swait.ge @!p0 [sflag:s3], $0x100  }
0x72: {  	p1 =	por p1, p0;
	[sflag:s3] =	ssyncset.done @!p0 $0x0  }
0x73: {  	[sflag:s3] =	ssyncadd.s32 @!p0 $0xFFFFFF00;
	s3 =	simm.s32 @!p1 $0x6  }
0x74: {  	_ =	swait.ge @!p1 [sflag:s3], $0x2000  }
0x75: {  	s4 =	simm.s32 @!p0 $0x7780;
	[sflag:s3] =	ssyncset.done @!p1 $0x0  }
0x76: {  	s5 =	simm.s32 @!p0 $0x9980;
	[sflag:s3] =	ssyncadd.s32 @!p1 $0xFFFFE000;
	s3 =	simm.s32 @!p0 $0x40  }
0x77: {  	[tilespmem:s5], [sflag:$0x4] =	stream.indirect.gather @!p0 [hbm4b:s7+s3], $0x80, s4, s3, $0xb8;
	[tilespmem:$0x1F980] =	vst v63  }
0x78: {  	v2 =	vld [tilespmem:$0x7680]  }
0x79: {  	v3 =	vld [tilespmem:$0x7700];
	_ =	sdelay $0x6  }
0x7a: {  	v2 =	vld.idx.msk [tilespmem:v2+s23+$0x0], $0xffff  }
0x7b: {  	v4 =	vld.idx.msk [tilespmem:v3+s31+$0x0], $0xffff;
	_ =	sdelay $0x4  }
0x7c: {  	v2 =	vadd.f32 v4, v2;
	_ =	sdelay $0x1  }
0x7d: {  	v4 =	vmul.f32 $2.000000030e-01, v2;
	_ =	sdelay $0x1  }
0x7e: {  	v2 =	vmax.f32 v2, v4  }
0x7f: {  	v2 =	vmul.f32 $1.442695020e+00, v2;
	_ =	sdelay $0x1  }
0x80: {  	(erf) = vpow2.f32 v2;
	_ =	sdelay $0x5  }
0x81: {  	s4 =	sshll.u32 s24, $0x7  }
0x82: {  	s3 =	sadd.s32 s21, s4  }
0x83: {  	v2 =	vmov s3  }
0x84: {  	vm0 =	vlt.s32 v2, v1;
	v4 =	vpop (erf)  }
0x85: {  	v2 =	vnsel vm0, $0x0, v4  }
0x86: {  	[tilespmem:$0x7880] =	vst v2  }
0x87: {  	[tilespmem:v3+s9+$0x0] =	vst.idx.add.f32.msk $0xffff, v2  }
0x88: {  	v2 =	vld [tilespmem:$0x7690]  }
0x89: {  	v3 =	vld [tilespmem:$0x7710];
	_ =	sdelay $0x6  }
0x8a: {  	v2 =	vld.idx.msk [tilespmem:v2+s23+$0x0], $0xffff  }
0x8b: {  	v4 =	vld.idx.msk [tilespmem:v3+s31+$0x0], $0xffff;
	_ =	sdelay $0x4  }
0x8c: {  	v2 =	vadd.f32 v4, v2;
	_ =	sdelay $0x1  }
0x8d: {  	v4 =	vmul.f32 $2.000000030e-01, v2;
	_ =	sdelay $0x1  }
0x8e: {  	v2 =	vmax.f32 v2, v4  }
0x8f: {  	v2 =	vmul.f32 $1.442695020e+00, v2;
	_ =	sdelay $0x1  }
0x90: {  	(erf) = vpow2.f32 v2;
	_ =	sdelay $0x6  }
0x91: {  	s5 =	sor.u32 $0x10, s3  }
0x92: {  	v2 =	vmov s5  }
0x93: {  	vm13 =	vlt.s32 v2, v1;
	v4 =	vpop (erf)  }
0x94: {  	v2 =	vnsel vm13, $0x0, v4  }
0x95: {  	[tilespmem:$0x7890] =	vst v2  }
0x96: {  	[tilespmem:v3+s9+$0x0] =	vst.idx.add.f32.msk $0xffff, v2  }
0x97: {  	v2 =	vld [tilespmem:$0x76A0]  }
0x98: {  	v3 =	vld [tilespmem:$0x7720];
	_ =	sdelay $0x6  }
0x99: {  	v2 =	vld.idx.msk [tilespmem:v2+s23+$0x0], $0xffff  }
0x9a: {  	v4 =	vld.idx.msk [tilespmem:v3+s31+$0x0], $0xffff;
	_ =	sdelay $0x4  }
0x9b: {  	v2 =	vadd.f32 v4, v2;
	_ =	sdelay $0x1  }
0x9c: {  	v4 =	vmul.f32 $2.000000030e-01, v2;
	_ =	sdelay $0x1  }
0x9d: {  	v2 =	vmax.f32 v2, v4  }
0x9e: {  	v2 =	vmul.f32 $1.442695020e+00, v2;
	_ =	sdelay $0x1  }
0x9f: {  	(erf) = vpow2.f32 v2;
	_ =	sdelay $0x6  }
0xa0: {  	s18 =	sor.u32 $0x20, s3  }
0xa1: {  	v2 =	vmov s18  }
0xa2: {  	vm14 =	vlt.s32 v2, v1;
	v4 =	vpop (erf)  }
0xa3: {  	v2 =	vnsel vm14, $0x0, v4  }
0xa4: {  	[tilespmem:$0x78A0] =	vst v2  }
0xa5: {  	[tilespmem:v3+s9+$0x0] =	vst.idx.add.f32.msk $0xffff, v2  }
0xa6: {  	v2 =	vld [tilespmem:$0x76B0]  }
0xa7: {  	v3 =	vld [tilespmem:$0x7730];
	_ =	sdelay $0x6  }
0xa8: {  	v2 =	vld.idx.msk [tilespmem:v2+s23+$0x0], $0xffff  }
0xa9: {  	v4 =	vld.idx.msk [tilespmem:v3+s31+$0x0], $0xffff;
	_ =	sdelay $0x4  }
0xaa: {  	v2 =	vadd.f32 v4, v2;
	_ =	sdelay $0x1  }
0xab: {  	v4 =	vmul.f32 $2.000000030e-01, v2;
	_ =	sdelay $0x1  }
0xac: {  	v2 =	vmax.f32 v2, v4  }
0xad: {  	v2 =	vmul.f32 $1.442695020e+00, v2;
	_ =	sdelay $0x1  }
0xae: {  	(erf) = vpow2.f32 v2;
	_ =	sdelay $0x6  }
0xaf: {  	s3 =	sor.u32 $0x30, s3  }
0xb0: {  	v2 =	vmov s3  }
0xb1: {  	vm15 =	vlt.s32 v2, v1;
	v4 =	vpop (erf)  }
0xb2: {  	v2 =	vnsel vm15, $0x0, v4  }
0xb3: {  	[tilespmem:$0x78B0] =	vst v2  }
0xb4: {  	[tilespmem:v3+s9+$0x0] =	vst.idx.add.f32.msk $0xffff, v2;
	v2 =	vmov s23  }
0xb5: {  	v2 =	vand.u32 $0xFFFFFFFE, v2  }
0xb6: {  	v3 =	vbroadcast v2, $0x0;
	_ =	sdelay $0x1  }
0xb7: {  	_ =	swait.ge [sflag:s10], $0x2000  }
0xb8: {  	[sflag:s10] =	ssyncset.done $0x0  }
0xb9: {  	s4 =	simm.s32 $0x7A00;
	[sflag:s10] =	ssyncadd.s32 $0xFFFFE000  }
0xba: {  	v6 =	vld [tilespmem:s4+$0xFFFFFFF0]  }
0xbb: {  	v7 =	vld.idx.msk [tilespmem:v3+s11+$0x0], $0xffff  }
0xbc: {  	v8 =	vld [tilespmem:s4+$0xFFFFFF80]  }
0xbd: {  	v9 =	vld [tilespmem:s4+$0xFFFFFFA0]  }
0xbe: {  	v5 =	vld [tilespmem:s4+$0xFFFFFFB0]  }
0xbf: {  	v4 =	vld [tilespmem:s4+$0xFFFFFFD0]  }
0xc0: {  	v11 =	vld [tilespmem:s4+$0xFFFFFF90];
	v6 =	vmul.f32 v6, v7  }
0xc1: {  	v10 =	vld [tilespmem:s4+$0xFFFFFFE0];
	v8 =	vmul.f32 v8, v7  }
0xc2: {  	v12 =	vld [tilespmem:s4+$0xFFFFFFC0];
	v9 =	vmul.f32 v9, v7;
	[tilespmem:s4+$0xFFFFFFF0] =	vst v6  }
0xc3: {  	v5 =	vmul.f32 v5, v7;
	[tilespmem:s4+$0xFFFFFF80] =	vst v8  }
0xc4: {  	s25 =	simm.s32 $0x1;
	v4 =	vmul.f32 v4, v7;
	[tilespmem:s4+$0xFFFFFFA0] =	vst v9  }
0xc5: {  	v6 =	vmul.f32 v11, v7;
	[tilespmem:s4+$0xFFFFFFB0] =	vst v5;
	v8 =	vmov s25  }
0xc6: {  	v2 =	vld [tilespmem:s4+$0x0];
	v5 =	vmul.f32 v10, v7;
	[tilespmem:s4+$0xFFFFFFD0] =	vst v4  }
0xc7: {  	v3 =	vld [tilespmem:s4+$0x10];
	v4 =	vmul.f32 v12, v7;
	[tilespmem:s4+$0xFFFFFF90] =	vst v6  }
0xc8: {  	[tilespmem:s4+$0xFFFFFFE0] =	vst v5;
	v6 =	vld [tilespmem:s4+$0x30]  }
0xc9: {  	[tilespmem:s4+$0xFFFFFFC0] =	vst v4;
	v5 =	vld [tilespmem:s4+$0x70]  }
0xca: {  	s5 =	simm.s32 $0x2;
	s18 =	simm.s32 $0x7A00;
	s25 =	sshll.u32 s24, $0x1;
	v4 =	vld.idx.msk [tilespmem:v8+s11+$0x0], $0xffff  }
.LBB2_7:
0xcb: {  	p0 =	sne.s32 s5, $0x3E  }
0xcc: {  	v7 =	vld [tilespmem:s4+$0x20];
	s18 =	sadd.s32 $0x100, s18;
	s3 =	smov.u32 s5;
	s5 =	sadd.s32 $0x2, s5  }
0xcd: {  	v8 =	vld [tilespmem:s4+$0x40]  }
0xce: {  	v9 =	vld [tilespmem:s4+$0x50]  }
0xcf: {  	v10 =	vld [tilespmem:s4+$0x60];
	_ =	sdelay $0x1  }
0xd0: {  	v2 =	vmul.f32 v2, v4;
	v3 =	vmul.f32 v3, v4  }
0xd1: {  	v6 =	vmul.f32 v6, v4;
	v7 =	vmul.f32 v7, v4  }
0xd2: {  	v11 =	vmov s3;
	v8 =	vmul.f32 v8, v4;
	[tilespmem:s4+$0x0] =	vst v2;
	v9 =	vmul.f32 v9, v4  }
0xd3: {  	v11 =	vand.u32 $0xFFFFFFFE, v11;
	v2 =	vld [tilespmem:s18+$0x0];
	[tilespmem:s4+$0x30] =	vst v6;
	v6 =	vmul.f32 v10, v4;
	v4 =	vmul.f32 v5, v4  }
0xd4: {  	v5 =	vbroadcast v11, $0x0;
	[tilespmem:s4+$0x10] =	vst v3  }
0xd5: {  	[tilespmem:s4+$0x70] =	vst v4  }
0xd6: {  	v4 =	vld [tilespmem:s18+$0xFFFFFFD0];
	[tilespmem:s4+$0x20] =	vst v7  }
0xd7: {  	v7 =	vld [tilespmem:s18+$0xFFFFFFB0];
	[tilespmem:s4+$0x60] =	vst v6  }
0xd8: {  	v6 =	vld [tilespmem:s18+$0xFFFFFFE0];
	[tilespmem:s4+$0x40] =	vst v8  }
0xd9: {  	v8 =	vld [tilespmem:s18+$0xFFFFFFF0];
	[tilespmem:s4+$0x50] =	vst v9;
	s4 =	smov.u32 s18  }
0xda: {  	v5 =	vld.idx.msk [tilespmem:v5+s11+$0x0], $0xffff  }
0xdb: {  	v9 =	vld [tilespmem:s18+$0xFFFFFF80]  }
0xdc: {  	v10 =	vld [tilespmem:s18+$0xFFFFFFA0]  }
0xdd: {  	v11 =	vld [tilespmem:s18+$0xFFFFFF90]  }
0xde: {  	v12 =	vld [tilespmem:s18+$0xFFFFFFC0]  }
0xdf: {  	v3 =	vld [tilespmem:s18+$0x10]  }
0xe0: {  	v8 =	vmul.f32 v8, v5;
	v9 =	vmul.f32 v9, v5  }
0xe1: {  	v6 =	vmul.f32 v6, v5;
	v10 =	vmul.f32 v10, v5  }
0xe2: {  	v7 =	vmul.f32 v7, v5;
	v11 =	vmul.f32 v11, v5;
	[tilespmem:s18+$0xFFFFFFF0] =	vst v8  }
0xe3: {  	v4 =	vmul.f32 v4, v5;
	[tilespmem:s18+$0xFFFFFF80] =	vst v9;
	v8 =	vmul.f32 v12, v5  }
0xe4: {  	s3 =	sadd.s32 $0x1, s3;
	[tilespmem:s18+$0xFFFFFFA0] =	vst v10  }
0xe5: {  	[tilespmem:s18+$0xFFFFFFB0] =	vst v7;
	v7 =	vmov s3  }
.Ltmp2:
0xe6: {  	[tilespmem:s18+$0xFFFFFFD0] =	vst v4;
	(pc) =	sbr.rel @p0 .LBB2_7-.Ltmp2, $4  }
0xe7: {  	[tilespmem:s18+$0xFFFFFF90] =	vst v11  }
0xe8: {  	[tilespmem:s18+$0xFFFFFFE0] =	vst v6;
	v6 =	vld [tilespmem:s18+$0x30]  }
0xe9: {  	[tilespmem:s18+$0xFFFFFFC0] =	vst v8;
	v5 =	vld [tilespmem:s18+$0x70]  }
0xea: {  	v4 =	vld.idx.msk [tilespmem:v7+s11+$0x0], $0xffff  }
0xeb: {  	_ =	sdelay $0x2  }
0xec: {  	v7 =	vld [tilespmem:s4+$0x20]  }
0xed: {  	v8 =	vld [tilespmem:s4+$0x60];
	v2 =	vmul.f32 v2, v4  }
0xee: {  	v9 =	vld [tilespmem:s4+$0x40];
	v6 =	vmul.f32 v6, v4  }
0xef: {  	v10 =	vld [tilespmem:s4+$0x50];
	v3 =	vmul.f32 v3, v4;
	[tilespmem:s4+$0x0] =	vst v2  }
0xf0: {  	[tilespmem:s4+$0x30] =	vst v6;
	v2 =	vmul.f32 v5, v4  }
0xf1: {  	v5 =	vmul.f32 v7, v4;
	[tilespmem:s4+$0x10] =	vst v3  }
0xf2: {  	p0 =	sge.u32 s25, s28;
	v3 =	vmul.f32 v8, v4;
	[tilespmem:s4+$0x70] =	vst v2  }
0xf3: {  	s3 =	sadd.s32 @!p0 s13, s25;
	v2 =	vmul.f32 v9, v4;
	[tilespmem:s4+$0x20] =	vst v5  }
0xf4: {  	s3 =	sshll.u32 @!p0 s3, $0x5;
	v4 =	vmul.f32 v10, v4;
	[tilespmem:s4+$0x60] =	vst v3  }
0xf5: {  	s3 =	sand.u32 @!p0 $0x1FFFFFE0, s3;
	[tilespmem:s4+$0x40] =	vst v2  }
0xf6: {  	s3 =	sadd.s32 @!p0 s1, s3;
	[tilespmem:s4+$0x50] =	vst v4  }
0xf7: {  	[spmem:s2] =	stream.indirect.scatter.add.f32 [tilespmem:s0], [sflag:$0x5], $0x80, s12, s6, $0xb8;
	[tilespmem:$0x1F980] =	vst v63  }
0xf8: {  	s5 =	simm.s32 @!p0 $0x7680;
	s3 =	sadd.s32 @!p0 $0x40, s3;
	s4 =	simm.s32 @!p0 $0x0  }
0xf9: {  	[tilespmem:s5], [sflag:$0x1] =	stream.linear.gather @!p0 [hbm4b:s3+s4], $0x100, $0x38;
	[tilespmem:$0x1F980] =	vst v63  }
0xfa: {  	s3 =	simm.s32 @!p0 $0x1  }
0xfb: {  	_ =	swait.ge @!p0 [sflag:s3], $0x100  }
0xfc: {  	[sflag:s3] =	ssyncset.done @!p0 $0x0  }
0xfd: {  	[sflag:s3] =	ssyncadd.s32 @!p0 $0xFFFFFF00;
	s3 =	simm.s32 @!p0 $0x5  }
0xfe: {  	_ =	swait.ge @!p0 [sflag:s3], $0x2000  }
0xff: {  	[sflag:s3] =	ssyncset.done @!p0 $0x0  }
0x100: {  	s4 =	simm.s32 @!p0 $0x7980;
	[sflag:s3] =	ssyncadd.s32 @!p0 $0xFFFFE000;
	s3 =	simm.s32 @!p0 $0x40  }
0x101: {  	[tilespmem:s4], [sflag:$0x3] =	stream.indirect.gather @!p0 [hbm4b:s7+s3], $0x80, s5, s3, $0xb8;
	[tilespmem:$0x1F980] =	vst v63  }
0x102: {  	v2 =	vld [tilespmem:$0x7780]  }
0x103: {  	v3 =	vld [tilespmem:$0x7800];
	_ =	sdelay $0x5  }
0x104: {  	s3 =	simm.s32 $0x0  }
0x105: {  	v2 =	vld.idx.msk [tilespmem:v2+s3+$0x0], $0xffff  }
0x106: {  	v4 =	vld.idx.msk [tilespmem:v3+s31+$0x0], $0xffff;
	_ =	sdelay $0x4  }
0x107: {  	v2 =	vadd.f32 v4, v2;
	_ =	sdelay $0x1  }
0x108: {  	v4 =	vmul.f32 $2.000000030e-01, v2;
	_ =	sdelay $0x1  }
0x109: {  	v2 =	vmax.f32 v2, v4  }
0x10a: {  	v2 =	vmul.f32 $1.442695020e+00, v2;
	_ =	sdelay $0x1  }
0x10b: {  	(erf) = vpow2.f32 v2;
	_ =	sdelay $0x5  }
0x10c: {  	s20 =	sadd.s32 s13, s20  }
0x10d: {  	s4 =	sshll.u32 s20, $0x6  }
0x10e: {  	v2 =	vmov s4  }
0x10f: {  	vm0 =	vlt.s32 v2, v1;
	v4 =	vpop (erf)  }
0x110: {  	v2 =	vnsel vm0, $0x0, v4  }
0x111: {  	[tilespmem:$0x7900] =	vst v2  }
0x112: {  	[tilespmem:v3+s9+$0x0] =	vst.idx.add.f32.msk $0xffff, v2  }
0x113: {  	v2 =	vld [tilespmem:$0x7790]  }
0x114: {  	v3 =	vld [tilespmem:$0x7810];
	_ =	sdelay $0x6  }
0x115: {  	v2 =	vld.idx.msk [tilespmem:v2+s3+$0x0], $0xffff  }
0x116: {  	v4 =	vld.idx.msk [tilespmem:v3+s31+$0x0], $0xffff;
	_ =	sdelay $0x4  }
0x117: {  	v2 =	vadd.f32 v4, v2;
	_ =	sdelay $0x1  }
0x118: {  	v4 =	vmul.f32 $2.000000030e-01, v2;
	_ =	sdelay $0x1  }
0x119: {  	v2 =	vmax.f32 v2, v4  }
0x11a: {  	v2 =	vmul.f32 $1.442695020e+00, v2;
	_ =	sdelay $0x1  }
0x11b: {  	(erf) = vpow2.f32 v2;
	_ =	sdelay $0x6  }
0x11c: {  	s18 =	sor.u32 $0x10, s4  }
0x11d: {  	v2 =	vmov s18  }
0x11e: {  	vm13 =	vlt.s32 v2, v1;
	v4 =	vpop (erf)  }
0x11f: {  	v2 =	vnsel vm13, $0x0, v4  }
0x120: {  	[tilespmem:$0x7910] =	vst v2  }
0x121: {  	[tilespmem:v3+s9+$0x0] =	vst.idx.add.f32.msk $0xffff, v2  }
0x122: {  	v2 =	vld [tilespmem:$0x77A0]  }
0x123: {  	v3 =	vld [tilespmem:$0x7820];
	_ =	sdelay $0x6  }
0x124: {  	v2 =	vld.idx.msk [tilespmem:v2+s3+$0x0], $0xffff  }
0x125: {  	v4 =	vld.idx.msk [tilespmem:v3+s31+$0x0], $0xffff;
	_ =	sdelay $0x4  }
0x126: {  	v2 =	vadd.f32 v4, v2;
	_ =	sdelay $0x1  }
0x127: {  	v4 =	vmul.f32 $2.000000030e-01, v2;
	_ =	sdelay $0x1  }
0x128: {  	v2 =	vmax.f32 v2, v4  }
0x129: {  	v2 =	vmul.f32 $1.442695020e+00, v2;
	_ =	sdelay $0x1  }
0x12a: {  	(erf) = vpow2.f32 v2;
	_ =	sdelay $0x6  }
0x12b: {  	s18 =	sor.u32 $0x20, s4  }
0x12c: {  	v2 =	vmov s18  }
0x12d: {  	vm14 =	vlt.s32 v2, v1;
	v4 =	vpop (erf)  }
0x12e: {  	v2 =	vnsel vm14, $0x0, v4  }
0x12f: {  	[tilespmem:$0x7920] =	vst v2  }
0x130: {  	[tilespmem:v3+s9+$0x0] =	vst.idx.add.f32.msk $0xffff, v2  }
0x131: {  	v2 =	vld [tilespmem:$0x77B0]  }
0x132: {  	v3 =	vld [tilespmem:$0x7830];
	_ =	sdelay $0x6  }
0x133: {  	v2 =	vld.idx.msk [tilespmem:v2+s3+$0x0], $0xffff  }
0x134: {  	v4 =	vld.idx.msk [tilespmem:v3+s31+$0x0], $0xffff;
	_ =	sdelay $0x4  }
0x135: {  	v2 =	vadd.f32 v4, v2;
	_ =	sdelay $0x1  }
0x136: {  	v4 =	vmul.f32 $2.000000030e-01, v2;
	_ =	sdelay $0x1  }
0x137: {  	v2 =	vmax.f32 v2, v4  }
0x138: {  	v2 =	vmul.f32 $1.442695020e+00, v2;
	_ =	sdelay $0x1  }
0x139: {  	(erf) = vpow2.f32 v2;
	_ =	sdelay $0x6  }
0x13a: {  	s4 =	sor.u32 $0x30, s4  }
0x13b: {  	v2 =	vmov s4  }
0x13c: {  	vm15 =	vlt.s32 v2, v1;
	v4 =	vpop (erf)  }
0x13d: {  	v2 =	vnsel vm15, $0x0, v4  }
0x13e: {  	[tilespmem:$0x7930] =	vst v2  }
0x13f: {  	[tilespmem:v3+s9+$0x0] =	vst.idx.add.f32.msk $0xffff, v2;
	v2 =	vmov s3  }
0x140: {  	v2 =	vand.u32 $0xFFFFFFFE, v2  }
0x141: {  	v3 =	vbroadcast v2, $0x0;
	_ =	sdelay $0x1  }
0x142: {  	_ =	swait.ge [sflag:s14], $0x2000  }
0x143: {  	[sflag:s14] =	ssyncset.done $0x0  }
0x144: {  	s4 =	simm.s32 $0x9A00;
	[sflag:s14] =	ssyncadd.s32 $0xFFFFE000  }
0x145: {  	v6 =	vld [tilespmem:s4+$0xFFFFFFF0]  }
0x146: {  	v7 =	vld.idx.msk [tilespmem:v3+s15+$0x0], $0xffff  }
0x147: {  	v8 =	vld [tilespmem:s4+$0xFFFFFF80]  }
0x148: {  	v62 =	vld [tilespmem:s4+$0xFFFFFFA0]  }
0x149: {  	v5 =	vld [tilespmem:s4+$0xFFFFFFB0]  }
0x14a: {  	v4 =	vld [tilespmem:s4+$0xFFFFFFD0]  }
0x14b: {  	v11 =	vld [tilespmem:s4+$0xFFFFFF90];
	v6 =	vmul.f32 v6, v7  }
0x14c: {  	v63 =	vld [tilespmem:s4+$0xFFFFFFE0];
	v8 =	vmul.f32 v8, v7  }
0x14d: {  	v12 =	vld [tilespmem:s4+$0xFFFFFFC0];
	v9 =	vmul.f32 v62, v7;
	[tilespmem:s4+$0xFFFFFFF0] =	vst v6  }
0x14e: {  	v5 =	vmul.f32 v5, v7;
	[tilespmem:s4+$0xFFFFFF80] =	vst v8  }
0x14f: {  	s18 =	simm.s32 $0x1;
	v4 =	vmul.f32 v4, v7;
	[tilespmem:s4+$0xFFFFFFA0] =	vst v9  }
0x150: {  	v6 =	vmul.f32 v11, v7;
	[tilespmem:s4+$0xFFFFFFB0] =	vst v5;
	v8 =	vmov s18  }
0x151: {  	v2 =	vld [tilespmem:s4+$0x0];
	v5 =	vmul.f32 v63, v7;
	[tilespmem:s4+$0xFFFFFFD0] =	vst v4  }
0x152: {  	v3 =	vld [tilespmem:s4+$0x10];
	v4 =	vmul.f32 v12, v7;
	[tilespmem:s4+$0xFFFFFF90] =	vst v6  }
0x153: {  	[tilespmem:s4+$0xFFFFFFE0] =	vst v5;
	v6 =	vld [tilespmem:s4+$0x30]  }
0x154: {  	[tilespmem:s4+$0xFFFFFFC0] =	vst v4;
	v5 =	vld [tilespmem:s4+$0x70]  }
0x155: {  	s5 =	simm.s32 $0x2;
	s18 =	simm.s32 $0x9A00;
	v4 =	vld.idx.msk [tilespmem:v8+s15+$0x0], $0xffff  }
.LBB2_9:
0x156: {  	p0 =	sne.s32 s5, $0x3E  }
0x157: {  	v7 =	vld [tilespmem:s4+$0x20];
	s18 =	sadd.s32 $0x100, s18;
	s3 =	smov.u32 s5;
	s5 =	sadd.s32 $0x2, s5  }
0x158: {  	v8 =	vld [tilespmem:s4+$0x40]  }
0x159: {  	v9 =	vld [tilespmem:s4+$0x50]  }
0x15a: {  	v10 =	vld [tilespmem:s4+$0x60];
	_ =	sdelay $0x1  }
0x15b: {  	v2 =	vmul.f32 v2, v4;
	v3 =	vmul.f32 v3, v4  }
0x15c: {  	v6 =	vmul.f32 v6, v4;
	v7 =	vmul.f32 v7, v4  }
0x15d: {  	v11 =	vmov s3;
	v8 =	vmul.f32 v8, v4;
	[tilespmem:s4+$0x0] =	vst v2;
	v9 =	vmul.f32 v9, v4  }
0x15e: {  	v11 =	vand.u32 $0xFFFFFFFE, v11;
	v2 =	vld [tilespmem:s18+$0x0];
	[tilespmem:s4+$0x30] =	vst v6;
	v6 =	vmul.f32 v10, v4;
	v4 =	vmul.f32 v5, v4  }
0x15f: {  	v5 =	vbroadcast v11, $0x0;
	[tilespmem:s4+$0x10] =	vst v3  }
0x160: {  	[tilespmem:s4+$0x70] =	vst v4  }
0x161: {  	v4 =	vld [tilespmem:s18+$0xFFFFFFD0];
	[tilespmem:s4+$0x20] =	vst v7  }
0x162: {  	v7 =	vld [tilespmem:s18+$0xFFFFFFB0];
	[tilespmem:s4+$0x60] =	vst v6  }
0x163: {  	v6 =	vld [tilespmem:s18+$0xFFFFFFE0];
	[tilespmem:s4+$0x40] =	vst v8  }
0x164: {  	v8 =	vld [tilespmem:s18+$0xFFFFFFF0];
	[tilespmem:s4+$0x50] =	vst v9;
	s4 =	smov.u32 s18  }
0x165: {  	v5 =	vld.idx.msk [tilespmem:v5+s15+$0x0], $0xffff  }
0x166: {  	v9 =	vld [tilespmem:s18+$0xFFFFFF80]  }
0x167: {  	v10 =	vld [tilespmem:s18+$0xFFFFFFA0]  }
0x168: {  	v11 =	vld [tilespmem:s18+$0xFFFFFF90]  }
0x169: {  	v12 =	vld [tilespmem:s18+$0xFFFFFFC0]  }
0x16a: {  	v3 =	vld [tilespmem:s18+$0x10]  }
0x16b: {  	v8 =	vmul.f32 v8, v5;
	v9 =	vmul.f32 v9, v5  }
0x16c: {  	v6 =	vmul.f32 v6, v5;
	v10 =	vmul.f32 v10, v5  }
0x16d: {  	v7 =	vmul.f32 v7, v5;
	v11 =	vmul.f32 v11, v5;
	[tilespmem:s18+$0xFFFFFFF0] =	vst v8  }
0x16e: {  	v4 =	vmul.f32 v4, v5;
	[tilespmem:s18+$0xFFFFFF80] =	vst v9;
	v8 =	vmul.f32 v12, v5  }
0x16f: {  	s3 =	sadd.s32 $0x1, s3;
	[tilespmem:s18+$0xFFFFFFA0] =	vst v10  }
0x170: {  	[tilespmem:s18+$0xFFFFFFB0] =	vst v7;
	v7 =	vmov s3  }
.Ltmp3:
0x171: {  	[tilespmem:s18+$0xFFFFFFD0] =	vst v4;
	(pc) =	sbr.rel @p0 .LBB2_9-.Ltmp3, $4  }
0x172: {  	[tilespmem:s18+$0xFFFFFF90] =	vst v11  }
0x173: {  	[tilespmem:s18+$0xFFFFFFE0] =	vst v6;
	v6 =	vld [tilespmem:s18+$0x30]  }
0x174: {  	[tilespmem:s18+$0xFFFFFFC0] =	vst v8;
	v5 =	vld [tilespmem:s18+$0x70]  }
0x175: {  	v4 =	vld.idx.msk [tilespmem:v7+s15+$0x0], $0xffff  }
0x176: {  	_ =	sdelay $0x1  }
0x177: {  	v7 =	vld [tilespmem:s4+$0x20]  }
0x178: {  	v10 =	vld [tilespmem:s4+$0x50]  }
0x179: {  	v2 =	vmul.f32 v2, v4  }
0x17a: {  	v8 =	vld [tilespmem:s4+$0x60];
	v6 =	vmul.f32 v6, v4  }
0x17b: {  	v9 =	vld [tilespmem:s4+$0x40];
	v3 =	vmul.f32 v3, v4;
	[tilespmem:s4+$0x0] =	vst v2  }
0x17c: {  	v62 =	vmul.f32 v7, v4;
	[tilespmem:s4+$0x30] =	vst v6  }
0x17d: {  	v63 =	vmul.f32 v10, v4;
	[tilespmem:s4+$0x10] =	vst v3  }
0x17e: {  	v2 =	vmul.f32 v5, v4;
	[tilespmem:s4+$0x20] =	vst v62  }
0x17f: {  	p0 =	sge.u32 s25, s29;
	v3 =	vmul.f32 v8, v4;
	[tilespmem:s4+$0x50] =	vst v63  }
0x180: {  	s3 =	sshll.u32 @!p0 s20, $0x5;
	[tilespmem:s4+$0x70] =	vst v2;
	v2 =	vmul.f32 v9, v4  }
0x181: {  	s3 =	sand.u32 @!p0 $0x1FFFFFE0, s3;
	[tilespmem:s4+$0x60] =	vst v3  }
0x182: {  	s24 =	sadd.s32 $0x1, s24;
	s3 =	sadd.s32 @!p0 s1, s3;
	[tilespmem:s4+$0x40] =	vst v2  }
0x183: {  	[spmem:s2] =	stream.indirect.scatter.add.f32 [tilespmem:s17], [sflag:$0x6], $0x80, s16, s6, $0xb8;
	[tilespmem:$0x1F980] =	vst v63  }
0x184: {  	s5 =	simm.s32 @!p0 $0x7780;
	s3 =	sadd.s32 @!p0 $0x40, s3;
	s4 =	simm.s32 @!p0 $0x0  }
0x185: {  	[tilespmem:s5], [sflag:$0x2] =	stream.linear.gather @!p0 [hbm4b:s3+s4], $0x100, $0x38;
	[tilespmem:$0x1F980] =	vst v63  }
0x186: {  	p0 =	sne.s32 s24, s26  }
.Ltmp4:
0x187: {  	_ = 	snop;
	(pc) =	sbr.rel @p0 .LBB2_6-.Ltmp4, $1  }
0x188: {  	_ =	sdelay $0x3  }
0x189: {  	s3 =	simm.s32 $0x5  }
0x18a: {  	_ =	swait.ge [sflag:s3], $0x2000  }
0x18b: {  	[sflag:s3] =	ssyncset.done $0x0  }
0x18c: {  	s18 =	simm.s32 $0x6;
	[sflag:s3] =	ssyncadd.s32 $0xFFFFE000  }
0x18d: {  	_ =	swait.ge [sflag:s18], $0x2000  }
0x18e: {  	[sflag:s18] =	ssyncset.done $0x0  }
0x18f: {  	s20 =	rddreg [dreg:$0x11];
	[sflag:s18] =	ssyncadd.s32 $0xFFFFE000;
	s18 =	simm.s32 $0x0  }
0x190: {  	[hbm4b:s20+s18] =	stream.linear.scatter [tilespmem:s9], [sflag:$0x7], $0x2780, $0x38;
	[tilespmem:$0x1F980] =	vst v63  }
0x191: {  	_ =	swait.ge [sflag:s30], $0x2780  }
0x192: {  	[sflag:s30] =	ssyncset.done $0x0  }
0x193: {  	s24 =	stileid.u32;
	[sflag:s30] =	ssyncadd.s32 $0xFFFFD880  }
0x194: {  	s3 =	sshll.u32 s24, $0x6;
	[bflag:$0x0] =	sbarrier.arrive $0xFFFF  }
0x195: {  	s4 =	sshrl.u32 s8, $0x3;
	s3 =	sor.u32 $0x1C07, s3;
	s5 =	rddreg [dreg:$0x12]  }
0x196: {  	[hbm:s5], [sflag:s3] =	dma.local [spmem:s4], $0x2800  }
0x197: {  	_ =	swait.ge [sflag:s30], $0x2800  }
0x198: {  	s22 =	sadd.s32 $0x1, s22;
	s25 =	rddreg [dreg:$0x13]  }
0x199: {  	p0 =	sne.s32 s22, s25  }
.Ltmp5:
0x19a: {  	_ = 	snop;
	(pc) =	sbr.rel @p0 .LBB2_1-.Ltmp5, $3  }
0x19b: {  	_ =	sdelay $0x1  }
0x19c: {  	[sflag:s30] =	ssyncset.done $0x0  }
0x19d: {  	[sflag:s30] =	ssyncadd.s32 $0xFFFFD800  }
0x19e: {  	_ =	sfence.sel $0x180000  }
0x19f: {  	[bflag:$0x0] =	sbarrier.arrive $0xFFFF  }
0x1a0: {  	_ =	strace $0x9000004A  }
0x1a1: {  	s0 =	stileid.u32;
	[bflag:$0x2] =	sbarrier.arrive $0xFFFF  }
0x1a2: {  	p0 =	sne.s32 s0, $0x0;
	s0 =	rddreg [dreg:$0x3]  }
0x1a3: {  	s0 =	sadd.s32 @!p0 $0x100000, s0  }
0x1a4: {  	[sflag:s0] =	ssyncadd.tile.s32 @!p0 $0x1;
	_ =	shalt  }
.Lfunc_end2:
_tile_overlayer_lowered:
.L_overlay_start_2:
0x1a5: {  	(tag) =	ssettag $0x2  }
0x1a6: {  	s0 =	rddreg [dreg:$0x0];
	s2 =	stileid.u32  }
0x1a7: {  	s1 =	rddreg [dreg:$0x1];
	p0 =	sne.s32 s2, $0x0  }
0x1a8: {  	s3 =	rddreg [dreg:$0x2];
	[bflag:$0x3] =	sbarrier.arrive $0xFFFF;
	s2 =	simm.s32 @!p0 $0x1C07  }
0x1a9: {  	[timem:s3], [sflag:s2] =	dma.local @!p0 [hbm:s0], s1  }
0x1aa: {  	s0 =	simm.s32 @!p0 $0x7  }
0x1ab: {  	_ =	swait.ge @!p0 [sflag:s0], s1  }
0x1ac: {  	s1 =	ssub.s32 @!p0 $0x0, s1;
	[sflag:s0] =	ssyncset.done @!p0 $0x0  }
0x1ad: {  	[sflag:s0] =	ssyncadd.s32 @!p0 s1  }
0x1ae: {  	[bflag:$0x3] =	sbarrier.arrive $0xFFFF  }
0x1af: {  	_ =	shalt  }

// kernel: kernel.7.cloned.1.call-start
scs
__scs_entry_jumppad:
0x0: {  	(pc) =	sbr.rel $0x88, $3  }
0x1: {  	(tag) =	ssettag $0x0;
	lr =	simm.s32 $0x1  }
0x2: {  	[smem:$0x3F97] =	sst lr;
	_ =	strace $0xD0000000  }
0x3: {  	_ = 	snop  }
0x4: {  	_ = 	snop  }
0x5: {  	_ = 	snop  }
0x6: {  	_ = 	snop  }
0x7: {  	_ = 	snop  }
__scs_overlays_trampoline_lowered:
0x8: {  	[smem:$0x3FA6] =	sst s0  }
0x9: {  	[smem:$0x3FA7] =	sst s1  }
0xa: {  	[smem:$0x3FA8] =	sst s2  }
0xb: {  	[smem:$0x3FA9] =	sst s3  }
0xc: {  	[smem:$0x3FAA] =	sst s4  }
0xd: {  	[smem:$0x3FAB] =	sst s5  }
0xe: {  	[smem:$0x3FAC] =	sst s6  }
0xf: {  	[smem:$0x3FAD] =	sst s7  }
0x10: {  	[smem:$0x3FAE] =	sst s8  }
0x11: {  	[smem:$0x3FAF] =	sst s9;
	s0 =	simm.s32 @!p0 $0x0  }
0x12: {  	s1 =	sld [smem:$0x3F95];
	s0 =	simm.s32 @p0 $0x1  }
0x13: {  	[smem:$0x3FB0] =	sst s0;
	s0 =	simm.s32 @!p1 $0x0  }
0x14: {  	s2 =	sld [smem:$0x3F94];
	s0 =	simm.s32 @p1 $0x1  }
0x15: {  	[smem:$0x3FB1] =	sst s0;
	s0 =	simm.s32 @!p2 $0x0  }
0x16: {  	s3 =	sld [smem:$0x3FDB];
	s0 =	simm.s32 @p2 $0x1  }
0x17: {  	s4 =	simm.s32 $0x1BF5;
	[smem:$0x3FB3] =	sst s0  }
0x18: {  	s0 =	sld [smem:$0x3F96];
	_ =	swait.ge [sflag:s4], $0x0  }
0x19: {  	s7 =	sld [smem:$0x3F97]  }
0x1a: {  	s8 =	sadd.s32 $0xFFFFE003, lr  }
0x1b: {  	s9 =	sadd.s32 $0xFFFFFEF7, lr;
	s5 =	simm.s32 $0xFFFFFFFF;
	p2 =	slt.u32 s8, $0xFFFFF086  }
0x1c: {  	p1 =	slt.u32 s9, $0xF7A;
	s5 =	simm.s32 @!p2 $0x0  }
0x1d: {  	s5 =	simm.s32 @p1 $0x1;
	p0 =	seq.s32 s7, s2  }
0x1e: {  	s7 =	smul.u32 @!p0 $0xF7A, s2;
	p2 =	seq.s32 @!p0 s5, $0x0  }
0x1f: {  	s9 =	smul.u32 $0xF7A, s1;
	s8 =	simm.s32 @!p0 $0x1BF5;
	p2 =	por !p2, p0  }
0x20: {  	[sflag:s8] =	ssyncset.s32 @!p0 $0xFFFFF086;
	s6 =	sadd.s32 @!p0 s3, s7;
	s7 =	simm.s32 @!p0 $0x108  }
0x21: {  	s3 =	sadd.s32 s3, s9;
	s6 =	sadd.s32 @!p0 $0x88, s6;
	s7 =	simm.s32 @p2 $0x1082  }
0x22: {  	[simem:s7], [sflag:s8] =	dma.local @!p0 [hbm:s6], $0xF7A  }
0x23: {  	s9 =	sor.u32 $0xD0000000, s2;
	s6 =	simm.s32 $0x108;
	_ =	swait.ge @!p0 [sflag:s8], $0x0  }
0x24: {  	s3 =	sadd.s32 $0x88, s3;
	s6 =	simm.s32 @!p1 $0x1082;
	[sflag:s4] =	ssyncset.s32 $0xFFFFF086  }
0x25: {  	[simem:s6], [sflag:s4] =	dma.local [hbm:s3], $0xF7A  }
0x26: {  	[smem:$0x3F97] =	sst s1;
	(tag) =	ssettag s2;
	_ =	strace s9  }
0x27: {  	s1 =	sld [smem:$0x3FA7]  }
0x28: {  	s2 =	sld [smem:$0x3FA8]  }
0x29: {  	s4 =	sld [smem:$0x3FAA]  }
0x2a: {  	p0 =	seq.s32 s5, $0x0;
	s5 =	sld [smem:$0x3FAB]  }
0x2b: {  	s6 =	sld [smem:$0x3FAC]  }
0x2c: {  	s7 =	sld [smem:$0x3FAD]  }
0x2d: {  	s3 =	simm.s32 $0x108;
	s8 =	sld [smem:$0x3FAE]  }
0x2e: {  	s3 =	simm.s32 @!p0 $0x1082;
	s9 =	sld [smem:$0x3FAF]  }
0x2f: {  	lr =	sadd.s32 s0, s3;
	s0 =	sld [smem:$0x3FA6]  }
0x30: {  	s3 =	sld [smem:$0x3FA9]  }
0x31: {  	[smem:$0x3FB2] =	sst s10  }
0x32: {  	s10 =	sld [smem:$0x3FB0];
	_ =	sdelay $0x3  }
0x33: {  	p0 =	seq.s32 s10, $0x1;
	s10 =	sld [smem:$0x3FB2];
	_ =	sdelay $0x3  }
0x34: {  	[smem:$0x3FB2] =	sst s10  }
0x35: {  	s10 =	sld [smem:$0x3FB1];
	_ =	sdelay $0x3  }
0x36: {  	p1 =	seq.s32 s10, $0x1;
	s10 =	sld [smem:$0x3FB2];
	_ =	sdelay $0x3  }
0x37: {  	[smem:$0x3FB2] =	sst s10  }
0x38: {  	s10 =	sld [smem:$0x3FB3]  }
0x39: {  	_ = 	snop;
	(pc) =	sbr.ind lr, $3  }
0x3a: {  	_ = 	snop  }
0x3b: {  	_ = 	snop  }
0x3c: {  	p2 =	seq.s32 s10, $0x1;
	s10 =	sld [smem:$0x3FB2]  }
0x3d: {  	_ =	shalt  }
0x3e: {  	_ =	shalt  }
0x3f: {  	_ =	shalt  }
0x40: {  	_ =	shalt  }
0x41: {  	_ =	shalt  }
0x42: {  	_ =	shalt  }
0x43: {  	_ =	shalt  }
0x44: {  	_ =	shalt  }
0x45: {  	_ =	shalt  }
0x46: {  	_ =	shalt  }
0x47: {  	_ =	shalt  }
0x48: {  	_ =	shalt  }
0x49: {  	_ =	shalt  }
0x4a: {  	_ =	shalt  }
0x4b: {  	_ =	shalt  }
0x4c: {  	_ =	shalt  }
0x4d: {  	_ =	shalt  }
0x4e: {  	_ =	shalt  }
0x4f: {  	_ =	shalt  }
0x50: {  	_ =	shalt  }
0x51: {  	_ =	shalt  }
0x52: {  	_ =	shalt  }
0x53: {  	_ =	shalt  }
0x54: {  	_ =	shalt  }
0x55: {  	_ =	shalt  }
0x56: {  	_ =	shalt  }
0x57: {  	_ =	shalt  }
0x58: {  	_ =	shalt  }
0x59: {  	_ =	shalt  }
0x5a: {  	_ =	shalt  }
0x5b: {  	_ =	shalt  }
0x5c: {  	_ =	shalt  }
0x5d: {  	_ =	shalt  }
0x5e: {  	_ =	shalt  }
0x5f: {  	_ =	shalt  }
0x60: {  	_ =	shalt  }
0x61: {  	_ =	shalt  }
0x62: {  	_ =	shalt  }
0x63: {  	_ =	shalt  }
0x64: {  	_ =	shalt  }
0x65: {  	_ =	shalt  }
0x66: {  	_ =	shalt  }
0x67: {  	_ =	shalt  }
0x68: {  	_ =	shalt  }
0x69: {  	_ =	shalt  }
0x6a: {  	_ =	shalt  }
0x6b: {  	_ =	shalt  }
0x6c: {  	_ =	shalt  }
0x6d: {  	_ =	shalt  }
0x6e: {  	_ =	shalt  }
0x6f: {  	_ =	shalt  }
0x70: {  	_ =	shalt  }
0x71: {  	_ =	shalt  }
0x72: {  	_ =	shalt  }
0x73: {  	_ =	shalt  }
0x74: {  	_ =	shalt  }
0x75: {  	_ =	shalt  }
0x76: {  	_ =	shalt  }
0x77: {  	_ =	shalt  }
0x78: {  	_ =	shalt  }
0x79: {  	_ =	shalt  }
0x7a: {  	_ =	shalt  }
0x7b: {  	_ =	shalt  }
0x7c: {  	_ =	shalt  }
0x7d: {  	_ =	shalt  }
0x7e: {  	_ =	shalt  }
0x7f: {  	_ =	shalt  }
0x80: {  	_ =	shalt  }
0x81: {  	_ =	shalt  }
0x82: {  	_ =	shalt  }
0x83: {  	_ =	shalt  }
0x84: {  	_ =	shalt  }
0x85: {  	_ =	shalt  }
0x86: {  	_ =	shalt  }
0x87: {  	_ =	shalt  }
.Lfunc_end0:
.L_simem_size_0:
called_computation_lowered:
.L_overlay_start_0:
0x88: {  	s2 =	sld [smem:$0x3FD9]  }
0x89: {  	s3 =	sld [smem:$0x3FFE];
	_ =	sdelay $0x1  }
0x8a: {  	s1 =	srdreg.scid  }
0x8b: {  	s0 =	sand.u32 $0x1, s1  }
0x8c: {  	s17 =	sshll.u32 s0, $0xA;
	s2 =	sadd.s32 s3, s2  }
0x8d: {  	s2 =	sadd.s32 s2, s17  }
0x8e: {  	[smem:$0x3FBE] =	sst s2  }
0x8f: {  	_ = 	snop  }
0x90: {  	s2 =	sld [smem:$0x3FC9]  }
0x91: {  	s18 =	sld [smem:$0x3FD0];
	(tm) =	ssettm $0x1  }
0x92: {  	s4 =	sld [smem:$0x3FFB];
	_ =	sdelay $0x3  }
0x93: {  	_ =	strace s4  }
0x94: {  	s4 =	sld [smem:$0x3FFC];
	_ =	sdelay $0x3  }
0x95: {  	_ =	strace s4  }
0x96: {  	s4 =	sld [smem:$0x3FFD];
	_ =	sdelay $0x3  }
0x97: {  	_ =	strace s4  }
0x98: {  	_ =	strace $0x8FFFFFFF  }
0x99: {  	s19 =	sld [smem:$0x3FDB];
	_ =	sdelay $0x1  }
0x9a: {  	s5 =	simm.s32 $_scs_section_size  }
0x9b: {  	s6 =	simm.s32 $_size__tile_overlayer_lowered;
	s7 =	simm.s32 $_tile_overlayer_lowered  }
0x9c: {  	s22 =	simm.s32 $0x1BFF;
	s21 =	sshll.u32 s7, $0x1;
	s4 =	sadd.s32 s5, s19  }
0x9d: {  	s8 =	simm.s32 $0x0;
	s20 =	sshll.u32 s6, $0x1;
	s6 =	sadd.s32 s21, s4  }
0x9e: {  	[timem:s8], [sflag:s22] =	dma.local [hbm:s6], s20  }
0x9f: {  	_ =	swait.ge [sflag:s22], s20  }
0xa0: {  	s5 =	ssub.s32 $0x0, s20;
	[sflag:s22] =	ssyncset.done $0x0  }
0xa1: {  	[sflag:s22] =	ssyncadd.s32 s5;
	_ =	sdelay $0x1  }
0xa2: {  	s23 =	simm.s32 $0x1B8B  }
0xa3: {  	_ =	swait.ge [sflag:s23], $0x1  }
0xa4: {  	[sflag:s23] =	ssyncset.done $0x0  }
0xa5: {  	s25 =	simm.s32 $0x1B8E;
	s24 =	sld [smem:$0x3FFE];
	[sflag:s23] =	ssyncadd.s32 $0xFFFFFFFF  }
0xa6: {  	s26 =	simm.s32 $execute0_lowered;
	[smem:$0x3FD2] =	sst s25  }
0xa7: {  	s6 =	sshll.u32 s26, $0x1;
	_ =	strace $0x80000046;
	[dreg:$0x1] =	wrdreg $0xFFFFFFFF  }
0xa8: {  	s28 =	simm.s32 $_size_execute0_lowered;
	s4 =	sadd.s32 s4, s6;
	[dreg:$0x0] =	wrdreg $0x0  }
0xa9: {  	s6 =	sshll.u32 s28, $0x1;
	[dreg:$0x2] =	wrdreg s4  }
0xaa: {  	[dreg:$0x3] =	wrdreg s6  }
0xab: {  	[dreg:$0x4] =	wrdreg $0xC0  }
0xac: {  	_ =	task [dreg:s8], $0x5FFFF  }
0xad: {  	[dreg:$0x1] =	wrdreg $0xFFFFFFFF  }
0xae: {  	[dreg:$0x0] =	wrdreg $0x60  }
0xaf: {  	[dreg:$0x2] =	wrdreg s18  }
0xb0: {  	[dreg:$0x3] =	wrdreg s24  }
0xb1: {  	[dreg:$0x4] =	wrdreg s2  }
0xb2: {  	[dreg:$0x5] =	wrdreg $0xB9800  }
0xb3: {  	[dreg:$0x6] =	wrdreg $0x9  }
0xb4: {  	_ =	task.clear_ibuf [dreg:s8], $0x7FFFF;
	_ =	strace $0x90000046  }
0xb5: {  	s29 =	simm.s32 $0x9;
	_ =	strace $0x80000048  }
0xb6: {  	_ =	swait.ge [sflag:s29], $0x1  }
0xb7: {  	[sflag:s29] =	ssyncadd.s32 $0xFFFFFFFF  }
0xb8: {  	_ =	strace $0x90000048  }
0xb9: {  	_ =	sfence  }
0xba: {  	s30 =	sld [smem:$0x0];
	_ =	sdelay $0x2  }
0xbb: {  	s31 =	sshll.u32 s1, $0xD;
	s1 =	sshrl.u32 s1, $0x2  }
0xbc: {  	s3 =	sand.u32 $0x4000, s31;
	s1 =	sadd.s32 s1, s30  }
0xbd: {  	s0 =	sor.u32 s3, s0;
	s1 =	sshll.u32 s1, $0x11  }
0xbe: {  	s0 =	sor.u32 s1, s0  }
0xbf: {  	s0 =	sadd.s32 $0x8F2B, s0  }
0xc0: {  	[sflag:s0] =	ssyncadd.remote.s32 $0x1  }
0xc1: {  	_ =	sfence.sel $0xFFFF  }
0xc2: {  	[dreg:$0x0] =	wrdreg $0xFFFFFFFF;
	(pc) =	sbr.abs _section_cstart, $3  }
0xc3: {  	[dreg:$0x1] =	wrdreg $0xFFFFFFFF  }
0xc4: {  	_ =	task.clear_ibuf [dreg:s8], $0x2FFFF;
	_ =	strace $0x9FFFFFFF  }
0xc5: {  	(tm) =	ssettm $0x7FFFFFFF  }
tec
execute0_lowered:
.L_overlay_start_1:
0x0: {  	(tag) =	ssettag $0x1  }
0x1: {  	s1 =	rddreg [dreg:$0x0]  }
0x2: {  	s0 =	rddreg [dreg:$0x1]  }
0x3: {  	s2 =	rddreg [dreg:$0x2]  }
0x4: {  	s3 =	rddreg [dreg:$0x3];
	s10 =	stileid.u32  }
0x5: {  	s4 =	srdreg.scid;
	s18 =	simm.s32 $0x0;
	s6 =	smul.u32 $0x14000, s10  }
0x6: {  	s30 =	simm.s32 $0x7;
	s31 =	simm.s32 $0x2780;
	s12 =	smul.u32 $0x50000, s10  }
0x7: {  	s4 =	sand.u32 $0x1, s4;
	[smem:$0x7FF] =	sst s18;
	s14 =	smul.u32 $0x38, s10  }
0x8: {  	s7 =	sadd.s32 $0x6C00, s0;
	s8 =	sadd.s32 $0x7200, s0;
	s5 =	smul.u32 $0x140000, s4  }
0x9: {  	_ =	strace $0x80000047;
	[dreg:$0x5] =	wrdreg s7;
	s9 =	sshll.u32 s4, $0x4  }
0xa: {  	[dreg:$0x6] =	wrdreg s8;
	p0 =	seq.s32 s4, $0x0;
	s7 =	sshrl.u32 s12, $0x2  }
0xb: {  	s11 =	sor.u32 s10, s9;
	s9 =	ssub.s32 $0x2, s4;
	s8 =	sadd.s32 s7, s3  }
0xc: {  	s12 =	simm.s32 $0x7700;
	s5 =	sadd.s32 s6, s5;
	s7 =	sadd.s32 $0x2000, s8  }
0xd: {  	s6 =	smul.u32 $0x4F0, s11;
	s15 =	sadd.s32 $0x4000, s8;
	[dreg:$0x7] =	wrdreg s7  }
0xe: {  	s13 =	sshrl.u32 s9, $0x1;
	s16 =	sadd.s32 $0x6000, s8;
	[dreg:$0x8] =	wrdreg s15  }
0xf: {  	s11 =	simm.s32 $0x7880;
	s17 =	sadd.s32 $0x8000, s8;
	[dreg:$0x9] =	wrdreg s16  }
0x10: {  	s5 =	sshrl.u32 s5, $0x3;
	s19 =	sadd.s32 $0xA000, s8;
	[dreg:$0xa] =	wrdreg s17  }
0x11: {  	s20 =	sadd.s32 $0xC000, s8;
	s21 =	sadd.s32 $0xE000, s8;
	[dreg:$0xb] =	wrdreg s19  }
0x12: {  	s22 =	sadd.s32 $0x10000, s8;
	s24 =	sadd.s32 $0x12000, s8;
	[dreg:$0xc] =	wrdreg s20  }
0x13: {  	s5 =	sadd.s32 s5, s0;
	s0 =	sadd.s32 s6, s0;
	[dreg:$0xd] =	wrdreg s21  }
0x14: {  	s6 =	ssub.s32 s9, s13;
	s9 =	smul.u32 $0x70, s10;
	[dreg:$0xe] =	wrdreg s22  }
0x15: {  	s13 =	sadd.s32 $0x700, s14;
	[dreg:$0xf] =	wrdreg s24;
	s19 =	simm.s32 $0x70  }
0x16: {  	s7 =	simm.s32 $0x40;
	s10 =	simm.s32 $0x3;
	s14 =	simm.s32 $0x4  }
0x17: {  	s15 =	simm.s32 $0x7900;
	s16 =	simm.s32 $0x7800;
	s0 =	sadd.s32 $0x7800, s0  }
0x18: {  	s17 =	simm.s32 $0x9980;
	s25 =	sadd.s32 $0x11600, s5;
	[dreg:$0x12] =	wrdreg s0  }
0x19: {  	s22 =	simm.s32 $0x0;
	s26 =	smax.u32 s6, $0x1;
	[dreg:$0x13] =	wrdreg s25  }
0x1a: {  	s19 =	simm.s32 @!p0 $0x38;
	s13 =	smov.u32 @p0 s9;
	[dreg:$0x14] =	wrdreg s26  }
0x1b: {  	v0 =	vlaneseq.u32;
	s26 =	sshrl.u32 s19, $0x1;
	s28 =	sadd.s32 $0xFFFFFFFE, s19;
	s23 =	sshll.u32 s13, $0x5  }
0x1c: {  	v1 =	vmul.u32 $0xFFFFFFFF, v0;
	s29 =	sadd.s32 $0xFFFFFFFD, s19;
	s0 =	simm.s32 $0x7980;
	s4 =	sadd.s32 s1, s23  }
0x1d: {  	s9 =	simm.s32 $0x4F00;
	[dreg:$0x10] =	wrdreg s4;
	s4 =	sadd.s32 $0x20, s4  }
0x1e: {  	v0 =	vimm.f32 $0.0e+00;
	v1 =	vadd.s32 $0x29810, v1;
	s21 =	sshll.u32 s13, $0x6;
	s23 =	simm.s32 $0x0;
	[dreg:$0x11] =	wrdreg s4  }
.LBB2_1:
0x1f: {  	s4 =	rddreg [dreg:$0x5]  }
0x20: {  	[tilespmem:s18], [sflag:$0x7] =	stream.linear.gather [hbm4b:s4+s18], $0x2780, $0x38;
	[tilespmem:$0x1F980] =	vst v63  }
0x21: {  	_ =	swait.ge [sflag:s30], $0x2780  }
0x22: {  	[sflag:s30] =	ssyncset.done $0x0  }
0x23: {  	s25 =	rddreg [dreg:$0x6];
	[sflag:s30] =	ssyncadd.s32 $0xFFFFD880  }
0x24: {  	[tilespmem:s31], [sflag:$0x7] =	stream.linear.gather [hbm4b:s25+s18], $0x2780, $0x38;
	[tilespmem:$0x1F980] =	vst v63  }
0x25: {  	_ =	swait.ge [sflag:s30], $0x2780  }
0x26: {  	[sflag:s30] =	ssyncset.done $0x0  }
0x27: {  	s4 =	simm.s32 $0x0;
	[sflag:s30] =	ssyncadd.s32 $0xFFFFD880  }
.LBB2_2:
0x28: {  	p0 =	sne.s32 s4, $0x9C00  }
.Ltmp0:
0x29: {  	_ = 	snop;
	(pc) =	sbr.rel @p0 .LBB2_2-.Ltmp0, $3  }
0x2a: {  	_ =	sdelay $0x1  }
0x2b: {  	s5 =	sshra.s32 s4, $0x2  }
0x2c: {  	s4 =	sadd.s32 $0x40, s4;
	[tilespmem:s5+$0x4F00] =	vst v0  }
0x2d: {  	s4 =	simm.s32 $0x0;
	s5 =	simm.s32 $0x200  }
.LBB2_4:
0x2e: {  	p0 =	sne.s32 s5, $0x7E00;
	[tilespmem:s4+$0x79F0] =	vst v0  }
0x2f: {  	[tilespmem:s4+$0x7980] =	vst v0  }
0x30: {  	[tilespmem:s4+$0x7990] =	vst v0  }
.Ltmp1:
0x31: {  	[tilespmem:s4+$0x79A0] =	vst v0;
	(pc) =	sbr.rel @p0 .LBB2_4-.Ltmp1, $4  }
0x32: {  	[tilespmem:s4+$0x79B0] =	vst v0  }
0x33: {  	[tilespmem:s4+$0x79C0] =	vst v0  }
0x34: {  	[tilespmem:s4+$0x79D0] =	vst v0  }
0x35: {  	[tilespmem:s4+$0x79E0] =	vst v0;
	s4 =	sshra.s32 s5, $0x2;
	s5 =	sadd.s32 $0x200, s5  }
0x36: {  	[tilespmem:s4+$0x79F0] =	vst v0  }
0x37: {  	[tilespmem:s4+$0x7980] =	vst v0  }
0x38: {  	[tilespmem:s4+$0x7990] =	vst v0  }
0x39: {  	[tilespmem:s4+$0x79A0] =	vst v0  }
0x3a: {  	[tilespmem:s4+$0x79B0] =	vst v0  }
0x3b: {  	[tilespmem:s4+$0x79C0] =	vst v0  }
0x3c: {  	[tilespmem:s4+$0x79D0] =	vst v0  }
0x3d: {  	[tilespmem:s4+$0x79E0] =	vst v0  }
0x3e: {  	[spmem:s8] =	stream.linear.scatter [tilespmem:s0], [sflag:$0x7], $0x2000, $0x38;
	[tilespmem:$0x1F980] =	vst v63  }
0x3f: {  	_ =	swait.ge [sflag:s30], $0x2000  }
0x40: {  	[sflag:s30] =	ssyncset.done $0x0  }
0x41: {  	s5 =	rddreg [dreg:$0x7];
	[sflag:s30] =	ssyncadd.s32 $0xFFFFE000  }
0x42: {  	[spmem:s5] =	stream.linear.scatter [tilespmem:s0], [sflag:$0x7], $0x2000, $0x38;
	[tilespmem:$0x1F980] =	vst v63  }
0x43: {  	_ =	swait.ge [sflag:s30], $0x2000  }
0x44: {  	[sflag:s30] =	ssyncset.done $0x0  }
0x45: {  	s6 =	rddreg [dreg:$0x8];
	[sflag:s30] =	ssyncadd.s32 $0xFFFFE000  }
0x46: {  	[spmem:s6] =	stream.linear.scatter [tilespmem:s0], [sflag:$0x7], $0x2000, $0x38;
	[tilespmem:$0x1F980] =	vst v63  }
0x47: {  	_ =	swait.ge [sflag:s30], $0x2000  }
0x48: {  	[sflag:s30] =	ssyncset.done $0x0  }
0x49: {  	s18 =	rddreg [dreg:$0x9];
	[sflag:s30] =	ssyncadd.s32 $0xFFFFE000  }
0x4a: {  	[spmem:s18] =	stream.linear.scatter [tilespmem:s0], [sflag:$0x7], $0x2000, $0x38;
	[tilespmem:$0x1F980] =	vst v63  }
0x4b: {  	_ =	swait.ge [sflag:s30], $0x2000  }
0x4c: {  	[sflag:s30] =	ssyncset.done $0x0  }
0x4d: {  	s20 =	rddreg [dreg:$0xa];
	[sflag:s30] =	ssyncadd.s32 $0xFFFFE000  }
0x4e: {  	[spmem:s20] =	stream.linear.scatter [tilespmem:s0], [sflag:$0x7], $0x2000, $0x38;
	[tilespmem:$0x1F980] =	vst v63  }
0x4f: {  	_ =	swait.ge [sflag:s30], $0x2000  }
0x50: {  	[sflag:s30] =	ssyncset.done $0x0  }
0x51: {  	s24 =	rddreg [dreg:$0xb];
	[sflag:s30] =	ssyncadd.s32 $0xFFFFE000  }
0x52: {  	[spmem:s24] =	stream.linear.scatter [tilespmem:s0], [sflag:$0x7], $0x2000, $0x38;
	[tilespmem:$0x1F980] =	vst v63  }
0x53: {  	_ =	swait.ge [sflag:s30], $0x2000  }
0x54: {  	[sflag:s30] =	ssyncset.done $0x0  }
0x55: {  	s25 =	rddreg [dreg:$0xc];
	[sflag:s30] =	ssyncadd.s32 $0xFFFFE000  }
0x56: {  	[spmem:s25] =	stream.linear.scatter [tilespmem:s0], [sflag:$0x7], $0x2000, $0x38;
	[tilespmem:$0x1F980] =	vst v63  }
0x57: {  	_ =	swait.ge [sflag:s30], $0x2000  }
0x58: {  	[sflag:s30] =	ssyncset.done $0x0  }
0x59: {  	s5 =	rddreg [dreg:$0xd];
	[sflag:s30] =	ssyncadd.s32 $0xFFFFE000  }
0x5a: {  	[spmem:s5] =	stream.linear.scatter [tilespmem:s0], [sflag:$0x7], $0x2000, $0x38;
	[tilespmem:$0x1F980] =	vst v63  }
0x5b: {  	_ =	swait.ge [sflag:s30], $0x2000  }
0x5c: {  	[sflag:s30] =	ssyncset.done $0x0  }
0x5d: {  	s6 =	rddreg [dreg:$0xe];
	[sflag:s30] =	ssyncadd.s32 $0xFFFFE000  }
0x5e: {  	[spmem:s6] =	stream.linear.scatter [tilespmem:s0], [sflag:$0x7], $0x2000, $0x38;
	[tilespmem:$0x1F980] =	vst v63  }
0x5f: {  	_ =	swait.ge [sflag:s30], $0x2000  }
0x60: {  	[sflag:s30] =	ssyncset.done $0x0  }
0x61: {  	s18 =	rddreg [dreg:$0xf];
	[sflag:s30] =	ssyncadd.s32 $0xFFFFE000  }
0x62: {  	[spmem:s18] =	stream.linear.scatter [tilespmem:s0], [sflag:$0x7], $0x2000, $0x38;
	[tilespmem:$0x1F980] =	vst v63  }
0x63: {  	_ =	swait.ge [sflag:s30], $0x2000  }
0x64: {  	[sflag:s30] =	ssyncset.done $0x0  }
0x65: {  	[sflag:s30] =	ssyncadd.s32 $0xFFFFE000  }
0x66: {  	[bflag:$0x0] =	sbarrier.arrive $0xFFFF  }
0x67: {  	s24 =	simm.s32 $0x1;
	s5 =	simm.s32 $0x7680;
	s20 =	rddreg [dreg:$0x10]  }
0x68: {  	[tilespmem:s5], [sflag:$0x1] =	stream.linear.gather [hbm4b:s20+s23], $0x100, $0x38;
	[tilespmem:$0x1F980] =	vst v63  }
0x69: {  	_ =	swait.ge [sflag:s24], $0x100  }
0x6a: {  	[sflag:s24] =	ssyncset.done $0x0  }
0x6b: {  	s6 =	simm.s32 $0x7780;
	s25 =	rddreg [dreg:$0x11];
	[sflag:s24] =	ssyncadd.s32 $0xFFFFFF00  }
0x6c: {  	[tilespmem:s6], [sflag:$0x2] =	stream.linear.gather [hbm4b:s25+s23], $0x100, $0x38;
	[tilespmem:$0x1F980] =	vst v63  }
0x6d: {  	s24 =	simm.s32 $0x0  }
0x6e: {  	[tilespmem:s0], [sflag:$0x3] =	stream.indirect.gather [hbm4b:s2+s7], $0x80, s5, s7, $0xb8;
	[tilespmem:$0x1F980] =	vst v63  }
.LBB2_6:
0x6f: {  	s20 =	sshllo.u32 s24, $0x1  }
0x70: {  	p0 =	sge.u32 s20, s19  }
0x71: {  	s4 =	simm.s32 @!p0 $0x2  }
0x72: {  	p1 =	seq.s32 @!p0 s24, $0x0;
	_ =	swait.ge @!p0 [sflag:s4], $0x100  }
0x73: {  	p1 =	por p1, p0;
	[sflag:s4] =	ssyncset.done @!p0 $0x0  }
0x74: {  	[sflag:s4] =	ssyncadd.s32 @!p0 $0xFFFFFF00;
	s4 =	simm.s32 @!p1 $0x6  }
0x75: {  	_ =	swait.ge @!p1 [sflag:s4], $0x2000  }
0x76: {  	s5 =	simm.s32 @!p0 $0x7780;
	[sflag:s4] =	ssyncset.done @!p1 $0x0  }
0x77: {  	s6 =	simm.s32 @!p0 $0x9980;
	[sflag:s4] =	ssyncadd.s32 @!p1 $0xFFFFE000;
	s4 =	simm.s32 @!p0 $0x40  }
0x78: {  	[tilespmem:s6], [sflag:$0x4] =	stream.indirect.gather @!p0 [hbm4b:s2+s4], $0x80, s5, s4, $0xb8;
	[tilespmem:$0x1F980] =	vst v63  }
0x79: {  	v2 =	vld [tilespmem:$0x7680]  }
0x7a: {  	v3 =	vld [tilespmem:$0x7700];
	_ =	sdelay $0x6  }
0x7b: {  	v2 =	vld.idx.msk [tilespmem:v2+s23+$0x0], $0xffff  }
0x7c: {  	v4 =	vld.idx.msk [tilespmem:v3+s31+$0x0], $0xffff;
	_ =	sdelay $0x4  }
0x7d: {  	v2 =	vadd.f32 v4, v2;
	_ =	sdelay $0x1  }
0x7e: {  	v4 =	vmul.f32 $2.000000030e-01, v2;
	_ =	sdelay $0x1  }
0x7f: {  	v2 =	vmax.f32 v2, v4  }
0x80: {  	v2 =	vmul.f32 $1.442695020e+00, v2;
	_ =	sdelay $0x1  }
0x81: {  	(erf) = vpow2.f32 v2;
	_ =	sdelay $0x5  }
0x82: {  	s5 =	sshll.u32 s24, $0x7  }
0x83: {  	s4 =	sadd.s32 s21, s5  }
0x84: {  	v2 =	vmov s4  }
0x85: {  	vm0 =	vlt.s32 v2, v1;
	v4 =	vpop (erf)  }
0x86: {  	v2 =	vnsel vm0, $0x0, v4  }
0x87: {  	[tilespmem:$0x7880] =	vst v2  }
0x88: {  	[tilespmem:v3+s9+$0x0] =	vst.idx.add.f32.msk $0xffff, v2  }
0x89: {  	v2 =	vld [tilespmem:$0x7690]  }
0x8a: {  	v3 =	vld [tilespmem:$0x7710];
	_ =	sdelay $0x6  }
0x8b: {  	v2 =	vld.idx.msk [tilespmem:v2+s23+$0x0], $0xffff  }
0x8c: {  	v4 =	vld.idx.msk [tilespmem:v3+s31+$0x0], $0xffff;
	_ =	sdelay $0x4  }
0x8d: {  	v2 =	vadd.f32 v4, v2;
	_ =	sdelay $0x1  }
0x8e: {  	v4 =	vmul.f32 $2.000000030e-01, v2;
	_ =	sdelay $0x1  }
0x8f: {  	v2 =	vmax.f32 v2, v4  }
0x90: {  	v2 =	vmul.f32 $1.442695020e+00, v2;
	_ =	sdelay $0x1  }
0x91: {  	(erf) = vpow2.f32 v2;
	_ =	sdelay $0x6  }
0x92: {  	s6 =	sor.u32 $0x10, s4  }
0x93: {  	v2 =	vmov s6  }
0x94: {  	vm13 =	vlt.s32 v2, v1;
	v4 =	vpop (erf)  }
0x95: {  	v2 =	vnsel vm13, $0x0, v4  }
0x96: {  	[tilespmem:$0x7890] =	vst v2  }
0x97: {  	[tilespmem:v3+s9+$0x0] =	vst.idx.add.f32.msk $0xffff, v2  }
0x98: {  	v2 =	vld [tilespmem:$0x76A0]  }
0x99: {  	v3 =	vld [tilespmem:$0x7720];
	_ =	sdelay $0x6  }
0x9a: {  	v2 =	vld.idx.msk [tilespmem:v2+s23+$0x0], $0xffff  }
0x9b: {  	v4 =	vld.idx.msk [tilespmem:v3+s31+$0x0], $0xffff;
	_ =	sdelay $0x4  }
0x9c: {  	v2 =	vadd.f32 v4, v2;
	_ =	sdelay $0x1  }
0x9d: {  	v4 =	vmul.f32 $2.000000030e-01, v2;
	_ =	sdelay $0x1  }
0x9e: {  	v2 =	vmax.f32 v2, v4  }
0x9f: {  	v2 =	vmul.f32 $1.442695020e+00, v2;
	_ =	sdelay $0x1  }
0xa0: {  	(erf) = vpow2.f32 v2;
	_ =	sdelay $0x6  }
0xa1: {  	s18 =	sor.u32 $0x20, s4  }
0xa2: {  	v2 =	vmov s18  }
0xa3: {  	vm14 =	vlt.s32 v2, v1;
	v4 =	vpop (erf)  }
0xa4: {  	v2 =	vnsel vm14, $0x0, v4  }
0xa5: {  	[tilespmem:$0x78A0] =	vst v2  }
0xa6: {  	[tilespmem:v3+s9+$0x0] =	vst.idx.add.f32.msk $0xffff, v2  }
0xa7: {  	v2 =	vld [tilespmem:$0x76B0]  }
0xa8: {  	v3 =	vld [tilespmem:$0x7730];
	_ =	sdelay $0x6  }
0xa9: {  	v2 =	vld.idx.msk [tilespmem:v2+s23+$0x0], $0xffff  }
0xaa: {  	v4 =	vld.idx.msk [tilespmem:v3+s31+$0x0], $0xffff;
	_ =	sdelay $0x4  }
0xab: {  	v2 =	vadd.f32 v4, v2;
	_ =	sdelay $0x1  }
0xac: {  	v4 =	vmul.f32 $2.000000030e-01, v2;
	_ =	sdelay $0x1  }
0xad: {  	v2 =	vmax.f32 v2, v4  }
0xae: {  	v2 =	vmul.f32 $1.442695020e+00, v2;
	_ =	sdelay $0x1  }
0xaf: {  	(erf) = vpow2.f32 v2;
	_ =	sdelay $0x6  }
0xb0: {  	s4 =	sor.u32 $0x30, s4  }
0xb1: {  	v2 =	vmov s4  }
0xb2: {  	vm15 =	vlt.s32 v2, v1;
	v4 =	vpop (erf)  }
0xb3: {  	v2 =	vnsel vm15, $0x0, v4  }
0xb4: {  	[tilespmem:$0x78B0] =	vst v2  }
0xb5: {  	[tilespmem:v3+s9+$0x0] =	vst.idx.add.f32.msk $0xffff, v2;
	v2 =	vmov s23  }
0xb6: {  	v2 =	vand.u32 $0xFFFFFFFE, v2  }
0xb7: {  	v3 =	vbroadcast v2, $0x0;
	_ =	sdelay $0x1  }
0xb8: {  	_ =	swait.ge [sflag:s10], $0x2000  }
0xb9: {  	[sflag:s10] =	ssyncset.done $0x0  }
0xba: {  	s5 =	simm.s32 $0x7A00;
	[sflag:s10] =	ssyncadd.s32 $0xFFFFE000  }
0xbb: {  	v6 =	vld [tilespmem:s5+$0xFFFFFFF0]  }
0xbc: {  	v7 =	vld.idx.msk [tilespmem:v3+s11+$0x0], $0xffff  }
0xbd: {  	v8 =	vld [tilespmem:s5+$0xFFFFFF80]  }
0xbe: {  	v9 =	vld [tilespmem:s5+$0xFFFFFFA0]  }
0xbf: {  	v5 =	vld [tilespmem:s5+$0xFFFFFFB0]  }
0xc0: {  	v4 =	vld [tilespmem:s5+$0xFFFFFFD0]  }
0xc1: {  	v11 =	vld [tilespmem:s5+$0xFFFFFF90];
	v6 =	vmul.f32 v6, v7  }
0xc2: {  	v10 =	vld [tilespmem:s5+$0xFFFFFFE0];
	v8 =	vmul.f32 v8, v7  }
0xc3: {  	v12 =	vld [tilespmem:s5+$0xFFFFFFC0];
	v9 =	vmul.f32 v9, v7;
	[tilespmem:s5+$0xFFFFFFF0] =	vst v6  }
0xc4: {  	v5 =	vmul.f32 v5, v7;
	[tilespmem:s5+$0xFFFFFF80] =	vst v8  }
0xc5: {  	s25 =	simm.s32 $0x1;
	v4 =	vmul.f32 v4, v7;
	[tilespmem:s5+$0xFFFFFFA0] =	vst v9  }
0xc6: {  	v6 =	vmul.f32 v11, v7;
	[tilespmem:s5+$0xFFFFFFB0] =	vst v5;
	v8 =	vmov s25  }
0xc7: {  	v2 =	vld [tilespmem:s5+$0x0];
	v5 =	vmul.f32 v10, v7;
	[tilespmem:s5+$0xFFFFFFD0] =	vst v4  }
0xc8: {  	v3 =	vld [tilespmem:s5+$0x10];
	v4 =	vmul.f32 v12, v7;
	[tilespmem:s5+$0xFFFFFF90] =	vst v6  }
0xc9: {  	[tilespmem:s5+$0xFFFFFFE0] =	vst v5;
	v6 =	vld [tilespmem:s5+$0x30]  }
0xca: {  	[tilespmem:s5+$0xFFFFFFC0] =	vst v4;
	v5 =	vld [tilespmem:s5+$0x70]  }
0xcb: {  	s6 =	simm.s32 $0x2;
	s18 =	simm.s32 $0x7A00;
	s25 =	sshll.u32 s24, $0x1;
	v4 =	vld.idx.msk [tilespmem:v8+s11+$0x0], $0xffff  }
.LBB2_7:
0xcc: {  	p0 =	sne.s32 s6, $0x3E  }
0xcd: {  	v7 =	vld [tilespmem:s5+$0x20];
	s18 =	sadd.s32 $0x100, s18;
	s4 =	smov.u32 s6;
	s6 =	sadd.s32 $0x2, s6  }
0xce: {  	v8 =	vld [tilespmem:s5+$0x40]  }
0xcf: {  	v9 =	vld [tilespmem:s5+$0x50]  }
0xd0: {  	v10 =	vld [tilespmem:s5+$0x60];
	_ =	sdelay $0x1  }
0xd1: {  	v2 =	vmul.f32 v2, v4;
	v3 =	vmul.f32 v3, v4  }
0xd2: {  	v6 =	vmul.f32 v6, v4;
	v7 =	vmul.f32 v7, v4  }
0xd3: {  	v11 =	vmov s4;
	v8 =	vmul.f32 v8, v4;
	[tilespmem:s5+$0x0] =	vst v2;
	v9 =	vmul.f32 v9, v4  }
0xd4: {  	v11 =	vand.u32 $0xFFFFFFFE, v11;
	v2 =	vld [tilespmem:s18+$0x0];
	[tilespmem:s5+$0x30] =	vst v6;
	v6 =	vmul.f32 v10, v4;
	v4 =	vmul.f32 v5, v4  }
0xd5: {  	v5 =	vbroadcast v11, $0x0;
	[tilespmem:s5+$0x10] =	vst v3  }
0xd6: {  	[tilespmem:s5+$0x70] =	vst v4  }
0xd7: {  	v4 =	vld [tilespmem:s18+$0xFFFFFFD0];
	[tilespmem:s5+$0x20] =	vst v7  }
0xd8: {  	v7 =	vld [tilespmem:s18+$0xFFFFFFB0];
	[tilespmem:s5+$0x60] =	vst v6  }
0xd9: {  	v6 =	vld [tilespmem:s18+$0xFFFFFFE0];
	[tilespmem:s5+$0x40] =	vst v8  }
0xda: {  	v8 =	vld [tilespmem:s18+$0xFFFFFFF0];
	[tilespmem:s5+$0x50] =	vst v9;
	s5 =	smov.u32 s18  }
0xdb: {  	v5 =	vld.idx.msk [tilespmem:v5+s11+$0x0], $0xffff  }
0xdc: {  	v9 =	vld [tilespmem:s18+$0xFFFFFF80]  }
0xdd: {  	v10 =	vld [tilespmem:s18+$0xFFFFFFA0]  }
0xde: {  	v11 =	vld [tilespmem:s18+$0xFFFFFF90]  }
0xdf: {  	v12 =	vld [tilespmem:s18+$0xFFFFFFC0]  }
0xe0: {  	v3 =	vld [tilespmem:s18+$0x10]  }
0xe1: {  	v8 =	vmul.f32 v8, v5;
	v9 =	vmul.f32 v9, v5  }
0xe2: {  	v6 =	vmul.f32 v6, v5;
	v10 =	vmul.f32 v10, v5  }
0xe3: {  	v7 =	vmul.f32 v7, v5;
	v11 =	vmul.f32 v11, v5;
	[tilespmem:s18+$0xFFFFFFF0] =	vst v8  }
0xe4: {  	v4 =	vmul.f32 v4, v5;
	[tilespmem:s18+$0xFFFFFF80] =	vst v9;
	v8 =	vmul.f32 v12, v5  }
0xe5: {  	s4 =	sadd.s32 $0x1, s4;
	[tilespmem:s18+$0xFFFFFFA0] =	vst v10  }
0xe6: {  	[tilespmem:s18+$0xFFFFFFB0] =	vst v7;
	v7 =	vmov s4  }
.Ltmp2:
0xe7: {  	[tilespmem:s18+$0xFFFFFFD0] =	vst v4;
	(pc) =	sbr.rel @p0 .LBB2_7-.Ltmp2, $4  }
0xe8: {  	[tilespmem:s18+$0xFFFFFF90] =	vst v11  }
0xe9: {  	[tilespmem:s18+$0xFFFFFFE0] =	vst v6;
	v6 =	vld [tilespmem:s18+$0x30]  }
0xea: {  	[tilespmem:s18+$0xFFFFFFC0] =	vst v8;
	v5 =	vld [tilespmem:s18+$0x70]  }
0xeb: {  	v4 =	vld.idx.msk [tilespmem:v7+s11+$0x0], $0xffff  }
0xec: {  	_ =	sdelay $0x2  }
0xed: {  	v7 =	vld [tilespmem:s5+$0x20]  }
0xee: {  	v8 =	vld [tilespmem:s5+$0x60];
	v2 =	vmul.f32 v2, v4  }
0xef: {  	v9 =	vld [tilespmem:s5+$0x40];
	v6 =	vmul.f32 v6, v4  }
0xf0: {  	v10 =	vld [tilespmem:s5+$0x50];
	v3 =	vmul.f32 v3, v4;
	[tilespmem:s5+$0x0] =	vst v2  }
0xf1: {  	[tilespmem:s5+$0x30] =	vst v6;
	v2 =	vmul.f32 v5, v4  }
0xf2: {  	v5 =	vmul.f32 v7, v4;
	[tilespmem:s5+$0x10] =	vst v3  }
0xf3: {  	p0 =	sge.u32 s25, s28;
	v3 =	vmul.f32 v8, v4;
	[tilespmem:s5+$0x70] =	vst v2  }
0xf4: {  	s4 =	sadd.s32 @!p0 s13, s25;
	v2 =	vmul.f32 v9, v4;
	[tilespmem:s5+$0x20] =	vst v5  }
0xf5: {  	s4 =	sshll.u32 @!p0 s4, $0x5;
	v4 =	vmul.f32 v10, v4;
	[tilespmem:s5+$0x60] =	vst v3  }
0xf6: {  	s4 =	sand.u32 @!p0 $0x1FFFFFE0, s4;
	[tilespmem:s5+$0x40] =	vst v2  }
0xf7: {  	s4 =	sadd.s32 @!p0 s1, s4;
	[tilespmem:s5+$0x50] =	vst v4  }
0xf8: {  	[spmem:s3] =	stream.indirect.scatter.add.f32 [tilespmem:s0], [sflag:$0x5], $0x80, s12, s7, $0xb8;
	[tilespmem:$0x1F980] =	vst v63  }
0xf9: {  	s6 =	simm.s32 @!p0 $0x7680;
	s4 =	sadd.s32 @!p0 $0x40, s4;
	s5 =	simm.s32 @!p0 $0x0  }
0xfa: {  	[tilespmem:s6], [sflag:$0x1] =	stream.linear.gather @!p0 [hbm4b:s4+s5], $0x100, $0x38;
	[tilespmem:$0x1F980] =	vst v63  }
0xfb: {  	s4 =	simm.s32 @!p0 $0x1  }
0xfc: {  	_ =	swait.ge @!p0 [sflag:s4], $0x100  }
0xfd: {  	[sflag:s4] =	ssyncset.done @!p0 $0x0  }
0xfe: {  	[sflag:s4] =	ssyncadd.s32 @!p0 $0xFFFFFF00;
	s4 =	simm.s32 @!p0 $0x5  }
0xff: {  	_ =	swait.ge @!p0 [sflag:s4], $0x2000  }
0x100: {  	[sflag:s4] =	ssyncset.done @!p0 $0x0  }
0x101: {  	s5 =	simm.s32 @!p0 $0x7980;
	[sflag:s4] =	ssyncadd.s32 @!p0 $0xFFFFE000;
	s4 =	simm.s32 @!p0 $0x40  }
0x102: {  	[tilespmem:s5], [sflag:$0x3] =	stream.indirect.gather @!p0 [hbm4b:s2+s4], $0x80, s6, s4, $0xb8;
	[tilespmem:$0x1F980] =	vst v63  }
0x103: {  	v2 =	vld [tilespmem:$0x7780]  }
0x104: {  	v3 =	vld [tilespmem:$0x7800];
	_ =	sdelay $0x5  }
0x105: {  	s4 =	simm.s32 $0x0  }
0x106: {  	v2 =	vld.idx.msk [tilespmem:v2+s4+$0x0], $0xffff  }
0x107: {  	v4 =	vld.idx.msk [tilespmem:v3+s31+$0x0], $0xffff;
	_ =	sdelay $0x4  }
0x108: {  	v2 =	vadd.f32 v4, v2;
	_ =	sdelay $0x1  }
0x109: {  	v4 =	vmul.f32 $2.000000030e-01, v2;
	_ =	sdelay $0x1  }
0x10a: {  	v2 =	vmax.f32 v2, v4  }
0x10b: {  	v2 =	vmul.f32 $1.442695020e+00, v2;
	_ =	sdelay $0x1  }
0x10c: {  	(erf) = vpow2.f32 v2;
	_ =	sdelay $0x5  }
0x10d: {  	s20 =	sadd.s32 s13, s20  }
0x10e: {  	s5 =	sshll.u32 s20, $0x6  }
0x10f: {  	v2 =	vmov s5  }
0x110: {  	vm0 =	vlt.s32 v2, v1;
	v4 =	vpop (erf)  }
0x111: {  	v2 =	vnsel vm0, $0x0, v4  }
0x112: {  	[tilespmem:$0x7900] =	vst v2  }
0x113: {  	[tilespmem:v3+s9+$0x0] =	vst.idx.add.f32.msk $0xffff, v2  }
0x114: {  	v2 =	vld [tilespmem:$0x7790]  }
0x115: {  	v3 =	vld [tilespmem:$0x7810];
	_ =	sdelay $0x6  }
0x116: {  	v2 =	vld.idx.msk [tilespmem:v2+s4+$0x0], $0xffff  }
0x117: {  	v4 =	vld.idx.msk [tilespmem:v3+s31+$0x0], $0xffff;
	_ =	sdelay $0x4  }
0x118: {  	v2 =	vadd.f32 v4, v2;
	_ =	sdelay $0x1  }
0x119: {  	v4 =	vmul.f32 $2.000000030e-01, v2;
	_ =	sdelay $0x1  }
0x11a: {  	v2 =	vmax.f32 v2, v4  }
0x11b: {  	v2 =	vmul.f32 $1.442695020e+00, v2;
	_ =	sdelay $0x1  }
0x11c: {  	(erf) = vpow2.f32 v2;
	_ =	sdelay $0x6  }
0x11d: {  	s18 =	sor.u32 $0x10, s5  }
0x11e: {  	v2 =	vmov s18  }
0x11f: {  	vm13 =	vlt.s32 v2, v1;
	v4 =	vpop (erf)  }
0x120: {  	v2 =	vnsel vm13, $0x0, v4  }
0x121: {  	[tilespmem:$0x7910] =	vst v2  }
0x122: {  	[tilespmem:v3+s9+$0x0] =	vst.idx.add.f32.msk $0xffff, v2  }
0x123: {  	v2 =	vld [tilespmem:$0x77A0]  }
0x124: {  	v3 =	vld [tilespmem:$0x7820];
	_ =	sdelay $0x6  }
0x125: {  	v2 =	vld.idx.msk [tilespmem:v2+s4+$0x0], $0xffff  }
0x126: {  	v4 =	vld.idx.msk [tilespmem:v3+s31+$0x0], $0xffff;
	_ =	sdelay $0x4  }
0x127: {  	v2 =	vadd.f32 v4, v2;
	_ =	sdelay $0x1  }
0x128: {  	v4 =	vmul.f32 $2.000000030e-01, v2;
	_ =	sdelay $0x1  }
0x129: {  	v2 =	vmax.f32 v2, v4  }
0x12a: {  	v2 =	vmul.f32 $1.442695020e+00, v2;
	_ =	sdelay $0x1  }
0x12b: {  	(erf) = vpow2.f32 v2;
	_ =	sdelay $0x6  }
0x12c: {  	s18 =	sor.u32 $0x20, s5  }
0x12d: {  	v2 =	vmov s18  }
0x12e: {  	vm14 =	vlt.s32 v2, v1;
	v4 =	vpop (erf)  }
0x12f: {  	v2 =	vnsel vm14, $0x0, v4  }
0x130: {  	[tilespmem:$0x7920] =	vst v2  }
0x131: {  	[tilespmem:v3+s9+$0x0] =	vst.idx.add.f32.msk $0xffff, v2  }
0x132: {  	v2 =	vld [tilespmem:$0x77B0]  }
0x133: {  	v3 =	vld [tilespmem:$0x7830];
	_ =	sdelay $0x6  }
0x134: {  	v2 =	vld.idx.msk [tilespmem:v2+s4+$0x0], $0xffff  }
0x135: {  	v4 =	vld.idx.msk [tilespmem:v3+s31+$0x0], $0xffff;
	_ =	sdelay $0x4  }
0x136: {  	v2 =	vadd.f32 v4, v2;
	_ =	sdelay $0x1  }
0x137: {  	v4 =	vmul.f32 $2.000000030e-01, v2;
	_ =	sdelay $0x1  }
0x138: {  	v2 =	vmax.f32 v2, v4  }
0x139: {  	v2 =	vmul.f32 $1.442695020e+00, v2;
	_ =	sdelay $0x1  }
0x13a: {  	(erf) = vpow2.f32 v2;
	_ =	sdelay $0x6  }
0x13b: {  	s5 =	sor.u32 $0x30, s5  }
0x13c: {  	v2 =	vmov s5  }
0x13d: {  	vm15 =	vlt.s32 v2, v1;
	v4 =	vpop (erf)  }
0x13e: {  	v2 =	vnsel vm15, $0x0, v4  }
0x13f: {  	[tilespmem:$0x7930] =	vst v2  }
0x140: {  	[tilespmem:v3+s9+$0x0] =	vst.idx.add.f32.msk $0xffff, v2;
	v2 =	vmov s4  }
0x141: {  	v2 =	vand.u32 $0xFFFFFFFE, v2  }
0x142: {  	v3 =	vbroadcast v2, $0x0;
	_ =	sdelay $0x1  }
0x143: {  	_ =	swait.ge [sflag:s14], $0x2000  }
0x144: {  	[sflag:s14] =	ssyncset.done $0x0  }
0x145: {  	s5 =	simm.s32 $0x9A00;
	[sflag:s14] =	ssyncadd.s32 $0xFFFFE000  }
0x146: {  	v6 =	vld [tilespmem:s5+$0xFFFFFFF0]  }
0x147: {  	v7 =	vld.idx.msk [tilespmem:v3+s15+$0x0], $0xffff  }
0x148: {  	v8 =	vld [tilespmem:s5+$0xFFFFFF80]  }
0x149: {  	v62 =	vld [tilespmem:s5+$0xFFFFFFA0]  }
0x14a: {  	v5 =	vld [tilespmem:s5+$0xFFFFFFB0]  }
0x14b: {  	v4 =	vld [tilespmem:s5+$0xFFFFFFD0]  }
0x14c: {  	v11 =	vld [tilespmem:s5+$0xFFFFFF90];
	v6 =	vmul.f32 v6, v7  }
0x14d: {  	v63 =	vld [tilespmem:s5+$0xFFFFFFE0];
	v8 =	vmul.f32 v8, v7  }
0x14e: {  	v12 =	vld [tilespmem:s5+$0xFFFFFFC0];
	v9 =	vmul.f32 v62, v7;
	[tilespmem:s5+$0xFFFFFFF0] =	vst v6  }
0x14f: {  	v5 =	vmul.f32 v5, v7;
	[tilespmem:s5+$0xFFFFFF80] =	vst v8  }
0x150: {  	s18 =	simm.s32 $0x1;
	v4 =	vmul.f32 v4, v7;
	[tilespmem:s5+$0xFFFFFFA0] =	vst v9  }
0x151: {  	v6 =	vmul.f32 v11, v7;
	[tilespmem:s5+$0xFFFFFFB0] =	vst v5;
	v8 =	vmov s18  }
0x152: {  	v2 =	vld [tilespmem:s5+$0x0];
	v5 =	vmul.f32 v63, v7;
	[tilespmem:s5+$0xFFFFFFD0] =	vst v4  }
0x153: {  	v3 =	vld [tilespmem:s5+$0x10];
	v4 =	vmul.f32 v12, v7;
	[tilespmem:s5+$0xFFFFFF90] =	vst v6  }
0x154: {  	[tilespmem:s5+$0xFFFFFFE0] =	vst v5;
	v6 =	vld [tilespmem:s5+$0x30]  }
0x155: {  	[tilespmem:s5+$0xFFFFFFC0] =	vst v4;
	v5 =	vld [tilespmem:s5+$0x70]  }
0x156: {  	s6 =	simm.s32 $0x2;
	s18 =	simm.s32 $0x9A00;
	v4 =	vld.idx.msk [tilespmem:v8+s15+$0x0], $0xffff  }
.LBB2_9:
0x157: {  	p0 =	sne.s32 s6, $0x3E  }
0x158: {  	v7 =	vld [tilespmem:s5+$0x20];
	s18 =	sadd.s32 $0x100, s18;
	s4 =	smov.u32 s6;
	s6 =	sadd.s32 $0x2, s6  }
0x159: {  	v8 =	vld [tilespmem:s5+$0x40]  }
0x15a: {  	v9 =	vld [tilespmem:s5+$0x50]  }
0x15b: {  	v10 =	vld [tilespmem:s5+$0x60];
	_ =	sdelay $0x1  }
0x15c: {  	v2 =	vmul.f32 v2, v4;
	v3 =	vmul.f32 v3, v4  }
0x15d: {  	v6 =	vmul.f32 v6, v4;
	v7 =	vmul.f32 v7, v4  }
0x15e: {  	v11 =	vmov s4;
	v8 =	vmul.f32 v8, v4;
	[tilespmem:s5+$0x0] =	vst v2;
	v9 =	vmul.f32 v9, v4  }
0x15f: {  	v11 =	vand.u32 $0xFFFFFFFE, v11;
	v2 =	vld [tilespmem:s18+$0x0];
	[tilespmem:s5+$0x30] =	vst v6;
	v6 =	vmul.f32 v10, v4;
	v4 =	vmul.f32 v5, v4  }
0x160: {  	v5 =	vbroadcast v11, $0x0;
	[tilespmem:s5+$0x10] =	vst v3  }
0x161: {  	[tilespmem:s5+$0x70] =	vst v4  }
0x162: {  	v4 =	vld [tilespmem:s18+$0xFFFFFFD0];
	[tilespmem:s5+$0x20] =	vst v7  }
0x163: {  	v7 =	vld [tilespmem:s18+$0xFFFFFFB0];
	[tilespmem:s5+$0x60] =	vst v6  }
0x164: {  	v6 =	vld [tilespmem:s18+$0xFFFFFFE0];
	[tilespmem:s5+$0x40] =	vst v8  }
0x165: {  	v8 =	vld [tilespmem:s18+$0xFFFFFFF0];
	[tilespmem:s5+$0x50] =	vst v9;
	s5 =	smov.u32 s18  }
0x166: {  	v5 =	vld.idx.msk [tilespmem:v5+s15+$0x0], $0xffff  }
0x167: {  	v9 =	vld [tilespmem:s18+$0xFFFFFF80]  }
0x168: {  	v10 =	vld [tilespmem:s18+$0xFFFFFFA0]  }
0x169: {  	v11 =	vld [tilespmem:s18+$0xFFFFFF90]  }
0x16a: {  	v12 =	vld [tilespmem:s18+$0xFFFFFFC0]  }
0x16b: {  	v3 =	vld [tilespmem:s18+$0x10]  }
0x16c: {  	v8 =	vmul.f32 v8, v5;
	v9 =	vmul.f32 v9, v5  }
0x16d: {  	v6 =	vmul.f32 v6, v5;
	v10 =	vmul.f32 v10, v5  }
0x16e: {  	v7 =	vmul.f32 v7, v5;
	v11 =	vmul.f32 v11, v5;
	[tilespmem:s18+$0xFFFFFFF0] =	vst v8  }
0x16f: {  	v4 =	vmul.f32 v4, v5;
	[tilespmem:s18+$0xFFFFFF80] =	vst v9;
	v8 =	vmul.f32 v12, v5  }
0x170: {  	s4 =	sadd.s32 $0x1, s4;
	[tilespmem:s18+$0xFFFFFFA0] =	vst v10  }
0x171: {  	[tilespmem:s18+$0xFFFFFFB0] =	vst v7;
	v7 =	vmov s4  }
.Ltmp3:
0x172: {  	[tilespmem:s18+$0xFFFFFFD0] =	vst v4;
	(pc) =	sbr.rel @p0 .LBB2_9-.Ltmp3, $4  }
0x173: {  	[tilespmem:s18+$0xFFFFFF90] =	vst v11  }
0x174: {  	[tilespmem:s18+$0xFFFFFFE0] =	vst v6;
	v6 =	vld [tilespmem:s18+$0x30]  }
0x175: {  	[tilespmem:s18+$0xFFFFFFC0] =	vst v8;
	v5 =	vld [tilespmem:s18+$0x70]  }
0x176: {  	v4 =	vld.idx.msk [tilespmem:v7+s15+$0x0], $0xffff  }
0x177: {  	_ =	sdelay $0x1  }
0x178: {  	v7 =	vld [tilespmem:s5+$0x20]  }
0x179: {  	v10 =	vld [tilespmem:s5+$0x50]  }
0x17a: {  	v2 =	vmul.f32 v2, v4  }
0x17b: {  	v8 =	vld [tilespmem:s5+$0x60];
	v6 =	vmul.f32 v6, v4  }
0x17c: {  	v9 =	vld [tilespmem:s5+$0x40];
	v3 =	vmul.f32 v3, v4;
	[tilespmem:s5+$0x0] =	vst v2  }
0x17d: {  	v62 =	vmul.f32 v7, v4;
	[tilespmem:s5+$0x30] =	vst v6  }
0x17e: {  	v63 =	vmul.f32 v10, v4;
	[tilespmem:s5+$0x10] =	vst v3  }
0x17f: {  	v2 =	vmul.f32 v5, v4;
	[tilespmem:s5+$0x20] =	vst v62  }
0x180: {  	p0 =	sge.u32 s25, s29;
	v3 =	vmul.f32 v8, v4;
	[tilespmem:s5+$0x50] =	vst v63  }
0x181: {  	s4 =	sshll.u32 @!p0 s20, $0x5;
	[tilespmem:s5+$0x70] =	vst v2;
	v2 =	vmul.f32 v9, v4  }
0x182: {  	s4 =	sand.u32 @!p0 $0x1FFFFFE0, s4;
	[tilespmem:s5+$0x60] =	vst v3  }
0x183: {  	s24 =	sadd.s32 $0x1, s24;
	s4 =	sadd.s32 @!p0 s1, s4;
	[tilespmem:s5+$0x40] =	vst v2  }
0x184: {  	[spmem:s3] =	stream.indirect.scatter.add.f32 [tilespmem:s17], [sflag:$0x6], $0x80, s16, s7, $0xb8;
	[tilespmem:$0x1F980] =	vst v63  }
0x185: {  	s6 =	simm.s32 @!p0 $0x7780;
	s4 =	sadd.s32 @!p0 $0x40, s4;
	s5 =	simm.s32 @!p0 $0x0  }
0x186: {  	[tilespmem:s6], [sflag:$0x2] =	stream.linear.gather @!p0 [hbm4b:s4+s5], $0x100, $0x38;
	[tilespmem:$0x1F980] =	vst v63  }
0x187: {  	p0 =	sne.s32 s24, s26  }
.Ltmp4:
0x188: {  	_ = 	snop;
	(pc) =	sbr.rel @p0 .LBB2_6-.Ltmp4, $1  }
0x189: {  	_ =	sdelay $0x3  }
0x18a: {  	s4 =	simm.s32 $0x5  }
0x18b: {  	_ =	swait.ge [sflag:s4], $0x2000  }
0x18c: {  	[sflag:s4] =	ssyncset.done $0x0  }
0x18d: {  	s18 =	simm.s32 $0x6;
	[sflag:s4] =	ssyncadd.s32 $0xFFFFE000  }
0x18e: {  	_ =	swait.ge [sflag:s18], $0x2000  }
0x18f: {  	[sflag:s18] =	ssyncset.done $0x0  }
0x190: {  	s20 =	rddreg [dreg:$0x12];
	[sflag:s18] =	ssyncadd.s32 $0xFFFFE000;
	s18 =	simm.s32 $0x0  }
0x191: {  	[hbm4b:s20+s18] =	stream.linear.scatter [tilespmem:s9], [sflag:$0x7], $0x2780, $0x38;
	[tilespmem:$0x1F980] =	vst v63  }
0x192: {  	_ =	swait.ge [sflag:s30], $0x2780  }
0x193: {  	[sflag:s30] =	ssyncset.done $0x0  }
0x194: {  	s24 =	stileid.u32;
	[sflag:s30] =	ssyncadd.s32 $0xFFFFD880  }
0x195: {  	s4 =	sshll.u32 s24, $0x6;
	[bflag:$0x0] =	sbarrier.arrive $0xFFFF  }
0x196: {  	s5 =	sshrl.u32 s8, $0x3;
	s4 =	sor.u32 $0x1C07, s4;
	s6 =	rddreg [dreg:$0x13]  }
0x197: {  	[hbm:s6], [sflag:s4] =	dma.local [spmem:s5], $0x2800  }
0x198: {  	_ =	swait.ge [sflag:s30], $0x2800  }
0x199: {  	s22 =	sadd.s32 $0x1, s22;
	s25 =	rddreg [dreg:$0x14]  }
0x19a: {  	p0 =	sne.s32 s22, s25  }
.Ltmp5:
0x19b: {  	_ = 	snop;
	(pc) =	sbr.rel @p0 .LBB2_1-.Ltmp5, $3  }
0x19c: {  	_ =	sdelay $0x1  }
0x19d: {  	[sflag:s30] =	ssyncset.done $0x0  }
0x19e: {  	[sflag:s30] =	ssyncadd.s32 $0xFFFFD800  }
0x19f: {  	_ =	sfence.sel $0x180000  }
0x1a0: {  	[bflag:$0x0] =	sbarrier.arrive $0xFFFF  }
0x1a1: {  	_ =	strace $0x90000047  }
0x1a2: {  	s0 =	stileid.u32;
	[bflag:$0x2] =	sbarrier.arrive $0xFFFF  }
0x1a3: {  	p0 =	sne.s32 s0, $0x0;
	s0 =	rddreg [dreg:$0x4]  }
0x1a4: {  	s0 =	sadd.s32 @!p0 $0x100000, s0  }
0x1a5: {  	[sflag:s0] =	ssyncadd.tile.s32 @!p0 $0x1;
	_ =	shalt  }
.Lfunc_end2:
_tile_overlayer_lowered:
.L_overlay_start_2:
0x1a6: {  	(tag) =	ssettag $0x2  }
0x1a7: {  	s0 =	rddreg [dreg:$0x0];
	s2 =	stileid.u32  }
0x1a8: {  	s1 =	rddreg [dreg:$0x1];
	p0 =	sne.s32 s2, $0x0  }
0x1a9: {  	s3 =	rddreg [dreg:$0x2];
	[bflag:$0x3] =	sbarrier.arrive $0xFFFF;
	s2 =	simm.s32 @!p0 $0x1C07  }
0x1aa: {  	[timem:s3], [sflag:s2] =	dma.local @!p0 [hbm:s0], s1  }
0x1ab: {  	s0 =	simm.s32 @!p0 $0x7  }
0x1ac: {  	_ =	swait.ge @!p0 [sflag:s0], s1  }
0x1ad: {  	s1 =	ssub.s32 @!p0 $0x0, s1;
	[sflag:s0] =	ssyncset.done @!p0 $0x0  }
0x1ae: {  	[sflag:s0] =	ssyncadd.s32 @!p0 s1  }
0x1af: {  	[bflag:$0x3] =	sbarrier.arrive $0xFFFF  }
0x1b0: {  	_ =	shalt  }

</sc_bundles>
